<compile_context>
chip_gen: v7x
topology: tpu7x:2x2x1
jax: 0.10.2.dev20260603
libtpu: 0.0.44.dev20260713+nightly
codegen_flags: <defaults>
</compile_context>

<pallas_src>
import functools

import jax
import jax.numpy as jnp
from jax import lax
from jax.experimental import pallas as pl
from jax.experimental.pallas import tpu as pltpu
from jax.experimental.pallas import tpu_sc as plsc

N_AST = 200000
N_CFG = 65536
K = 131072
D = 128

NC = 2
NS = 16
NW = NC * NS
L = 16

KPW = K // NW
C1 = 128

S_SPLIT = 8
KPS = K // S_SPLIT
RPW = 6400
RQ = 8 * RPW
CR = 128
NPOS = RPW + CR

_mesh = plsc.VectorSubcoreMesh(core_axis_name="c", subcore_axis_name="s")
_sc_params = pltpu.CompilerParams(needs_layout_passes=False)


def _wid():
  return lax.axis_index("s") * NC + lax.axis_index("c")


def _gather_body(ast_hbm, cfg_hbm, ki_hbm, vi_hbm, gp_hbm, gu_hbm,
                 kiv, viv, bufp, bufu, sg0, sg1, sw0, sw1):
  wid = _wid()
  kbase = wid * KPW
  pltpu.sync_copy(ki_hbm.at[wid], kiv)
  pltpu.sync_copy(vi_hbm.at[wid], viv)
  sg = (sg0, sg1)
  sw = (sw0, sw1)
  nch = KPW // C1

  def g_issue(i, b):
    pltpu.async_copy(ast_hbm.at[kiv.at[i]], bufp.at[b], sg[b])
    pltpu.async_copy(cfg_hbm.at[viv.at[i]], bufu.at[b], sg[b])

  def g_wait(i, b):
    pltpu.make_async_copy(ast_hbm.at[kiv.at[i]], bufp.at[b], sg[b]).wait()
    pltpu.make_async_copy(cfg_hbm.at[viv.at[i]], bufu.at[b], sg[b]).wait()

  def w_issue(i, b):
    o = kbase + i * C1
    pltpu.async_copy(bufp.at[b], gp_hbm.at[pl.ds(o, C1)], sw[b])
    pltpu.async_copy(bufu.at[b], gu_hbm.at[pl.ds(o, C1)], sw[b])

  def w_wait(i, b):
    o = kbase + i * C1
    pltpu.make_async_copy(bufp.at[b], gp_hbm.at[pl.ds(o, C1)], sw[b]).wait()
    pltpu.make_async_copy(bufu.at[b], gu_hbm.at[pl.ds(o, C1)], sw[b]).wait()

  g_issue(0, 0)
  g_issue(1, 1)

  def outer(i2, carry):
    for b in range(2):
      i = i2 * 2 + b
      g_wait(i, b)
      w_issue(i, b)
      nxt = i + 2
      @pl.when(nxt < nch)
      def _():
        w_wait(i, b)
        g_issue(nxt, b)
    return carry

  lax.fori_loop(0, nch // 2, outer, 0)
  w_wait(nch - 2, 0)
  w_wait(nch - 1, 1)


@functools.partial(
    pl.kernel,
    out_type=(jax.ShapeDtypeStruct((K, D), jnp.float32),
              jax.ShapeDtypeStruct((K, D), jnp.float32)),
    mesh=_mesh,
    compiler_params=_sc_params,
    scratch_types=[
        pltpu.VMEM((KPW // C1, C1), jnp.int32),
        pltpu.VMEM((KPW // C1, C1), jnp.int32),
        pltpu.VMEM((2, C1, D), jnp.float32),
        pltpu.VMEM((2, C1, D), jnp.float32),
        pltpu.SemaphoreType.DMA,
        pltpu.SemaphoreType.DMA,
        pltpu.SemaphoreType.DMA,
        pltpu.SemaphoreType.DMA,
    ],
)
def _gather_call(*refs):
  _gather_body(*refs)


BK = 8192


def _mlp_body(gp_ref, gu_ref, wg1_ref, wg2_ref, bg_ref, wc_ref, bc_ref, out_ref):
  prev = gp_ref[...]
  upd = gu_ref[...]
  z = jnp.dot(prev, wg1_ref[...], preferred_element_type=jnp.float32)
  z = z + jnp.dot(upd, wg2_ref[...], preferred_element_type=jnp.float32)
  z = z + bg_ref[...]
  g = jax.nn.sigmoid(z)
  cand = jnp.dot(upd, wc_ref[...], preferred_element_type=jnp.float32) + bc_ref[...]
  cand = jnp.maximum(cand, 0.0)
  out_ref[...] = g * prev + (1.0 - g) * cand


_mlp_call = pl.pallas_call(
    _mlp_body,
    grid=(K // BK,),
    in_specs=[
        pl.BlockSpec((BK, D), lambda i: (i, 0)),
        pl.BlockSpec((BK, D), lambda i: (i, 0)),
        pl.BlockSpec((D, D), lambda i: (0, 0)),
        pl.BlockSpec((D, D), lambda i: (0, 0)),
        pl.BlockSpec((1, D), lambda i: (0, 0)),
        pl.BlockSpec((D, D), lambda i: (0, 0)),
        pl.BlockSpec((1, D), lambda i: (0, 0)),
    ],
    out_specs=pl.BlockSpec((BK, D), lambda i: (i, 0)),
    out_shape=jax.ShapeDtypeStruct((K, D), jnp.float32),
)


def _scan_body(ki_hbm, part_hbm, keys_v, lastpos_v):
  wid = _wid()
  s_idx = wid % S_SPLIT
  q_idx = wid // S_SPLIT
  rq0 = q_idx * RQ
  kofs = s_idx * KPS
  pltpu.sync_copy(ki_hbm.at[pl.ds(kofs, KPS)], keys_v)

  neg1 = jnp.full((L,), -1, jnp.int32)

  def init(i, c):
    lastpos_v[pl.ds(i * L, L)] = neg1
    return c

  lax.fori_loop(0, RQ // L, init, 0)

  lane = lax.iota(jnp.int32, L)
  big = jnp.full((L,), 0x7FFFFFFF, jnp.int32)
  lane_next = jnp.minimum(lane + 1, L - 1)

  def scan(i, c):
    keys = keys_v[pl.ds(i * L, L)]
    inr = (keys >= rq0) & (keys < rq0 + RQ)
    comp = jnp.where(inr, ((keys - rq0) << 4) | lane, big)
    cs = jnp.sort(comp)
    locs = cs >> 4
    nxt = locs.at[lane_next].get(mode="promise_in_bounds")
    valid = cs != big
    winner = valid & ((locs != nxt) | (lane == L - 1))
    kvec = (kofs + i * L) + (cs & (L - 1))
    loc_safe = jnp.where(winner, locs, 0)
    plsc.store_scatter(lastpos_v, [loc_safe], kvec, mask=winner)
    return c

  lax.fori_loop(0, KPS // L, scan, 0)
  pltpu.sync_copy(lastpos_v, part_hbm.at[wid])


@functools.partial(
    pl.kernel,
    out_type=jax.ShapeDtypeStruct((NW, RQ), jnp.int32),
    mesh=_mesh,
    compiler_params=_sc_params,
    scratch_types=[
        pltpu.VMEM((KPS,), jnp.int32),
        pltpu.VMEM((RQ,), jnp.int32),
    ],
)
def _scan_call(*refs):
  _scan_body(*refs)


def _scatter_body(ast_hbm, upd_hbm, part_hbm, out_hbm,
                  lp_v, mrg_v, posf_v, dstf_v, dst2_v, rbuf, r16,
                  posb0, posb1, dstb0, dstb1,
                  ssg0, ssg1, ssw0, ssw1, st):
  wid = _wid()
  rbase = wid * RPW
  q_idx = wid // S_SPLIT
  off = (wid % S_SPLIT) * RPW
  lane = lax.iota(jnp.int32, L)
  zero16 = jnp.zeros((L,), jnp.int32)

  pltpu.sync_copy(part_hbm.at[q_idx * S_SPLIT, pl.ds(off, RPW)], lp_v)
  for s in range(1, S_SPLIT):
    pltpu.sync_copy(part_hbm.at[q_idx * S_SPLIT + s, pl.ds(off, RPW)], mrg_v)

    def mrg(i, c):
      sl = pl.ds(i * L, L)
      lp_v[sl] = jnp.maximum(lp_v[sl], mrg_v[sl])
      return c

    lax.fori_loop(0, RPW // L, mrg, 0)

  def compact(i, carry):
    cnt, cnt2 = carry
    lp = lp_v[pl.ds(i * L, L)]
    grow = (rbase + i * L) + lane
    w = lp >= 0
    nw = jnp.logical_not(w) & (grow < N_AST)
    plsc.store_compressed(posf_v.at[pl.ds(cnt, L)], lp, mask=w)
    plsc.store_compressed(dstf_v.at[pl.ds(cnt, L)], grow, mask=w)
    plsc.store_compressed(dst2_v.at[pl.ds(cnt2, L)], grow, mask=nw)
    cnt = cnt + jnp.max(plsc.all_reduce_population_count(w))
    cnt2 = cnt2 + jnp.max(plsc.all_reduce_population_count(nw))
    return (cnt, cnt2)

  count, count2 = lax.fori_loop(0, RPW // L, compact,
                                (jnp.int32(0), jnp.int32(0)))

  ssg = (ssg0, ssg1)
  ssw = (ssw0, ssw1)
  posb = (posb0, posb1)
  dstb = (dstb0, dstb1)
  minv = jnp.full((L,), -2147483648, jnp.int32)

  def stream(src_hbm, pos_ref, dst_ref, n):
    nfull = n // CR

    def g_issue(i, b):
      for j in range(CR // L):
        posb[b][pl.ds(j * L, L)] = pos_ref[pl.ds(i * CR + j * L, L)]
      pltpu.async_copy(src_hbm.at[posb[b]], rbuf.at[b], ssg[b])

    def g_wait(b):
      pltpu.make_async_copy(src_hbm.at[posb[b]], rbuf.at[b], ssg[b]).wait()

    def w_issue(i, b):
      for j in range(CR // L):
        dstb[b][pl.ds(j * L, L)] = dst_ref[pl.ds(i * CR + j * L, L)]
      pltpu.async_copy(rbuf.at[b], out_hbm.at[dstb[b]], ssw[b])

    def w_wait(b):
      pltpu.make_async_copy(rbuf.at[b], out_hbm.at[dstb[b]], ssw[b]).wait()

    @pl.when(nfull > 0)
    def _():
      g_issue(0, 0)

    def sloop(i, c):
      even = (i % 2) == 0

      @pl.when((i + 1 < nfull) & (i >= 1))
      def _():
        @pl.when(even)
        def _():
          w_wait(1)
        @pl.when(jnp.logical_not(even))
        def _():
          w_wait(0)

      @pl.when(i + 1 < nfull)
      def _():
        @pl.when(even)
        def _():
          g_issue(i + 1, 1)
        @pl.when(jnp.logical_not(even))
        def _():
          g_issue(i + 1, 0)

      @pl.when(even)
      def _():
        g_wait(0)
        w_issue(i, 0)
      @pl.when(jnp.logical_not(even))
      def _():
        g_wait(1)
        w_issue(i, 1)
      return c

    lax.fori_loop(0, nfull, sloop, 0)

    @pl.when(nfull == 1)
    def _():
      w_wait(0)
    @pl.when(nfull >= 2)
    def _():
      w_wait(0)
      w_wait(1)

    base16 = nfull * CR
    t16 = (n - base16) // L

    def tail16(j, c):
      o = base16 + j * L
      pltpu.async_copy(src_hbm.at[pos_ref[pl.ds(o, L)]], r16, st).wait()
      pltpu.async_copy(r16, out_hbm.at[dst_ref[pl.ds(o, L)]], st).wait()
      return c

    lax.fori_loop(0, t16, tail16, 0)
    rem = n - base16 - t16 * L

    @pl.when((rem > 0) & (n >= L))
    def _():
      o = n - L
      pltpu.async_copy(src_hbm.at[pos_ref[pl.ds(o, L)]], r16, st).wait()
      pltpu.async_copy(r16, out_hbm.at[dst_ref[pl.ds(o, L)]], st).wait()

    @pl.when((rem > 0) & (n < L))
    def _():
      posv = pos_ref[pl.ds(0, L)]
      dstv = dst_ref[pl.ds(0, L)]
      valid = lane < n
      p0 = jnp.max(jnp.where(lane == 0, posv, minv))
      d0 = jnp.max(jnp.where(lane == 0, dstv, minv))
      pltpu.async_copy(src_hbm.at[jnp.where(valid, posv, p0)], r16, st).wait()
      pltpu.async_copy(r16, out_hbm.at[jnp.where(valid, dstv, d0)], st).wait()

  stream(upd_hbm, posf_v, dstf_v, count)
  stream(ast_hbm, dst2_v, dst2_v, count2)


@functools.partial(
    pl.kernel,
    out_type=jax.ShapeDtypeStruct((N_AST, D), jnp.float32),
    mesh=_mesh,
    compiler_params=_sc_params,
    scratch_types=[
        pltpu.VMEM((RPW,), jnp.int32),
        pltpu.VMEM((RPW,), jnp.int32),
        pltpu.VMEM((NPOS,), jnp.int32),
        pltpu.VMEM((NPOS,), jnp.int32),
        pltpu.VMEM((NPOS,), jnp.int32),
        pltpu.VMEM((2, CR, D), jnp.float32),
        pltpu.VMEM((L, D), jnp.float32),
        pltpu.VMEM((CR,), jnp.int32),
        pltpu.VMEM((CR,), jnp.int32),
        pltpu.VMEM((CR,), jnp.int32),
        pltpu.VMEM((CR,), jnp.int32),
        pltpu.SemaphoreType.DMA,
        pltpu.SemaphoreType.DMA,
        pltpu.SemaphoreType.DMA,
        pltpu.SemaphoreType.DMA,
        pltpu.SemaphoreType.DMA,
    ],
)
def _scatter_call(*refs):
  _scatter_body(*refs)


def kernel(previous_ast_nodes_encodings, new_cfg_nodes_encodings,
           key_indices, value_indices, W_g, b_g, W_c, b_c):
  ki = key_indices.astype(jnp.int32)
  vi = value_indices.astype(jnp.int32)
  ki3 = ki.reshape(NW, KPW // C1, C1)
  vi3 = vi.reshape(NW, KPW // C1, C1)
  gp, gu = _gather_call(previous_ast_nodes_encodings, new_cfg_nodes_encodings,
                        ki3, vi3)
  upd = _mlp_call(gp, gu, W_g[:D], W_g[D:], b_g.reshape(1, D),
                  W_c, b_c.reshape(1, D))
  part = _scan_call(ki)
  out = _scatter_call(previous_ast_nodes_encodings, upd, part)
  return out

# --- scband reference (transcript-rebuilt; emitter-appended) ---
"""Pipeline reference for scband-macro-context-adder-to-sub-astnodes-2705829396960 (READ-ONLY COPY).

The authoritative reference and input builder live on the scoring server;
editing this copy changes nothing except your own understanding.
"""

import jax, jax.numpy as jnp
import numpy as np

AST_DIM = 128
CFG_DIM = 128
N_AST = 200000
N_CFG = 65536
K = 131072


def setup_inputs(seed: int = 0) -> dict:
    key = jax.random.key(seed)
    k1, k2, k3, k4, k5, k6, k7, k8 = jax.random.split(key, 8)
    previous_ast_nodes_encodings = jax.random.normal(k1, (N_AST, AST_DIM), dtype=jnp.float32)
    new_cfg_nodes_encodings = jax.random.normal(k2, (N_CFG, CFG_DIM), dtype=jnp.float32)
    key_indices = jax.random.randint(k3, (K,), 0, N_AST, dtype=jnp.int64 if jax.config.jax_enable_x64 else jnp.int32).astype(jnp.int32)
    value_indices = jax.random.randint(k4, (K,), 0, N_CFG, dtype=jnp.int64 if jax.config.jax_enable_x64 else jnp.int32).astype(jnp.int32)
    # StateUpdater ('gate' method) learned parameters
    W_g = jax.random.normal(k5, (AST_DIM + CFG_DIM, AST_DIM), dtype=jnp.float32) * 0.05
    b_g = jnp.zeros((AST_DIM,), dtype=jnp.float32)
    W_c = jax.random.normal(k6, (CFG_DIM, AST_DIM), dtype=jnp.float32) * 0.05
    b_c = jnp.zeros((AST_DIM,), dtype=jnp.float32)
    return {
        "previous_ast_nodes_encodings": previous_ast_nodes_encodings,
        "new_cfg_nodes_encodings": new_cfg_nodes_encodings,
        "key_indices": key_indices,
        "value_indices": value_indices,
        "W_g": W_g,
        "b_g": b_g,
        "W_c": W_c,
        "b_c": b_c,
    }


def reference(previous_ast_nodes_encodings, new_cfg_nodes_encodings, key_indices, value_indices, W_g, b_g, W_c, b_c):
    # gather: prev AST states at mapped key indices, new CFG states at mapped value indices
    prev = jnp.take(previous_ast_nodes_encodings, key_indices, axis=0)
    upd = jnp.take(new_cfg_nodes_encodings, value_indices, axis=0)
    # StateUpdater 'gate': sigmoid gate over [prev, update]; candidate = relu(proj(update))
    gate_in = jnp.concatenate([prev, upd], axis=-1)
    g = jax.nn.sigmoid(gate_in @ W_g + b_g)
    cand = jax.nn.relu(upd @ W_c + b_c)
    updates = g * prev + (1.0 - g) * cand
    # scatter-overwrite updated rows back into the AST node encoding memory (torch .scatter dim=0)
    out = previous_ast_nodes_encodings.at[key_indices].set(updates)
    return out


if False:  # reference __main__ guard neutralized (emitter)
    inp = setup_inputs()
    o = reference(**inp)
    print(o.shape, o.dtype)

if __name__ == "__main__":
    import jax
    _d = setup_inputs()
    print(jax.jit(kernel)(*tuple(_d.values())))

</pallas_src>

<mosaic_0001>
#map = affine_map<(d0, d1) -> (0)>
#map1 = affine_map<(d0, d1) -> (0, 0)>
module attributes {stable_mosaic.version = 14 : i64} {
  func.func @_scan_call(%arg0: i32, %arg1: i32, %arg2: memref<131072xi32, #tpu.memory_space<hbm>>, %arg3: memref<32x51200xi32, #tpu.memory_space<hbm>>, %arg4: memref<16384xi32, #tpu.memory_space<vmem>>, %arg5: memref<51200xi32, #tpu.memory_space<vmem>>) attributes {dimension_semantics = [#tpu.dimension_semantics<core_parallel>, #tpu.dimension_semantics<subcore_parallel>], iteration_bounds = array<i64: 2, 16>, scalar_prefetch = 0 : i64, scratch_operands = 2 : i64, tpu.core_type = #tpu.core_type<sc_vector_subcore>, window_params = [{transform_indices = #map}, {transform_indices = #map1}]} {
    %mul3A = arith.constant 2 : i32
    %mul3A_0 = arith.muli %arg1, %mul3A : i32
    %add3A = arith.addi %mul3A_0, %arg0 : i32
    %jit3A = arith.constant 8 : i32
    %eq3A = arith.constant 0 : i32
    %eq3A_1 = arith.cmpi eq, %jit3A, %eq3A : i32
    %jit3A_2 = arith.constant 1 : i32
    %select_n3A = arith.select %eq3A_1, %jit3A_2, %jit3A : i32
    %rem3A = arith.remsi %add3A, %select_n3A : i32
    %ne3A = arith.constant 0 : i32
    %ne3A_3 = arith.cmpi ne, %rem3A, %ne3A : i32
    %lt3A = arith.constant 0 : i32
    %lt3A_4 = arith.cmpi slt, %rem3A, %lt3A : i32
    %lt3A_5 = arith.constant 0 : i32
    %lt3A_6 = arith.cmpi slt, %select_n3A, %lt3A_5 : i32
    %ne3A_7 = arith.xori %lt3A_4, %lt3A_6 : i1
    %and3A = arith.andi %ne3A_7, %ne3A_3 : i1
    %add3A_8 = arith.addi %rem3A, %select_n3A : i32
    %select_n3A_9 = arith.select %and3A, %add3A_8, %rem3A : i32
    %jit3A_10 = arith.constant 8 : i32
    %div3A = arith.divsi %add3A, %jit3A_10 : i32
    %sign3A = arith.constant 0 : i32
    %sign3A_11 = arith.cmpi sgt, %add3A, %sign3A : i32
    %sign3A_12 = arith.extui %sign3A_11 : i1 to i32
    %sign3A_13 = arith.constant 0 : i32
    %sign3A_14 = arith.cmpi slt, %add3A, %sign3A_13 : i32
    %sign3A_15 = arith.extui %sign3A_14 : i1 to i32
    %sign3A_16 = arith.subi %sign3A_12, %sign3A_15 : i32
    %sign3A_17 = arith.constant 0 : i32
    %sign3A_18 = arith.cmpi sgt, %jit3A_10, %sign3A_17 : i32
    %sign3A_19 = arith.extui %sign3A_18 : i1 to i32
    %sign3A_20 = arith.constant 0 : i32
    %sign3A_21 = arith.cmpi slt, %jit3A_10, %sign3A_20 : i32
    %sign3A_22 = arith.extui %sign3A_21 : i1 to i32
    %sign3A_23 = arith.subi %sign3A_19, %sign3A_22 : i32
    %ne3A_24 = arith.cmpi ne, %sign3A_16, %sign3A_23 : i32
    %rem3A_25 = arith.remsi %add3A, %jit3A_10 : i32
    %ne3A_26 = arith.constant 0 : i32
    %ne3A_27 = arith.cmpi ne, %rem3A_25, %ne3A_26 : i32
    %and3A_28 = arith.andi %ne3A_24, %ne3A_27 : i1
    %sub3A = arith.constant 1 : i32
    %sub3A_29 = arith.subi %div3A, %sub3A : i32
    %select_n3A_30 = arith.select %and3A_28, %sub3A_29, %div3A : i32
    %mul3A_31 = arith.constant 51200 : i32
    %mul3A_32 = arith.muli %select_n3A_30, %mul3A_31 : i32
    %mul3A_33 = arith.constant 16384 : i32
    %mul3A_34 = arith.muli %select_n3A_9, %mul3A_33 : i32
    "tpu.region"() ({
      %run_scoped3A = tpu.sem_alloc : memref<!tpu.dma_semaphore, #tpu.memory_space<semaphore_mem>>
      %dma_start3A = tpu.memref_slice %arg2[%mul3A_34] : memref<131072xi32, #tpu.memory_space<hbm>> -> memref<16384xi32, #tpu.memory_space<hbm>>
      %dma_start3A_54 = tpu.memref_slice %arg2[%mul3A_34] : memref<131072xi32, #tpu.memory_space<hbm>> -> memref<16384xi32, #tpu.memory_space<hbm>>
      tpu.enqueue_dma source(%dma_start3A_54 : memref<16384xi32, #tpu.memory_space<hbm>>) target(%arg4 : memref<16384xi32, #tpu.memory_space<vmem>>) target_semaphore(%run_scoped3A : memref<!tpu.dma_semaphore, #tpu.memory_space<semaphore_mem>>)
      %dma_wait3A = tpu.memref_slice %arg2[%mul3A_34] : memref<131072xi32, #tpu.memory_space<hbm>> -> memref<16384xi32, #tpu.memory_space<hbm>>
      %dma_wait3A_55 = tpu.memref_slice %arg2[%mul3A_34] : memref<131072xi32, #tpu.memory_space<hbm>> -> memref<16384xi32, #tpu.memory_space<hbm>>
      tpu.wait_dma2 semaphore(%run_scoped3A : memref<!tpu.dma_semaphore, #tpu.memory_space<semaphore_mem>>) src(%dma_wait3A_55 : memref<16384xi32, #tpu.memory_space<hbm>>) dst(%arg4 : memref<16384xi32, #tpu.memory_space<vmem>>)
      tpu.yield
    }) : () -> ()
    %broadcast_in_dim3A = arith.constant -1 : i32
    %broadcast_in_dim3A_35 = vector.broadcast %broadcast_in_dim3A : i32 to vector<16xi32>
    %scan3A = arith.constant 0 : i32
    %scan3A_36 = arith.constant 0 : i32
    %scan3A_37 = arith.constant 3200 : i32
    %scan3A_38 = arith.addi %scan3A_36, %scan3A_37 : i32
    %scan3A_39 = arith.constant 1 : i32
    scf.for %scan3A_54 = %scan3A_36 to %scan3A_38 step %scan3A_39  : i32 {
      %mul3A_55 = arith.constant 16 : i32
      %mul3A_56 = arith.muli %scan3A_54, %mul3A_55 : i32
      %swap3A = arith.index_cast %mul3A_56 : i32 to index
      %swap3A_57 = tpu.vector_load %arg5[%swap3A] {strides = array<i32>} : memref<51200xi32, #tpu.memory_space<vmem>>, vector<16xi32>,
      tpu.vector_store %arg5[%swap3A], %broadcast_in_dim3A_35 {strides = array<i32>} : memref<51200xi32, #tpu.memory_space<vmem>>, vector<16xi32>,
    }
    %scan3A_40 = arith.constant 3200 : i32
    %iota3A = tpu.iota {dimensions = array<i32: 0>} : vector<16xi32>
    %broadcast_in_dim3A_41 = arith.constant 2147483647 : i32
    %broadcast_in_dim3A_42 = vector.broadcast %broadcast_in_dim3A_41 : i32 to vector<16xi32>
    %add3A_43 = arith.constant 1 : i32
    %add3A_44 = vector.broadcast %add3A_43 : i32 to vector<16xi32>
    %add3A_45 = arith.addi %iota3A, %add3A_44 : vector<16xi32>
    %min3A = arith.constant 15 : i32
    %min3A_46 = vector.broadcast %min3A : i32 to vector<16xi32>
    %min3A_47 = arith.minsi %add3A_45, %min3A_46 : vector<16xi32>
    %scan3A_48 = arith.constant 0 : i32
    %scan3A_49 = arith.constant 0 : i32
    %scan3A_50 = arith.constant 1024 : i32
    %scan3A_51 = arith.addi %scan3A_49, %scan3A_50 : i32
    %scan3A_52 = arith.constant 1 : i32
    scf.for %scan3A_54 = %scan3A_49 to %scan3A_51 step %scan3A_52  : i32 {
      %mul3A_55 = arith.constant 16 : i32
      %mul3A_56 = arith.muli %scan3A_54, %mul3A_55 : i32
      %get3A = arith.index_cast %mul3A_56 : i32 to index
      %get3A_57 = tpu.vector_load %arg4[%get3A] {strides = array<i32>} : memref<16384xi32, #tpu.memory_space<vmem>>, vector<16xi32>,
      %ge3A = vector.broadcast %mul3A_32 : i32 to vector<16xi32>
      %ge3A_58 = arith.cmpi sge, %get3A_57, %ge3A : vector<16xi32>
      %add3A_59 = arith.constant 51200 : i32
      %add3A_60 = arith.addi %mul3A_32, %add3A_59 : i32
      %lt3A_61 = vector.broadcast %add3A_60 : i32 to vector<16xi32>
      %lt3A_62 = arith.cmpi slt, %get3A_57, %lt3A_61 : vector<16xi32>
      %and3A_63 = arith.andi %ge3A_58, %lt3A_62 : vector<16xi1>
      %sub3A_64 = vector.broadcast %mul3A_32 : i32 to vector<16xi32>
      %sub3A_65 = arith.subi %get3A_57, %sub3A_64 : vector<16xi32>
      %shift_left3A = arith.constant 4 : i32
      %shift_left3A_66 = vector.broadcast %shift_left3A : i32 to vector<16xi32>
      %shift_left3A_67 = arith.shli %sub3A_65, %shift_left3A_66 : vector<16xi32>
      %or3A = arith.ori %shift_left3A_67, %iota3A : vector<16xi32>
      %select_n3A_68 = arith.select %and3A_63, %or3A, %broadcast_in_dim3A_42 : vector<16xi1>, vector<16xi32>
      %sort3A = arith.constant dense<true> : vector<16xi1>
      %sort3A_69, %sort3A_70, %sort3A_71 = tpu.sort %select_n3A_68, %select_n3A_68 masked %sort3A : (vector<16xi32>, vector<16xi32>, vector<16xi1>) -> (vector<16xi1>, vector<16xi32>, vector<16xi32>)
      %shift_right_arithmetic3A = arith.constant 4 : i32
      %shift_right_arithmetic3A_72 = vector.broadcast %shift_right_arithmetic3A : i32 to vector<16xi32>
      %shift_right_arithmetic3A_73 = arith.shrsi %sort3A_70, %shift_right_arithmetic3A_72 : vector<16xi32>
      %lt3A_74 = arith.constant 0 : i32
      %lt3A_75 = vector.broadcast %lt3A_74 : i32 to vector<16xi32>
      %lt3A_76 = arith.cmpi slt, %min3A_47, %lt3A_75 : vector<16xi32>
      %add3A_77 = arith.constant 16 : i32
      %add3A_78 = vector.broadcast %add3A_77 : i32 to vector<16xi32>
      %add3A_79 = arith.addi %min3A_47, %add3A_78 : vector<16xi32>
      %select_n3A_80 = arith.select %lt3A_76, %add3A_79, %min3A_47 : vector<16xi1>, vector<16xi32>
      %broadcast_in_dim3A_81 = vector.shape_cast %select_n3A_80 : vector<16xi32> to vector<16x1xi32>
      %gather3A = vector.shape_cast %broadcast_in_dim3A_81 : vector<16x1xi32> to vector<16xi32>
      %gather3A_82 = tpu.dynamic_gather %shift_right_arithmetic3A_73[%gather3A] in [0] : vector<16xi32>, vector<16xi32> -> vector<16xi32>
      %ne3A_83 = arith.cmpi ne, %sort3A_70, %broadcast_in_dim3A_42 : vector<16xi32>
      %ne3A_84 = arith.cmpi ne, %shift_right_arithmetic3A_73, %gather3A_82 : vector<16xi32>
      %eq3A_85 = arith.constant 15 : i32
      %eq3A_86 = vector.broadcast %eq3A_85 : i32 to vector<16xi32>
      %eq3A_87 = arith.cmpi eq, %iota3A, %eq3A_86 : vector<16xi32>
      %or3A_88 = arith.ori %ne3A_84, %eq3A_87 : vector<16xi1>
      %and3A_89 = arith.andi %ne3A_83, %or3A_88 : vector<16xi1>
      %mul3A_90 = arith.constant 16 : i32
      %mul3A_91 = arith.muli %scan3A_54, %mul3A_90 : i32
      %add3A_92 = arith.addi %mul3A_34, %mul3A_91 : i32
      %and3A_93 = arith.constant 15 : i32
      %and3A_94 = vector.broadcast %and3A_93 : i32 to vector<16xi32>
      %and3A_95 = arith.andi %sort3A_70, %and3A_94 : vector<16xi32>
      %add3A_96 = vector.broadcast %add3A_92 : i32 to vector<16xi32>
      %add3A_97 = arith.addi %add3A_96, %and3A_95 : vector<16xi32>
      %jit3A_98 = arith.constant 0 : i32
      %broadcast_in_dim3A_99 = vector.broadcast %jit3A_98 : i32 to vector<16xi32>
      %select_n3A_100 = arith.select %and3A_89, %shift_right_arithmetic3A_73, %broadcast_in_dim3A_99 : vector<16xi1>, vector<16xi32>
      tpu.vector_store_idx %arg5[%select_n3A_100], %add3A_97 masked %and3A_89 : memref<51200xi32, #tpu.memory_space<vmem>>[vector<16xi32>], vector<16xi32>, vector<16xi1>
    }
    %scan3A_53 = arith.constant 1024 : i32
    "tpu.region"() ({
      %run_scoped3A = tpu.sem_alloc : memref<!tpu.dma_semaphore, #tpu.memory_space<semaphore_mem>>
      %dma_start3A = arith.constant 0 : i32
      %dma_start3A_54 = tpu.memref_slice %arg3[%add3A, %dma_start3A] : memref<32x51200xi32, #tpu.memory_space<hbm>> -> memref<1x51200xi32, #tpu.memory_space<hbm>>
      %dma_start3A_55 = tpu.memref_squeeze %dma_start3A_54 : memref<1x51200xi32, #tpu.memory_space<hbm>> -> memref<51200xi32, #tpu.memory_space<hbm>>
      %dma_start3A_56 = arith.constant 0 : i32
      %dma_start3A_57 = tpu.memref_slice %arg3[%add3A, %dma_start3A_56] : memref<32x51200xi32, #tpu.memory_space<hbm>> -> memref<1x51200xi32, #tpu.memory_space<hbm>>
      %dma_start3A_58 = tpu.memref_squeeze %dma_start3A_57 : memref<1x51200xi32, #tpu.memory_space<hbm>> -> memref<51200xi32, #tpu.memory_space<hbm>>
      tpu.enqueue_dma source(%arg5 : memref<51200xi32, #tpu.memory_space<vmem>>) target(%dma_start3A_58 : memref<51200xi32, #tpu.memory_space<hbm>>) target_semaphore(%run_scoped3A : memref<!tpu.dma_semaphore, #tpu.memory_space<semaphore_mem>>)
      %dma_wait3A = arith.constant 0 : i32
      %dma_wait3A_59 = tpu.memref_slice %arg3[%add3A, %dma_wait3A] : memref<32x51200xi32, #tpu.memory_space<hbm>> -> memref<1x51200xi32, #tpu.memory_space<hbm>>
      %dma_wait3A_60 = tpu.memref_squeeze %dma_wait3A_59 : memref<1x51200xi32, #tpu.memory_space<hbm>> -> memref<51200xi32, #tpu.memory_space<hbm>>
      %dma_wait3A_61 = arith.constant 0 : i32
      %dma_wait3A_62 = tpu.memref_slice %arg3[%add3A, %dma_wait3A_61] : memref<32x51200xi32, #tpu.memory_space<hbm>> -> memref<1x51200xi32, #tpu.memory_space<hbm>>
      %dma_wait3A_63 = tpu.memref_squeeze %dma_wait3A_62 : memref<1x51200xi32, #tpu.memory_space<hbm>> -> memref<51200xi32, #tpu.memory_space<hbm>>
      tpu.wait_dma2 semaphore(%run_scoped3A : memref<!tpu.dma_semaphore, #tpu.memory_space<semaphore_mem>>) src(%arg5 : memref<51200xi32, #tpu.memory_space<vmem>>) dst(%dma_wait3A_63 : memref<51200xi32, #tpu.memory_space<hbm>>)
      tpu.yield
    }) : () -> ()
    return
  }
}

#map = affine_map<(d0, d1) -> (0, 0)>
module attributes {stable_mosaic.version = 14 : i64} {
  func.func @_scatter_call(%arg0: i32, %arg1: i32, %arg2: memref<200000x128xf32, #tpu.memory_space<hbm>>, %arg3: memref<131072x128xf32, #tpu.memory_space<hbm>>, %arg4: memref<32x51200xi32, #tpu.memory_space<hbm>>, %arg5: memref<200000x128xf32, #tpu.memory_space<hbm>>, %arg6: memref<6400xi32, #tpu.memory_space<vmem>>, %arg7: memref<6400xi32, #tpu.memory_space<vmem>>, %arg8: memref<6528xi32, #tpu.memory_space<vmem>>, %arg9: memref<6528xi32, #tpu.memory_space<vmem>>, %arg10: memref<6528xi32, #tpu.memory_space<vmem>>, %arg11: memref<2x128x128xf32, #tpu.memory_space<vmem>>, %arg12: memref<16x128xf32, #tpu.memory_space<vmem>>, %arg13: memref<128xi32, #tpu.memory_space<vmem>>, %arg14: memref<128xi32, #tpu.memory_space<vmem>>, %arg15: memref<128xi32, #tpu.memory_space<vmem>>, %arg16: memref<128xi32, #tpu.memory_space<vmem>>, %arg17: memref<!tpu.dma_semaphore, #tpu.memory_space<semaphore_mem>>, %arg18: memref<!tpu.dma_semaphore, #tpu.memory_space<semaphore_mem>>, %arg19: memref<!tpu.dma_semaphore, #tpu.memory_space<semaphore_mem>>, %arg20: memref<!tpu.dma_semaphore, #tpu.memory_space<semaphore_mem>>, %arg21: memref<!tpu.dma_semaphore, #tpu.memory_space<semaphore_mem>>) attributes {dimension_semantics = [#tpu.dimension_semantics<core_parallel>, #tpu.dimension_semantics<subcore_parallel>], iteration_bounds = array<i64: 2, 16>, scalar_prefetch = 0 : i64, scratch_operands = 16 : i64, tpu.core_type = #tpu.core_type<sc_vector_subcore>, window_params = [{transform_indices = #map}, {transform_indices = #map}, {transform_indices = #map}, {transform_indices = #map}]} {
    %mul3A = arith.constant 2 : i32
    %mul3A_0 = arith.muli %arg1, %mul3A : i32
    %add3A = arith.addi %mul3A_0, %arg0 : i32
    %mul3A_1 = arith.constant 6400 : i32
    %mul3A_2 = arith.muli %add3A, %mul3A_1 : i32
    %jit3A = arith.constant 8 : i32
    %div3A = arith.divsi %add3A, %jit3A : i32
    %sign3A = arith.constant 0 : i32
    %sign3A_3 = arith.cmpi sgt, %add3A, %sign3A : i32
    %sign3A_4 = arith.extui %sign3A_3 : i1 to i32
    %sign3A_5 = arith.constant 0 : i32
    %sign3A_6 = arith.cmpi slt, %add3A, %sign3A_5 : i32
    %sign3A_7 = arith.extui %sign3A_6 : i1 to i32
    %sign3A_8 = arith.subi %sign3A_4, %sign3A_7 : i32
    %sign3A_9 = arith.constant 0 : i32
    %sign3A_10 = arith.cmpi sgt, %jit3A, %sign3A_9 : i32
    %sign3A_11 = arith.extui %sign3A_10 : i1 to i32
    %sign3A_12 = arith.constant 0 : i32
    %sign3A_13 = arith.cmpi slt, %jit3A, %sign3A_12 : i32
    %sign3A_14 = arith.extui %sign3A_13 : i1 to i32
    %sign3A_15 = arith.subi %sign3A_11, %sign3A_14 : i32
    %ne3A = arith.cmpi ne, %sign3A_8, %sign3A_15 : i32
    %rem3A = arith.remsi %add3A, %jit3A : i32
    %ne3A_16 = arith.constant 0 : i32
    %ne3A_17 = arith.cmpi ne, %rem3A, %ne3A_16 : i32
    %and3A = arith.andi %ne3A, %ne3A_17 : i1
    %sub3A = arith.constant 1 : i32
    %sub3A_18 = arith.subi %div3A, %sub3A : i32
    %select_n3A = arith.select %and3A, %sub3A_18, %div3A : i32
    %jit3A_19 = arith.constant 8 : i32
    %eq3A = arith.constant 0 : i32
    %eq3A_20 = arith.cmpi eq, %jit3A_19, %eq3A : i32
    %jit3A_21 = arith.constant 1 : i32
    %select_n3A_22 = arith.select %eq3A_20, %jit3A_21, %jit3A_19 : i32
    %rem3A_23 = arith.remsi %add3A, %select_n3A_22 : i32
    %ne3A_24 = arith.constant 0 : i32
    %ne3A_25 = arith.cmpi ne, %rem3A_23, %ne3A_24 : i32
    %lt3A = arith.constant 0 : i32
    %lt3A_26 = arith.cmpi slt, %rem3A_23, %lt3A : i32
    %lt3A_27 = arith.constant 0 : i32
    %lt3A_28 = arith.cmpi slt, %select_n3A_22, %lt3A_27 : i32
    %ne3A_29 = arith.xori %lt3A_26, %lt3A_28 : i1
    %and3A_30 = arith.andi %ne3A_29, %ne3A_25 : i1
    %add3A_31 = arith.addi %rem3A_23, %select_n3A_22 : i32
    %select_n3A_32 = arith.select %and3A_30, %add3A_31, %rem3A_23 : i32
    %mul3A_33 = arith.constant 6400 : i32
    %mul3A_34 = arith.muli %select_n3A_32, %mul3A_33 : i32
    %iota3A = tpu.iota {dimensions = array<i32: 0>} : vector<16xi32>
    %broadcast_in_dim3A = arith.constant 0 : i32
    %broadcast_in_dim3A_35 = vector.broadcast %broadcast_in_dim3A : i32 to vector<16xi32>
    %mul3A_36 = arith.constant 8 : i32
    %mul3A_37 = arith.muli %select_n3A, %mul3A_36 : i32
    "tpu.region"() ({
      %run_scoped3A = tpu.sem_alloc : memref<!tpu.dma_semaphore, #tpu.memory_space<semaphore_mem>>
      %dma_start3A = tpu.memref_slice %arg4[%mul3A_37, %mul3A_34] : memref<32x51200xi32, #tpu.memory_space<hbm>> -> memref<1x6400xi32, #tpu.memory_space<hbm>>
      %dma_start3A_324 = tpu.memref_squeeze %dma_start3A : memref<1x6400xi32, #tpu.memory_space<hbm>> -> memref<6400xi32, #tpu.memory_space<hbm>>
      %dma_start3A_325 = tpu.memref_slice %arg4[%mul3A_37, %mul3A_34] : memref<32x51200xi32, #tpu.memory_space<hbm>> -> memref<1x6400xi32, #tpu.memory_space<hbm>>
      %dma_start3A_326 = tpu.memref_squeeze %dma_start3A_325 : memref<1x6400xi32, #tpu.memory_space<hbm>> -> memref<6400xi32, #tpu.memory_space<hbm>>
      tpu.enqueue_dma source(%dma_start3A_326 : memref<6400xi32, #tpu.memory_space<hbm>>) target(%arg6 : memref<6400xi32, #tpu.memory_space<vmem>>) target_semaphore(%run_scoped3A : memref<!tpu.dma_semaphore, #tpu.memory_space<semaphore_mem>>)
      %dma_wait3A = tpu.memref_slice %arg4[%mul3A_37, %mul3A_34] : memref<32x51200xi32, #tpu.memory_space<hbm>> -> memref<1x6400xi32, #tpu.memory_space<hbm>>
      %dma_wait3A_327 = tpu.memref_squeeze %dma_wait3A : memref<1x6400xi32, #tpu.memory_space<hbm>> -> memref<6400xi32, #tpu.memory_space<hbm>>
      %dma_wait3A_328 = tpu.memref_slice %arg4[%mul3A_37, %mul3A_34] : memref<32x51200xi32, #tpu.memory_space<hbm>> -> memref<1x6400xi32, #tpu.memory_space<hbm>>
      %dma_wait3A_329 = tpu.memref_squeeze %dma_wait3A_328 : memref<1x6400xi32, #tpu.memory_space<hbm>> -> memref<6400xi32, #tpu.memory_space<hbm>>
      tpu.wait_dma2 semaphore(%run_scoped3A : memref<!tpu.dma_semaphore, #tpu.memory_space<semaphore_mem>>) src(%dma_wait3A_329 : memref<6400xi32, #tpu.memory_space<hbm>>) dst(%arg6 : memref<6400xi32, #tpu.memory_space<vmem>>)
      tpu.yield
    }) : () -> ()
    %mul3A_38 = arith.constant 8 : i32
    %mul3A_39 = arith.muli %select_n3A, %mul3A_38 : i32
    %add3A_40 = arith.constant 1 : i32
    %add3A_41 = arith.addi %mul3A_39, %add3A_40 : i32
    "tpu.region"() ({
      %run_scoped3A = tpu.sem_alloc : memref<!tpu.dma_semaphore, #tpu.memory_space<semaphore_mem>>
      %dma_start3A = tpu.memref_slice %arg4[%add3A_41, %mul3A_34] : memref<32x51200xi32, #tpu.memory_space<hbm>> -> memref<1x6400xi32, #tpu.memory_space<hbm>>
      %dma_start3A_324 = tpu.memref_squeeze %dma_start3A : memref<1x6400xi32, #tpu.memory_space<hbm>> -> memref<6400xi32, #tpu.memory_space<hbm>>
      %dma_start3A_325 = tpu.memref_slice %arg4[%add3A_41, %mul3A_34] : memref<32x51200xi32, #tpu.memory_space<hbm>> -> memref<1x6400xi32, #tpu.memory_space<hbm>>
      %dma_start3A_326 = tpu.memref_squeeze %dma_start3A_325 : memref<1x6400xi32, #tpu.memory_space<hbm>> -> memref<6400xi32, #tpu.memory_space<hbm>>
      tpu.enqueue_dma source(%dma_start3A_326 : memref<6400xi32, #tpu.memory_space<hbm>>) target(%arg7 : memref<6400xi32, #tpu.memory_space<vmem>>) target_semaphore(%run_scoped3A : memref<!tpu.dma_semaphore, #tpu.memory_space<semaphore_mem>>)
      %dma_wait3A = tpu.memref_slice %arg4[%add3A_41, %mul3A_34] : memref<32x51200xi32, #tpu.memory_space<hbm>> -> memref<1x6400xi32, #tpu.memory_space<hbm>>
      %dma_wait3A_327 = tpu.memref_squeeze %dma_wait3A : memref<1x6400xi32, #tpu.memory_space<hbm>> -> memref<6400xi32, #tpu.memory_space<hbm>>
      %dma_wait3A_328 = tpu.memref_slice %arg4[%add3A_41, %mul3A_34] : memref<32x51200xi32, #tpu.memory_space<hbm>> -> memref<1x6400xi32, #tpu.memory_space<hbm>>
      %dma_wait3A_329 = tpu.memref_squeeze %dma_wait3A_328 : memref<1x6400xi32, #tpu.memory_space<hbm>> -> memref<6400xi32, #tpu.memory_space<hbm>>
      tpu.wait_dma2 semaphore(%run_scoped3A : memref<!tpu.dma_semaphore, #tpu.memory_space<semaphore_mem>>) src(%dma_wait3A_329 : memref<6400xi32, #tpu.memory_space<hbm>>) dst(%arg7 : memref<6400xi32, #tpu.memory_space<vmem>>)
      tpu.yield
    }) : () -> ()
    %scan3A = arith.constant 0 : i32
    %scan3A_42 = arith.constant 0 : i32
    %scan3A_43 = arith.constant 400 : i32
    %scan3A_44 = arith.addi %scan3A_42, %scan3A_43 : i32
    %scan3A_45 = arith.constant 1 : i32
    scf.for %scan3A_324 = %scan3A_42 to %scan3A_44 step %scan3A_45  : i32 {
      %mul3A_325 = arith.constant 16 : i32
      %mul3A_326 = arith.muli %scan3A_324, %mul3A_325 : i32
      %get3A = arith.index_cast %mul3A_326 : i32 to index
      %get3A_327 = tpu.vector_load %arg6[%get3A] {strides = array<i32>} : memref<6400xi32, #tpu.memory_space<vmem>>, vector<16xi32>,
      %get3A_328 = arith.index_cast %mul3A_326 : i32 to index
      %get3A_329 = tpu.vector_load %arg7[%get3A_328] {strides = array<i32>} : memref<6400xi32, #tpu.memory_space<vmem>>, vector<16xi32>,
      %max3A = arith.maxsi %get3A_327, %get3A_329 : vector<16xi32>
      %swap3A = arith.index_cast %mul3A_326 : i32 to index
      %swap3A_330 = tpu.vector_load %arg6[%swap3A] {strides = array<i32>} : memref<6400xi32, #tpu.memory_space<vmem>>, vector<16xi32>,
      tpu.vector_store %arg6[%swap3A], %max3A {strides = array<i32>} : memref<6400xi32, #tpu.memory_space<vmem>>, vector<16xi32>,
    }
    %scan3A_46 = arith.constant 400 : i32
    %mul3A_47 = arith.constant 8 : i32
    %mul3A_48 = arith.muli %select_n3A, %mul3A_47 : i32
    %add3A_49 = arith.constant 2 : i32
    %add3A_50 = arith.addi %mul3A_48, %add3A_49 : i32
    "tpu.region"() ({
      %run_scoped3A = tpu.sem_alloc : memref<!tpu.dma_semaphore, #tpu.memory_space<semaphore_mem>>
      %dma_start3A = tpu.memref_slice %arg4[%add3A_50, %mul3A_34] : memref<32x51200xi32, #tpu.memory_space<hbm>> -> memref<1x6400xi32, #tpu.memory_space<hbm>>
      %dma_start3A_324 = tpu.memref_squeeze %dma_start3A : memref<1x6400xi32, #tpu.memory_space<hbm>> -> memref<6400xi32, #tpu.memory_space<hbm>>
      %dma_start3A_325 = tpu.memref_slice %arg4[%add3A_50, %mul3A_34] : memref<32x51200xi32, #tpu.memory_space<hbm>> -> memref<1x6400xi32, #tpu.memory_space<hbm>>
      %dma_start3A_326 = tpu.memref_squeeze %dma_start3A_325 : memref<1x6400xi32, #tpu.memory_space<hbm>> -> memref<6400xi32, #tpu.memory_space<hbm>>
      tpu.enqueue_dma source(%dma_start3A_326 : memref<6400xi32, #tpu.memory_space<hbm>>) target(%arg7 : memref<6400xi32, #tpu.memory_space<vmem>>) target_semaphore(%run_scoped3A : memref<!tpu.dma_semaphore, #tpu.memory_space<semaphore_mem>>)
      %dma_wait3A = tpu.memref_slice %arg4[%add3A_50, %mul3A_34] : memref<32x51200xi32, #tpu.memory_space<hbm>> -> memref<1x6400xi32, #tpu.memory_space<hbm>>
      %dma_wait3A_327 = tpu.memref_squeeze %dma_wait3A : memref<1x6400xi32, #tpu.memory_space<hbm>> -> memref<6400xi32, #tpu.memory_space<hbm>>
      %dma_wait3A_328 = tpu.memref_slice %arg4[%add3A_50, %mul3A_34] : memref<32x51200xi32, #tpu.memory_space<hbm>> -> memref<1x6400xi32, #tpu.memory_space<hbm>>
      %dma_wait3A_329 = tpu.memref_squeeze %dma_wait3A_328 : memref<1x6400xi32, #tpu.memory_space<hbm>> -> memref<6400xi32, #tpu.memory_space<hbm>>
      tpu.wait_dma2 semaphore(%run_scoped3A : memref<!tpu.dma_semaphore, #tpu.memory_space<semaphore_mem>>) src(%dma_wait3A_329 : memref<6400xi32, #tpu.memory_space<hbm>>) dst(%arg7 : memref<6400xi32, #tpu.memory_space<vmem>>)
      tpu.yield
    }) : () -> ()
    %scan3A_51 = arith.constant 0 : i32
    %scan3A_52 = arith.constant 0 : i32
    %scan3A_53 = arith.constant 400 : i32
    %scan3A_54 = arith.addi %scan3A_52, %scan3A_53 : i32
    %scan3A_55 = arith.constant 1 : i32
    scf.for %scan3A_324 = %scan3A_52 to %scan3A_54 step %scan3A_55  : i32 {
      %mul3A_325 = arith.constant 16 : i32
      %mul3A_326 = arith.muli %scan3A_324, %mul3A_325 : i32
      %get3A = arith.index_cast %mul3A_326 : i32 to index
      %get3A_327 = tpu.vector_load %arg6[%get3A] {strides = array<i32>} : memref<6400xi32, #tpu.memory_space<vmem>>, vector<16xi32>,
      %get3A_328 = arith.index_cast %mul3A_326 : i32 to index
      %get3A_329 = tpu.vector_load %arg7[%get3A_328] {strides = array<i32>} : memref<6400xi32, #tpu.memory_space<vmem>>, vector<16xi32>,
      %max3A = arith.maxsi %get3A_327, %get3A_329 : vector<16xi32>
      %swap3A = arith.index_cast %mul3A_326 : i32 to index
      %swap3A_330 = tpu.vector_load %arg6[%swap3A] {strides = array<i32>} : memref<6400xi32, #tpu.memory_space<vmem>>, vector<16xi32>,
      tpu.vector_store %arg6[%swap3A], %max3A {strides = array<i32>} : memref<6400xi32, #tpu.memory_space<vmem>>, vector<16xi32>,
    }
    %scan3A_56 = arith.constant 400 : i32
    %mul3A_57 = arith.constant 8 : i32
    %mul3A_58 = arith.muli %select_n3A, %mul3A_57 : i32
    %add3A_59 = arith.constant 3 : i32
    %add3A_60 = arith.addi %mul3A_58, %add3A_59 : i32
    "tpu.region"() ({
      %run_scoped3A = tpu.sem_alloc : memref<!tpu.dma_semaphore, #tpu.memory_space<semaphore_mem>>
      %dma_start3A = tpu.memref_slice %arg4[%add3A_60, %mul3A_34] : memref<32x51200xi32, #tpu.memory_space<hbm>> -> memref<1x6400xi32, #tpu.memory_space<hbm>>
      %dma_start3A_324 = tpu.memref_squeeze %dma_start3A : memref<1x6400xi32, #tpu.memory_space<hbm>> -> memref<6400xi32, #tpu.memory_space<hbm>>
      %dma_start3A_325 = tpu.memref_slice %arg4[%add3A_60, %mul3A_34] : memref<32x51200xi32, #tpu.memory_space<hbm>> -> memref<1x6400xi32, #tpu.memory_space<hbm>>
      %dma_start3A_326 = tpu.memref_squeeze %dma_start3A_325 : memref<1x6400xi32, #tpu.memory_space<hbm>> -> memref<6400xi32, #tpu.memory_space<hbm>>
      tpu.enqueue_dma source(%dma_start3A_326 : memref<6400xi32, #tpu.memory_space<hbm>>) target(%arg7 : memref<6400xi32, #tpu.memory_space<vmem>>) target_semaphore(%run_scoped3A : memref<!tpu.dma_semaphore, #tpu.memory_space<semaphore_mem>>)
      %dma_wait3A = tpu.memref_slice %arg4[%add3A_60, %mul3A_34] : memref<32x51200xi32, #tpu.memory_space<hbm>> -> memref<1x6400xi32, #tpu.memory_space<hbm>>
      %dma_wait3A_327 = tpu.memref_squeeze %dma_wait3A : memref<1x6400xi32, #tpu.memory_space<hbm>> -> memref<6400xi32, #tpu.memory_space<hbm>>
      %dma_wait3A_328 = tpu.memref_slice %arg4[%add3A_60, %mul3A_34] : memref<32x51200xi32, #tpu.memory_space<hbm>> -> memref<1x6400xi32, #tpu.memory_space<hbm>>
      %dma_wait3A_329 = tpu.memref_squeeze %dma_wait3A_328 : memref<1x6400xi32, #tpu.memory_space<hbm>> -> memref<6400xi32, #tpu.memory_space<hbm>>
      tpu.wait_dma2 semaphore(%run_scoped3A : memref<!tpu.dma_semaphore, #tpu.memory_space<semaphore_mem>>) src(%dma_wait3A_329 : memref<6400xi32, #tpu.memory_space<hbm>>) dst(%arg7 : memref<6400xi32, #tpu.memory_space<vmem>>)
      tpu.yield
    }) : () -> ()
    %scan3A_61 = arith.constant 0 : i32
    %scan3A_62 = arith.constant 0 : i32
    %scan3A_63 = arith.constant 400 : i32
    %scan3A_64 = arith.addi %scan3A_62, %scan3A_63 : i32
    %scan3A_65 = arith.constant 1 : i32
    scf.for %scan3A_324 = %scan3A_62 to %scan3A_64 step %scan3A_65  : i32 {
      %mul3A_325 = arith.constant 16 : i32
      %mul3A_326 = arith.muli %scan3A_324, %mul3A_325 : i32
      %get3A = arith.index_cast %mul3A_326 : i32 to index
      %get3A_327 = tpu.vector_load %arg6[%get3A] {strides = array<i32>} : memref<6400xi32, #tpu.memory_space<vmem>>, vector<16xi32>,
      %get3A_328 = arith.index_cast %mul3A_326 : i32 to index
      %get3A_329 = tpu.vector_load %arg7[%get3A_328] {strides = array<i32>} : memref<6400xi32, #tpu.memory_space<vmem>>, vector<16xi32>,
      %max3A = arith.maxsi %get3A_327, %get3A_329 : vector<16xi32>
      %swap3A = arith.index_cast %mul3A_326 : i32 to index
      %swap3A_330 = tpu.vector_load %arg6[%swap3A] {strides = array<i32>} : memref<6400xi32, #tpu.memory_space<vmem>>, vector<16xi32>,
      tpu.vector_store %arg6[%swap3A], %max3A {strides = array<i32>} : memref<6400xi32, #tpu.memory_space<vmem>>, vector<16xi32>,
    }
    %scan3A_66 = arith.constant 400 : i32
    %mul3A_67 = arith.constant 8 : i32
    %mul3A_68 = arith.muli %select_n3A, %mul3A_67 : i32
    %add3A_69 = arith.constant 4 : i32
    %add3A_70 = arith.addi %mul3A_68, %add3A_69 : i32
    "tpu.region"() ({
      %run_scoped3A = tpu.sem_alloc : memref<!tpu.dma_semaphore, #tpu.memory_space<semaphore_mem>>
      %dma_start3A = tpu.memref_slice %arg4[%add3A_70, %mul3A_34] : memref<32x51200xi32, #tpu.memory_space<hbm>> -> memref<1x6400xi32, #tpu.memory_space<hbm>>
      %dma_start3A_324 = tpu.memref_squeeze %dma_start3A : memref<1x6400xi32, #tpu.memory_space<hbm>> -> memref<6400xi32, #tpu.memory_space<hbm>>
      %dma_start3A_325 = tpu.memref_slice %arg4[%add3A_70, %mul3A_34] : memref<32x51200xi32, #tpu.memory_space<hbm>> -> memref<1x6400xi32, #tpu.memory_space<hbm>>
      %dma_start3A_326 = tpu.memref_squeeze %dma_start3A_325 : memref<1x6400xi32, #tpu.memory_space<hbm>> -> memref<6400xi32, #tpu.memory_space<hbm>>
      tpu.enqueue_dma source(%dma_start3A_326 : memref<6400xi32, #tpu.memory_space<hbm>>) target(%arg7 : memref<6400xi32, #tpu.memory_space<vmem>>) target_semaphore(%run_scoped3A : memref<!tpu.dma_semaphore, #tpu.memory_space<semaphore_mem>>)
      %dma_wait3A = tpu.memref_slice %arg4[%add3A_70, %mul3A_34] : memref<32x51200xi32, #tpu.memory_space<hbm>> -> memref<1x6400xi32, #tpu.memory_space<hbm>>
      %dma_wait3A_327 = tpu.memref_squeeze %dma_wait3A : memref<1x6400xi32, #tpu.memory_space<hbm>> -> memref<6400xi32, #tpu.memory_space<hbm>>
      %dma_wait3A_328 = tpu.memref_slice %arg4[%add3A_70, %mul3A_34] : memref<32x51200xi32, #tpu.memory_space<hbm>> -> memref<1x6400xi32, #tpu.memory_space<hbm>>
      %dma_wait3A_329 = tpu.memref_squeeze %dma_wait3A_328 : memref<1x6400xi32, #tpu.memory_space<hbm>> -> memref<6400xi32, #tpu.memory_space<hbm>>
      tpu.wait_dma2 semaphore(%run_scoped3A : memref<!tpu.dma_semaphore, #tpu.memory_space<semaphore_mem>>) src(%dma_wait3A_329 : memref<6400xi32, #tpu.memory_space<hbm>>) dst(%arg7 : memref<6400xi32, #tpu.memory_space<vmem>>)
      tpu.yield
    }) : () -> ()
    %scan3A_71 = arith.constant 0 : i32
    %scan3A_72 = arith.constant 0 : i32
    %scan3A_73 = arith.constant 400 : i32
    %scan3A_74 = arith.addi %scan3A_72, %scan3A_73 : i32
    %scan3A_75 = arith.constant 1 : i32
    scf.for %scan3A_324 = %scan3A_72 to %scan3A_74 step %scan3A_75  : i32 {
      %mul3A_325 = arith.constant 16 : i32
      %mul3A_326 = arith.muli %scan3A_324, %mul3A_325 : i32
      %get3A = arith.index_cast %mul3A_326 : i32 to index
      %get3A_327 = tpu.vector_load %arg6[%get3A] {strides = array<i32>} : memref<6400xi32, #tpu.memory_space<vmem>>, vector<16xi32>,
      %get3A_328 = arith.index_cast %mul3A_326 : i32 to index
      %get3A_329 = tpu.vector_load %arg7[%get3A_328] {strides = array<i32>} : memref<6400xi32, #tpu.memory_space<vmem>>, vector<16xi32>,
      %max3A = arith.maxsi %get3A_327, %get3A_329 : vector<16xi32>
      %swap3A = arith.index_cast %mul3A_326 : i32 to index
      %swap3A_330 = tpu.vector_load %arg6[%swap3A] {strides = array<i32>} : memref<6400xi32, #tpu.memory_space<vmem>>, vector<16xi32>,
      tpu.vector_store %arg6[%swap3A], %max3A {strides = array<i32>} : memref<6400xi32, #tpu.memory_space<vmem>>, vector<16xi32>,
    }
    %scan3A_76 = arith.constant 400 : i32
    %mul3A_77 = arith.constant 8 : i32
    %mul3A_78 = arith.muli %select_n3A, %mul3A_77 : i32
    %add3A_79 = arith.constant 5 : i32
    %add3A_80 = arith.addi %mul3A_78, %add3A_79 : i32
    "tpu.region"() ({
      %run_scoped3A = tpu.sem_alloc : memref<!tpu.dma_semaphore, #tpu.memory_space<semaphore_mem>>
      %dma_start3A = tpu.memref_slice %arg4[%add3A_80, %mul3A_34] : memref<32x51200xi32, #tpu.memory_space<hbm>> -> memref<1x6400xi32, #tpu.memory_space<hbm>>
      %dma_start3A_324 = tpu.memref_squeeze %dma_start3A : memref<1x6400xi32, #tpu.memory_space<hbm>> -> memref<6400xi32, #tpu.memory_space<hbm>>
      %dma_start3A_325 = tpu.memref_slice %arg4[%add3A_80, %mul3A_34] : memref<32x51200xi32, #tpu.memory_space<hbm>> -> memref<1x6400xi32, #tpu.memory_space<hbm>>
      %dma_start3A_326 = tpu.memref_squeeze %dma_start3A_325 : memref<1x6400xi32, #tpu.memory_space<hbm>> -> memref<6400xi32, #tpu.memory_space<hbm>>
      tpu.enqueue_dma source(%dma_start3A_326 : memref<6400xi32, #tpu.memory_space<hbm>>) target(%arg7 : memref<6400xi32, #tpu.memory_space<vmem>>) target_semaphore(%run_scoped3A : memref<!tpu.dma_semaphore, #tpu.memory_space<semaphore_mem>>)
      %dma_wait3A = tpu.memref_slice %arg4[%add3A_80, %mul3A_34] : memref<32x51200xi32, #tpu.memory_space<hbm>> -> memref<1x6400xi32, #tpu.memory_space<hbm>>
      %dma_wait3A_327 = tpu.memref_squeeze %dma_wait3A : memref<1x6400xi32, #tpu.memory_space<hbm>> -> memref<6400xi32, #tpu.memory_space<hbm>>
      %dma_wait3A_328 = tpu.memref_slice %arg4[%add3A_80, %mul3A_34] : memref<32x51200xi32, #tpu.memory_space<hbm>> -> memref<1x6400xi32, #tpu.memory_space<hbm>>
      %dma_wait3A_329 = tpu.memref_squeeze %dma_wait3A_328 : memref<1x6400xi32, #tpu.memory_space<hbm>> -> memref<6400xi32, #tpu.memory_space<hbm>>
      tpu.wait_dma2 semaphore(%run_scoped3A : memref<!tpu.dma_semaphore, #tpu.memory_space<semaphore_mem>>) src(%dma_wait3A_329 : memref<6400xi32, #tpu.memory_space<hbm>>) dst(%arg7 : memref<6400xi32, #tpu.memory_space<vmem>>)
      tpu.yield
    }) : () -> ()
    %scan3A_81 = arith.constant 0 : i32
    %scan3A_82 = arith.constant 0 : i32
    %scan3A_83 = arith.constant 400 : i32
    %scan3A_84 = arith.addi %scan3A_82, %scan3A_83 : i32
    %scan3A_85 = arith.constant 1 : i32
    scf.for %scan3A_324 = %scan3A_82 to %scan3A_84 step %scan3A_85  : i32 {
      %mul3A_325 = arith.constant 16 : i32
      %mul3A_326 = arith.muli %scan3A_324, %mul3A_325 : i32
      %get3A = arith.index_cast %mul3A_326 : i32 to index
      %get3A_327 = tpu.vector_load %arg6[%get3A] {strides = array<i32>} : memref<6400xi32, #tpu.memory_space<vmem>>, vector<16xi32>,
      %get3A_328 = arith.index_cast %mul3A_326 : i32 to index
      %get3A_329 = tpu.vector_load %arg7[%get3A_328] {strides = array<i32>} : memref<6400xi32, #tpu.memory_space<vmem>>, vector<16xi32>,
      %max3A = arith.maxsi %get3A_327, %get3A_329 : vector<16xi32>
      %swap3A = arith.index_cast %mul3A_326 : i32 to index
      %swap3A_330 = tpu.vector_load %arg6[%swap3A] {strides = array<i32>} : memref<6400xi32, #tpu.memory_space<vmem>>, vector<16xi32>,
      tpu.vector_store %arg6[%swap3A], %max3A {strides = array<i32>} : memref<6400xi32, #tpu.memory_space<vmem>>, vector<16xi32>,
    }
    %scan3A_86 = arith.constant 400 : i32
    %mul3A_87 = arith.constant 8 : i32
    %mul3A_88 = arith.muli %select_n3A, %mul3A_87 : i32
    %add3A_89 = arith.constant 6 : i32
    %add3A_90 = arith.addi %mul3A_88, %add3A_89 : i32
    "tpu.region"() ({
      %run_scoped3A = tpu.sem_alloc : memref<!tpu.dma_semaphore, #tpu.memory_space<semaphore_mem>>
      %dma_start3A = tpu.memref_slice %arg4[%add3A_90, %mul3A_34] : memref<32x51200xi32, #tpu.memory_space<hbm>> -> memref<1x6400xi32, #tpu.memory_space<hbm>>
      %dma_start3A_324 = tpu.memref_squeeze %dma_start3A : memref<1x6400xi32, #tpu.memory_space<hbm>> -> memref<6400xi32, #tpu.memory_space<hbm>>
      %dma_start3A_325 = tpu.memref_slice %arg4[%add3A_90, %mul3A_34] : memref<32x51200xi32, #tpu.memory_space<hbm>> -> memref<1x6400xi32, #tpu.memory_space<hbm>>
      %dma_start3A_326 = tpu.memref_squeeze %dma_start3A_325 : memref<1x6400xi32, #tpu.memory_space<hbm>> -> memref<6400xi32, #tpu.memory_space<hbm>>
      tpu.enqueue_dma source(%dma_start3A_326 : memref<6400xi32, #tpu.memory_space<hbm>>) target(%arg7 : memref<6400xi32, #tpu.memory_space<vmem>>) target_semaphore(%run_scoped3A : memref<!tpu.dma_semaphore, #tpu.memory_space<semaphore_mem>>)
      %dma_wait3A = tpu.memref_slice %arg4[%add3A_90, %mul3A_34] : memref<32x51200xi32, #tpu.memory_space<hbm>> -> memref<1x6400xi32, #tpu.memory_space<hbm>>
      %dma_wait3A_327 = tpu.memref_squeeze %dma_wait3A : memref<1x6400xi32, #tpu.memory_space<hbm>> -> memref<6400xi32, #tpu.memory_space<hbm>>
      %dma_wait3A_328 = tpu.memref_slice %arg4[%add3A_90, %mul3A_34] : memref<32x51200xi32, #tpu.memory_space<hbm>> -> memref<1x6400xi32, #tpu.memory_space<hbm>>
      %dma_wait3A_329 = tpu.memref_squeeze %dma_wait3A_328 : memref<1x6400xi32, #tpu.memory_space<hbm>> -> memref<6400xi32, #tpu.memory_space<hbm>>
      tpu.wait_dma2 semaphore(%run_scoped3A : memref<!tpu.dma_semaphore, #tpu.memory_space<semaphore_mem>>) src(%dma_wait3A_329 : memref<6400xi32, #tpu.memory_space<hbm>>) dst(%arg7 : memref<6400xi32, #tpu.memory_space<vmem>>)
      tpu.yield
    }) : () -> ()
    %scan3A_91 = arith.constant 0 : i32
    %scan3A_92 = arith.constant 0 : i32
    %scan3A_93 = arith.constant 400 : i32
    %scan3A_94 = arith.addi %scan3A_92, %scan3A_93 : i32
    %scan3A_95 = arith.constant 1 : i32
    scf.for %scan3A_324 = %scan3A_92 to %scan3A_94 step %scan3A_95  : i32 {
      %mul3A_325 = arith.constant 16 : i32
      %mul3A_326 = arith.muli %scan3A_324, %mul3A_325 : i32
      %get3A = arith.index_cast %mul3A_326 : i32 to index
      %get3A_327 = tpu.vector_load %arg6[%get3A] {strides = array<i32>} : memref<6400xi32, #tpu.memory_space<vmem>>, vector<16xi32>,
      %get3A_328 = arith.index_cast %mul3A_326 : i32 to index
      %get3A_329 = tpu.vector_load %arg7[%get3A_328] {strides = array<i32>} : memref<6400xi32, #tpu.memory_space<vmem>>, vector<16xi32>,
      %max3A = arith.maxsi %get3A_327, %get3A_329 : vector<16xi32>
      %swap3A = arith.index_cast %mul3A_326 : i32 to index
      %swap3A_330 = tpu.vector_load %arg6[%swap3A] {strides = array<i32>} : memref<6400xi32, #tpu.memory_space<vmem>>, vector<16xi32>,
      tpu.vector_store %arg6[%swap3A], %max3A {strides = array<i32>} : memref<6400xi32, #tpu.memory_space<vmem>>, vector<16xi32>,
    }
    %scan3A_96 = arith.constant 400 : i32
    %mul3A_97 = arith.constant 8 : i32
    %mul3A_98 = arith.muli %select_n3A, %mul3A_97 : i32
    %add3A_99 = arith.constant 7 : i32
    %add3A_100 = arith.addi %mul3A_98, %add3A_99 : i32
    "tpu.region"() ({
      %run_scoped3A = tpu.sem_alloc : memref<!tpu.dma_semaphore, #tpu.memory_space<semaphore_mem>>
      %dma_start3A = tpu.memref_slice %arg4[%add3A_100, %mul3A_34] : memref<32x51200xi32, #tpu.memory_space<hbm>> -> memref<1x6400xi32, #tpu.memory_space<hbm>>
      %dma_start3A_324 = tpu.memref_squeeze %dma_start3A : memref<1x6400xi32, #tpu.memory_space<hbm>> -> memref<6400xi32, #tpu.memory_space<hbm>>
      %dma_start3A_325 = tpu.memref_slice %arg4[%add3A_100, %mul3A_34] : memref<32x51200xi32, #tpu.memory_space<hbm>> -> memref<1x6400xi32, #tpu.memory_space<hbm>>
      %dma_start3A_326 = tpu.memref_squeeze %dma_start3A_325 : memref<1x6400xi32, #tpu.memory_space<hbm>> -> memref<6400xi32, #tpu.memory_space<hbm>>
      tpu.enqueue_dma source(%dma_start3A_326 : memref<6400xi32, #tpu.memory_space<hbm>>) target(%arg7 : memref<6400xi32, #tpu.memory_space<vmem>>) target_semaphore(%run_scoped3A : memref<!tpu.dma_semaphore, #tpu.memory_space<semaphore_mem>>)
      %dma_wait3A = tpu.memref_slice %arg4[%add3A_100, %mul3A_34] : memref<32x51200xi32, #tpu.memory_space<hbm>> -> memref<1x6400xi32, #tpu.memory_space<hbm>>
      %dma_wait3A_327 = tpu.memref_squeeze %dma_wait3A : memref<1x6400xi32, #tpu.memory_space<hbm>> -> memref<6400xi32, #tpu.memory_space<hbm>>
      %dma_wait3A_328 = tpu.memref_slice %arg4[%add3A_100, %mul3A_34] : memref<32x51200xi32, #tpu.memory_space<hbm>> -> memref<1x6400xi32, #tpu.memory_space<hbm>>
      %dma_wait3A_329 = tpu.memref_squeeze %dma_wait3A_328 : memref<1x6400xi32, #tpu.memory_space<hbm>> -> memref<6400xi32, #tpu.memory_space<hbm>>
      tpu.wait_dma2 semaphore(%run_scoped3A : memref<!tpu.dma_semaphore, #tpu.memory_space<semaphore_mem>>) src(%dma_wait3A_329 : memref<6400xi32, #tpu.memory_space<hbm>>) dst(%arg7 : memref<6400xi32, #tpu.memory_space<vmem>>)
      tpu.yield
    }) : () -> ()
    %scan3A_101 = arith.constant 0 : i32
    %scan3A_102 = arith.constant 0 : i32
    %scan3A_103 = arith.constant 400 : i32
    %scan3A_104 = arith.addi %scan3A_102, %scan3A_103 : i32
    %scan3A_105 = arith.constant 1 : i32
    scf.for %scan3A_324 = %scan3A_102 to %scan3A_104 step %scan3A_105  : i32 {
      %mul3A_325 = arith.constant 16 : i32
      %mul3A_326 = arith.muli %scan3A_324, %mul3A_325 : i32
      %get3A = arith.index_cast %mul3A_326 : i32 to index
      %get3A_327 = tpu.vector_load %arg6[%get3A] {strides = array<i32>} : memref<6400xi32, #tpu.memory_space<vmem>>, vector<16xi32>,
      %get3A_328 = arith.index_cast %mul3A_326 : i32 to index
      %get3A_329 = tpu.vector_load %arg7[%get3A_328] {strides = array<i32>} : memref<6400xi32, #tpu.memory_space<vmem>>, vector<16xi32>,
      %max3A = arith.maxsi %get3A_327, %get3A_329 : vector<16xi32>
      %swap3A = arith.index_cast %mul3A_326 : i32 to index
      %swap3A_330 = tpu.vector_load %arg6[%swap3A] {strides = array<i32>} : memref<6400xi32, #tpu.memory_space<vmem>>, vector<16xi32>,
      tpu.vector_store %arg6[%swap3A], %max3A {strides = array<i32>} : memref<6400xi32, #tpu.memory_space<vmem>>, vector<16xi32>,
    }
    %scan3A_106 = arith.constant 400 : i32
    %scan3A_107 = arith.constant 0 : i32
    %scan3A_108 = arith.constant 0 : i32
    %scan3A_109 = arith.constant 0 : i32
    %scan3A_110 = arith.constant 400 : i32
    %scan3A_111 = arith.addi %scan3A_109, %scan3A_110 : i32
    %scan3A_112 = arith.constant 1 : i32
    %scan3A_113:2 = scf.for %scan3A_324 = %scan3A_109 to %scan3A_111 step %scan3A_112 iter_args(%scan3A_325 = %scan3A_107, %scan3A_326 = %scan3A_108) -> (i32, i32)  : i32 {
      %mul3A_327 = arith.constant 16 : i32
      %mul3A_328 = arith.muli %scan3A_324, %mul3A_327 : i32
      %get3A = arith.index_cast %mul3A_328 : i32 to index
      %get3A_329 = tpu.vector_load %arg6[%get3A] {strides = array<i32>} : memref<6400xi32, #tpu.memory_space<vmem>>, vector<16xi32>,
      %mul3A_330 = arith.constant 16 : i32
      %mul3A_331 = arith.muli %scan3A_324, %mul3A_330 : i32
      %add3A_332 = arith.addi %mul3A_2, %mul3A_331 : i32
      %add3A_333 = vector.broadcast %add3A_332 : i32 to vector<16xi32>
      %add3A_334 = arith.addi %add3A_333, %iota3A : vector<16xi32>
      %ge3A_335 = arith.constant 0 : i32
      %ge3A_336 = vector.broadcast %ge3A_335 : i32 to vector<16xi32>
      %ge3A_337 = arith.cmpi sge, %get3A_329, %ge3A_336 : vector<16xi32>
      %not3A = arith.constant dense<true> : vector<16xi1>
      %not3A_338 = arith.xori %ge3A_337, %not3A : vector<16xi1>
      %lt3A_339 = arith.constant 200000 : i32
      %lt3A_340 = vector.broadcast %lt3A_339 : i32 to vector<16xi32>
      %lt3A_341 = arith.cmpi slt, %add3A_334, %lt3A_340 : vector<16xi32>
      %and3A_342 = arith.andi %not3A_338, %lt3A_341 : vector<16xi1>
      %swap3A = arith.index_cast %scan3A_325 : i32 to index
      %swap3A_343 = tpu.vector_load %arg8[%swap3A] masked %ge3A_337 {strides = array<i32>} : memref<6528xi32, #tpu.memory_space<vmem>>, vector<16xi32>, vector<16xi1>
      tpu.vector_store %arg8[%swap3A], %get3A_329 masked %ge3A_337 {strides = array<i32>} : memref<6528xi32, #tpu.memory_space<vmem>>, vector<16xi32>, vector<16xi1>
      %swap3A_344 = arith.index_cast %scan3A_325 : i32 to index
      %swap3A_345 = tpu.vector_load %arg9[%swap3A_344] masked %ge3A_337 {strides = array<i32>} : memref<6528xi32, #tpu.memory_space<vmem>>, vector<16xi32>, vector<16xi1>
      tpu.vector_store %arg9[%swap3A_344], %add3A_334 masked %ge3A_337 {strides = array<i32>} : memref<6528xi32, #tpu.memory_space<vmem>>, vector<16xi32>, vector<16xi1>
      %swap3A_346 = arith.index_cast %scan3A_326 : i32 to index
      %swap3A_347 = tpu.vector_load %arg10[%swap3A_346] masked %and3A_342 {strides = array<i32>} : memref<6528xi32, #tpu.memory_space<vmem>>, vector<16xi32>, vector<16xi1>
      tpu.vector_store %arg10[%swap3A_346], %add3A_334 masked %and3A_342 {strides = array<i32>} : memref<6528xi32, #tpu.memory_space<vmem>>, vector<16xi32>, vector<16xi1>
      %all_reduce_population_count3A = tpu.all_reduce %ge3A_337 {dim = 0 : i64, kind = #tpu.reduction_kind<sum>} : vector<16xi1> -> vector<16xi32>
      %reduce_max3A = arith.constant true
      %reduce_max3A_348 = vector.broadcast %reduce_max3A : i1 to vector<16xi1>
      %reduce_max3A_349 = arith.constant -2147483648 : i32
      %reduce_max3A_350 = vector.broadcast %reduce_max3A_349 : i32 to vector<16xi32>
      %reduce_max3A_351 = arith.xori %all_reduce_population_count3A, %reduce_max3A_350 : vector<16xi32>
      %reduce_max3A_352 = tpu.scan <max>, %reduce_max3A_351 masked %reduce_max3A_348 : vector<16xi32>, vector<16xi1> -> vector<16xi32>
      %reduce_max3A_353 = arith.xori %reduce_max3A_352, %reduce_max3A_350 : vector<16xi32>
      %reduce_max3A_354 = vector.extract %reduce_max3A_353[15] : i32 from vector<16xi32>
      %add3A_355 = arith.addi %scan3A_325, %reduce_max3A_354 : i32
      %all_reduce_population_count3A_356 = tpu.all_reduce %and3A_342 {dim = 0 : i64, kind = #tpu.reduction_kind<sum>} : vector<16xi1> -> vector<16xi32>
      %reduce_max3A_357 = arith.constant true
      %reduce_max3A_358 = vector.broadcast %reduce_max3A_357 : i1 to vector<16xi1>
      %reduce_max3A_359 = arith.constant -2147483648 : i32
      %reduce_max3A_360 = vector.broadcast %reduce_max3A_359 : i32 to vector<16xi32>
      %reduce_max3A_361 = arith.xori %all_reduce_population_count3A_356, %reduce_max3A_360 : vector<16xi32>
      %reduce_max3A_362 = tpu.scan <max>, %reduce_max3A_361 masked %reduce_max3A_358 : vector<16xi32>, vector<16xi1> -> vector<16xi32>
      %reduce_max3A_363 = arith.xori %reduce_max3A_362, %reduce_max3A_360 : vector<16xi32>
      %reduce_max3A_364 = vector.extract %reduce_max3A_363[15] : i32 from vector<16xi32>
      %add3A_365 = arith.addi %scan3A_326, %reduce_max3A_364 : i32
      scf.yield %add3A_355, %add3A_365 : i32, i32
    }
    %scan3A_114 = arith.constant 400 : i32
    %broadcast_in_dim3A_115 = arith.constant -2147483648 : i32
    %broadcast_in_dim3A_116 = vector.broadcast %broadcast_in_dim3A_115 : i32 to vector<16xi32>
    %jit3A_117 = arith.constant 128 : i32
    %div3A_118 = arith.divsi %scan3A_113#0, %jit3A_117 : i32
    %sign3A_119 = arith.constant 0 : i32
    %sign3A_120 = arith.cmpi sgt, %scan3A_113#0, %sign3A_119 : i32
    %sign3A_121 = arith.extui %sign3A_120 : i1 to i32
    %sign3A_122 = arith.constant 0 : i32
    %sign3A_123 = arith.cmpi slt, %scan3A_113#0, %sign3A_122 : i32
    %sign3A_124 = arith.extui %sign3A_123 : i1 to i32
    %sign3A_125 = arith.subi %sign3A_121, %sign3A_124 : i32
    %sign3A_126 = arith.constant 0 : i32
    %sign3A_127 = arith.cmpi sgt, %jit3A_117, %sign3A_126 : i32
    %sign3A_128 = arith.extui %sign3A_127 : i1 to i32
    %sign3A_129 = arith.constant 0 : i32
    %sign3A_130 = arith.cmpi slt, %jit3A_117, %sign3A_129 : i32
    %sign3A_131 = arith.extui %sign3A_130 : i1 to i32
    %sign3A_132 = arith.subi %sign3A_128, %sign3A_131 : i32
    %ne3A_133 = arith.cmpi ne, %sign3A_125, %sign3A_132 : i32
    %rem3A_134 = arith.remsi %scan3A_113#0, %jit3A_117 : i32
    %ne3A_135 = arith.constant 0 : i32
    %ne3A_136 = arith.cmpi ne, %rem3A_134, %ne3A_135 : i32
    %and3A_137 = arith.andi %ne3A_133, %ne3A_136 : i1
    %sub3A_138 = arith.constant 1 : i32
    %sub3A_139 = arith.subi %div3A_118, %sub3A_138 : i32
    %select_n3A_140 = arith.select %and3A_137, %sub3A_139, %div3A_118 : i32
    %gt3A = arith.constant 0 : i32
    %gt3A_141 = arith.cmpi sgt, %select_n3A_140, %gt3A : i32
    %convert_element_type3A = arith.extui %gt3A_141 : i1 to i32
    %cond3A = arith.constant 0 : i32
    %cond3A_142 = arith.cmpi ne, %convert_element_type3A, %cond3A : i32
    scf.if %cond3A_142 {
      %get3A = arith.constant 0 : index
      %get3A_324 = tpu.vector_load %arg8[%get3A] {strides = array<i32>} : memref<6528xi32, #tpu.memory_space<vmem>>, vector<16xi32>,
      %swap3A = arith.constant 0 : index
      %swap3A_325 = tpu.vector_load %arg13[%swap3A] {strides = array<i32>} : memref<128xi32, #tpu.memory_space<vmem>>, vector<16xi32>,
      tpu.vector_store %arg13[%swap3A], %get3A_324 {strides = array<i32>} : memref<128xi32, #tpu.memory_space<vmem>>, vector<16xi32>,
      %get3A_326 = arith.constant 16 : index
      %get3A_327 = tpu.vector_load %arg8[%get3A_326] {strides = array<i32>} : memref<6528xi32, #tpu.memory_space<vmem>>, vector<16xi32>,
      %swap3A_328 = arith.constant 16 : index
      %swap3A_329 = tpu.vector_load %arg13[%swap3A_328] {strides = array<i32>} : memref<128xi32, #tpu.memory_space<vmem>>, vector<16xi32>,
      tpu.vector_store %arg13[%swap3A_328], %get3A_327 {strides = array<i32>} : memref<128xi32, #tpu.memory_space<vmem>>, vector<16xi32>,
      %get3A_330 = arith.constant 32 : index
      %get3A_331 = tpu.vector_load %arg8[%get3A_330] {strides = array<i32>} : memref<6528xi32, #tpu.memory_space<vmem>>, vector<16xi32>,
      %swap3A_332 = arith.constant 32 : index
      %swap3A_333 = tpu.vector_load %arg13[%swap3A_332] {strides = array<i32>} : memref<128xi32, #tpu.memory_space<vmem>>, vector<16xi32>,
      tpu.vector_store %arg13[%swap3A_332], %get3A_331 {strides = array<i32>} : memref<128xi32, #tpu.memory_space<vmem>>, vector<16xi32>,
      %get3A_334 = arith.constant 48 : index
      %get3A_335 = tpu.vector_load %arg8[%get3A_334] {strides = array<i32>} : memref<6528xi32, #tpu.memory_space<vmem>>, vector<16xi32>,
      %swap3A_336 = arith.constant 48 : index
      %swap3A_337 = tpu.vector_load %arg13[%swap3A_336] {strides = array<i32>} : memref<128xi32, #tpu.memory_space<vmem>>, vector<16xi32>,
      tpu.vector_store %arg13[%swap3A_336], %get3A_335 {strides = array<i32>} : memref<128xi32, #tpu.memory_space<vmem>>, vector<16xi32>,
      %get3A_338 = arith.constant 64 : index
      %get3A_339 = tpu.vector_load %arg8[%get3A_338] {strides = array<i32>} : memref<6528xi32, #tpu.memory_space<vmem>>, vector<16xi32>,
      %swap3A_340 = arith.constant 64 : index
      %swap3A_341 = tpu.vector_load %arg13[%swap3A_340] {strides = array<i32>} : memref<128xi32, #tpu.memory_space<vmem>>, vector<16xi32>,
      tpu.vector_store %arg13[%swap3A_340], %get3A_339 {strides = array<i32>} : memref<128xi32, #tpu.memory_space<vmem>>, vector<16xi32>,
      %get3A_342 = arith.constant 80 : index
      %get3A_343 = tpu.vector_load %arg8[%get3A_342] {strides = array<i32>} : memref<6528xi32, #tpu.memory_space<vmem>>, vector<16xi32>,
      %swap3A_344 = arith.constant 80 : index
      %swap3A_345 = tpu.vector_load %arg13[%swap3A_344] {strides = array<i32>} : memref<128xi32, #tpu.memory_space<vmem>>, vector<16xi32>,
      tpu.vector_store %arg13[%swap3A_344], %get3A_343 {strides = array<i32>} : memref<128xi32, #tpu.memory_space<vmem>>, vector<16xi32>,
      %get3A_346 = arith.constant 96 : index
      %get3A_347 = tpu.vector_load %arg8[%get3A_346] {strides = array<i32>} : memref<6528xi32, #tpu.memory_space<vmem>>, vector<16xi32>,
      %swap3A_348 = arith.constant 96 : index
      %swap3A_349 = tpu.vector_load %arg13[%swap3A_348] {strides = array<i32>} : memref<128xi32, #tpu.memory_space<vmem>>, vector<16xi32>,
      tpu.vector_store %arg13[%swap3A_348], %get3A_347 {strides = array<i32>} : memref<128xi32, #tpu.memory_space<vmem>>, vector<16xi32>,
      %get3A_350 = arith.constant 112 : index
      %get3A_351 = tpu.vector_load %arg8[%get3A_350] {strides = array<i32>} : memref<6528xi32, #tpu.memory_space<vmem>>, vector<16xi32>,
      %swap3A_352 = arith.constant 112 : index
      %swap3A_353 = tpu.vector_load %arg13[%swap3A_352] {strides = array<i32>} : memref<128xi32, #tpu.memory_space<vmem>>, vector<16xi32>,
      tpu.vector_store %arg13[%swap3A_352], %get3A_351 {strides = array<i32>} : memref<128xi32, #tpu.memory_space<vmem>>, vector<16xi32>,
      %dma_start3A = arith.constant 0 : i32
      %dma_start3A_354 = arith.constant 0 : i32
      %dma_start3A_355 = arith.constant 0 : i32
      %dma_start3A_356 = tpu.memref_slice %arg11[%dma_start3A, %dma_start3A_354, %dma_start3A_355] : memref<2x128x128xf32, #tpu.memory_space<vmem>> -> memref<1x128x128xf32, #tpu.memory_space<vmem>>
      %dma_start3A_357 = tpu.memref_squeeze %dma_start3A_356 : memref<1x128x128xf32, #tpu.memory_space<vmem>> -> memref<128x128xf32, #tpu.memory_space<vmem>>
      %dma_start3A_358 = arith.constant 0 : i32
      %dma_start3A_359 = arith.constant 0 : i32
      %dma_start3A_360 = tpu.memref_slice %arg3[%dma_start3A_358, %dma_start3A_359] : memref<131072x128xf32, #tpu.memory_space<hbm>> -> memref<131072x128xf32, #tpu.memory_space<hbm>>
      tpu.enqueue_indirect_dma source(%dma_start3A_360 : memref<131072x128xf32, #tpu.memory_space<hbm>>) target(%dma_start3A_357 : memref<128x128xf32, #tpu.memory_space<vmem>>) offsets(%arg13 : memref<128xi32, #tpu.memory_space<vmem>>) semaphore(%arg17 : memref<!tpu.dma_semaphore, #tpu.memory_space<semaphore_mem>>)
    } else {
    }
    %while3A = arith.constant 0 : i32
    %while3A_143 = arith.constant 0 : i32
    %while3A_144 = arith.subi %select_n3A_140, %while3A_143 : i32
    %while3A_145 = arith.addi %while3A_143, %while3A_144 : i32
    %while3A_146 = arith.constant 1 : i32
    %while3A_147 = arith.divsi %while3A_144, %while3A_146 : i32
    %while3A_148 = arith.muli %while3A_147, %while3A_146 : i32
    %while3A_149 = arith.addi %while3A_143, %while3A_148 : i32
    %while3A_150 = arith.constant 1 : i32
    scf.for %while3A_324 = %while3A_143 to %while3A_149 step %while3A_150  : i32 {
      %jit3A_325 = arith.constant 2 : i32
      %eq3A_326 = arith.constant 0 : i32
      %eq3A_327 = arith.cmpi eq, %jit3A_325, %eq3A_326 : i32
      %jit3A_328 = arith.constant 1 : i32
      %select_n3A_329 = arith.select %eq3A_327, %jit3A_328, %jit3A_325 : i32
      %rem3A_330 = arith.remsi %while3A_324, %select_n3A_329 : i32
      %ne3A_331 = arith.constant 0 : i32
      %ne3A_332 = arith.cmpi ne, %rem3A_330, %ne3A_331 : i32
      %lt3A_333 = arith.constant 0 : i32
      %lt3A_334 = arith.cmpi slt, %rem3A_330, %lt3A_333 : i32
      %lt3A_335 = arith.constant 0 : i32
      %lt3A_336 = arith.cmpi slt, %select_n3A_329, %lt3A_335 : i32
      %ne3A_337 = arith.xori %lt3A_334, %lt3A_336 : i1
      %and3A_338 = arith.andi %ne3A_337, %ne3A_332 : i1
      %add3A_339 = arith.addi %rem3A_330, %select_n3A_329 : i32
      %select_n3A_340 = arith.select %and3A_338, %add3A_339, %rem3A_330 : i32
      %eq3A_341 = arith.constant 0 : i32
      %eq3A_342 = arith.cmpi eq, %select_n3A_340, %eq3A_341 : i32
      %add3A_343 = arith.constant 1 : i32
      %add3A_344 = arith.addi %while3A_324, %add3A_343 : i32
      %lt3A_345 = arith.cmpi slt, %add3A_344, %select_n3A_140 : i32
      %ge3A_346 = arith.constant 1 : i32
      %ge3A_347 = arith.cmpi sge, %while3A_324, %ge3A_346 : i32
      %and3A_348 = arith.andi %lt3A_345, %ge3A_347 : i1
      %convert_element_type3A_349 = arith.extui %and3A_348 : i1 to i32
      %cond3A_350 = arith.constant 0 : i32
      %cond3A_351 = arith.cmpi ne, %convert_element_type3A_349, %cond3A_350 : i32
      scf.if %cond3A_351 {
        %convert_element_type3A_365 = arith.extui %eq3A_342 : i1 to i32
        %cond3A_366 = arith.constant 0 : i32
        %cond3A_367 = arith.cmpi ne, %convert_element_type3A_365, %cond3A_366 : i32
        scf.if %cond3A_367 {
          %dma_wait3A = arith.constant 1 : i32
          %dma_wait3A_373 = arith.constant 0 : i32
          %dma_wait3A_374 = arith.constant 0 : i32
          %dma_wait3A_375 = tpu.memref_slice %arg11[%dma_wait3A, %dma_wait3A_373, %dma_wait3A_374] : memref<2x128x128xf32, #tpu.memory_space<vmem>> -> memref<1x128x128xf32, #tpu.memory_space<vmem>>
          %dma_wait3A_376 = tpu.memref_squeeze %dma_wait3A_375 : memref<1x128x128xf32, #tpu.memory_space<vmem>> -> memref<128x128xf32, #tpu.memory_space<vmem>>
          %dma_wait3A_377 = arith.constant 0 : i32
          %dma_wait3A_378 = arith.constant 0 : i32
          %dma_wait3A_379 = tpu.memref_slice %arg5[%dma_wait3A_377, %dma_wait3A_378] : memref<200000x128xf32, #tpu.memory_space<hbm>> -> memref<200000x128xf32, #tpu.memory_space<hbm>>
          tpu.wait_indirect_dma semaphore(%arg20 : memref<!tpu.dma_semaphore, #tpu.memory_space<semaphore_mem>>) src(%dma_wait3A_376 : memref<128x128xf32, #tpu.memory_space<vmem>>) dst(%dma_wait3A_379 : memref<200000x128xf32, #tpu.memory_space<hbm>>)
        } else {
        }
        %not3A_368 = arith.constant true
        %not3A_369 = arith.xori %eq3A_342, %not3A_368 : i1
        %convert_element_type3A_370 = arith.extui %not3A_369 : i1 to i32
        %cond3A_371 = arith.constant 0 : i32
        %cond3A_372 = arith.cmpi ne, %convert_element_type3A_370, %cond3A_371 : i32
        scf.if %cond3A_372 {
          %dma_wait3A = arith.constant 0 : i32
          %dma_wait3A_373 = arith.constant 0 : i32
          %dma_wait3A_374 = arith.constant 0 : i32
          %dma_wait3A_375 = tpu.memref_slice %arg11[%dma_wait3A, %dma_wait3A_373, %dma_wait3A_374] : memref<2x128x128xf32, #tpu.memory_space<vmem>> -> memref<1x128x128xf32, #tpu.memory_space<vmem>>
          %dma_wait3A_376 = tpu.memref_squeeze %dma_wait3A_375 : memref<1x128x128xf32, #tpu.memory_space<vmem>> -> memref<128x128xf32, #tpu.memory_space<vmem>>
          %dma_wait3A_377 = arith.constant 0 : i32
          %dma_wait3A_378 = arith.constant 0 : i32
          %dma_wait3A_379 = tpu.memref_slice %arg5[%dma_wait3A_377, %dma_wait3A_378] : memref<200000x128xf32, #tpu.memory_space<hbm>> -> memref<200000x128xf32, #tpu.memory_space<hbm>>
          tpu.wait_indirect_dma semaphore(%arg19 : memref<!tpu.dma_semaphore, #tpu.memory_space<semaphore_mem>>) src(%dma_wait3A_376 : memref<128x128xf32, #tpu.memory_space<vmem>>) dst(%dma_wait3A_379 : memref<200000x128xf32, #tpu.memory_space<hbm>>)
        } else {
        }
      } else {
      }
      %add3A_352 = arith.constant 1 : i32
      %add3A_353 = arith.addi %while3A_324, %add3A_352 : i32
      %lt3A_354 = arith.cmpi slt, %add3A_353, %select_n3A_140 : i32
      %convert_element_type3A_355 = arith.extui %lt3A_354 : i1 to i32
      %cond3A_356 = arith.constant 0 : i32
      %cond3A_357 = arith.cmpi ne, %convert_element_type3A_355, %cond3A_356 : i32
      scf.if %cond3A_357 {
        %convert_element_type3A_365 = arith.extui %eq3A_342 : i1 to i32
        %cond3A_366 = arith.constant 0 : i32
        %cond3A_367 = arith.cmpi ne, %convert_element_type3A_365, %cond3A_366 : i32
        scf.if %cond3A_367 {
          %add3A_373 = arith.constant 1 : i32
          %add3A_374 = arith.addi %while3A_324, %add3A_373 : i32
          %mul3A_375 = arith.constant 128 : i32
          %mul3A_376 = arith.muli %add3A_374, %mul3A_375 : i32
          %add3A_377 = arith.constant 0 : i32
          %add3A_378 = arith.addi %mul3A_376, %add3A_377 : i32
          %get3A = arith.index_cast %add3A_378 : i32 to index
          %get3A_379 = tpu.vector_load %arg8[%get3A] {strides = array<i32>} : memref<6528xi32, #tpu.memory_space<vmem>>, vector<16xi32>,
          %swap3A = arith.constant 0 : index
          %swap3A_380 = tpu.vector_load %arg14[%swap3A] {strides = array<i32>} : memref<128xi32, #tpu.memory_space<vmem>>, vector<16xi32>,
          tpu.vector_store %arg14[%swap3A], %get3A_379 {strides = array<i32>} : memref<128xi32, #tpu.memory_space<vmem>>, vector<16xi32>,
          %mul3A_381 = arith.constant 128 : i32
          %mul3A_382 = arith.muli %add3A_374, %mul3A_381 : i32
          %add3A_383 = arith.constant 16 : i32
          %add3A_384 = arith.addi %mul3A_382, %add3A_383 : i32
          %get3A_385 = arith.index_cast %add3A_384 : i32 to index
          %get3A_386 = tpu.vector_load %arg8[%get3A_385] {strides = array<i32>} : memref<6528xi32, #tpu.memory_space<vmem>>, vector<16xi32>,
          %swap3A_387 = arith.constant 16 : index
          %swap3A_388 = tpu.vector_load %arg14[%swap3A_387] {strides = array<i32>} : memref<128xi32, #tpu.memory_space<vmem>>, vector<16xi32>,
          tpu.vector_store %arg14[%swap3A_387], %get3A_386 {strides = array<i32>} : memref<128xi32, #tpu.memory_space<vmem>>, vector<16xi32>,
          %mul3A_389 = arith.constant 128 : i32
          %mul3A_390 = arith.muli %add3A_374, %mul3A_389 : i32
          %add3A_391 = arith.constant 32 : i32
          %add3A_392 = arith.addi %mul3A_390, %add3A_391 : i32
          %get3A_393 = arith.index_cast %add3A_392 : i32 to index
          %get3A_394 = tpu.vector_load %arg8[%get3A_393] {strides = array<i32>} : memref<6528xi32, #tpu.memory_space<vmem>>, vector<16xi32>,
          %swap3A_395 = arith.constant 32 : index
          %swap3A_396 = tpu.vector_load %arg14[%swap3A_395] {strides = array<i32>} : memref<128xi32, #tpu.memory_space<vmem>>, vector<16xi32>,
          tpu.vector_store %arg14[%swap3A_395], %get3A_394 {strides = array<i32>} : memref<128xi32, #tpu.memory_space<vmem>>, vector<16xi32>,
          %mul3A_397 = arith.constant 128 : i32
          %mul3A_398 = arith.muli %add3A_374, %mul3A_397 : i32
          %add3A_399 = arith.constant 48 : i32
          %add3A_400 = arith.addi %mul3A_398, %add3A_399 : i32
          %get3A_401 = arith.index_cast %add3A_400 : i32 to index
          %get3A_402 = tpu.vector_load %arg8[%get3A_401] {strides = array<i32>} : memref<6528xi32, #tpu.memory_space<vmem>>, vector<16xi32>,
          %swap3A_403 = arith.constant 48 : index
          %swap3A_404 = tpu.vector_load %arg14[%swap3A_403] {strides = array<i32>} : memref<128xi32, #tpu.memory_space<vmem>>, vector<16xi32>,
          tpu.vector_store %arg14[%swap3A_403], %get3A_402 {strides = array<i32>} : memref<128xi32, #tpu.memory_space<vmem>>, vector<16xi32>,
          %mul3A_405 = arith.constant 128 : i32
          %mul3A_406 = arith.muli %add3A_374, %mul3A_405 : i32
          %add3A_407 = arith.constant 64 : i32
          %add3A_408 = arith.addi %mul3A_406, %add3A_407 : i32
          %get3A_409 = arith.index_cast %add3A_408 : i32 to index
          %get3A_410 = tpu.vector_load %arg8[%get3A_409] {strides = array<i32>} : memref<6528xi32, #tpu.memory_space<vmem>>, vector<16xi32>,
          %swap3A_411 = arith.constant 64 : index
          %swap3A_412 = tpu.vector_load %arg14[%swap3A_411] {strides = array<i32>} : memref<128xi32, #tpu.memory_space<vmem>>, vector<16xi32>,
          tpu.vector_store %arg14[%swap3A_411], %get3A_410 {strides = array<i32>} : memref<128xi32, #tpu.memory_space<vmem>>, vector<16xi32>,
          %mul3A_413 = arith.constant 128 : i32
          %mul3A_414 = arith.muli %add3A_374, %mul3A_413 : i32
          %add3A_415 = arith.constant 80 : i32
          %add3A_416 = arith.addi %mul3A_414, %add3A_415 : i32
          %get3A_417 = arith.index_cast %add3A_416 : i32 to index
          %get3A_418 = tpu.vector_load %arg8[%get3A_417] {strides = array<i32>} : memref<6528xi32, #tpu.memory_space<vmem>>, vector<16xi32>,
          %swap3A_419 = arith.constant 80 : index
          %swap3A_420 = tpu.vector_load %arg14[%swap3A_419] {strides = array<i32>} : memref<128xi32, #tpu.memory_space<vmem>>, vector<16xi32>,
          tpu.vector_store %arg14[%swap3A_419], %get3A_418 {strides = array<i32>} : memref<128xi32, #tpu.memory_space<vmem>>, vector<16xi32>,
          %mul3A_421 = arith.constant 128 : i32
          %mul3A_422 = arith.muli %add3A_374, %mul3A_421 : i32
          %add3A_423 = arith.constant 96 : i32
          %add3A_424 = arith.addi %mul3A_422, %add3A_423 : i32
          %get3A_425 = arith.index_cast %add3A_424 : i32 to index
          %get3A_426 = tpu.vector_load %arg8[%get3A_425] {strides = array<i32>} : memref<6528xi32, #tpu.memory_space<vmem>>, vector<16xi32>,
          %swap3A_427 = arith.constant 96 : index
          %swap3A_428 = tpu.vector_load %arg14[%swap3A_427] {strides = array<i32>} : memref<128xi32, #tpu.memory_space<vmem>>, vector<16xi32>,
          tpu.vector_store %arg14[%swap3A_427], %get3A_426 {strides = array<i32>} : memref<128xi32, #tpu.memory_space<vmem>>, vector<16xi32>,
          %mul3A_429 = arith.constant 128 : i32
          %mul3A_430 = arith.muli %add3A_374, %mul3A_429 : i32
          %add3A_431 = arith.constant 112 : i32
          %add3A_432 = arith.addi %mul3A_430, %add3A_431 : i32
          %get3A_433 = arith.index_cast %add3A_432 : i32 to index
          %get3A_434 = tpu.vector_load %arg8[%get3A_433] {strides = array<i32>} : memref<6528xi32, #tpu.memory_space<vmem>>, vector<16xi32>,
          %swap3A_435 = arith.constant 112 : index
          %swap3A_436 = tpu.vector_load %arg14[%swap3A_435] {strides = array<i32>} : memref<128xi32, #tpu.memory_space<vmem>>, vector<16xi32>,
          tpu.vector_store %arg14[%swap3A_435], %get3A_434 {strides = array<i32>} : memref<128xi32, #tpu.memory_space<vmem>>, vector<16xi32>,
          %dma_start3A = arith.constant 1 : i32
          %dma_start3A_437 = arith.constant 0 : i32
          %dma_start3A_438 = arith.constant 0 : i32
          %dma_start3A_439 = tpu.memref_slice %arg11[%dma_start3A, %dma_start3A_437, %dma_start3A_438] : memref<2x128x128xf32, #tpu.memory_space<vmem>> -> memref<1x128x128xf32, #tpu.memory_space<vmem>>
          %dma_start3A_440 = tpu.memref_squeeze %dma_start3A_439 : memref<1x128x128xf32, #tpu.memory_space<vmem>> -> memref<128x128xf32, #tpu.memory_space<vmem>>
          %dma_start3A_441 = arith.constant 0 : i32
          %dma_start3A_442 = arith.constant 0 : i32
          %dma_start3A_443 = tpu.memref_slice %arg3[%dma_start3A_441, %dma_start3A_442] : memref<131072x128xf32, #tpu.memory_space<hbm>> -> memref<131072x128xf32, #tpu.memory_space<hbm>>
          tpu.enqueue_indirect_dma source(%dma_start3A_443 : memref<131072x128xf32, #tpu.memory_space<hbm>>) target(%dma_start3A_440 : memref<128x128xf32, #tpu.memory_space<vmem>>) offsets(%arg14 : memref<128xi32, #tpu.memory_space<vmem>>) semaphore(%arg18 : memref<!tpu.dma_semaphore, #tpu.memory_space<semaphore_mem>>)
        } else {
        }
        %not3A_368 = arith.constant true
        %not3A_369 = arith.xori %eq3A_342, %not3A_368 : i1
        %convert_element_type3A_370 = arith.extui %not3A_369 : i1 to i32
        %cond3A_371 = arith.constant 0 : i32
        %cond3A_372 = arith.cmpi ne, %convert_element_type3A_370, %cond3A_371 : i32
        scf.if %cond3A_372 {
          %add3A_373 = arith.constant 1 : i32
          %add3A_374 = arith.addi %while3A_324, %add3A_373 : i32
          %mul3A_375 = arith.constant 128 : i32
          %mul3A_376 = arith.muli %add3A_374, %mul3A_375 : i32
          %add3A_377 = arith.constant 0 : i32
          %add3A_378 = arith.addi %mul3A_376, %add3A_377 : i32
          %get3A = arith.index_cast %add3A_378 : i32 to index
          %get3A_379 = tpu.vector_load %arg8[%get3A] {strides = array<i32>} : memref<6528xi32, #tpu.memory_space<vmem>>, vector<16xi32>,
          %swap3A = arith.constant 0 : index
          %swap3A_380 = tpu.vector_load %arg13[%swap3A] {strides = array<i32>} : memref<128xi32, #tpu.memory_space<vmem>>, vector<16xi32>,
          tpu.vector_store %arg13[%swap3A], %get3A_379 {strides = array<i32>} : memref<128xi32, #tpu.memory_space<vmem>>, vector<16xi32>,
          %mul3A_381 = arith.constant 128 : i32
          %mul3A_382 = arith.muli %add3A_374, %mul3A_381 : i32
          %add3A_383 = arith.constant 16 : i32
          %add3A_384 = arith.addi %mul3A_382, %add3A_383 : i32
          %get3A_385 = arith.index_cast %add3A_384 : i32 to index
          %get3A_386 = tpu.vector_load %arg8[%get3A_385] {strides = array<i32>} : memref<6528xi32, #tpu.memory_space<vmem>>, vector<16xi32>,
          %swap3A_387 = arith.constant 16 : index
          %swap3A_388 = tpu.vector_load %arg13[%swap3A_387] {strides = array<i32>} : memref<128xi32, #tpu.memory_space<vmem>>, vector<16xi32>,
          tpu.vector_store %arg13[%swap3A_387], %get3A_386 {strides = array<i32>} : memref<128xi32, #tpu.memory_space<vmem>>, vector<16xi32>,
          %mul3A_389 = arith.constant 128 : i32
          %mul3A_390 = arith.muli %add3A_374, %mul3A_389 : i32
          %add3A_391 = arith.constant 32 : i32
          %add3A_392 = arith.addi %mul3A_390, %add3A_391 : i32
          %get3A_393 = arith.index_cast %add3A_392 : i32 to index
          %get3A_394 = tpu.vector_load %arg8[%get3A_393] {strides = array<i32>} : memref<6528xi32, #tpu.memory_space<vmem>>, vector<16xi32>,
          %swap3A_395 = arith.constant 32 : index
          %swap3A_396 = tpu.vector_load %arg13[%swap3A_395] {strides = array<i32>} : memref<128xi32, #tpu.memory_space<vmem>>, vector<16xi32>,
          tpu.vector_store %arg13[%swap3A_395], %get3A_394 {strides = array<i32>} : memref<128xi32, #tpu.memory_space<vmem>>, vector<16xi32>,
          %mul3A_397 = arith.constant 128 : i32
          %mul3A_398 = arith.muli %add3A_374, %mul3A_397 : i32
          %add3A_399 = arith.constant 48 : i32
          %add3A_400 = arith.addi %mul3A_398, %add3A_399 : i32
          %get3A_401 = arith.index_cast %add3A_400 : i32 to index
          %get3A_402 = tpu.vector_load %arg8[%get3A_401] {strides = array<i32>} : memref<6528xi32, #tpu.memory_space<vmem>>, vector<16xi32>,
          %swap3A_403 = arith.constant 48 : index
          %swap3A_404 = tpu.vector_load %arg13[%swap3A_403] {strides = array<i32>} : memref<128xi32, #tpu.memory_space<vmem>>, vector<16xi32>,
          tpu.vector_store %arg13[%swap3A_403], %get3A_402 {strides = array<i32>} : memref<128xi32, #tpu.memory_space<vmem>>, vector<16xi32>,
          %mul3A_405 = arith.constant 128 : i32
          %mul3A_406 = arith.muli %add3A_374, %mul3A_405 : i32
          %add3A_407 = arith.constant 64 : i32
          %add3A_408 = arith.addi %mul3A_406, %add3A_407 : i32
          %get3A_409 = arith.index_cast %add3A_408 : i32 to index
          %get3A_410 = tpu.vector_load %arg8[%get3A_409] {strides = array<i32>} : memref<6528xi32, #tpu.memory_space<vmem>>, vector<16xi32>,
          %swap3A_411 = arith.constant 64 : index
          %swap3A_412 = tpu.vector_load %arg13[%swap3A_411] {strides = array<i32>} : memref<128xi32, #tpu.memory_space<vmem>>, vector<16xi32>,
          tpu.vector_store %arg13[%swap3A_411], %get3A_410 {strides = array<i32>} : memref<128xi32, #tpu.memory_space<vmem>>, vector<16xi32>,
          %mul3A_413 = arith.constant 128 : i32
          %mul3A_414 = arith.muli %add3A_374, %mul3A_413 : i32
          %add3A_415 = arith.constant 80 : i32
          %add3A_416 = arith.addi %mul3A_414, %add3A_415 : i32
          %get3A_417 = arith.index_cast %add3A_416 : i32 to index
          %get3A_418 = tpu.vector_load %arg8[%get3A_417] {strides = array<i32>} : memref<6528xi32, #tpu.memory_space<vmem>>, vector<16xi32>,
          %swap3A_419 = arith.constant 80 : index
          %swap3A_420 = tpu.vector_load %arg13[%swap3A_419] {strides = array<i32>} : memref<128xi32, #tpu.memory_space<vmem>>, vector<16xi32>,
          tpu.vector_store %arg13[%swap3A_419], %get3A_418 {strides = array<i32>} : memref<128xi32, #tpu.memory_space<vmem>>, vector<16xi32>,
          %mul3A_421 = arith.constant 128 : i32
          %mul3A_422 = arith.muli %add3A_374, %mul3A_421 : i32
          %add3A_423 = arith.constant 96 : i32
          %add3A_424 = arith.addi %mul3A_422, %add3A_423 : i32
          %get3A_425 = arith.index_cast %add3A_424 : i32 to index
          %get3A_426 = tpu.vector_load %arg8[%get3A_425] {strides = array<i32>} : memref<6528xi32, #tpu.memory_space<vmem>>, vector<16xi32>,
          %swap3A_427 = arith.constant 96 : index
          %swap3A_428 = tpu.vector_load %arg13[%swap3A_427] {strides = array<i32>} : memref<128xi32, #tpu.memory_space<vmem>>, vector<16xi32>,
          tpu.vector_store %arg13[%swap3A_427], %get3A_426 {strides = array<i32>} : memref<128xi32, #tpu.memory_space<vmem>>, vector<16xi32>,
          %mul3A_429 = arith.constant 128 : i32
          %mul3A_430 = arith.muli %add3A_374, %mul3A_429 : i32
          %add3A_431 = arith.constant 112 : i32
          %add3A_432 = arith.addi %mul3A_430, %add3A_431 : i32
          %get3A_433 = arith.index_cast %add3A_432 : i32 to index
          %get3A_434 = tpu.vector_load %arg8[%get3A_433] {strides = array<i32>} : memref<6528xi32, #tpu.memory_space<vmem>>, vector<16xi32>,
          %swap3A_435 = arith.constant 112 : index
          %swap3A_436 = tpu.vector_load %arg13[%swap3A_435] {strides = array<i32>} : memref<128xi32, #tpu.memory_space<vmem>>, vector<16xi32>,
          tpu.vector_store %arg13[%swap3A_435], %get3A_434 {strides = array<i32>} : memref<128xi32, #tpu.memory_space<vmem>>, vector<16xi32>,
          %dma_start3A = arith.constant 0 : i32
          %dma_start3A_437 = arith.constant 0 : i32
          %dma_start3A_438 = arith.constant 0 : i32
          %dma_start3A_439 = tpu.memref_slice %arg11[%dma_start3A, %dma_start3A_437, %dma_start3A_438] : memref<2x128x128xf32, #tpu.memory_space<vmem>> -> memref<1x128x128xf32, #tpu.memory_space<vmem>>
          %dma_start3A_440 = tpu.memref_squeeze %dma_start3A_439 : memref<1x128x128xf32, #tpu.memory_space<vmem>> -> memref<128x128xf32, #tpu.memory_space<vmem>>
          %dma_start3A_441 = arith.constant 0 : i32
          %dma_start3A_442 = arith.constant 0 : i32
          %dma_start3A_443 = tpu.memref_slice %arg3[%dma_start3A_441, %dma_start3A_442] : memref<131072x128xf32, #tpu.memory_space<hbm>> -> memref<131072x128xf32, #tpu.memory_space<hbm>>
          tpu.enqueue_indirect_dma source(%dma_start3A_443 : memref<131072x128xf32, #tpu.memory_space<hbm>>) target(%dma_start3A_440 : memref<128x128xf32, #tpu.memory_space<vmem>>) offsets(%arg13 : memref<128xi32, #tpu.memory_space<vmem>>) semaphore(%arg17 : memref<!tpu.dma_semaphore, #tpu.memory_space<semaphore_mem>>)
        } else {
        }
      } else {
      }
      %convert_element_type3A_358 = arith.extui %eq3A_342 : i1 to i32
      %cond3A_359 = arith.constant 0 : i32
      %cond3A_360 = arith.cmpi ne, %convert_element_type3A_358, %cond3A_359 : i32
      scf.if %cond3A_360 {
        %dma_wait3A = arith.constant 0 : i32
        %dma_wait3A_365 = arith.constant 0 : i32
        %dma_wait3A_366 = arith.constant 0 : i32
        %dma_wait3A_367 = tpu.memref_slice %arg11[%dma_wait3A, %dma_wait3A_365, %dma_wait3A_366] : memref<2x128x128xf32, #tpu.memory_space<vmem>> -> memref<1x128x128xf32, #tpu.memory_space<vmem>>
        %dma_wait3A_368 = tpu.memref_squeeze %dma_wait3A_367 : memref<1x128x128xf32, #tpu.memory_space<vmem>> -> memref<128x128xf32, #tpu.memory_space<vmem>>
        %dma_wait3A_369 = arith.constant 0 : i32
        %dma_wait3A_370 = arith.constant 0 : i32
        %dma_wait3A_371 = tpu.memref_slice %arg3[%dma_wait3A_369, %dma_wait3A_370] : memref<131072x128xf32, #tpu.memory_space<hbm>> -> memref<131072x128xf32, #tpu.memory_space<hbm>>
        tpu.wait_indirect_dma semaphore(%arg17 : memref<!tpu.dma_semaphore, #tpu.memory_space<semaphore_mem>>) src(%dma_wait3A_371 : memref<131072x128xf32, #tpu.memory_space<hbm>>) dst(%dma_wait3A_368 : memref<128x128xf32, #tpu.memory_space<vmem>>)
        %mul3A_372 = arith.constant 128 : i32
        %mul3A_373 = arith.muli %while3A_324, %mul3A_372 : i32
        %add3A_374 = arith.constant 0 : i32
        %add3A_375 = arith.addi %mul3A_373, %add3A_374 : i32
        %get3A = arith.index_cast %add3A_375 : i32 to index
        %get3A_376 = tpu.vector_load %arg9[%get3A] {strides = array<i32>} : memref<6528xi32, #tpu.memory_space<vmem>>, vector<16xi32>,
        %swap3A = arith.constant 0 : index
        %swap3A_377 = tpu.vector_load %arg15[%swap3A] {strides = array<i32>} : memref<128xi32, #tpu.memory_space<vmem>>, vector<16xi32>,
        tpu.vector_store %arg15[%swap3A], %get3A_376 {strides = array<i32>} : memref<128xi32, #tpu.memory_space<vmem>>, vector<16xi32>,
        %mul3A_378 = arith.constant 128 : i32
        %mul3A_379 = arith.muli %while3A_324, %mul3A_378 : i32
        %add3A_380 = arith.constant 16 : i32
        %add3A_381 = arith.addi %mul3A_379, %add3A_380 : i32
        %get3A_382 = arith.index_cast %add3A_381 : i32 to index
        %get3A_383 = tpu.vector_load %arg9[%get3A_382] {strides = array<i32>} : memref<6528xi32, #tpu.memory_space<vmem>>, vector<16xi32>,
        %swap3A_384 = arith.constant 16 : index
        %swap3A_385 = tpu.vector_load %arg15[%swap3A_384] {strides = array<i32>} : memref<128xi32, #tpu.memory_space<vmem>>, vector<16xi32>,
        tpu.vector_store %arg15[%swap3A_384], %get3A_383 {strides = array<i32>} : memref<128xi32, #tpu.memory_space<vmem>>, vector<16xi32>,
        %mul3A_386 = arith.constant 128 : i32
        %mul3A_387 = arith.muli %while3A_324, %mul3A_386 : i32
        %add3A_388 = arith.constant 32 : i32
        %add3A_389 = arith.addi %mul3A_387, %add3A_388 : i32
        %get3A_390 = arith.index_cast %add3A_389 : i32 to index
        %get3A_391 = tpu.vector_load %arg9[%get3A_390] {strides = array<i32>} : memref<6528xi32, #tpu.memory_space<vmem>>, vector<16xi32>,
        %swap3A_392 = arith.constant 32 : index
        %swap3A_393 = tpu.vector_load %arg15[%swap3A_392] {strides = array<i32>} : memref<128xi32, #tpu.memory_space<vmem>>, vector<16xi32>,
        tpu.vector_store %arg15[%swap3A_392], %get3A_391 {strides = array<i32>} : memref<128xi32, #tpu.memory_space<vmem>>, vector<16xi32>,
        %mul3A_394 = arith.constant 128 : i32
        %mul3A_395 = arith.muli %while3A_324, %mul3A_394 : i32
        %add3A_396 = arith.constant 48 : i32
        %add3A_397 = arith.addi %mul3A_395, %add3A_396 : i32
        %get3A_398 = arith.index_cast %add3A_397 : i32 to index
        %get3A_399 = tpu.vector_load %arg9[%get3A_398] {strides = array<i32>} : memref<6528xi32, #tpu.memory_space<vmem>>, vector<16xi32>,
        %swap3A_400 = arith.constant 48 : index
        %swap3A_401 = tpu.vector_load %arg15[%swap3A_400] {strides = array<i32>} : memref<128xi32, #tpu.memory_space<vmem>>, vector<16xi32>,
        tpu.vector_store %arg15[%swap3A_400], %get3A_399 {strides = array<i32>} : memref<128xi32, #tpu.memory_space<vmem>>, vector<16xi32>,
        %mul3A_402 = arith.constant 128 : i32
        %mul3A_403 = arith.muli %while3A_324, %mul3A_402 : i32
        %add3A_404 = arith.constant 64 : i32
        %add3A_405 = arith.addi %mul3A_403, %add3A_404 : i32
        %get3A_406 = arith.index_cast %add3A_405 : i32 to index
        %get3A_407 = tpu.vector_load %arg9[%get3A_406] {strides = array<i32>} : memref<6528xi32, #tpu.memory_space<vmem>>, vector<16xi32>,
        %swap3A_408 = arith.constant 64 : index
        %swap3A_409 = tpu.vector_load %arg15[%swap3A_408] {strides = array<i32>} : memref<128xi32, #tpu.memory_space<vmem>>, vector<16xi32>,
        tpu.vector_store %arg15[%swap3A_408], %get3A_407 {strides = array<i32>} : memref<128xi32, #tpu.memory_space<vmem>>, vector<16xi32>,
        %mul3A_410 = arith.constant 128 : i32
        %mul3A_411 = arith.muli %while3A_324, %mul3A_410 : i32
        %add3A_412 = arith.constant 80 : i32
        %add3A_413 = arith.addi %mul3A_411, %add3A_412 : i32
        %get3A_414 = arith.index_cast %add3A_413 : i32 to index
        %get3A_415 = tpu.vector_load %arg9[%get3A_414] {strides = array<i32>} : memref<6528xi32, #tpu.memory_space<vmem>>, vector<16xi32>,
        %swap3A_416 = arith.constant 80 : index
        %swap3A_417 = tpu.vector_load %arg15[%swap3A_416] {strides = array<i32>} : memref<128xi32, #tpu.memory_space<vmem>>, vector<16xi32>,
        tpu.vector_store %arg15[%swap3A_416], %get3A_415 {strides = array<i32>} : memref<128xi32, #tpu.memory_space<vmem>>, vector<16xi32>,
        %mul3A_418 = arith.constant 128 : i32
        %mul3A_419 = arith.muli %while3A_324, %mul3A_418 : i32
        %add3A_420 = arith.constant 96 : i32
        %add3A_421 = arith.addi %mul3A_419, %add3A_420 : i32
        %get3A_422 = arith.index_cast %add3A_421 : i32 to index
        %get3A_423 = tpu.vector_load %arg9[%get3A_422] {strides = array<i32>} : memref<6528xi32, #tpu.memory_space<vmem>>, vector<16xi32>,
        %swap3A_424 = arith.constant 96 : index
        %swap3A_425 = tpu.vector_load %arg15[%swap3A_424] {strides = array<i32>} : memref<128xi32, #tpu.memory_space<vmem>>, vector<16xi32>,
        tpu.vector_store %arg15[%swap3A_424], %get3A_423 {strides = array<i32>} : memref<128xi32, #tpu.memory_space<vmem>>, vector<16xi32>,
        %mul3A_426 = arith.constant 128 : i32
        %mul3A_427 = arith.muli %while3A_324, %mul3A_426 : i32
        %add3A_428 = arith.constant 112 : i32
        %add3A_429 = arith.addi %mul3A_427, %add3A_428 : i32
        %get3A_430 = arith.index_cast %add3A_429 : i32 to index
        %get3A_431 = tpu.vector_load %arg9[%get3A_430] {strides = array<i32>} : memref<6528xi32, #tpu.memory_space<vmem>>, vector<16xi32>,
        %swap3A_432 = arith.constant 112 : index
        %swap3A_433 = tpu.vector_load %arg15[%swap3A_432] {strides = array<i32>} : memref<128xi32, #tpu.memory_space<vmem>>, vector<16xi32>,
        tpu.vector_store %arg15[%swap3A_432], %get3A_431 {strides = array<i32>} : memref<128xi32, #tpu.memory_space<vmem>>, vector<16xi32>,
        %dma_start3A = arith.constant 0 : i32
        %dma_start3A_434 = arith.constant 0 : i32
        %dma_start3A_435 = arith.constant 0 : i32
        %dma_start3A_436 = tpu.memref_slice %arg11[%dma_start3A, %dma_start3A_434, %dma_start3A_435] : memref<2x128x128xf32, #tpu.memory_space<vmem>> -> memref<1x128x128xf32, #tpu.memory_space<vmem>>
        %dma_start3A_437 = tpu.memref_squeeze %dma_start3A_436 : memref<1x128x128xf32, #tpu.memory_space<vmem>> -> memref<128x128xf32, #tpu.memory_space<vmem>>
        %dma_start3A_438 = arith.constant 0 : i32
        %dma_start3A_439 = arith.constant 0 : i32
        %dma_start3A_440 = tpu.memref_slice %arg5[%dma_start3A_438, %dma_start3A_439] : memref<200000x128xf32, #tpu.memory_space<hbm>> -> memref<200000x128xf32, #tpu.memory_space<hbm>>
        tpu.enqueue_indirect_dma source(%dma_start3A_437 : memref<128x128xf32, #tpu.memory_space<vmem>>) target(%dma_start3A_440 : memref<200000x128xf32, #tpu.memory_space<hbm>>) offsets(%arg15 : memref<128xi32, #tpu.memory_space<vmem>>) semaphore(%arg19 : memref<!tpu.dma_semaphore, #tpu.memory_space<semaphore_mem>>)
      } else {
      }
      %not3A = arith.constant true
      %not3A_361 = arith.xori %eq3A_342, %not3A : i1
      %convert_element_type3A_362 = arith.extui %not3A_361 : i1 to i32
      %cond3A_363 = arith.constant 0 : i32
      %cond3A_364 = arith.cmpi ne, %convert_element_type3A_362, %cond3A_363 : i32
      scf.if %cond3A_364 {
        %dma_wait3A = arith.constant 1 : i32
        %dma_wait3A_365 = arith.constant 0 : i32
        %dma_wait3A_366 = arith.constant 0 : i32
        %dma_wait3A_367 = tpu.memref_slice %arg11[%dma_wait3A, %dma_wait3A_365, %dma_wait3A_366] : memref<2x128x128xf32, #tpu.memory_space<vmem>> -> memref<1x128x128xf32, #tpu.memory_space<vmem>>
        %dma_wait3A_368 = tpu.memref_squeeze %dma_wait3A_367 : memref<1x128x128xf32, #tpu.memory_space<vmem>> -> memref<128x128xf32, #tpu.memory_space<vmem>>
        %dma_wait3A_369 = arith.constant 0 : i32
        %dma_wait3A_370 = arith.constant 0 : i32
        %dma_wait3A_371 = tpu.memref_slice %arg3[%dma_wait3A_369, %dma_wait3A_370] : memref<131072x128xf32, #tpu.memory_space<hbm>> -> memref<131072x128xf32, #tpu.memory_space<hbm>>
        tpu.wait_indirect_dma semaphore(%arg18 : memref<!tpu.dma_semaphore, #tpu.memory_space<semaphore_mem>>) src(%dma_wait3A_371 : memref<131072x128xf32, #tpu.memory_space<hbm>>) dst(%dma_wait3A_368 : memref<128x128xf32, #tpu.memory_space<vmem>>)
        %mul3A_372 = arith.constant 128 : i32
        %mul3A_373 = arith.muli %while3A_324, %mul3A_372 : i32
        %add3A_374 = arith.constant 0 : i32
        %add3A_375 = arith.addi %mul3A_373, %add3A_374 : i32
        %get3A = arith.index_cast %add3A_375 : i32 to index
        %get3A_376 = tpu.vector_load %arg9[%get3A] {strides = array<i32>} : memref<6528xi32, #tpu.memory_space<vmem>>, vector<16xi32>,
        %swap3A = arith.constant 0 : index
        %swap3A_377 = tpu.vector_load %arg16[%swap3A] {strides = array<i32>} : memref<128xi32, #tpu.memory_space<vmem>>, vector<16xi32>,
        tpu.vector_store %arg16[%swap3A], %get3A_376 {strides = array<i32>} : memref<128xi32, #tpu.memory_space<vmem>>, vector<16xi32>,
        %mul3A_378 = arith.constant 128 : i32
        %mul3A_379 = arith.muli %while3A_324, %mul3A_378 : i32
        %add3A_380 = arith.constant 16 : i32
        %add3A_381 = arith.addi %mul3A_379, %add3A_380 : i32
        %get3A_382 = arith.index_cast %add3A_381 : i32 to index
        %get3A_383 = tpu.vector_load %arg9[%get3A_382] {strides = array<i32>} : memref<6528xi32, #tpu.memory_space<vmem>>, vector<16xi32>,
        %swap3A_384 = arith.constant 16 : index
        %swap3A_385 = tpu.vector_load %arg16[%swap3A_384] {strides = array<i32>} : memref<128xi32, #tpu.memory_space<vmem>>, vector<16xi32>,
        tpu.vector_store %arg16[%swap3A_384], %get3A_383 {strides = array<i32>} : memref<128xi32, #tpu.memory_space<vmem>>, vector<16xi32>,
        %mul3A_386 = arith.constant 128 : i32
        %mul3A_387 = arith.muli %while3A_324, %mul3A_386 : i32
        %add3A_388 = arith.constant 32 : i32
        %add3A_389 = arith.addi %mul3A_387, %add3A_388 : i32
        %get3A_390 = arith.index_cast %add3A_389 : i32 to index
        %get3A_391 = tpu.vector_load %arg9[%get3A_390] {strides = array<i32>} : memref<6528xi32, #tpu.memory_space<vmem>>, vector<16xi32>,
        %swap3A_392 = arith.constant 32 : index
        %swap3A_393 = tpu.vector_load %arg16[%swap3A_392] {strides = array<i32>} : memref<128xi32, #tpu.memory_space<vmem>>, vector<16xi32>,
        tpu.vector_store %arg16[%swap3A_392], %get3A_391 {strides = array<i32>} : memref<128xi32, #tpu.memory_space<vmem>>, vector<16xi32>,
        %mul3A_394 = arith.constant 128 : i32
        %mul3A_395 = arith.muli %while3A_324, %mul3A_394 : i32
        %add3A_396 = arith.constant 48 : i32
        %add3A_397 = arith.addi %mul3A_395, %add3A_396 : i32
        %get3A_398 = arith.index_cast %add3A_397 : i32 to index
        %get3A_399 = tpu.vector_load %arg9[%get3A_398] {strides = array<i32>} : memref<6528xi32, #tpu.memory_space<vmem>>, vector<16xi32>,
        %swap3A_400 = arith.constant 48 : index
        %swap3A_401 = tpu.vector_load %arg16[%swap3A_400] {strides = array<i32>} : memref<128xi32, #tpu.memory_space<vmem>>, vector<16xi32>,
        tpu.vector_store %arg16[%swap3A_400], %get3A_399 {strides = array<i32>} : memref<128xi32, #tpu.memory_space<vmem>>, vector<16xi32>,
        %mul3A_402 = arith.constant 128 : i32
        %mul3A_403 = arith.muli %while3A_324, %mul3A_402 : i32
        %add3A_404 = arith.constant 64 : i32
        %add3A_405 = arith.addi %mul3A_403, %add3A_404 : i32
        %get3A_406 = arith.index_cast %add3A_405 : i32 to index
        %get3A_407 = tpu.vector_load %arg9[%get3A_406] {strides = array<i32>} : memref<6528xi32, #tpu.memory_space<vmem>>, vector<16xi32>,
        %swap3A_408 = arith.constant 64 : index
        %swap3A_409 = tpu.vector_load %arg16[%swap3A_408] {strides = array<i32>} : memref<128xi32, #tpu.memory_space<vmem>>, vector<16xi32>,
        tpu.vector_store %arg16[%swap3A_408], %get3A_407 {strides = array<i32>} : memref<128xi32, #tpu.memory_space<vmem>>, vector<16xi32>,
        %mul3A_410 = arith.constant 128 : i32
        %mul3A_411 = arith.muli %while3A_324, %mul3A_410 : i32
        %add3A_412 = arith.constant 80 : i32
        %add3A_413 = arith.addi %mul3A_411, %add3A_412 : i32
        %get3A_414 = arith.index_cast %add3A_413 : i32 to index
        %get3A_415 = tpu.vector_load %arg9[%get3A_414] {strides = array<i32>} : memref<6528xi32, #tpu.memory_space<vmem>>, vector<16xi32>,
        %swap3A_416 = arith.constant 80 : index
        %swap3A_417 = tpu.vector_load %arg16[%swap3A_416] {strides = array<i32>} : memref<128xi32, #tpu.memory_space<vmem>>, vector<16xi32>,
        tpu.vector_store %arg16[%swap3A_416], %get3A_415 {strides = array<i32>} : memref<128xi32, #tpu.memory_space<vmem>>, vector<16xi32>,
        %mul3A_418 = arith.constant 128 : i32
        %mul3A_419 = arith.muli %while3A_324, %mul3A_418 : i32
        %add3A_420 = arith.constant 96 : i32
        %add3A_421 = arith.addi %mul3A_419, %add3A_420 : i32
        %get3A_422 = arith.index_cast %add3A_421 : i32 to index
        %get3A_423 = tpu.vector_load %arg9[%get3A_422] {strides = array<i32>} : memref<6528xi32, #tpu.memory_space<vmem>>, vector<16xi32>,
        %swap3A_424 = arith.constant 96 : index
        %swap3A_425 = tpu.vector_load %arg16[%swap3A_424] {strides = array<i32>} : memref<128xi32, #tpu.memory_space<vmem>>, vector<16xi32>,
        tpu.vector_store %arg16[%swap3A_424], %get3A_423 {strides = array<i32>} : memref<128xi32, #tpu.memory_space<vmem>>, vector<16xi32>,
        %mul3A_426 = arith.constant 128 : i32
        %mul3A_427 = arith.muli %while3A_324, %mul3A_426 : i32
        %add3A_428 = arith.constant 112 : i32
        %add3A_429 = arith.addi %mul3A_427, %add3A_428 : i32
        %get3A_430 = arith.index_cast %add3A_429 : i32 to index
        %get3A_431 = tpu.vector_load %arg9[%get3A_430] {strides = array<i32>} : memref<6528xi32, #tpu.memory_space<vmem>>, vector<16xi32>,
        %swap3A_432 = arith.constant 112 : index
        %swap3A_433 = tpu.vector_load %arg16[%swap3A_432] {strides = array<i32>} : memref<128xi32, #tpu.memory_space<vmem>>, vector<16xi32>,
        tpu.vector_store %arg16[%swap3A_432], %get3A_431 {strides = array<i32>} : memref<128xi32, #tpu.memory_space<vmem>>, vector<16xi32>,
        %dma_start3A = arith.constant 1 : i32
        %dma_start3A_434 = arith.constant 0 : i32
        %dma_start3A_435 = arith.constant 0 : i32
        %dma_start3A_436 = tpu.memref_slice %arg11[%dma_start3A, %dma_start3A_434, %dma_start3A_435] : memref<2x128x128xf32, #tpu.memory_space<vmem>> -> memref<1x128x128xf32, #tpu.memory_space<vmem>>
        %dma_start3A_437 = tpu.memref_squeeze %dma_start3A_436 : memref<1x128x128xf32, #tpu.memory_space<vmem>> -> memref<128x128xf32, #tpu.memory_space<vmem>>
        %dma_start3A_438 = arith.constant 0 : i32
        %dma_start3A_439 = arith.constant 0 : i32
        %dma_start3A_440 = tpu.memref_slice %arg5[%dma_start3A_438, %dma_start3A_439] : memref<200000x128xf32, #tpu.memory_space<hbm>> -> memref<200000x128xf32, #tpu.memory_space<hbm>>
        tpu.enqueue_indirect_dma source(%dma_start3A_437 : memref<128x128xf32, #tpu.memory_space<vmem>>) target(%dma_start3A_440 : memref<200000x128xf32, #tpu.memory_space<hbm>>) offsets(%arg16 : memref<128xi32, #tpu.memory_space<vmem>>) semaphore(%arg20 : memref<!tpu.dma_semaphore, #tpu.memory_space<semaphore_mem>>)
      } else {
      }
    }
    %while3A_151 = arith.constant 1 : i32
    scf.for %while3A_324 = %while3A_149 to %while3A_145 step %while3A_151  : i32 {
      %jit3A_325 = arith.constant 2 : i32
      %eq3A_326 = arith.constant 0 : i32
      %eq3A_327 = arith.cmpi eq, %jit3A_325, %eq3A_326 : i32
      %jit3A_328 = arith.constant 1 : i32
      %select_n3A_329 = arith.select %eq3A_327, %jit3A_328, %jit3A_325 : i32
      %rem3A_330 = arith.remsi %while3A_324, %select_n3A_329 : i32
      %ne3A_331 = arith.constant 0 : i32
      %ne3A_332 = arith.cmpi ne, %rem3A_330, %ne3A_331 : i32
      %lt3A_333 = arith.constant 0 : i32
      %lt3A_334 = arith.cmpi slt, %rem3A_330, %lt3A_333 : i32
      %lt3A_335 = arith.constant 0 : i32
      %lt3A_336 = arith.cmpi slt, %select_n3A_329, %lt3A_335 : i32
      %ne3A_337 = arith.xori %lt3A_334, %lt3A_336 : i1
      %and3A_338 = arith.andi %ne3A_337, %ne3A_332 : i1
      %add3A_339 = arith.addi %rem3A_330, %select_n3A_329 : i32
      %select_n3A_340 = arith.select %and3A_338, %add3A_339, %rem3A_330 : i32
      %eq3A_341 = arith.constant 0 : i32
      %eq3A_342 = arith.cmpi eq, %select_n3A_340, %eq3A_341 : i32
      %add3A_343 = arith.constant 1 : i32
      %add3A_344 = arith.addi %while3A_324, %add3A_343 : i32
      %lt3A_345 = arith.cmpi slt, %add3A_344, %select_n3A_140 : i32
      %ge3A_346 = arith.constant 1 : i32
      %ge3A_347 = arith.cmpi sge, %while3A_324, %ge3A_346 : i32
      %and3A_348 = arith.andi %lt3A_345, %ge3A_347 : i1
      %convert_element_type3A_349 = arith.extui %and3A_348 : i1 to i32
      %cond3A_350 = arith.constant 0 : i32
      %cond3A_351 = arith.cmpi ne, %convert_element_type3A_349, %cond3A_350 : i32
      scf.if %cond3A_351 {
        %convert_element_type3A_365 = arith.extui %eq3A_342 : i1 to i32
        %cond3A_366 = arith.constant 0 : i32
        %cond3A_367 = arith.cmpi ne, %convert_element_type3A_365, %cond3A_366 : i32
        scf.if %cond3A_367 {
          %dma_wait3A = arith.constant 1 : i32
          %dma_wait3A_373 = arith.constant 0 : i32
          %dma_wait3A_374 = arith.constant 0 : i32
          %dma_wait3A_375 = tpu.memref_slice %arg11[%dma_wait3A, %dma_wait3A_373, %dma_wait3A_374] : memref<2x128x128xf32, #tpu.memory_space<vmem>> -> memref<1x128x128xf32, #tpu.memory_space<vmem>>
          %dma_wait3A_376 = tpu.memref_squeeze %dma_wait3A_375 : memref<1x128x128xf32, #tpu.memory_space<vmem>> -> memref<128x128xf32, #tpu.memory_space<vmem>>
          %dma_wait3A_377 = arith.constant 0 : i32
          %dma_wait3A_378 = arith.constant 0 : i32
          %dma_wait3A_379 = tpu.memref_slice %arg5[%dma_wait3A_377, %dma_wait3A_378] : memref<200000x128xf32, #tpu.memory_space<hbm>> -> memref<200000x128xf32, #tpu.memory_space<hbm>>
          tpu.wait_indirect_dma semaphore(%arg20 : memref<!tpu.dma_semaphore, #tpu.memory_space<semaphore_mem>>) src(%dma_wait3A_376 : memref<128x128xf32, #tpu.memory_space<vmem>>) dst(%dma_wait3A_379 : memref<200000x128xf32, #tpu.memory_space<hbm>>)
        } else {
        }
        %not3A_368 = arith.constant true
        %not3A_369 = arith.xori %eq3A_342, %not3A_368 : i1
        %convert_element_type3A_370 = arith.extui %not3A_369 : i1 to i32
        %cond3A_371 = arith.constant 0 : i32
        %cond3A_372 = arith.cmpi ne, %convert_element_type3A_370, %cond3A_371 : i32
        scf.if %cond3A_372 {
          %dma_wait3A = arith.constant 0 : i32
          %dma_wait3A_373 = arith.constant 0 : i32
          %dma_wait3A_374 = arith.constant 0 : i32
          %dma_wait3A_375 = tpu.memref_slice %arg11[%dma_wait3A, %dma_wait3A_373, %dma_wait3A_374] : memref<2x128x128xf32, #tpu.memory_space<vmem>> -> memref<1x128x128xf32, #tpu.memory_space<vmem>>
          %dma_wait3A_376 = tpu.memref_squeeze %dma_wait3A_375 : memref<1x128x128xf32, #tpu.memory_space<vmem>> -> memref<128x128xf32, #tpu.memory_space<vmem>>
          %dma_wait3A_377 = arith.constant 0 : i32
          %dma_wait3A_378 = arith.constant 0 : i32
          %dma_wait3A_379 = tpu.memref_slice %arg5[%dma_wait3A_377, %dma_wait3A_378] : memref<200000x128xf32, #tpu.memory_space<hbm>> -> memref<200000x128xf32, #tpu.memory_space<hbm>>
          tpu.wait_indirect_dma semaphore(%arg19 : memref<!tpu.dma_semaphore, #tpu.memory_space<semaphore_mem>>) src(%dma_wait3A_376 : memref<128x128xf32, #tpu.memory_space<vmem>>) dst(%dma_wait3A_379 : memref<200000x128xf32, #tpu.memory_space<hbm>>)
        } else {
        }
      } else {
      }
      %add3A_352 = arith.constant 1 : i32
      %add3A_353 = arith.addi %while3A_324, %add3A_352 : i32
      %lt3A_354 = arith.cmpi slt, %add3A_353, %select_n3A_140 : i32
      %convert_element_type3A_355 = arith.extui %lt3A_354 : i1 to i32
      %cond3A_356 = arith.constant 0 : i32
      %cond3A_357 = arith.cmpi ne, %convert_element_type3A_355, %cond3A_356 : i32
      scf.if %cond3A_357 {
        %convert_element_type3A_365 = arith.extui %eq3A_342 : i1 to i32
        %cond3A_366 = arith.constant 0 : i32
        %cond3A_367 = arith.cmpi ne, %convert_element_type3A_365, %cond3A_366 : i32
        scf.if %cond3A_367 {
          %add3A_373 = arith.constant 1 : i32
          %add3A_374 = arith.addi %while3A_324, %add3A_373 : i32
          %mul3A_375 = arith.constant 128 : i32
          %mul3A_376 = arith.muli %add3A_374, %mul3A_375 : i32
          %add3A_377 = arith.constant 0 : i32
          %add3A_378 = arith.addi %mul3A_376, %add3A_377 : i32
          %get3A = arith.index_cast %add3A_378 : i32 to index
          %get3A_379 = tpu.vector_load %arg8[%get3A] {strides = array<i32>} : memref<6528xi32, #tpu.memory_space<vmem>>, vector<16xi32>,
          %swap3A = arith.constant 0 : index
          %swap3A_380 = tpu.vector_load %arg14[%swap3A] {strides = array<i32>} : memref<128xi32, #tpu.memory_space<vmem>>, vector<16xi32>,
          tpu.vector_store %arg14[%swap3A], %get3A_379 {strides = array<i32>} : memref<128xi32, #tpu.memory_space<vmem>>, vector<16xi32>,
          %mul3A_381 = arith.constant 128 : i32
          %mul3A_382 = arith.muli %add3A_374, %mul3A_381 : i32
          %add3A_383 = arith.constant 16 : i32
          %add3A_384 = arith.addi %mul3A_382, %add3A_383 : i32
          %get3A_385 = arith.index_cast %add3A_384 : i32 to index
          %get3A_386 = tpu.vector_load %arg8[%get3A_385] {strides = array<i32>} : memref<6528xi32, #tpu.memory_space<vmem>>, vector<16xi32>,
          %swap3A_387 = arith.constant 16 : index
          %swap3A_388 = tpu.vector_load %arg14[%swap3A_387] {strides = array<i32>} : memref<128xi32, #tpu.memory_space<vmem>>, vector<16xi32>,
          tpu.vector_store %arg14[%swap3A_387], %get3A_386 {strides = array<i32>} : memref<128xi32, #tpu.memory_space<vmem>>, vector<16xi32>,
          %mul3A_389 = arith.constant 128 : i32
          %mul3A_390 = arith.muli %add3A_374, %mul3A_389 : i32
          %add3A_391 = arith.constant 32 : i32
          %add3A_392 = arith.addi %mul3A_390, %add3A_391 : i32
          %get3A_393 = arith.index_cast %add3A_392 : i32 to index
          %get3A_394 = tpu.vector_load %arg8[%get3A_393] {strides = array<i32>} : memref<6528xi32, #tpu.memory_space<vmem>>, vector<16xi32>,
          %swap3A_395 = arith.constant 32 : index
          %swap3A_396 = tpu.vector_load %arg14[%swap3A_395] {strides = array<i32>} : memref<128xi32, #tpu.memory_space<vmem>>, vector<16xi32>,
          tpu.vector_store %arg14[%swap3A_395], %get3A_394 {strides = array<i32>} : memref<128xi32, #tpu.memory_space<vmem>>, vector<16xi32>,
          %mul3A_397 = arith.constant 128 : i32
          %mul3A_398 = arith.muli %add3A_374, %mul3A_397 : i32
          %add3A_399 = arith.constant 48 : i32
          %add3A_400 = arith.addi %mul3A_398, %add3A_399 : i32
          %get3A_401 = arith.index_cast %add3A_400 : i32 to index
          %get3A_402 = tpu.vector_load %arg8[%get3A_401] {strides = array<i32>} : memref<6528xi32, #tpu.memory_space<vmem>>, vector<16xi32>,
          %swap3A_403 = arith.constant 48 : index
          %swap3A_404 = tpu.vector_load %arg14[%swap3A_403] {strides = array<i32>} : memref<128xi32, #tpu.memory_space<vmem>>, vector<16xi32>,
          tpu.vector_store %arg14[%swap3A_403], %get3A_402 {strides = array<i32>} : memref<128xi32, #tpu.memory_space<vmem>>, vector<16xi32>,
          %mul3A_405 = arith.constant 128 : i32
          %mul3A_406 = arith.muli %add3A_374, %mul3A_405 : i32
          %add3A_407 = arith.constant 64 : i32
          %add3A_408 = arith.addi %mul3A_406, %add3A_407 : i32
          %get3A_409 = arith.index_cast %add3A_408 : i32 to index
          %get3A_410 = tpu.vector_load %arg8[%get3A_409] {strides = array<i32>} : memref<6528xi32, #tpu.memory_space<vmem>>, vector<16xi32>,
          %swap3A_411 = arith.constant 64 : index
          %swap3A_412 = tpu.vector_load %arg14[%swap3A_411] {strides = array<i32>} : memref<128xi32, #tpu.memory_space<vmem>>, vector<16xi32>,
          tpu.vector_store %arg14[%swap3A_411], %get3A_410 {strides = array<i32>} : memref<128xi32, #tpu.memory_space<vmem>>, vector<16xi32>,
          %mul3A_413 = arith.constant 128 : i32
          %mul3A_414 = arith.muli %add3A_374, %mul3A_413 : i32
          %add3A_415 = arith.constant 80 : i32
          %add3A_416 = arith.addi %mul3A_414, %add3A_415 : i32
          %get3A_417 = arith.index_cast %add3A_416 : i32 to index
          %get3A_418 = tpu.vector_load %arg8[%get3A_417] {strides = array<i32>} : memref<6528xi32, #tpu.memory_space<vmem>>, vector<16xi32>,
          %swap3A_419 = arith.constant 80 : index
          %swap3A_420 = tpu.vector_load %arg14[%swap3A_419] {strides = array<i32>} : memref<128xi32, #tpu.memory_space<vmem>>, vector<16xi32>,
          tpu.vector_store %arg14[%swap3A_419], %get3A_418 {strides = array<i32>} : memref<128xi32, #tpu.memory_space<vmem>>, vector<16xi32>,
          %mul3A_421 = arith.constant 128 : i32
          %mul3A_422 = arith.muli %add3A_374, %mul3A_421 : i32
          %add3A_423 = arith.constant 96 : i32
          %add3A_424 = arith.addi %mul3A_422, %add3A_423 : i32
          %get3A_425 = arith.index_cast %add3A_424 : i32 to index
          %get3A_426 = tpu.vector_load %arg8[%get3A_425] {strides = array<i32>} : memref<6528xi32, #tpu.memory_space<vmem>>, vector<16xi32>,
          %swap3A_427 = arith.constant 96 : index
          %swap3A_428 = tpu.vector_load %arg14[%swap3A_427] {strides = array<i32>} : memref<128xi32, #tpu.memory_space<vmem>>, vector<16xi32>,
          tpu.vector_store %arg14[%swap3A_427], %get3A_426 {strides = array<i32>} : memref<128xi32, #tpu.memory_space<vmem>>, vector<16xi32>,
          %mul3A_429 = arith.constant 128 : i32
          %mul3A_430 = arith.muli %add3A_374, %mul3A_429 : i32
          %add3A_431 = arith.constant 112 : i32
          %add3A_432 = arith.addi %mul3A_430, %add3A_431 : i32
          %get3A_433 = arith.index_cast %add3A_432 : i32 to index
          %get3A_434 = tpu.vector_load %arg8[%get3A_433] {strides = array<i32>} : memref<6528xi32, #tpu.memory_space<vmem>>, vector<16xi32>,
          %swap3A_435 = arith.constant 112 : index
          %swap3A_436 = tpu.vector_load %arg14[%swap3A_435] {strides = array<i32>} : memref<128xi32, #tpu.memory_space<vmem>>, vector<16xi32>,
          tpu.vector_store %arg14[%swap3A_435], %get3A_434 {strides = array<i32>} : memref<128xi32, #tpu.memory_space<vmem>>, vector<16xi32>,
          %dma_start3A = arith.constant 1 : i32
          %dma_start3A_437 = arith.constant 0 : i32
          %dma_start3A_438 = arith.constant 0 : i32
          %dma_start3A_439 = tpu.memref_slice %arg11[%dma_start3A, %dma_start3A_437, %dma_start3A_438] : memref<2x128x128xf32, #tpu.memory_space<vmem>> -> memref<1x128x128xf32, #tpu.memory_space<vmem>>
          %dma_start3A_440 = tpu.memref_squeeze %dma_start3A_439 : memref<1x128x128xf32, #tpu.memory_space<vmem>> -> memref<128x128xf32, #tpu.memory_space<vmem>>
          %dma_start3A_441 = arith.constant 0 : i32
          %dma_start3A_442 = arith.constant 0 : i32
          %dma_start3A_443 = tpu.memref_slice %arg3[%dma_start3A_441, %dma_start3A_442] : memref<131072x128xf32, #tpu.memory_space<hbm>> -> memref<131072x128xf32, #tpu.memory_space<hbm>>
          tpu.enqueue_indirect_dma source(%dma_start3A_443 : memref<131072x128xf32, #tpu.memory_space<hbm>>) target(%dma_start3A_440 : memref<128x128xf32, #tpu.memory_space<vmem>>) offsets(%arg14 : memref<128xi32, #tpu.memory_space<vmem>>) semaphore(%arg18 : memref<!tpu.dma_semaphore, #tpu.memory_space<semaphore_mem>>)
        } else {
        }
        %not3A_368 = arith.constant true
        %not3A_369 = arith.xori %eq3A_342, %not3A_368 : i1
        %convert_element_type3A_370 = arith.extui %not3A_369 : i1 to i32
        %cond3A_371 = arith.constant 0 : i32
        %cond3A_372 = arith.cmpi ne, %convert_element_type3A_370, %cond3A_371 : i32
        scf.if %cond3A_372 {
          %add3A_373 = arith.constant 1 : i32
          %add3A_374 = arith.addi %while3A_324, %add3A_373 : i32
          %mul3A_375 = arith.constant 128 : i32
          %mul3A_376 = arith.muli %add3A_374, %mul3A_375 : i32
          %add3A_377 = arith.constant 0 : i32
          %add3A_378 = arith.addi %mul3A_376, %add3A_377 : i32
          %get3A = arith.index_cast %add3A_378 : i32 to index
          %get3A_379 = tpu.vector_load %arg8[%get3A] {strides = array<i32>} : memref<6528xi32, #tpu.memory_space<vmem>>, vector<16xi32>,
          %swap3A = arith.constant 0 : index
          %swap3A_380 = tpu.vector_load %arg13[%swap3A] {strides = array<i32>} : memref<128xi32, #tpu.memory_space<vmem>>, vector<16xi32>,
          tpu.vector_store %arg13[%swap3A], %get3A_379 {strides = array<i32>} : memref<128xi32, #tpu.memory_space<vmem>>, vector<16xi32>,
          %mul3A_381 = arith.constant 128 : i32
          %mul3A_382 = arith.muli %add3A_374, %mul3A_381 : i32
          %add3A_383 = arith.constant 16 : i32
          %add3A_384 = arith.addi %mul3A_382, %add3A_383 : i32
          %get3A_385 = arith.index_cast %add3A_384 : i32 to index
          %get3A_386 = tpu.vector_load %arg8[%get3A_385] {strides = array<i32>} : memref<6528xi32, #tpu.memory_space<vmem>>, vector<16xi32>,
          %swap3A_387 = arith.constant 16 : index
          %swap3A_388 = tpu.vector_load %arg13[%swap3A_387] {strides = array<i32>} : memref<128xi32, #tpu.memory_space<vmem>>, vector<16xi32>,
          tpu.vector_store %arg13[%swap3A_387], %get3A_386 {strides = array<i32>} : memref<128xi32, #tpu.memory_space<vmem>>, vector<16xi32>,
          %mul3A_389 = arith.constant 128 : i32
          %mul3A_390 = arith.muli %add3A_374, %mul3A_389 : i32
          %add3A_391 = arith.constant 32 : i32
          %add3A_392 = arith.addi %mul3A_390, %add3A_391 : i32
          %get3A_393 = arith.index_cast %add3A_392 : i32 to index
          %get3A_394 = tpu.vector_load %arg8[%get3A_393] {strides = array<i32>} : memref<6528xi32, #tpu.memory_space<vmem>>, vector<16xi32>,
          %swap3A_395 = arith.constant 32 : index
          %swap3A_396 = tpu.vector_load %arg13[%swap3A_395] {strides = array<i32>} : memref<128xi32, #tpu.memory_space<vmem>>, vector<16xi32>,
          tpu.vector_store %arg13[%swap3A_395], %get3A_394 {strides = array<i32>} : memref<128xi32, #tpu.memory_space<vmem>>, vector<16xi32>,
          %mul3A_397 = arith.constant 128 : i32
          %mul3A_398 = arith.muli %add3A_374, %mul3A_397 : i32
          %add3A_399 = arith.constant 48 : i32
          %add3A_400 = arith.addi %mul3A_398, %add3A_399 : i32
          %get3A_401 = arith.index_cast %add3A_400 : i32 to index
          %get3A_402 = tpu.vector_load %arg8[%get3A_401] {strides = array<i32>} : memref<6528xi32, #tpu.memory_space<vmem>>, vector<16xi32>,
          %swap3A_403 = arith.constant 48 : index
          %swap3A_404 = tpu.vector_load %arg13[%swap3A_403] {strides = array<i32>} : memref<128xi32, #tpu.memory_space<vmem>>, vector<16xi32>,
          tpu.vector_store %arg13[%swap3A_403], %get3A_402 {strides = array<i32>} : memref<128xi32, #tpu.memory_space<vmem>>, vector<16xi32>,
          %mul3A_405 = arith.constant 128 : i32
          %mul3A_406 = arith.muli %add3A_374, %mul3A_405 : i32
          %add3A_407 = arith.constant 64 : i32
          %add3A_408 = arith.addi %mul3A_406, %add3A_407 : i32
          %get3A_409 = arith.index_cast %add3A_408 : i32 to index
          %get3A_410 = tpu.vector_load %arg8[%get3A_409] {strides = array<i32>} : memref<6528xi32, #tpu.memory_space<vmem>>, vector<16xi32>,
          %swap3A_411 = arith.constant 64 : index
          %swap3A_412 = tpu.vector_load %arg13[%swap3A_411] {strides = array<i32>} : memref<128xi32, #tpu.memory_space<vmem>>, vector<16xi32>,
          tpu.vector_store %arg13[%swap3A_411], %get3A_410 {strides = array<i32>} : memref<128xi32, #tpu.memory_space<vmem>>, vector<16xi32>,
          %mul3A_413 = arith.constant 128 : i32
          %mul3A_414 = arith.muli %add3A_374, %mul3A_413 : i32
          %add3A_415 = arith.constant 80 : i32
          %add3A_416 = arith.addi %mul3A_414, %add3A_415 : i32
          %get3A_417 = arith.index_cast %add3A_416 : i32 to index
          %get3A_418 = tpu.vector_load %arg8[%get3A_417] {strides = array<i32>} : memref<6528xi32, #tpu.memory_space<vmem>>, vector<16xi32>,
          %swap3A_419 = arith.constant 80 : index
          %swap3A_420 = tpu.vector_load %arg13[%swap3A_419] {strides = array<i32>} : memref<128xi32, #tpu.memory_space<vmem>>, vector<16xi32>,
          tpu.vector_store %arg13[%swap3A_419], %get3A_418 {strides = array<i32>} : memref<128xi32, #tpu.memory_space<vmem>>, vector<16xi32>,
          %mul3A_421 = arith.constant 128 : i32
          %mul3A_422 = arith.muli %add3A_374, %mul3A_421 : i32
          %add3A_423 = arith.constant 96 : i32
          %add3A_424 = arith.addi %mul3A_422, %add3A_423 : i32
          %get3A_425 = arith.index_cast %add3A_424 : i32 to index
          %get3A_426 = tpu.vector_load %arg8[%get3A_425] {strides = array<i32>} : memref<6528xi32, #tpu.memory_space<vmem>>, vector<16xi32>,
          %swap3A_427 = arith.constant 96 : index
          %swap3A_428 = tpu.vector_load %arg13[%swap3A_427] {strides = array<i32>} : memref<128xi32, #tpu.memory_space<vmem>>, vector<16xi32>,
          tpu.vector_store %arg13[%swap3A_427], %get3A_426 {strides = array<i32>} : memref<128xi32, #tpu.memory_space<vmem>>, vector<16xi32>,
          %mul3A_429 = arith.constant 128 : i32
          %mul3A_430 = arith.muli %add3A_374, %mul3A_429 : i32
          %add3A_431 = arith.constant 112 : i32
          %add3A_432 = arith.addi %mul3A_430, %add3A_431 : i32
          %get3A_433 = arith.index_cast %add3A_432 : i32 to index
          %get3A_434 = tpu.vector_load %arg8[%get3A_433] {strides = array<i32>} : memref<6528xi32, #tpu.memory_space<vmem>>, vector<16xi32>,
          %swap3A_435 = arith.constant 112 : index
          %swap3A_436 = tpu.vector_load %arg13[%swap3A_435] {strides = array<i32>} : memref<128xi32, #tpu.memory_space<vmem>>, vector<16xi32>,
          tpu.vector_store %arg13[%swap3A_435], %get3A_434 {strides = array<i32>} : memref<128xi32, #tpu.memory_space<vmem>>, vector<16xi32>,
          %dma_start3A = arith.constant 0 : i32
          %dma_start3A_437 = arith.constant 0 : i32
          %dma_start3A_438 = arith.constant 0 : i32
          %dma_start3A_439 = tpu.memref_slice %arg11[%dma_start3A, %dma_start3A_437, %dma_start3A_438] : memref<2x128x128xf32, #tpu.memory_space<vmem>> -> memref<1x128x128xf32, #tpu.memory_space<vmem>>
          %dma_start3A_440 = tpu.memref_squeeze %dma_start3A_439 : memref<1x128x128xf32, #tpu.memory_space<vmem>> -> memref<128x128xf32, #tpu.memory_space<vmem>>
          %dma_start3A_441 = arith.constant 0 : i32
          %dma_start3A_442 = arith.constant 0 : i32
          %dma_start3A_443 = tpu.memref_slice %arg3[%dma_start3A_441, %dma_start3A_442] : memref<131072x128xf32, #tpu.memory_space<hbm>> -> memref<131072x128xf32, #tpu.memory_space<hbm>>
          tpu.enqueue_indirect_dma source(%dma_start3A_443 : memref<131072x128xf32, #tpu.memory_space<hbm>>) target(%dma_start3A_440 : memref<128x128xf32, #tpu.memory_space<vmem>>) offsets(%arg13 : memref<128xi32, #tpu.memory_space<vmem>>) semaphore(%arg17 : memref<!tpu.dma_semaphore, #tpu.memory_space<semaphore_mem>>)
        } else {
        }
      } else {
      }
      %convert_element_type3A_358 = arith.extui %eq3A_342 : i1 to i32
      %cond3A_359 = arith.constant 0 : i32
      %cond3A_360 = arith.cmpi ne, %convert_element_type3A_358, %cond3A_359 : i32
      scf.if %cond3A_360 {
        %dma_wait3A = arith.constant 0 : i32
        %dma_wait3A_365 = arith.constant 0 : i32
        %dma_wait3A_366 = arith.constant 0 : i32
        %dma_wait3A_367 = tpu.memref_slice %arg11[%dma_wait3A, %dma_wait3A_365, %dma_wait3A_366] : memref<2x128x128xf32, #tpu.memory_space<vmem>> -> memref<1x128x128xf32, #tpu.memory_space<vmem>>
        %dma_wait3A_368 = tpu.memref_squeeze %dma_wait3A_367 : memref<1x128x128xf32, #tpu.memory_space<vmem>> -> memref<128x128xf32, #tpu.memory_space<vmem>>
        %dma_wait3A_369 = arith.constant 0 : i32
        %dma_wait3A_370 = arith.constant 0 : i32
        %dma_wait3A_371 = tpu.memref_slice %arg3[%dma_wait3A_369, %dma_wait3A_370] : memref<131072x128xf32, #tpu.memory_space<hbm>> -> memref<131072x128xf32, #tpu.memory_space<hbm>>
        tpu.wait_indirect_dma semaphore(%arg17 : memref<!tpu.dma_semaphore, #tpu.memory_space<semaphore_mem>>) src(%dma_wait3A_371 : memref<131072x128xf32, #tpu.memory_space<hbm>>) dst(%dma_wait3A_368 : memref<128x128xf32, #tpu.memory_space<vmem>>)
        %mul3A_372 = arith.constant 128 : i32
        %mul3A_373 = arith.muli %while3A_324, %mul3A_372 : i32
        %add3A_374 = arith.constant 0 : i32
        %add3A_375 = arith.addi %mul3A_373, %add3A_374 : i32
        %get3A = arith.index_cast %add3A_375 : i32 to index
        %get3A_376 = tpu.vector_load %arg9[%get3A] {strides = array<i32>} : memref<6528xi32, #tpu.memory_space<vmem>>, vector<16xi32>,
        %swap3A = arith.constant 0 : index
        %swap3A_377 = tpu.vector_load %arg15[%swap3A] {strides = array<i32>} : memref<128xi32, #tpu.memory_space<vmem>>, vector<16xi32>,
        tpu.vector_store %arg15[%swap3A], %get3A_376 {strides = array<i32>} : memref<128xi32, #tpu.memory_space<vmem>>, vector<16xi32>,
        %mul3A_378 = arith.constant 128 : i32
        %mul3A_379 = arith.muli %while3A_324, %mul3A_378 : i32
        %add3A_380 = arith.constant 16 : i32
        %add3A_381 = arith.addi %mul3A_379, %add3A_380 : i32
        %get3A_382 = arith.index_cast %add3A_381 : i32 to index
        %get3A_383 = tpu.vector_load %arg9[%get3A_382] {strides = array<i32>} : memref<6528xi32, #tpu.memory_space<vmem>>, vector<16xi32>,
        %swap3A_384 = arith.constant 16 : index
        %swap3A_385 = tpu.vector_load %arg15[%swap3A_384] {strides = array<i32>} : memref<128xi32, #tpu.memory_space<vmem>>, vector<16xi32>,
        tpu.vector_store %arg15[%swap3A_384], %get3A_383 {strides = array<i32>} : memref<128xi32, #tpu.memory_space<vmem>>, vector<16xi32>,
        %mul3A_386 = arith.constant 128 : i32
        %mul3A_387 = arith.muli %while3A_324, %mul3A_386 : i32
        %add3A_388 = arith.constant 32 : i32
        %add3A_389 = arith.addi %mul3A_387, %add3A_388 : i32
        %get3A_390 = arith.index_cast %add3A_389 : i32 to index
        %get3A_391 = tpu.vector_load %arg9[%get3A_390] {strides = array<i32>} : memref<6528xi32, #tpu.memory_space<vmem>>, vector<16xi32>,
        %swap3A_392 = arith.constant 32 : index
        %swap3A_393 = tpu.vector_load %arg15[%swap3A_392] {strides = array<i32>} : memref<128xi32, #tpu.memory_space<vmem>>, vector<16xi32>,
        tpu.vector_store %arg15[%swap3A_392], %get3A_391 {strides = array<i32>} : memref<128xi32, #tpu.memory_space<vmem>>, vector<16xi32>,
        %mul3A_394 = arith.constant 128 : i32
        %mul3A_395 = arith.muli %while3A_324, %mul3A_394 : i32
        %add3A_396 = arith.constant 48 : i32
        %add3A_397 = arith.addi %mul3A_395, %add3A_396 : i32
        %get3A_398 = arith.index_cast %add3A_397 : i32 to index
        %get3A_399 = tpu.vector_load %arg9[%get3A_398] {strides = array<i32>} : memref<6528xi32, #tpu.memory_space<vmem>>, vector<16xi32>,
        %swap3A_400 = arith.constant 48 : index
        %swap3A_401 = tpu.vector_load %arg15[%swap3A_400] {strides = array<i32>} : memref<128xi32, #tpu.memory_space<vmem>>, vector<16xi32>,
        tpu.vector_store %arg15[%swap3A_400], %get3A_399 {strides = array<i32>} : memref<128xi32, #tpu.memory_space<vmem>>, vector<16xi32>,
        %mul3A_402 = arith.constant 128 : i32
        %mul3A_403 = arith.muli %while3A_324, %mul3A_402 : i32
        %add3A_404 = arith.constant 64 : i32
        %add3A_405 = arith.addi %mul3A_403, %add3A_404 : i32
        %get3A_406 = arith.index_cast %add3A_405 : i32 to index
        %get3A_407 = tpu.vector_load %arg9[%get3A_406] {strides = array<i32>} : memref<6528xi32, #tpu.memory_space<vmem>>, vector<16xi32>,
        %swap3A_408 = arith.constant 64 : index
        %swap3A_409 = tpu.vector_load %arg15[%swap3A_408] {strides = array<i32>} : memref<128xi32, #tpu.memory_space<vmem>>, vector<16xi32>,
        tpu.vector_store %arg15[%swap3A_408], %get3A_407 {strides = array<i32>} : memref<128xi32, #tpu.memory_space<vmem>>, vector<16xi32>,
        %mul3A_410 = arith.constant 128 : i32
        %mul3A_411 = arith.muli %while3A_324, %mul3A_410 : i32
        %add3A_412 = arith.constant 80 : i32
        %add3A_413 = arith.addi %mul3A_411, %add3A_412 : i32
        %get3A_414 = arith.index_cast %add3A_413 : i32 to index
        %get3A_415 = tpu.vector_load %arg9[%get3A_414] {strides = array<i32>} : memref<6528xi32, #tpu.memory_space<vmem>>, vector<16xi32>,
        %swap3A_416 = arith.constant 80 : index
        %swap3A_417 = tpu.vector_load %arg15[%swap3A_416] {strides = array<i32>} : memref<128xi32, #tpu.memory_space<vmem>>, vector<16xi32>,
        tpu.vector_store %arg15[%swap3A_416], %get3A_415 {strides = array<i32>} : memref<128xi32, #tpu.memory_space<vmem>>, vector<16xi32>,
        %mul3A_418 = arith.constant 128 : i32
        %mul3A_419 = arith.muli %while3A_324, %mul3A_418 : i32
        %add3A_420 = arith.constant 96 : i32
        %add3A_421 = arith.addi %mul3A_419, %add3A_420 : i32
        %get3A_422 = arith.index_cast %add3A_421 : i32 to index
        %get3A_423 = tpu.vector_load %arg9[%get3A_422] {strides = array<i32>} : memref<6528xi32, #tpu.memory_space<vmem>>, vector<16xi32>,
        %swap3A_424 = arith.constant 96 : index
        %swap3A_425 = tpu.vector_load %arg15[%swap3A_424] {strides = array<i32>} : memref<128xi32, #tpu.memory_space<vmem>>, vector<16xi32>,
        tpu.vector_store %arg15[%swap3A_424], %get3A_423 {strides = array<i32>} : memref<128xi32, #tpu.memory_space<vmem>>, vector<16xi32>,
        %mul3A_426 = arith.constant 128 : i32
        %mul3A_427 = arith.muli %while3A_324, %mul3A_426 : i32
        %add3A_428 = arith.constant 112 : i32
        %add3A_429 = arith.addi %mul3A_427, %add3A_428 : i32
        %get3A_430 = arith.index_cast %add3A_429 : i32 to index
        %get3A_431 = tpu.vector_load %arg9[%get3A_430] {strides = array<i32>} : memref<6528xi32, #tpu.memory_space<vmem>>, vector<16xi32>,
        %swap3A_432 = arith.constant 112 : index
        %swap3A_433 = tpu.vector_load %arg15[%swap3A_432] {strides = array<i32>} : memref<128xi32, #tpu.memory_space<vmem>>, vector<16xi32>,
        tpu.vector_store %arg15[%swap3A_432], %get3A_431 {strides = array<i32>} : memref<128xi32, #tpu.memory_space<vmem>>, vector<16xi32>,
        %dma_start3A = arith.constant 0 : i32
        %dma_start3A_434 = arith.constant 0 : i32
        %dma_start3A_435 = arith.constant 0 : i32
        %dma_start3A_436 = tpu.memref_slice %arg11[%dma_start3A, %dma_start3A_434, %dma_start3A_435] : memref<2x128x128xf32, #tpu.memory_space<vmem>> -> memref<1x128x128xf32, #tpu.memory_space<vmem>>
        %dma_start3A_437 = tpu.memref_squeeze %dma_start3A_436 : memref<1x128x128xf32, #tpu.memory_space<vmem>> -> memref<128x128xf32, #tpu.memory_space<vmem>>
        %dma_start3A_438 = arith.constant 0 : i32
        %dma_start3A_439 = arith.constant 0 : i32
        %dma_start3A_440 = tpu.memref_slice %arg5[%dma_start3A_438, %dma_start3A_439] : memref<200000x128xf32, #tpu.memory_space<hbm>> -> memref<200000x128xf32, #tpu.memory_space<hbm>>
        tpu.enqueue_indirect_dma source(%dma_start3A_437 : memref<128x128xf32, #tpu.memory_space<vmem>>) target(%dma_start3A_440 : memref<200000x128xf32, #tpu.memory_space<hbm>>) offsets(%arg15 : memref<128xi32, #tpu.memory_space<vmem>>) semaphore(%arg19 : memref<!tpu.dma_semaphore, #tpu.memory_space<semaphore_mem>>)
      } else {
      }
      %not3A = arith.constant true
      %not3A_361 = arith.xori %eq3A_342, %not3A : i1
      %convert_element_type3A_362 = arith.extui %not3A_361 : i1 to i32
      %cond3A_363 = arith.constant 0 : i32
      %cond3A_364 = arith.cmpi ne, %convert_element_type3A_362, %cond3A_363 : i32
      scf.if %cond3A_364 {
        %dma_wait3A = arith.constant 1 : i32
        %dma_wait3A_365 = arith.constant 0 : i32
        %dma_wait3A_366 = arith.constant 0 : i32
        %dma_wait3A_367 = tpu.memref_slice %arg11[%dma_wait3A, %dma_wait3A_365, %dma_wait3A_366] : memref<2x128x128xf32, #tpu.memory_space<vmem>> -> memref<1x128x128xf32, #tpu.memory_space<vmem>>
        %dma_wait3A_368 = tpu.memref_squeeze %dma_wait3A_367 : memref<1x128x128xf32, #tpu.memory_space<vmem>> -> memref<128x128xf32, #tpu.memory_space<vmem>>
        %dma_wait3A_369 = arith.constant 0 : i32
        %dma_wait3A_370 = arith.constant 0 : i32
        %dma_wait3A_371 = tpu.memref_slice %arg3[%dma_wait3A_369, %dma_wait3A_370] : memref<131072x128xf32, #tpu.memory_space<hbm>> -> memref<131072x128xf32, #tpu.memory_space<hbm>>
        tpu.wait_indirect_dma semaphore(%arg18 : memref<!tpu.dma_semaphore, #tpu.memory_space<semaphore_mem>>) src(%dma_wait3A_371 : memref<131072x128xf32, #tpu.memory_space<hbm>>) dst(%dma_wait3A_368 : memref<128x128xf32, #tpu.memory_space<vmem>>)
        %mul3A_372 = arith.constant 128 : i32
        %mul3A_373 = arith.muli %while3A_324, %mul3A_372 : i32
        %add3A_374 = arith.constant 0 : i32
        %add3A_375 = arith.addi %mul3A_373, %add3A_374 : i32
        %get3A = arith.index_cast %add3A_375 : i32 to index
        %get3A_376 = tpu.vector_load %arg9[%get3A] {strides = array<i32>} : memref<6528xi32, #tpu.memory_space<vmem>>, vector<16xi32>,
        %swap3A = arith.constant 0 : index
        %swap3A_377 = tpu.vector_load %arg16[%swap3A] {strides = array<i32>} : memref<128xi32, #tpu.memory_space<vmem>>, vector<16xi32>,
        tpu.vector_store %arg16[%swap3A], %get3A_376 {strides = array<i32>} : memref<128xi32, #tpu.memory_space<vmem>>, vector<16xi32>,
        %mul3A_378 = arith.constant 128 : i32
        %mul3A_379 = arith.muli %while3A_324, %mul3A_378 : i32
        %add3A_380 = arith.constant 16 : i32
        %add3A_381 = arith.addi %mul3A_379, %add3A_380 : i32
        %get3A_382 = arith.index_cast %add3A_381 : i32 to index
        %get3A_383 = tpu.vector_load %arg9[%get3A_382] {strides = array<i32>} : memref<6528xi32, #tpu.memory_space<vmem>>, vector<16xi32>,
        %swap3A_384 = arith.constant 16 : index
        %swap3A_385 = tpu.vector_load %arg16[%swap3A_384] {strides = array<i32>} : memref<128xi32, #tpu.memory_space<vmem>>, vector<16xi32>,
        tpu.vector_store %arg16[%swap3A_384], %get3A_383 {strides = array<i32>} : memref<128xi32, #tpu.memory_space<vmem>>, vector<16xi32>,
        %mul3A_386 = arith.constant 128 : i32
        %mul3A_387 = arith.muli %while3A_324, %mul3A_386 : i32
        %add3A_388 = arith.constant 32 : i32
        %add3A_389 = arith.addi %mul3A_387, %add3A_388 : i32
        %get3A_390 = arith.index_cast %add3A_389 : i32 to index
        %get3A_391 = tpu.vector_load %arg9[%get3A_390] {strides = array<i32>} : memref<6528xi32, #tpu.memory_space<vmem>>, vector<16xi32>,
        %swap3A_392 = arith.constant 32 : index
        %swap3A_393 = tpu.vector_load %arg16[%swap3A_392] {strides = array<i32>} : memref<128xi32, #tpu.memory_space<vmem>>, vector<16xi32>,
        tpu.vector_store %arg16[%swap3A_392], %get3A_391 {strides = array<i32>} : memref<128xi32, #tpu.memory_space<vmem>>, vector<16xi32>,
        %mul3A_394 = arith.constant 128 : i32
        %mul3A_395 = arith.muli %while3A_324, %mul3A_394 : i32
        %add3A_396 = arith.constant 48 : i32
        %add3A_397 = arith.addi %mul3A_395, %add3A_396 : i32
        %get3A_398 = arith.index_cast %add3A_397 : i32 to index
        %get3A_399 = tpu.vector_load %arg9[%get3A_398] {strides = array<i32>} : memref<6528xi32, #tpu.memory_space<vmem>>, vector<16xi32>,
        %swap3A_400 = arith.constant 48 : index
        %swap3A_401 = tpu.vector_load %arg16[%swap3A_400] {strides = array<i32>} : memref<128xi32, #tpu.memory_space<vmem>>, vector<16xi32>,
        tpu.vector_store %arg16[%swap3A_400], %get3A_399 {strides = array<i32>} : memref<128xi32, #tpu.memory_space<vmem>>, vector<16xi32>,
        %mul3A_402 = arith.constant 128 : i32
        %mul3A_403 = arith.muli %while3A_324, %mul3A_402 : i32
        %add3A_404 = arith.constant 64 : i32
        %add3A_405 = arith.addi %mul3A_403, %add3A_404 : i32
        %get3A_406 = arith.index_cast %add3A_405 : i32 to index
        %get3A_407 = tpu.vector_load %arg9[%get3A_406] {strides = array<i32>} : memref<6528xi32, #tpu.memory_space<vmem>>, vector<16xi32>,
        %swap3A_408 = arith.constant 64 : index
        %swap3A_409 = tpu.vector_load %arg16[%swap3A_408] {strides = array<i32>} : memref<128xi32, #tpu.memory_space<vmem>>, vector<16xi32>,
        tpu.vector_store %arg16[%swap3A_408], %get3A_407 {strides = array<i32>} : memref<128xi32, #tpu.memory_space<vmem>>, vector<16xi32>,
        %mul3A_410 = arith.constant 128 : i32
        %mul3A_411 = arith.muli %while3A_324, %mul3A_410 : i32
        %add3A_412 = arith.constant 80 : i32
        %add3A_413 = arith.addi %mul3A_411, %add3A_412 : i32
        %get3A_414 = arith.index_cast %add3A_413 : i32 to index
        %get3A_415 = tpu.vector_load %arg9[%get3A_414] {strides = array<i32>} : memref<6528xi32, #tpu.memory_space<vmem>>, vector<16xi32>,
        %swap3A_416 = arith.constant 80 : index
        %swap3A_417 = tpu.vector_load %arg16[%swap3A_416] {strides = array<i32>} : memref<128xi32, #tpu.memory_space<vmem>>, vector<16xi32>,
        tpu.vector_store %arg16[%swap3A_416], %get3A_415 {strides = array<i32>} : memref<128xi32, #tpu.memory_space<vmem>>, vector<16xi32>,
        %mul3A_418 = arith.constant 128 : i32
        %mul3A_419 = arith.muli %while3A_324, %mul3A_418 : i32
        %add3A_420 = arith.constant 96 : i32
        %add3A_421 = arith.addi %mul3A_419, %add3A_420 : i32
        %get3A_422 = arith.index_cast %add3A_421 : i32 to index
        %get3A_423 = tpu.vector_load %arg9[%get3A_422] {strides = array<i32>} : memref<6528xi32, #tpu.memory_space<vmem>>, vector<16xi32>,
        %swap3A_424 = arith.constant 96 : index
        %swap3A_425 = tpu.vector_load %arg16[%swap3A_424] {strides = array<i32>} : memref<128xi32, #tpu.memory_space<vmem>>, vector<16xi32>,
        tpu.vector_store %arg16[%swap3A_424], %get3A_423 {strides = array<i32>} : memref<128xi32, #tpu.memory_space<vmem>>, vector<16xi32>,
        %mul3A_426 = arith.constant 128 : i32
        %mul3A_427 = arith.muli %while3A_324, %mul3A_426 : i32
        %add3A_428 = arith.constant 112 : i32
        %add3A_429 = arith.addi %mul3A_427, %add3A_428 : i32
        %get3A_430 = arith.index_cast %add3A_429 : i32 to index
        %get3A_431 = tpu.vector_load %arg9[%get3A_430] {strides = array<i32>} : memref<6528xi32, #tpu.memory_space<vmem>>, vector<16xi32>,
        %swap3A_432 = arith.constant 112 : index
        %swap3A_433 = tpu.vector_load %arg16[%swap3A_432] {strides = array<i32>} : memref<128xi32, #tpu.memory_space<vmem>>, vector<16xi32>,
        tpu.vector_store %arg16[%swap3A_432], %get3A_431 {strides = array<i32>} : memref<128xi32, #tpu.memory_space<vmem>>, vector<16xi32>,
        %dma_start3A = arith.constant 1 : i32
        %dma_start3A_434 = arith.constant 0 : i32
        %dma_start3A_435 = arith.constant 0 : i32
        %dma_start3A_436 = tpu.memref_slice %arg11[%dma_start3A, %dma_start3A_434, %dma_start3A_435] : memref<2x128x128xf32, #tpu.memory_space<vmem>> -> memref<1x128x128xf32, #tpu.memory_space<vmem>>
        %dma_start3A_437 = tpu.memref_squeeze %dma_start3A_436 : memref<1x128x128xf32, #tpu.memory_space<vmem>> -> memref<128x128xf32, #tpu.memory_space<vmem>>
        %dma_start3A_438 = arith.constant 0 : i32
        %dma_start3A_439 = arith.constant 0 : i32
        %dma_start3A_440 = tpu.memref_slice %arg5[%dma_start3A_438, %dma_start3A_439] : memref<200000x128xf32, #tpu.memory_space<hbm>> -> memref<200000x128xf32, #tpu.memory_space<hbm>>
        tpu.enqueue_indirect_dma source(%dma_start3A_437 : memref<128x128xf32, #tpu.memory_space<vmem>>) target(%dma_start3A_440 : memref<200000x128xf32, #tpu.memory_space<hbm>>) offsets(%arg16 : memref<128xi32, #tpu.memory_space<vmem>>) semaphore(%arg20 : memref<!tpu.dma_semaphore, #tpu.memory_space<semaphore_mem>>)
      } else {
      }
    }
    %eq3A_152 = arith.constant 1 : i32
    %eq3A_153 = arith.cmpi eq, %select_n3A_140, %eq3A_152 : i32
    %convert_element_type3A_154 = arith.extui %eq3A_153 : i1 to i32
    %cond3A_155 = arith.constant 0 : i32
    %cond3A_156 = arith.cmpi ne, %convert_element_type3A_154, %cond3A_155 : i32
    scf.if %cond3A_156 {
      %dma_wait3A = arith.constant 0 : i32
      %dma_wait3A_324 = arith.constant 0 : i32
      %dma_wait3A_325 = arith.constant 0 : i32
      %dma_wait3A_326 = tpu.memref_slice %arg11[%dma_wait3A, %dma_wait3A_324, %dma_wait3A_325] : memref<2x128x128xf32, #tpu.memory_space<vmem>> -> memref<1x128x128xf32, #tpu.memory_space<vmem>>
      %dma_wait3A_327 = tpu.memref_squeeze %dma_wait3A_326 : memref<1x128x128xf32, #tpu.memory_space<vmem>> -> memref<128x128xf32, #tpu.memory_space<vmem>>
      %dma_wait3A_328 = arith.constant 0 : i32
      %dma_wait3A_329 = arith.constant 0 : i32
      %dma_wait3A_330 = tpu.memref_slice %arg5[%dma_wait3A_328, %dma_wait3A_329] : memref<200000x128xf32, #tpu.memory_space<hbm>> -> memref<200000x128xf32, #tpu.memory_space<hbm>>
      tpu.wait_indirect_dma semaphore(%arg19 : memref<!tpu.dma_semaphore, #tpu.memory_space<semaphore_mem>>) src(%dma_wait3A_327 : memref<128x128xf32, #tpu.memory_space<vmem>>) dst(%dma_wait3A_330 : memref<200000x128xf32, #tpu.memory_space<hbm>>)
    } else {
    }
    %ge3A = arith.constant 2 : i32
    %ge3A_157 = arith.cmpi sge, %select_n3A_140, %ge3A : i32
    %convert_element_type3A_158 = arith.extui %ge3A_157 : i1 to i32
    %cond3A_159 = arith.constant 0 : i32
    %cond3A_160 = arith.cmpi ne, %convert_element_type3A_158, %cond3A_159 : i32
    scf.if %cond3A_160 {
      %dma_wait3A = arith.constant 0 : i32
      %dma_wait3A_324 = arith.constant 0 : i32
      %dma_wait3A_325 = arith.constant 0 : i32
      %dma_wait3A_326 = tpu.memref_slice %arg11[%dma_wait3A, %dma_wait3A_324, %dma_wait3A_325] : memref<2x128x128xf32, #tpu.memory_space<vmem>> -> memref<1x128x128xf32, #tpu.memory_space<vmem>>
      %dma_wait3A_327 = tpu.memref_squeeze %dma_wait3A_326 : memref<1x128x128xf32, #tpu.memory_space<vmem>> -> memref<128x128xf32, #tpu.memory_space<vmem>>
      %dma_wait3A_328 = arith.constant 0 : i32
      %dma_wait3A_329 = arith.constant 0 : i32
      %dma_wait3A_330 = tpu.memref_slice %arg5[%dma_wait3A_328, %dma_wait3A_329] : memref<200000x128xf32, #tpu.memory_space<hbm>> -> memref<200000x128xf32, #tpu.memory_space<hbm>>
      tpu.wait_indirect_dma semaphore(%arg19 : memref<!tpu.dma_semaphore, #tpu.memory_space<semaphore_mem>>) src(%dma_wait3A_327 : memref<128x128xf32, #tpu.memory_space<vmem>>) dst(%dma_wait3A_330 : memref<200000x128xf32, #tpu.memory_space<hbm>>)
      %dma_wait3A_331 = arith.constant 1 : i32
      %dma_wait3A_332 = arith.constant 0 : i32
      %dma_wait3A_333 = arith.constant 0 : i32
      %dma_wait3A_334 = tpu.memref_slice %arg11[%dma_wait3A_331, %dma_wait3A_332, %dma_wait3A_333] : memref<2x128x128xf32, #tpu.memory_space<vmem>> -> memref<1x128x128xf32, #tpu.memory_space<vmem>>
      %dma_wait3A_335 = tpu.memref_squeeze %dma_wait3A_334 : memref<1x128x128xf32, #tpu.memory_space<vmem>> -> memref<128x128xf32, #tpu.memory_space<vmem>>
      %dma_wait3A_336 = arith.constant 0 : i32
      %dma_wait3A_337 = arith.constant 0 : i32
      %dma_wait3A_338 = tpu.memref_slice %arg5[%dma_wait3A_336, %dma_wait3A_337] : memref<200000x128xf32, #tpu.memory_space<hbm>> -> memref<200000x128xf32, #tpu.memory_space<hbm>>
      tpu.wait_indirect_dma semaphore(%arg20 : memref<!tpu.dma_semaphore, #tpu.memory_space<semaphore_mem>>) src(%dma_wait3A_335 : memref<128x128xf32, #tpu.memory_space<vmem>>) dst(%dma_wait3A_338 : memref<200000x128xf32, #tpu.memory_space<hbm>>)
    } else {
    }
    %mul3A_161 = arith.constant 128 : i32
    %mul3A_162 = arith.muli %select_n3A_140, %mul3A_161 : i32
    %sub3A_163 = arith.subi %scan3A_113#0, %mul3A_162 : i32
    %jit3A_164 = arith.constant 16 : i32
    %div3A_165 = arith.divsi %sub3A_163, %jit3A_164 : i32
    %sign3A_166 = arith.constant 0 : i32
    %sign3A_167 = arith.cmpi sgt, %sub3A_163, %sign3A_166 : i32
    %sign3A_168 = arith.extui %sign3A_167 : i1 to i32
    %sign3A_169 = arith.constant 0 : i32
    %sign3A_170 = arith.cmpi slt, %sub3A_163, %sign3A_169 : i32
    %sign3A_171 = arith.extui %sign3A_170 : i1 to i32
    %sign3A_172 = arith.subi %sign3A_168, %sign3A_171 : i32
    %sign3A_173 = arith.constant 0 : i32
    %sign3A_174 = arith.cmpi sgt, %jit3A_164, %sign3A_173 : i32
    %sign3A_175 = arith.extui %sign3A_174 : i1 to i32
    %sign3A_176 = arith.constant 0 : i32
    %sign3A_177 = arith.cmpi slt, %jit3A_164, %sign3A_176 : i32
    %sign3A_178 = arith.extui %sign3A_177 : i1 to i32
    %sign3A_179 = arith.subi %sign3A_175, %sign3A_178 : i32
    %ne3A_180 = arith.cmpi ne, %sign3A_172, %sign3A_179 : i32
    %rem3A_181 = arith.remsi %sub3A_163, %jit3A_164 : i32
    %ne3A_182 = arith.constant 0 : i32
    %ne3A_183 = arith.cmpi ne, %rem3A_181, %ne3A_182 : i32
    %and3A_184 = arith.andi %ne3A_180, %ne3A_183 : i1
    %sub3A_185 = arith.constant 1 : i32
    %sub3A_186 = arith.subi %div3A_165, %sub3A_185 : i32
    %select_n3A_187 = arith.select %and3A_184, %sub3A_186, %div3A_165 : i32
    %while3A_188 = arith.constant 0 : i32
    %while3A_189 = arith.constant 0 : i32
    %while3A_190 = arith.subi %select_n3A_187, %while3A_189 : i32
    %while3A_191 = arith.addi %while3A_189, %while3A_190 : i32
    %while3A_192 = arith.constant 1 : i32
    %while3A_193 = arith.divsi %while3A_190, %while3A_192 : i32
    %while3A_194 = arith.muli %while3A_193, %while3A_192 : i32
    %while3A_195 = arith.addi %while3A_189, %while3A_194 : i32
    %while3A_196 = arith.constant 1 : i32
    scf.for %while3A_324 = %while3A_189 to %while3A_195 step %while3A_196  : i32 {
      %mul3A_325 = arith.constant 16 : i32
      %mul3A_326 = arith.muli %while3A_324, %mul3A_325 : i32
      %add3A_327 = arith.addi %mul3A_162, %mul3A_326 : i32
      %get3A = arith.index_cast %add3A_327 : i32 to index
      %get3A_328 = tpu.vector_load %arg8[%get3A] {strides = array<i32>} : memref<6528xi32, #tpu.memory_space<vmem>>, vector<16xi32>,
      %dma_start3A = arith.constant 0 : i32
      %dma_start3A_329 = arith.constant 0 : i32
      %dma_start3A_330 = tpu.memref_slice %arg3[%dma_start3A, %dma_start3A_329] : memref<131072x128xf32, #tpu.memory_space<hbm>> -> memref<131072x128xf32, #tpu.memory_space<hbm>>
      tpu.enqueue_indirect_dma source(%dma_start3A_330 : memref<131072x128xf32, #tpu.memory_space<hbm>>) target(%arg12 : memref<16x128xf32, #tpu.memory_space<vmem>>) offsets(%get3A_328 : vector<16xi32>) semaphore(%arg21 : memref<!tpu.dma_semaphore, #tpu.memory_space<semaphore_mem>>)
      %dma_wait3A = arith.constant 0 : i32
      %dma_wait3A_331 = arith.constant 0 : i32
      %dma_wait3A_332 = tpu.memref_slice %arg3[%dma_wait3A, %dma_wait3A_331] : memref<131072x128xf32, #tpu.memory_space<hbm>> -> memref<131072x128xf32, #tpu.memory_space<hbm>>
      tpu.wait_indirect_dma semaphore(%arg21 : memref<!tpu.dma_semaphore, #tpu.memory_space<semaphore_mem>>) src(%dma_wait3A_332 : memref<131072x128xf32, #tpu.memory_space<hbm>>) dst(%arg12 : memref<16x128xf32, #tpu.memory_space<vmem>>)
      %get3A_333 = arith.index_cast %add3A_327 : i32 to index
      %get3A_334 = tpu.vector_load %arg9[%get3A_333] {strides = array<i32>} : memref<6528xi32, #tpu.memory_space<vmem>>, vector<16xi32>,
      %dma_start3A_335 = arith.constant 0 : i32
      %dma_start3A_336 = arith.constant 0 : i32
      %dma_start3A_337 = tpu.memref_slice %arg5[%dma_start3A_335, %dma_start3A_336] : memref<200000x128xf32, #tpu.memory_space<hbm>> -> memref<200000x128xf32, #tpu.memory_space<hbm>>
      tpu.enqueue_indirect_dma source(%arg12 : memref<16x128xf32, #tpu.memory_space<vmem>>) target(%dma_start3A_337 : memref<200000x128xf32, #tpu.memory_space<hbm>>) offsets(%get3A_334 : vector<16xi32>) semaphore(%arg21 : memref<!tpu.dma_semaphore, #tpu.memory_space<semaphore_mem>>)
      %dma_wait3A_338 = arith.constant 0 : i32
      %dma_wait3A_339 = arith.constant 0 : i32
      %dma_wait3A_340 = tpu.memref_slice %arg5[%dma_wait3A_338, %dma_wait3A_339] : memref<200000x128xf32, #tpu.memory_space<hbm>> -> memref<200000x128xf32, #tpu.memory_space<hbm>>
      tpu.wait_indirect_dma semaphore(%arg21 : memref<!tpu.dma_semaphore, #tpu.memory_space<semaphore_mem>>) src(%arg12 : memref<16x128xf32, #tpu.memory_space<vmem>>) dst(%dma_wait3A_340 : memref<200000x128xf32, #tpu.memory_space<hbm>>)
    }
    %while3A_197 = arith.constant 1 : i32
    scf.for %while3A_324 = %while3A_195 to %while3A_191 step %while3A_197  : i32 {
      %mul3A_325 = arith.constant 16 : i32
      %mul3A_326 = arith.muli %while3A_324, %mul3A_325 : i32
      %add3A_327 = arith.addi %mul3A_162, %mul3A_326 : i32
      %get3A = arith.index_cast %add3A_327 : i32 to index
      %get3A_328 = tpu.vector_load %arg8[%get3A] {strides = array<i32>} : memref<6528xi32, #tpu.memory_space<vmem>>, vector<16xi32>,
      %dma_start3A = arith.constant 0 : i32
      %dma_start3A_329 = arith.constant 0 : i32
      %dma_start3A_330 = tpu.memref_slice %arg3[%dma_start3A, %dma_start3A_329] : memref<131072x128xf32, #tpu.memory_space<hbm>> -> memref<131072x128xf32, #tpu.memory_space<hbm>>
      tpu.enqueue_indirect_dma source(%dma_start3A_330 : memref<131072x128xf32, #tpu.memory_space<hbm>>) target(%arg12 : memref<16x128xf32, #tpu.memory_space<vmem>>) offsets(%get3A_328 : vector<16xi32>) semaphore(%arg21 : memref<!tpu.dma_semaphore, #tpu.memory_space<semaphore_mem>>)
      %dma_wait3A = arith.constant 0 : i32
      %dma_wait3A_331 = arith.constant 0 : i32
      %dma_wait3A_332 = tpu.memref_slice %arg3[%dma_wait3A, %dma_wait3A_331] : memref<131072x128xf32, #tpu.memory_space<hbm>> -> memref<131072x128xf32, #tpu.memory_space<hbm>>
      tpu.wait_indirect_dma semaphore(%arg21 : memref<!tpu.dma_semaphore, #tpu.memory_space<semaphore_mem>>) src(%dma_wait3A_332 : memref<131072x128xf32, #tpu.memory_space<hbm>>) dst(%arg12 : memref<16x128xf32, #tpu.memory_space<vmem>>)
      %get3A_333 = arith.index_cast %add3A_327 : i32 to index
      %get3A_334 = tpu.vector_load %arg9[%get3A_333] {strides = array<i32>} : memref<6528xi32, #tpu.memory_space<vmem>>, vector<16xi32>,
      %dma_start3A_335 = arith.constant 0 : i32
      %dma_start3A_336 = arith.constant 0 : i32
      %dma_start3A_337 = tpu.memref_slice %arg5[%dma_start3A_335, %dma_start3A_336] : memref<200000x128xf32, #tpu.memory_space<hbm>> -> memref<200000x128xf32, #tpu.memory_space<hbm>>
      tpu.enqueue_indirect_dma source(%arg12 : memref<16x128xf32, #tpu.memory_space<vmem>>) target(%dma_start3A_337 : memref<200000x128xf32, #tpu.memory_space<hbm>>) offsets(%get3A_334 : vector<16xi32>) semaphore(%arg21 : memref<!tpu.dma_semaphore, #tpu.memory_space<semaphore_mem>>)
      %dma_wait3A_338 = arith.constant 0 : i32
      %dma_wait3A_339 = arith.constant 0 : i32
      %dma_wait3A_340 = tpu.memref_slice %arg5[%dma_wait3A_338, %dma_wait3A_339] : memref<200000x128xf32, #tpu.memory_space<hbm>> -> memref<200000x128xf32, #tpu.memory_space<hbm>>
      tpu.wait_indirect_dma semaphore(%arg21 : memref<!tpu.dma_semaphore, #tpu.memory_space<semaphore_mem>>) src(%arg12 : memref<16x128xf32, #tpu.memory_space<vmem>>) dst(%dma_wait3A_340 : memref<200000x128xf32, #tpu.memory_space<hbm>>)
    }
    %sub3A_198 = arith.subi %scan3A_113#0, %mul3A_162 : i32
    %mul3A_199 = arith.constant 16 : i32
    %mul3A_200 = arith.muli %select_n3A_187, %mul3A_199 : i32
    %sub3A_201 = arith.subi %sub3A_198, %mul3A_200 : i32
    %gt3A_202 = arith.constant 0 : i32
    %gt3A_203 = arith.cmpi sgt, %sub3A_201, %gt3A_202 : i32
    %ge3A_204 = arith.constant 16 : i32
    %ge3A_205 = arith.cmpi sge, %scan3A_113#0, %ge3A_204 : i32
    %and3A_206 = arith.andi %gt3A_203, %ge3A_205 : i1
    %convert_element_type3A_207 = arith.extui %and3A_206 : i1 to i32
    %cond3A_208 = arith.constant 0 : i32
    %cond3A_209 = arith.cmpi ne, %convert_element_type3A_207, %cond3A_208 : i32
    scf.if %cond3A_209 {
      %sub3A_324 = arith.constant 16 : i32
      %sub3A_325 = arith.subi %scan3A_113#0, %sub3A_324 : i32
      %get3A = arith.index_cast %sub3A_325 : i32 to index
      %get3A_326 = tpu.vector_load %arg8[%get3A] {strides = array<i32>} : memref<6528xi32, #tpu.memory_space<vmem>>, vector<16xi32>,
      %dma_start3A = arith.constant 0 : i32
      %dma_start3A_327 = arith.constant 0 : i32
      %dma_start3A_328 = tpu.memref_slice %arg3[%dma_start3A, %dma_start3A_327] : memref<131072x128xf32, #tpu.memory_space<hbm>> -> memref<131072x128xf32, #tpu.memory_space<hbm>>
      tpu.enqueue_indirect_dma source(%dma_start3A_328 : memref<131072x128xf32, #tpu.memory_space<hbm>>) target(%arg12 : memref<16x128xf32, #tpu.memory_space<vmem>>) offsets(%get3A_326 : vector<16xi32>) semaphore(%arg21 : memref<!tpu.dma_semaphore, #tpu.memory_space<semaphore_mem>>)
      %dma_wait3A = arith.constant 0 : i32
      %dma_wait3A_329 = arith.constant 0 : i32
      %dma_wait3A_330 = tpu.memref_slice %arg3[%dma_wait3A, %dma_wait3A_329] : memref<131072x128xf32, #tpu.memory_space<hbm>> -> memref<131072x128xf32, #tpu.memory_space<hbm>>
      tpu.wait_indirect_dma semaphore(%arg21 : memref<!tpu.dma_semaphore, #tpu.memory_space<semaphore_mem>>) src(%dma_wait3A_330 : memref<131072x128xf32, #tpu.memory_space<hbm>>) dst(%arg12 : memref<16x128xf32, #tpu.memory_space<vmem>>)
      %get3A_331 = arith.index_cast %sub3A_325 : i32 to index
      %get3A_332 = tpu.vector_load %arg9[%get3A_331] {strides = array<i32>} : memref<6528xi32, #tpu.memory_space<vmem>>, vector<16xi32>,
      %dma_start3A_333 = arith.constant 0 : i32
      %dma_start3A_334 = arith.constant 0 : i32
      %dma_start3A_335 = tpu.memref_slice %arg5[%dma_start3A_333, %dma_start3A_334] : memref<200000x128xf32, #tpu.memory_space<hbm>> -> memref<200000x128xf32, #tpu.memory_space<hbm>>
      tpu.enqueue_indirect_dma source(%arg12 : memref<16x128xf32, #tpu.memory_space<vmem>>) target(%dma_start3A_335 : memref<200000x128xf32, #tpu.memory_space<hbm>>) offsets(%get3A_332 : vector<16xi32>) semaphore(%arg21 : memref<!tpu.dma_semaphore, #tpu.memory_space<semaphore_mem>>)
      %dma_wait3A_336 = arith.constant 0 : i32
      %dma_wait3A_337 = arith.constant 0 : i32
      %dma_wait3A_338 = tpu.memref_slice %arg5[%dma_wait3A_336, %dma_wait3A_337] : memref<200000x128xf32, #tpu.memory_space<hbm>> -> memref<200000x128xf32, #tpu.memory_space<hbm>>
      tpu.wait_indirect_dma semaphore(%arg21 : memref<!tpu.dma_semaphore, #tpu.memory_space<semaphore_mem>>) src(%arg12 : memref<16x128xf32, #tpu.memory_space<vmem>>) dst(%dma_wait3A_338 : memref<200000x128xf32, #tpu.memory_space<hbm>>)
    } else {
    }
    %gt3A_210 = arith.constant 0 : i32
    %gt3A_211 = arith.cmpi sgt, %sub3A_201, %gt3A_210 : i32
    %lt3A_212 = arith.constant 16 : i32
    %lt3A_213 = arith.cmpi slt, %scan3A_113#0, %lt3A_212 : i32
    %and3A_214 = arith.andi %gt3A_211, %lt3A_213 : i1
    %convert_element_type3A_215 = arith.extui %and3A_214 : i1 to i32
    %cond3A_216 = arith.constant 0 : i32
    %cond3A_217 = arith.cmpi ne, %convert_element_type3A_215, %cond3A_216 : i32
    scf.if %cond3A_217 {
      %get3A = arith.constant 0 : index
      %get3A_324 = tpu.vector_load %arg8[%get3A] {strides = array<i32>} : memref<6528xi32, #tpu.memory_space<vmem>>, vector<16xi32>,
      %get3A_325 = arith.constant 0 : index
      %get3A_326 = tpu.vector_load %arg9[%get3A_325] {strides = array<i32>} : memref<6528xi32, #tpu.memory_space<vmem>>, vector<16xi32>,
      %lt3A_327 = vector.broadcast %scan3A_113#0 : i32 to vector<16xi32>
      %lt3A_328 = arith.cmpi slt, %iota3A, %lt3A_327 : vector<16xi32>
      %eq3A_329 = arith.constant 0 : i32
      %eq3A_330 = vector.broadcast %eq3A_329 : i32 to vector<16xi32>
      %eq3A_331 = arith.cmpi eq, %iota3A, %eq3A_330 : vector<16xi32>
      %select_n3A_332 = arith.select %eq3A_331, %get3A_324, %broadcast_in_dim3A_116 : vector<16xi1>, vector<16xi32>
      %reduce_max3A = arith.constant true
      %reduce_max3A_333 = vector.broadcast %reduce_max3A : i1 to vector<16xi1>
      %reduce_max3A_334 = arith.constant -2147483648 : i32
      %reduce_max3A_335 = vector.broadcast %reduce_max3A_334 : i32 to vector<16xi32>
      %reduce_max3A_336 = arith.xori %select_n3A_332, %reduce_max3A_335 : vector<16xi32>
      %reduce_max3A_337 = tpu.scan <max>, %reduce_max3A_336 masked %reduce_max3A_333 : vector<16xi32>, vector<16xi1> -> vector<16xi32>
      %reduce_max3A_338 = arith.xori %reduce_max3A_337, %reduce_max3A_335 : vector<16xi32>
      %reduce_max3A_339 = vector.extract %reduce_max3A_338[15] : i32 from vector<16xi32>
      %eq3A_340 = arith.constant 0 : i32
      %eq3A_341 = vector.broadcast %eq3A_340 : i32 to vector<16xi32>
      %eq3A_342 = arith.cmpi eq, %iota3A, %eq3A_341 : vector<16xi32>
      %select_n3A_343 = arith.select %eq3A_342, %get3A_326, %broadcast_in_dim3A_116 : vector<16xi1>, vector<16xi32>
      %reduce_max3A_344 = arith.constant true
      %reduce_max3A_345 = vector.broadcast %reduce_max3A_344 : i1 to vector<16xi1>
      %reduce_max3A_346 = arith.constant -2147483648 : i32
      %reduce_max3A_347 = vector.broadcast %reduce_max3A_346 : i32 to vector<16xi32>
      %reduce_max3A_348 = arith.xori %select_n3A_343, %reduce_max3A_347 : vector<16xi32>
      %reduce_max3A_349 = tpu.scan <max>, %reduce_max3A_348 masked %reduce_max3A_345 : vector<16xi32>, vector<16xi1> -> vector<16xi32>
      %reduce_max3A_350 = arith.xori %reduce_max3A_349, %reduce_max3A_347 : vector<16xi32>
      %reduce_max3A_351 = vector.extract %reduce_max3A_350[15] : i32 from vector<16xi32>
      %broadcast_in_dim3A_352 = vector.broadcast %reduce_max3A_339 : i32 to vector<16xi32>
      %select_n3A_353 = arith.select %lt3A_328, %get3A_324, %broadcast_in_dim3A_352 : vector<16xi1>, vector<16xi32>
      %dma_start3A = arith.constant 0 : i32
      %dma_start3A_354 = arith.constant 0 : i32
      %dma_start3A_355 = tpu.memref_slice %arg3[%dma_start3A, %dma_start3A_354] : memref<131072x128xf32, #tpu.memory_space<hbm>> -> memref<131072x128xf32, #tpu.memory_space<hbm>>
      tpu.enqueue_indirect_dma source(%dma_start3A_355 : memref<131072x128xf32, #tpu.memory_space<hbm>>) target(%arg12 : memref<16x128xf32, #tpu.memory_space<vmem>>) offsets(%select_n3A_353 : vector<16xi32>) semaphore(%arg21 : memref<!tpu.dma_semaphore, #tpu.memory_space<semaphore_mem>>)
      %dma_wait3A = arith.constant 0 : i32
      %dma_wait3A_356 = arith.constant 0 : i32
      %dma_wait3A_357 = tpu.memref_slice %arg3[%dma_wait3A, %dma_wait3A_356] : memref<131072x128xf32, #tpu.memory_space<hbm>> -> memref<131072x128xf32, #tpu.memory_space<hbm>>
      tpu.wait_indirect_dma semaphore(%arg21 : memref<!tpu.dma_semaphore, #tpu.memory_space<semaphore_mem>>) src(%dma_wait3A_357 : memref<131072x128xf32, #tpu.memory_space<hbm>>) dst(%arg12 : memref<16x128xf32, #tpu.memory_space<vmem>>)
      %broadcast_in_dim3A_358 = vector.broadcast %reduce_max3A_351 : i32 to vector<16xi32>
      %select_n3A_359 = arith.select %lt3A_328, %get3A_326, %broadcast_in_dim3A_358 : vector<16xi1>, vector<16xi32>
      %dma_start3A_360 = arith.constant 0 : i32
      %dma_start3A_361 = arith.constant 0 : i32
      %dma_start3A_362 = tpu.memref_slice %arg5[%dma_start3A_360, %dma_start3A_361] : memref<200000x128xf32, #tpu.memory_space<hbm>> -> memref<200000x128xf32, #tpu.memory_space<hbm>>
      tpu.enqueue_indirect_dma source(%arg12 : memref<16x128xf32, #tpu.memory_space<vmem>>) target(%dma_start3A_362 : memref<200000x128xf32, #tpu.memory_space<hbm>>) offsets(%select_n3A_359 : vector<16xi32>) semaphore(%arg21 : memref<!tpu.dma_semaphore, #tpu.memory_space<semaphore_mem>>)
      %dma_wait3A_363 = arith.constant 0 : i32
      %dma_wait3A_364 = arith.constant 0 : i32
      %dma_wait3A_365 = tpu.memref_slice %arg5[%dma_wait3A_363, %dma_wait3A_364] : memref<200000x128xf32, #tpu.memory_space<hbm>> -> memref<200000x128xf32, #tpu.memory_space<hbm>>
      tpu.wait_indirect_dma semaphore(%arg21 : memref<!tpu.dma_semaphore, #tpu.memory_space<semaphore_mem>>) src(%arg12 : memref<16x128xf32, #tpu.memory_space<vmem>>) dst(%dma_wait3A_365 : memref<200000x128xf32, #tpu.memory_space<hbm>>)
    } else {
    }
    %jit3A_218 = arith.constant 128 : i32
    %div3A_219 = arith.divsi %scan3A_113#1, %jit3A_218 : i32
    %sign3A_220 = arith.constant 0 : i32
    %sign3A_221 = arith.cmpi sgt, %scan3A_113#1, %sign3A_220 : i32
    %sign3A_222 = arith.extui %sign3A_221 : i1 to i32
    %sign3A_223 = arith.constant 0 : i32
    %sign3A_224 = arith.cmpi slt, %scan3A_113#1, %sign3A_223 : i32
    %sign3A_225 = arith.extui %sign3A_224 : i1 to i32
    %sign3A_226 = arith.subi %sign3A_222, %sign3A_225 : i32
    %sign3A_227 = arith.constant 0 : i32
    %sign3A_228 = arith.cmpi sgt, %jit3A_218, %sign3A_227 : i32
    %sign3A_229 = arith.extui %sign3A_228 : i1 to i32
    %sign3A_230 = arith.constant 0 : i32
    %sign3A_231 = arith.cmpi slt, %jit3A_218, %sign3A_230 : i32
    %sign3A_232 = arith.extui %sign3A_231 : i1 to i32
    %sign3A_233 = arith.subi %sign3A_229, %sign3A_232 : i32
    %ne3A_234 = arith.cmpi ne, %sign3A_226, %sign3A_233 : i32
    %rem3A_235 = arith.remsi %scan3A_113#1, %jit3A_218 : i32
    %ne3A_236 = arith.constant 0 : i32
    %ne3A_237 = arith.cmpi ne, %rem3A_235, %ne3A_236 : i32
    %and3A_238 = arith.andi %ne3A_234, %ne3A_237 : i1
    %sub3A_239 = arith.constant 1 : i32
    %sub3A_240 = arith.subi %div3A_219, %sub3A_239 : i32
    %select_n3A_241 = arith.select %and3A_238, %sub3A_240, %div3A_219 : i32
    %gt3A_242 = arith.constant 0 : i32
    %gt3A_243 = arith.cmpi sgt, %select_n3A_241, %gt3A_242 : i32
    %convert_element_type3A_244 = arith.extui %gt3A_243 : i1 to i32
    %cond3A_245 = arith.constant 0 : i32
    %cond3A_246 = arith.cmpi ne, %convert_element_type3A_244, %cond3A_245 : i32
    scf.if %cond3A_246 {
      %get3A = arith.constant 0 : index
      %get3A_324 = tpu.vector_load %arg10[%get3A] {strides = array<i32>} : memref<6528xi32, #tpu.memory_space<vmem>>, vector<16xi32>,
      %swap3A = arith.constant 0 : index
      %swap3A_325 = tpu.vector_load %arg13[%swap3A] {strides = array<i32>} : memref<128xi32, #tpu.memory_space<vmem>>, vector<16xi32>,
      tpu.vector_store %arg13[%swap3A], %get3A_324 {strides = array<i32>} : memref<128xi32, #tpu.memory_space<vmem>>, vector<16xi32>,
      %get3A_326 = arith.constant 16 : index
      %get3A_327 = tpu.vector_load %arg10[%get3A_326] {strides = array<i32>} : memref<6528xi32, #tpu.memory_space<vmem>>, vector<16xi32>,
      %swap3A_328 = arith.constant 16 : index
      %swap3A_329 = tpu.vector_load %arg13[%swap3A_328] {strides = array<i32>} : memref<128xi32, #tpu.memory_space<vmem>>, vector<16xi32>,
      tpu.vector_store %arg13[%swap3A_328], %get3A_327 {strides = array<i32>} : memref<128xi32, #tpu.memory_space<vmem>>, vector<16xi32>,
      %get3A_330 = arith.constant 32 : index
      %get3A_331 = tpu.vector_load %arg10[%get3A_330] {strides = array<i32>} : memref<6528xi32, #tpu.memory_space<vmem>>, vector<16xi32>,
      %swap3A_332 = arith.constant 32 : index
      %swap3A_333 = tpu.vector_load %arg13[%swap3A_332] {strides = array<i32>} : memref<128xi32, #tpu.memory_space<vmem>>, vector<16xi32>,
      tpu.vector_store %arg13[%swap3A_332], %get3A_331 {strides = array<i32>} : memref<128xi32, #tpu.memory_space<vmem>>, vector<16xi32>,
      %get3A_334 = arith.constant 48 : index
      %get3A_335 = tpu.vector_load %arg10[%get3A_334] {strides = array<i32>} : memref<6528xi32, #tpu.memory_space<vmem>>, vector<16xi32>,
      %swap3A_336 = arith.constant 48 : index
      %swap3A_337 = tpu.vector_load %arg13[%swap3A_336] {strides = array<i32>} : memref<128xi32, #tpu.memory_space<vmem>>, vector<16xi32>,
      tpu.vector_store %arg13[%swap3A_336], %get3A_335 {strides = array<i32>} : memref<128xi32, #tpu.memory_space<vmem>>, vector<16xi32>,
      %get3A_338 = arith.constant 64 : index
      %get3A_339 = tpu.vector_load %arg10[%get3A_338] {strides = array<i32>} : memref<6528xi32, #tpu.memory_space<vmem>>, vector<16xi32>,
      %swap3A_340 = arith.constant 64 : index
      %swap3A_341 = tpu.vector_load %arg13[%swap3A_340] {strides = array<i32>} : memref<128xi32, #tpu.memory_space<vmem>>, vector<16xi32>,
      tpu.vector_store %arg13[%swap3A_340], %get3A_339 {strides = array<i32>} : memref<128xi32, #tpu.memory_space<vmem>>, vector<16xi32>,
      %get3A_342 = arith.constant 80 : index
      %get3A_343 = tpu.vector_load %arg10[%get3A_342] {strides = array<i32>} : memref<6528xi32, #tpu.memory_space<vmem>>, vector<16xi32>,
      %swap3A_344 = arith.constant 80 : index
      %swap3A_345 = tpu.vector_load %arg13[%swap3A_344] {strides = array<i32>} : memref<128xi32, #tpu.memory_space<vmem>>, vector<16xi32>,
      tpu.vector_store %arg13[%swap3A_344], %get3A_343 {strides = array<i32>} : memref<128xi32, #tpu.memory_space<vmem>>, vector<16xi32>,
      %get3A_346 = arith.constant 96 : index
      %get3A_347 = tpu.vector_load %arg10[%get3A_346] {strides = array<i32>} : memref<6528xi32, #tpu.memory_space<vmem>>, vector<16xi32>,
      %swap3A_348 = arith.constant 96 : index
      %swap3A_349 = tpu.vector_load %arg13[%swap3A_348] {strides = array<i32>} : memref<128xi32, #tpu.memory_space<vmem>>, vector<16xi32>,
      tpu.vector_store %arg13[%swap3A_348], %get3A_347 {strides = array<i32>} : memref<128xi32, #tpu.memory_space<vmem>>, vector<16xi32>,
      %get3A_350 = arith.constant 112 : index
      %get3A_351 = tpu.vector_load %arg10[%get3A_350] {strides = array<i32>} : memref<6528xi32, #tpu.memory_space<vmem>>, vector<16xi32>,
      %swap3A_352 = arith.constant 112 : index
      %swap3A_353 = tpu.vector_load %arg13[%swap3A_352] {strides = array<i32>} : memref<128xi32, #tpu.memory_space<vmem>>, vector<16xi32>,
      tpu.vector_store %arg13[%swap3A_352], %get3A_351 {strides = array<i32>} : memref<128xi32, #tpu.memory_space<vmem>>, vector<16xi32>,
      %dma_start3A = arith.constant 0 : i32
      %dma_start3A_354 = arith.constant 0 : i32
      %dma_start3A_355 = arith.constant 0 : i32
      %dma_start3A_356 = tpu.memref_slice %arg11[%dma_start3A, %dma_start3A_354, %dma_start3A_355] : memref<2x128x128xf32, #tpu.memory_space<vmem>> -> memref<1x128x128xf32, #tpu.memory_space<vmem>>
      %dma_start3A_357 = tpu.memref_squeeze %dma_start3A_356 : memref<1x128x128xf32, #tpu.memory_space<vmem>> -> memref<128x128xf32, #tpu.memory_space<vmem>>
      %dma_start3A_358 = arith.constant 0 : i32
      %dma_start3A_359 = arith.constant 0 : i32
      %dma_start3A_360 = tpu.memref_slice %arg2[%dma_start3A_358, %dma_start3A_359] : memref<200000x128xf32, #tpu.memory_space<hbm>> -> memref<200000x128xf32, #tpu.memory_space<hbm>>
      tpu.enqueue_indirect_dma source(%dma_start3A_360 : memref<200000x128xf32, #tpu.memory_space<hbm>>) target(%dma_start3A_357 : memref<128x128xf32, #tpu.memory_space<vmem>>) offsets(%arg13 : memref<128xi32, #tpu.memory_space<vmem>>) semaphore(%arg17 : memref<!tpu.dma_semaphore, #tpu.memory_space<semaphore_mem>>)
    } else {
    }
    %while3A_247 = arith.constant 0 : i32
    %while3A_248 = arith.constant 0 : i32
    %while3A_249 = arith.subi %select_n3A_241, %while3A_248 : i32
    %while3A_250 = arith.addi %while3A_248, %while3A_249 : i32
    %while3A_251 = arith.constant 1 : i32
    %while3A_252 = arith.divsi %while3A_249, %while3A_251 : i32
    %while3A_253 = arith.muli %while3A_252, %while3A_251 : i32
    %while3A_254 = arith.addi %while3A_248, %while3A_253 : i32
    %while3A_255 = arith.constant 1 : i32
    scf.for %while3A_324 = %while3A_248 to %while3A_254 step %while3A_255  : i32 {
      %jit3A_325 = arith.constant 2 : i32
      %eq3A_326 = arith.constant 0 : i32
      %eq3A_327 = arith.cmpi eq, %jit3A_325, %eq3A_326 : i32
      %jit3A_328 = arith.constant 1 : i32
      %select_n3A_329 = arith.select %eq3A_327, %jit3A_328, %jit3A_325 : i32
      %rem3A_330 = arith.remsi %while3A_324, %select_n3A_329 : i32
      %ne3A_331 = arith.constant 0 : i32
      %ne3A_332 = arith.cmpi ne, %rem3A_330, %ne3A_331 : i32
      %lt3A_333 = arith.constant 0 : i32
      %lt3A_334 = arith.cmpi slt, %rem3A_330, %lt3A_333 : i32
      %lt3A_335 = arith.constant 0 : i32
      %lt3A_336 = arith.cmpi slt, %select_n3A_329, %lt3A_335 : i32
      %ne3A_337 = arith.xori %lt3A_334, %lt3A_336 : i1
      %and3A_338 = arith.andi %ne3A_337, %ne3A_332 : i1
      %add3A_339 = arith.addi %rem3A_330, %select_n3A_329 : i32
      %select_n3A_340 = arith.select %and3A_338, %add3A_339, %rem3A_330 : i32
      %eq3A_341 = arith.constant 0 : i32
      %eq3A_342 = arith.cmpi eq, %select_n3A_340, %eq3A_341 : i32
      %add3A_343 = arith.constant 1 : i32
      %add3A_344 = arith.addi %while3A_324, %add3A_343 : i32
      %lt3A_345 = arith.cmpi slt, %add3A_344, %select_n3A_241 : i32
      %ge3A_346 = arith.constant 1 : i32
      %ge3A_347 = arith.cmpi sge, %while3A_324, %ge3A_346 : i32
      %and3A_348 = arith.andi %lt3A_345, %ge3A_347 : i1
      %convert_element_type3A_349 = arith.extui %and3A_348 : i1 to i32
      %cond3A_350 = arith.constant 0 : i32
      %cond3A_351 = arith.cmpi ne, %convert_element_type3A_349, %cond3A_350 : i32
      scf.if %cond3A_351 {
        %convert_element_type3A_365 = arith.extui %eq3A_342 : i1 to i32
        %cond3A_366 = arith.constant 0 : i32
        %cond3A_367 = arith.cmpi ne, %convert_element_type3A_365, %cond3A_366 : i32
        scf.if %cond3A_367 {
          %dma_wait3A = arith.constant 1 : i32
          %dma_wait3A_373 = arith.constant 0 : i32
          %dma_wait3A_374 = arith.constant 0 : i32
          %dma_wait3A_375 = tpu.memref_slice %arg11[%dma_wait3A, %dma_wait3A_373, %dma_wait3A_374] : memref<2x128x128xf32, #tpu.memory_space<vmem>> -> memref<1x128x128xf32, #tpu.memory_space<vmem>>
          %dma_wait3A_376 = tpu.memref_squeeze %dma_wait3A_375 : memref<1x128x128xf32, #tpu.memory_space<vmem>> -> memref<128x128xf32, #tpu.memory_space<vmem>>
          %dma_wait3A_377 = arith.constant 0 : i32
          %dma_wait3A_378 = arith.constant 0 : i32
          %dma_wait3A_379 = tpu.memref_slice %arg5[%dma_wait3A_377, %dma_wait3A_378] : memref<200000x128xf32, #tpu.memory_space<hbm>> -> memref<200000x128xf32, #tpu.memory_space<hbm>>
          tpu.wait_indirect_dma semaphore(%arg20 : memref<!tpu.dma_semaphore, #tpu.memory_space<semaphore_mem>>) src(%dma_wait3A_376 : memref<128x128xf32, #tpu.memory_space<vmem>>) dst(%dma_wait3A_379 : memref<200000x128xf32, #tpu.memory_space<hbm>>)
        } else {
        }
        %not3A_368 = arith.constant true
        %not3A_369 = arith.xori %eq3A_342, %not3A_368 : i1
        %convert_element_type3A_370 = arith.extui %not3A_369 : i1 to i32
        %cond3A_371 = arith.constant 0 : i32
        %cond3A_372 = arith.cmpi ne, %convert_element_type3A_370, %cond3A_371 : i32
        scf.if %cond3A_372 {
          %dma_wait3A = arith.constant 0 : i32
          %dma_wait3A_373 = arith.constant 0 : i32
          %dma_wait3A_374 = arith.constant 0 : i32
          %dma_wait3A_375 = tpu.memref_slice %arg11[%dma_wait3A, %dma_wait3A_373, %dma_wait3A_374] : memref<2x128x128xf32, #tpu.memory_space<vmem>> -> memref<1x128x128xf32, #tpu.memory_space<vmem>>
          %dma_wait3A_376 = tpu.memref_squeeze %dma_wait3A_375 : memref<1x128x128xf32, #tpu.memory_space<vmem>> -> memref<128x128xf32, #tpu.memory_space<vmem>>
          %dma_wait3A_377 = arith.constant 0 : i32
          %dma_wait3A_378 = arith.constant 0 : i32
          %dma_wait3A_379 = tpu.memref_slice %arg5[%dma_wait3A_377, %dma_wait3A_378] : memref<200000x128xf32, #tpu.memory_space<hbm>> -> memref<200000x128xf32, #tpu.memory_space<hbm>>
          tpu.wait_indirect_dma semaphore(%arg19 : memref<!tpu.dma_semaphore, #tpu.memory_space<semaphore_mem>>) src(%dma_wait3A_376 : memref<128x128xf32, #tpu.memory_space<vmem>>) dst(%dma_wait3A_379 : memref<200000x128xf32, #tpu.memory_space<hbm>>)
        } else {
        }
      } else {
      }
      %add3A_352 = arith.constant 1 : i32
      %add3A_353 = arith.addi %while3A_324, %add3A_352 : i32
      %lt3A_354 = arith.cmpi slt, %add3A_353, %select_n3A_241 : i32
      %convert_element_type3A_355 = arith.extui %lt3A_354 : i1 to i32
      %cond3A_356 = arith.constant 0 : i32
      %cond3A_357 = arith.cmpi ne, %convert_element_type3A_355, %cond3A_356 : i32
      scf.if %cond3A_357 {
        %convert_element_type3A_365 = arith.extui %eq3A_342 : i1 to i32
        %cond3A_366 = arith.constant 0 : i32
        %cond3A_367 = arith.cmpi ne, %convert_element_type3A_365, %cond3A_366 : i32
        scf.if %cond3A_367 {
          %add3A_373 = arith.constant 1 : i32
          %add3A_374 = arith.addi %while3A_324, %add3A_373 : i32
          %mul3A_375 = arith.constant 128 : i32
          %mul3A_376 = arith.muli %add3A_374, %mul3A_375 : i32
          %add3A_377 = arith.constant 0 : i32
          %add3A_378 = arith.addi %mul3A_376, %add3A_377 : i32
          %get3A = arith.index_cast %add3A_378 : i32 to index
          %get3A_379 = tpu.vector_load %arg10[%get3A] {strides = array<i32>} : memref<6528xi32, #tpu.memory_space<vmem>>, vector<16xi32>,
          %swap3A = arith.constant 0 : index
          %swap3A_380 = tpu.vector_load %arg14[%swap3A] {strides = array<i32>} : memref<128xi32, #tpu.memory_space<vmem>>, vector<16xi32>,
          tpu.vector_store %arg14[%swap3A], %get3A_379 {strides = array<i32>} : memref<128xi32, #tpu.memory_space<vmem>>, vector<16xi32>,
          %mul3A_381 = arith.constant 128 : i32
          %mul3A_382 = arith.muli %add3A_374, %mul3A_381 : i32
          %add3A_383 = arith.constant 16 : i32
          %add3A_384 = arith.addi %mul3A_382, %add3A_383 : i32
          %get3A_385 = arith.index_cast %add3A_384 : i32 to index
          %get3A_386 = tpu.vector_load %arg10[%get3A_385] {strides = array<i32>} : memref<6528xi32, #tpu.memory_space<vmem>>, vector<16xi32>,
          %swap3A_387 = arith.constant 16 : index
          %swap3A_388 = tpu.vector_load %arg14[%swap3A_387] {strides = array<i32>} : memref<128xi32, #tpu.memory_space<vmem>>, vector<16xi32>,
          tpu.vector_store %arg14[%swap3A_387], %get3A_386 {strides = array<i32>} : memref<128xi32, #tpu.memory_space<vmem>>, vector<16xi32>,
          %mul3A_389 = arith.constant 128 : i32
          %mul3A_390 = arith.muli %add3A_374, %mul3A_389 : i32
          %add3A_391 = arith.constant 32 : i32
          %add3A_392 = arith.addi %mul3A_390, %add3A_391 : i32
          %get3A_393 = arith.index_cast %add3A_392 : i32 to index
          %get3A_394 = tpu.vector_load %arg10[%get3A_393] {strides = array<i32>} : memref<6528xi32, #tpu.memory_space<vmem>>, vector<16xi32>,
          %swap3A_395 = arith.constant 32 : index
          %swap3A_396 = tpu.vector_load %arg14[%swap3A_395] {strides = array<i32>} : memref<128xi32, #tpu.memory_space<vmem>>, vector<16xi32>,
          tpu.vector_store %arg14[%swap3A_395], %get3A_394 {strides = array<i32>} : memref<128xi32, #tpu.memory_space<vmem>>, vector<16xi32>,
          %mul3A_397 = arith.constant 128 : i32
          %mul3A_398 = arith.muli %add3A_374, %mul3A_397 : i32
          %add3A_399 = arith.constant 48 : i32
          %add3A_400 = arith.addi %mul3A_398, %add3A_399 : i32
          %get3A_401 = arith.index_cast %add3A_400 : i32 to index
          %get3A_402 = tpu.vector_load %arg10[%get3A_401] {strides = array<i32>} : memref<6528xi32, #tpu.memory_space<vmem>>, vector<16xi32>,
          %swap3A_403 = arith.constant 48 : index
          %swap3A_404 = tpu.vector_load %arg14[%swap3A_403] {strides = array<i32>} : memref<128xi32, #tpu.memory_space<vmem>>, vector<16xi32>,
          tpu.vector_store %arg14[%swap3A_403], %get3A_402 {strides = array<i32>} : memref<128xi32, #tpu.memory_space<vmem>>, vector<16xi32>,
          %mul3A_405 = arith.constant 128 : i32
          %mul3A_406 = arith.muli %add3A_374, %mul3A_405 : i32
          %add3A_407 = arith.constant 64 : i32
          %add3A_408 = arith.addi %mul3A_406, %add3A_407 : i32
          %get3A_409 = arith.index_cast %add3A_408 : i32 to index
          %get3A_410 = tpu.vector_load %arg10[%get3A_409] {strides = array<i32>} : memref<6528xi32, #tpu.memory_space<vmem>>, vector<16xi32>,
          %swap3A_411 = arith.constant 64 : index
          %swap3A_412 = tpu.vector_load %arg14[%swap3A_411] {strides = array<i32>} : memref<128xi32, #tpu.memory_space<vmem>>, vector<16xi32>,
          tpu.vector_store %arg14[%swap3A_411], %get3A_410 {strides = array<i32>} : memref<128xi32, #tpu.memory_space<vmem>>, vector<16xi32>,
          %mul3A_413 = arith.constant 128 : i32
          %mul3A_414 = arith.muli %add3A_374, %mul3A_413 : i32
          %add3A_415 = arith.constant 80 : i32
          %add3A_416 = arith.addi %mul3A_414, %add3A_415 : i32
          %get3A_417 = arith.index_cast %add3A_416 : i32 to index
          %get3A_418 = tpu.vector_load %arg10[%get3A_417] {strides = array<i32>} : memref<6528xi32, #tpu.memory_space<vmem>>, vector<16xi32>,
          %swap3A_419 = arith.constant 80 : index
          %swap3A_420 = tpu.vector_load %arg14[%swap3A_419] {strides = array<i32>} : memref<128xi32, #tpu.memory_space<vmem>>, vector<16xi32>,
          tpu.vector_store %arg14[%swap3A_419], %get3A_418 {strides = array<i32>} : memref<128xi32, #tpu.memory_space<vmem>>, vector<16xi32>,
          %mul3A_421 = arith.constant 128 : i32
          %mul3A_422 = arith.muli %add3A_374, %mul3A_421 : i32
          %add3A_423 = arith.constant 96 : i32
          %add3A_424 = arith.addi %mul3A_422, %add3A_423 : i32
          %get3A_425 = arith.index_cast %add3A_424 : i32 to index
          %get3A_426 = tpu.vector_load %arg10[%get3A_425] {strides = array<i32>} : memref<6528xi32, #tpu.memory_space<vmem>>, vector<16xi32>,
          %swap3A_427 = arith.constant 96 : index
          %swap3A_428 = tpu.vector_load %arg14[%swap3A_427] {strides = array<i32>} : memref<128xi32, #tpu.memory_space<vmem>>, vector<16xi32>,
          tpu.vector_store %arg14[%swap3A_427], %get3A_426 {strides = array<i32>} : memref<128xi32, #tpu.memory_space<vmem>>, vector<16xi32>,
          %mul3A_429 = arith.constant 128 : i32
          %mul3A_430 = arith.muli %add3A_374, %mul3A_429 : i32
          %add3A_431 = arith.constant 112 : i32
          %add3A_432 = arith.addi %mul3A_430, %add3A_431 : i32
          %get3A_433 = arith.index_cast %add3A_432 : i32 to index
          %get3A_434 = tpu.vector_load %arg10[%get3A_433] {strides = array<i32>} : memref<6528xi32, #tpu.memory_space<vmem>>, vector<16xi32>,
          %swap3A_435 = arith.constant 112 : index
          %swap3A_436 = tpu.vector_load %arg14[%swap3A_435] {strides = array<i32>} : memref<128xi32, #tpu.memory_space<vmem>>, vector<16xi32>,
          tpu.vector_store %arg14[%swap3A_435], %get3A_434 {strides = array<i32>} : memref<128xi32, #tpu.memory_space<vmem>>, vector<16xi32>,
          %dma_start3A = arith.constant 1 : i32
          %dma_start3A_437 = arith.constant 0 : i32
          %dma_start3A_438 = arith.constant 0 : i32
          %dma_start3A_439 = tpu.memref_slice %arg11[%dma_start3A, %dma_start3A_437, %dma_start3A_438] : memref<2x128x128xf32, #tpu.memory_space<vmem>> -> memref<1x128x128xf32, #tpu.memory_space<vmem>>
          %dma_start3A_440 = tpu.memref_squeeze %dma_start3A_439 : memref<1x128x128xf32, #tpu.memory_space<vmem>> -> memref<128x128xf32, #tpu.memory_space<vmem>>
          %dma_start3A_441 = arith.constant 0 : i32
          %dma_start3A_442 = arith.constant 0 : i32
          %dma_start3A_443 = tpu.memref_slice %arg2[%dma_start3A_441, %dma_start3A_442] : memref<200000x128xf32, #tpu.memory_space<hbm>> -> memref<200000x128xf32, #tpu.memory_space<hbm>>
          tpu.enqueue_indirect_dma source(%dma_start3A_443 : memref<200000x128xf32, #tpu.memory_space<hbm>>) target(%dma_start3A_440 : memref<128x128xf32, #tpu.memory_space<vmem>>) offsets(%arg14 : memref<128xi32, #tpu.memory_space<vmem>>) semaphore(%arg18 : memref<!tpu.dma_semaphore, #tpu.memory_space<semaphore_mem>>)
        } else {
        }
        %not3A_368 = arith.constant true
        %not3A_369 = arith.xori %eq3A_342, %not3A_368 : i1
        %convert_element_type3A_370 = arith.extui %not3A_369 : i1 to i32
        %cond3A_371 = arith.constant 0 : i32
        %cond3A_372 = arith.cmpi ne, %convert_element_type3A_370, %cond3A_371 : i32
        scf.if %cond3A_372 {
          %add3A_373 = arith.constant 1 : i32
          %add3A_374 = arith.addi %while3A_324, %add3A_373 : i32
          %mul3A_375 = arith.constant 128 : i32
          %mul3A_376 = arith.muli %add3A_374, %mul3A_375 : i32
          %add3A_377 = arith.constant 0 : i32
          %add3A_378 = arith.addi %mul3A_376, %add3A_377 : i32
          %get3A = arith.index_cast %add3A_378 : i32 to index
          %get3A_379 = tpu.vector_load %arg10[%get3A] {strides = array<i32>} : memref<6528xi32, #tpu.memory_space<vmem>>, vector<16xi32>,
          %swap3A = arith.constant 0 : index
          %swap3A_380 = tpu.vector_load %arg13[%swap3A] {strides = array<i32>} : memref<128xi32, #tpu.memory_space<vmem>>, vector<16xi32>,
          tpu.vector_store %arg13[%swap3A], %get3A_379 {strides = array<i32>} : memref<128xi32, #tpu.memory_space<vmem>>, vector<16xi32>,
          %mul3A_381 = arith.constant 128 : i32
          %mul3A_382 = arith.muli %add3A_374, %mul3A_381 : i32
          %add3A_383 = arith.constant 16 : i32
          %add3A_384 = arith.addi %mul3A_382, %add3A_383 : i32
          %get3A_385 = arith.index_cast %add3A_384 : i32 to index
          %get3A_386 = tpu.vector_load %arg10[%get3A_385] {strides = array<i32>} : memref<6528xi32, #tpu.memory_space<vmem>>, vector<16xi32>,
          %swap3A_387 = arith.constant 16 : index
          %swap3A_388 = tpu.vector_load %arg13[%swap3A_387] {strides = array<i32>} : memref<128xi32, #tpu.memory_space<vmem>>, vector<16xi32>,
          tpu.vector_store %arg13[%swap3A_387], %get3A_386 {strides = array<i32>} : memref<128xi32, #tpu.memory_space<vmem>>, vector<16xi32>,
          %mul3A_389 = arith.constant 128 : i32
          %mul3A_390 = arith.muli %add3A_374, %mul3A_389 : i32
          %add3A_391 = arith.constant 32 : i32
          %add3A_392 = arith.addi %mul3A_390, %add3A_391 : i32
          %get3A_393 = arith.index_cast %add3A_392 : i32 to index
          %get3A_394 = tpu.vector_load %arg10[%get3A_393] {strides = array<i32>} : memref<6528xi32, #tpu.memory_space<vmem>>, vector<16xi32>,
          %swap3A_395 = arith.constant 32 : index
          %swap3A_396 = tpu.vector_load %arg13[%swap3A_395] {strides = array<i32>} : memref<128xi32, #tpu.memory_space<vmem>>, vector<16xi32>,
          tpu.vector_store %arg13[%swap3A_395], %get3A_394 {strides = array<i32>} : memref<128xi32, #tpu.memory_space<vmem>>, vector<16xi32>,
          %mul3A_397 = arith.constant 128 : i32
          %mul3A_398 = arith.muli %add3A_374, %mul3A_397 : i32
          %add3A_399 = arith.constant 48 : i32
          %add3A_400 = arith.addi %mul3A_398, %add3A_399 : i32
          %get3A_401 = arith.index_cast %add3A_400 : i32 to index
          %get3A_402 = tpu.vector_load %arg10[%get3A_401] {strides = array<i32>} : memref<6528xi32, #tpu.memory_space<vmem>>, vector<16xi32>,
          %swap3A_403 = arith.constant 48 : index
          %swap3A_404 = tpu.vector_load %arg13[%swap3A_403] {strides = array<i32>} : memref<128xi32, #tpu.memory_space<vmem>>, vector<16xi32>,
          tpu.vector_store %arg13[%swap3A_403], %get3A_402 {strides = array<i32>} : memref<128xi32, #tpu.memory_space<vmem>>, vector<16xi32>,
          %mul3A_405 = arith.constant 128 : i32
          %mul3A_406 = arith.muli %add3A_374, %mul3A_405 : i32
          %add3A_407 = arith.constant 64 : i32
          %add3A_408 = arith.addi %mul3A_406, %add3A_407 : i32
          %get3A_409 = arith.index_cast %add3A_408 : i32 to index
          %get3A_410 = tpu.vector_load %arg10[%get3A_409] {strides = array<i32>} : memref<6528xi32, #tpu.memory_space<vmem>>, vector<16xi32>,
          %swap3A_411 = arith.constant 64 : index
          %swap3A_412 = tpu.vector_load %arg13[%swap3A_411] {strides = array<i32>} : memref<128xi32, #tpu.memory_space<vmem>>, vector<16xi32>,
          tpu.vector_store %arg13[%swap3A_411], %get3A_410 {strides = array<i32>} : memref<128xi32, #tpu.memory_space<vmem>>, vector<16xi32>,
          %mul3A_413 = arith.constant 128 : i32
          %mul3A_414 = arith.muli %add3A_374, %mul3A_413 : i32
          %add3A_415 = arith.constant 80 : i32
          %add3A_416 = arith.addi %mul3A_414, %add3A_415 : i32
          %get3A_417 = arith.index_cast %add3A_416 : i32 to index
          %get3A_418 = tpu.vector_load %arg10[%get3A_417] {strides = array<i32>} : memref<6528xi32, #tpu.memory_space<vmem>>, vector<16xi32>,
          %swap3A_419 = arith.constant 80 : index
          %swap3A_420 = tpu.vector_load %arg13[%swap3A_419] {strides = array<i32>} : memref<128xi32, #tpu.memory_space<vmem>>, vector<16xi32>,
          tpu.vector_store %arg13[%swap3A_419], %get3A_418 {strides = array<i32>} : memref<128xi32, #tpu.memory_space<vmem>>, vector<16xi32>,
          %mul3A_421 = arith.constant 128 : i32
          %mul3A_422 = arith.muli %add3A_374, %mul3A_421 : i32
          %add3A_423 = arith.constant 96 : i32
          %add3A_424 = arith.addi %mul3A_422, %add3A_423 : i32
          %get3A_425 = arith.index_cast %add3A_424 : i32 to index
          %get3A_426 = tpu.vector_load %arg10[%get3A_425] {strides = array<i32>} : memref<6528xi32, #tpu.memory_space<vmem>>, vector<16xi32>,
          %swap3A_427 = arith.constant 96 : index
          %swap3A_428 = tpu.vector_load %arg13[%swap3A_427] {strides = array<i32>} : memref<128xi32, #tpu.memory_space<vmem>>, vector<16xi32>,
          tpu.vector_store %arg13[%swap3A_427], %get3A_426 {strides = array<i32>} : memref<128xi32, #tpu.memory_space<vmem>>, vector<16xi32>,
          %mul3A_429 = arith.constant 128 : i32
          %mul3A_430 = arith.muli %add3A_374, %mul3A_429 : i32
          %add3A_431 = arith.constant 112 : i32
          %add3A_432 = arith.addi %mul3A_430, %add3A_431 : i32
          %get3A_433 = arith.index_cast %add3A_432 : i32 to index
          %get3A_434 = tpu.vector_load %arg10[%get3A_433] {strides = array<i32>} : memref<6528xi32, #tpu.memory_space<vmem>>, vector<16xi32>,
          %swap3A_435 = arith.constant 112 : index
          %swap3A_436 = tpu.vector_load %arg13[%swap3A_435] {strides = array<i32>} : memref<128xi32, #tpu.memory_space<vmem>>, vector<16xi32>,
          tpu.vector_store %arg13[%swap3A_435], %get3A_434 {strides = array<i32>} : memref<128xi32, #tpu.memory_space<vmem>>, vector<16xi32>,
          %dma_start3A = arith.constant 0 : i32
          %dma_start3A_437 = arith.constant 0 : i32
          %dma_start3A_438 = arith.constant 0 : i32
          %dma_start3A_439 = tpu.memref_slice %arg11[%dma_start3A, %dma_start3A_437, %dma_start3A_438] : memref<2x128x128xf32, #tpu.memory_space<vmem>> -> memref<1x128x128xf32, #tpu.memory_space<vmem>>
          %dma_start3A_440 = tpu.memref_squeeze %dma_start3A_439 : memref<1x128x128xf32, #tpu.memory_space<vmem>> -> memref<128x128xf32, #tpu.memory_space<vmem>>
          %dma_start3A_441 = arith.constant 0 : i32
          %dma_start3A_442 = arith.constant 0 : i32
          %dma_start3A_443 = tpu.memref_slice %arg2[%dma_start3A_441, %dma_start3A_442] : memref<200000x128xf32, #tpu.memory_space<hbm>> -> memref<200000x128xf32, #tpu.memory_space<hbm>>
          tpu.enqueue_indirect_dma source(%dma_start3A_443 : memref<200000x128xf32, #tpu.memory_space<hbm>>) target(%dma_start3A_440 : memref<128x128xf32, #tpu.memory_space<vmem>>) offsets(%arg13 : memref<128xi32, #tpu.memory_space<vmem>>) semaphore(%arg17 : memref<!tpu.dma_semaphore, #tpu.memory_space<semaphore_mem>>)
        } else {
        }
      } else {
      }
      %convert_element_type3A_358 = arith.extui %eq3A_342 : i1 to i32
      %cond3A_359 = arith.constant 0 : i32
      %cond3A_360 = arith.cmpi ne, %convert_element_type3A_358, %cond3A_359 : i32
      scf.if %cond3A_360 {
        %dma_wait3A = arith.constant 0 : i32
        %dma_wait3A_365 = arith.constant 0 : i32
        %dma_wait3A_366 = arith.constant 0 : i32
        %dma_wait3A_367 = tpu.memref_slice %arg11[%dma_wait3A, %dma_wait3A_365, %dma_wait3A_366] : memref<2x128x128xf32, #tpu.memory_space<vmem>> -> memref<1x128x128xf32, #tpu.memory_space<vmem>>
        %dma_wait3A_368 = tpu.memref_squeeze %dma_wait3A_367 : memref<1x128x128xf32, #tpu.memory_space<vmem>> -> memref<128x128xf32, #tpu.memory_space<vmem>>
        %dma_wait3A_369 = arith.constant 0 : i32
        %dma_wait3A_370 = arith.constant 0 : i32
        %dma_wait3A_371 = tpu.memref_slice %arg2[%dma_wait3A_369, %dma_wait3A_370] : memref<200000x128xf32, #tpu.memory_space<hbm>> -> memref<200000x128xf32, #tpu.memory_space<hbm>>
        tpu.wait_indirect_dma semaphore(%arg17 : memref<!tpu.dma_semaphore, #tpu.memory_space<semaphore_mem>>) src(%dma_wait3A_371 : memref<200000x128xf32, #tpu.memory_space<hbm>>) dst(%dma_wait3A_368 : memref<128x128xf32, #tpu.memory_space<vmem>>)
        %mul3A_372 = arith.constant 128 : i32
        %mul3A_373 = arith.muli %while3A_324, %mul3A_372 : i32
        %add3A_374 = arith.constant 0 : i32
        %add3A_375 = arith.addi %mul3A_373, %add3A_374 : i32
        %get3A = arith.index_cast %add3A_375 : i32 to index
        %get3A_376 = tpu.vector_load %arg10[%get3A] {strides = array<i32>} : memref<6528xi32, #tpu.memory_space<vmem>>, vector<16xi32>,
        %swap3A = arith.constant 0 : index
        %swap3A_377 = tpu.vector_load %arg15[%swap3A] {strides = array<i32>} : memref<128xi32, #tpu.memory_space<vmem>>, vector<16xi32>,
        tpu.vector_store %arg15[%swap3A], %get3A_376 {strides = array<i32>} : memref<128xi32, #tpu.memory_space<vmem>>, vector<16xi32>,
        %mul3A_378 = arith.constant 128 : i32
        %mul3A_379 = arith.muli %while3A_324, %mul3A_378 : i32
        %add3A_380 = arith.constant 16 : i32
        %add3A_381 = arith.addi %mul3A_379, %add3A_380 : i32
        %get3A_382 = arith.index_cast %add3A_381 : i32 to index
        %get3A_383 = tpu.vector_load %arg10[%get3A_382] {strides = array<i32>} : memref<6528xi32, #tpu.memory_space<vmem>>, vector<16xi32>,
        %swap3A_384 = arith.constant 16 : index
        %swap3A_385 = tpu.vector_load %arg15[%swap3A_384] {strides = array<i32>} : memref<128xi32, #tpu.memory_space<vmem>>, vector<16xi32>,
        tpu.vector_store %arg15[%swap3A_384], %get3A_383 {strides = array<i32>} : memref<128xi32, #tpu.memory_space<vmem>>, vector<16xi32>,
        %mul3A_386 = arith.constant 128 : i32
        %mul3A_387 = arith.muli %while3A_324, %mul3A_386 : i32
        %add3A_388 = arith.constant 32 : i32
        %add3A_389 = arith.addi %mul3A_387, %add3A_388 : i32
        %get3A_390 = arith.index_cast %add3A_389 : i32 to index
        %get3A_391 = tpu.vector_load %arg10[%get3A_390] {strides = array<i32>} : memref<6528xi32, #tpu.memory_space<vmem>>, vector<16xi32>,
        %swap3A_392 = arith.constant 32 : index
        %swap3A_393 = tpu.vector_load %arg15[%swap3A_392] {strides = array<i32>} : memref<128xi32, #tpu.memory_space<vmem>>, vector<16xi32>,
        tpu.vector_store %arg15[%swap3A_392], %get3A_391 {strides = array<i32>} : memref<128xi32, #tpu.memory_space<vmem>>, vector<16xi32>,
        %mul3A_394 = arith.constant 128 : i32
        %mul3A_395 = arith.muli %while3A_324, %mul3A_394 : i32
        %add3A_396 = arith.constant 48 : i32
        %add3A_397 = arith.addi %mul3A_395, %add3A_396 : i32
        %get3A_398 = arith.index_cast %add3A_397 : i32 to index
        %get3A_399 = tpu.vector_load %arg10[%get3A_398] {strides = array<i32>} : memref<6528xi32, #tpu.memory_space<vmem>>, vector<16xi32>,
        %swap3A_400 = arith.constant 48 : index
        %swap3A_401 = tpu.vector_load %arg15[%swap3A_400] {strides = array<i32>} : memref<128xi32, #tpu.memory_space<vmem>>, vector<16xi32>,
        tpu.vector_store %arg15[%swap3A_400], %get3A_399 {strides = array<i32>} : memref<128xi32, #tpu.memory_space<vmem>>, vector<16xi32>,
        %mul3A_402 = arith.constant 128 : i32
        %mul3A_403 = arith.muli %while3A_324, %mul3A_402 : i32
        %add3A_404 = arith.constant 64 : i32
        %add3A_405 = arith.addi %mul3A_403, %add3A_404 : i32
        %get3A_406 = arith.index_cast %add3A_405 : i32 to index
        %get3A_407 = tpu.vector_load %arg10[%get3A_406] {strides = array<i32>} : memref<6528xi32, #tpu.memory_space<vmem>>, vector<16xi32>,
        %swap3A_408 = arith.constant 64 : index
        %swap3A_409 = tpu.vector_load %arg15[%swap3A_408] {strides = array<i32>} : memref<128xi32, #tpu.memory_space<vmem>>, vector<16xi32>,
        tpu.vector_store %arg15[%swap3A_408], %get3A_407 {strides = array<i32>} : memref<128xi32, #tpu.memory_space<vmem>>, vector<16xi32>,
        %mul3A_410 = arith.constant 128 : i32
        %mul3A_411 = arith.muli %while3A_324, %mul3A_410 : i32
        %add3A_412 = arith.constant 80 : i32
        %add3A_413 = arith.addi %mul3A_411, %add3A_412 : i32
        %get3A_414 = arith.index_cast %add3A_413 : i32 to index
        %get3A_415 = tpu.vector_load %arg10[%get3A_414] {strides = array<i32>} : memref<6528xi32, #tpu.memory_space<vmem>>, vector<16xi32>,
        %swap3A_416 = arith.constant 80 : index
        %swap3A_417 = tpu.vector_load %arg15[%swap3A_416] {strides = array<i32>} : memref<128xi32, #tpu.memory_space<vmem>>, vector<16xi32>,
        tpu.vector_store %arg15[%swap3A_416], %get3A_415 {strides = array<i32>} : memref<128xi32, #tpu.memory_space<vmem>>, vector<16xi32>,
        %mul3A_418 = arith.constant 128 : i32
        %mul3A_419 = arith.muli %while3A_324, %mul3A_418 : i32
        %add3A_420 = arith.constant 96 : i32
        %add3A_421 = arith.addi %mul3A_419, %add3A_420 : i32
        %get3A_422 = arith.index_cast %add3A_421 : i32 to index
        %get3A_423 = tpu.vector_load %arg10[%get3A_422] {strides = array<i32>} : memref<6528xi32, #tpu.memory_space<vmem>>, vector<16xi32>,
        %swap3A_424 = arith.constant 96 : index
        %swap3A_425 = tpu.vector_load %arg15[%swap3A_424] {strides = array<i32>} : memref<128xi32, #tpu.memory_space<vmem>>, vector<16xi32>,
        tpu.vector_store %arg15[%swap3A_424], %get3A_423 {strides = array<i32>} : memref<128xi32, #tpu.memory_space<vmem>>, vector<16xi32>,
        %mul3A_426 = arith.constant 128 : i32
        %mul3A_427 = arith.muli %while3A_324, %mul3A_426 : i32
        %add3A_428 = arith.constant 112 : i32
        %add3A_429 = arith.addi %mul3A_427, %add3A_428 : i32
        %get3A_430 = arith.index_cast %add3A_429 : i32 to index
        %get3A_431 = tpu.vector_load %arg10[%get3A_430] {strides = array<i32>} : memref<6528xi32, #tpu.memory_space<vmem>>, vector<16xi32>,
        %swap3A_432 = arith.constant 112 : index
        %swap3A_433 = tpu.vector_load %arg15[%swap3A_432] {strides = array<i32>} : memref<128xi32, #tpu.memory_space<vmem>>, vector<16xi32>,
        tpu.vector_store %arg15[%swap3A_432], %get3A_431 {strides = array<i32>} : memref<128xi32, #tpu.memory_space<vmem>>, vector<16xi32>,
        %dma_start3A = arith.constant 0 : i32
        %dma_start3A_434 = arith.constant 0 : i32
        %dma_start3A_435 = arith.constant 0 : i32
        %dma_start3A_436 = tpu.memref_slice %arg11[%dma_start3A, %dma_start3A_434, %dma_start3A_435] : memref<2x128x128xf32, #tpu.memory_space<vmem>> -> memref<1x128x128xf32, #tpu.memory_space<vmem>>
        %dma_start3A_437 = tpu.memref_squeeze %dma_start3A_436 : memref<1x128x128xf32, #tpu.memory_space<vmem>> -> memref<128x128xf32, #tpu.memory_space<vmem>>
        %dma_start3A_438 = arith.constant 0 : i32
        %dma_start3A_439 = arith.constant 0 : i32
        %dma_start3A_440 = tpu.memref_slice %arg5[%dma_start3A_438, %dma_start3A_439] : memref<200000x128xf32, #tpu.memory_space<hbm>> -> memref<200000x128xf32, #tpu.memory_space<hbm>>
        tpu.enqueue_indirect_dma source(%dma_start3A_437 : memref<128x128xf32, #tpu.memory_space<vmem>>) target(%dma_start3A_440 : memref<200000x128xf32, #tpu.memory_space<hbm>>) offsets(%arg15 : memref<128xi32, #tpu.memory_space<vmem>>) semaphore(%arg19 : memref<!tpu.dma_semaphore, #tpu.memory_space<semaphore_mem>>)
      } else {
      }
      %not3A = arith.constant true
      %not3A_361 = arith.xori %eq3A_342, %not3A : i1
      %convert_element_type3A_362 = arith.extui %not3A_361 : i1 to i32
      %cond3A_363 = arith.constant 0 : i32
      %cond3A_364 = arith.cmpi ne, %convert_element_type3A_362, %cond3A_363 : i32
      scf.if %cond3A_364 {
        %dma_wait3A = arith.constant 1 : i32
        %dma_wait3A_365 = arith.constant 0 : i32
        %dma_wait3A_366 = arith.constant 0 : i32
        %dma_wait3A_367 = tpu.memref_slice %arg11[%dma_wait3A, %dma_wait3A_365, %dma_wait3A_366] : memref<2x128x128xf32, #tpu.memory_space<vmem>> -> memref<1x128x128xf32, #tpu.memory_space<vmem>>
        %dma_wait3A_368 = tpu.memref_squeeze %dma_wait3A_367 : memref<1x128x128xf32, #tpu.memory_space<vmem>> -> memref<128x128xf32, #tpu.memory_space<vmem>>
        %dma_wait3A_369 = arith.constant 0 : i32
        %dma_wait3A_370 = arith.constant 0 : i32
        %dma_wait3A_371 = tpu.memref_slice %arg2[%dma_wait3A_369, %dma_wait3A_370] : memref<200000x128xf32, #tpu.memory_space<hbm>> -> memref<200000x128xf32, #tpu.memory_space<hbm>>
        tpu.wait_indirect_dma semaphore(%arg18 : memref<!tpu.dma_semaphore, #tpu.memory_space<semaphore_mem>>) src(%dma_wait3A_371 : memref<200000x128xf32, #tpu.memory_space<hbm>>) dst(%dma_wait3A_368 : memref<128x128xf32, #tpu.memory_space<vmem>>)
        %mul3A_372 = arith.constant 128 : i32
        %mul3A_373 = arith.muli %while3A_324, %mul3A_372 : i32
        %add3A_374 = arith.constant 0 : i32
        %add3A_375 = arith.addi %mul3A_373, %add3A_374 : i32
        %get3A = arith.index_cast %add3A_375 : i32 to index
        %get3A_376 = tpu.vector_load %arg10[%get3A] {strides = array<i32>} : memref<6528xi32, #tpu.memory_space<vmem>>, vector<16xi32>,
        %swap3A = arith.constant 0 : index
        %swap3A_377 = tpu.vector_load %arg16[%swap3A] {strides = array<i32>} : memref<128xi32, #tpu.memory_space<vmem>>, vector<16xi32>,
        tpu.vector_store %arg16[%swap3A], %get3A_376 {strides = array<i32>} : memref<128xi32, #tpu.memory_space<vmem>>, vector<16xi32>,
        %mul3A_378 = arith.constant 128 : i32
        %mul3A_379 = arith.muli %while3A_324, %mul3A_378 : i32
        %add3A_380 = arith.constant 16 : i32
        %add3A_381 = arith.addi %mul3A_379, %add3A_380 : i32
        %get3A_382 = arith.index_cast %add3A_381 : i32 to index
        %get3A_383 = tpu.vector_load %arg10[%get3A_382] {strides = array<i32>} : memref<6528xi32, #tpu.memory_space<vmem>>, vector<16xi32>,
        %swap3A_384 = arith.constant 16 : index
        %swap3A_385 = tpu.vector_load %arg16[%swap3A_384] {strides = array<i32>} : memref<128xi32, #tpu.memory_space<vmem>>, vector<16xi32>,
        tpu.vector_store %arg16[%swap3A_384], %get3A_383 {strides = array<i32>} : memref<128xi32, #tpu.memory_space<vmem>>, vector<16xi32>,
        %mul3A_386 = arith.constant 128 : i32
        %mul3A_387 = arith.muli %while3A_324, %mul3A_386 : i32
        %add3A_388 = arith.constant 32 : i32
        %add3A_389 = arith.addi %mul3A_387, %add3A_388 : i32
        %get3A_390 = arith.index_cast %add3A_389 : i32 to index
        %get3A_391 = tpu.vector_load %arg10[%get3A_390] {strides = array<i32>} : memref<6528xi32, #tpu.memory_space<vmem>>, vector<16xi32>,
        %swap3A_392 = arith.constant 32 : index
        %swap3A_393 = tpu.vector_load %arg16[%swap3A_392] {strides = array<i32>} : memref<128xi32, #tpu.memory_space<vmem>>, vector<16xi32>,
        tpu.vector_store %arg16[%swap3A_392], %get3A_391 {strides = array<i32>} : memref<128xi32, #tpu.memory_space<vmem>>, vector<16xi32>,
        %mul3A_394 = arith.constant 128 : i32
        %mul3A_395 = arith.muli %while3A_324, %mul3A_394 : i32
        %add3A_396 = arith.constant 48 : i32
        %add3A_397 = arith.addi %mul3A_395, %add3A_396 : i32
        %get3A_398 = arith.index_cast %add3A_397 : i32 to index
        %get3A_399 = tpu.vector_load %arg10[%get3A_398] {strides = array<i32>} : memref<6528xi32, #tpu.memory_space<vmem>>, vector<16xi32>,
        %swap3A_400 = arith.constant 48 : index
        %swap3A_401 = tpu.vector_load %arg16[%swap3A_400] {strides = array<i32>} : memref<128xi32, #tpu.memory_space<vmem>>, vector<16xi32>,
        tpu.vector_store %arg16[%swap3A_400], %get3A_399 {strides = array<i32>} : memref<128xi32, #tpu.memory_space<vmem>>, vector<16xi32>,
        %mul3A_402 = arith.constant 128 : i32
        %mul3A_403 = arith.muli %while3A_324, %mul3A_402 : i32
        %add3A_404 = arith.constant 64 : i32
        %add3A_405 = arith.addi %mul3A_403, %add3A_404 : i32
        %get3A_406 = arith.index_cast %add3A_405 : i32 to index
        %get3A_407 = tpu.vector_load %arg10[%get3A_406] {strides = array<i32>} : memref<6528xi32, #tpu.memory_space<vmem>>, vector<16xi32>,
        %swap3A_408 = arith.constant 64 : index
        %swap3A_409 = tpu.vector_load %arg16[%swap3A_408] {strides = array<i32>} : memref<128xi32, #tpu.memory_space<vmem>>, vector<16xi32>,
        tpu.vector_store %arg16[%swap3A_408], %get3A_407 {strides = array<i32>} : memref<128xi32, #tpu.memory_space<vmem>>, vector<16xi32>,
        %mul3A_410 = arith.constant 128 : i32
        %mul3A_411 = arith.muli %while3A_324, %mul3A_410 : i32
        %add3A_412 = arith.constant 80 : i32
        %add3A_413 = arith.addi %mul3A_411, %add3A_412 : i32
        %get3A_414 = arith.index_cast %add3A_413 : i32 to index
        %get3A_415 = tpu.vector_load %arg10[%get3A_414] {strides = array<i32>} : memref<6528xi32, #tpu.memory_space<vmem>>, vector<16xi32>,
        %swap3A_416 = arith.constant 80 : index
        %swap3A_417 = tpu.vector_load %arg16[%swap3A_416] {strides = array<i32>} : memref<128xi32, #tpu.memory_space<vmem>>, vector<16xi32>,
        tpu.vector_store %arg16[%swap3A_416], %get3A_415 {strides = array<i32>} : memref<128xi32, #tpu.memory_space<vmem>>, vector<16xi32>,
        %mul3A_418 = arith.constant 128 : i32
        %mul3A_419 = arith.muli %while3A_324, %mul3A_418 : i32
        %add3A_420 = arith.constant 96 : i32
        %add3A_421 = arith.addi %mul3A_419, %add3A_420 : i32
        %get3A_422 = arith.index_cast %add3A_421 : i32 to index
        %get3A_423 = tpu.vector_load %arg10[%get3A_422] {strides = array<i32>} : memref<6528xi32, #tpu.memory_space<vmem>>, vector<16xi32>,
        %swap3A_424 = arith.constant 96 : index
        %swap3A_425 = tpu.vector_load %arg16[%swap3A_424] {strides = array<i32>} : memref<128xi32, #tpu.memory_space<vmem>>, vector<16xi32>,
        tpu.vector_store %arg16[%swap3A_424], %get3A_423 {strides = array<i32>} : memref<128xi32, #tpu.memory_space<vmem>>, vector<16xi32>,
        %mul3A_426 = arith.constant 128 : i32
        %mul3A_427 = arith.muli %while3A_324, %mul3A_426 : i32
        %add3A_428 = arith.constant 112 : i32
        %add3A_429 = arith.addi %mul3A_427, %add3A_428 : i32
        %get3A_430 = arith.index_cast %add3A_429 : i32 to index
        %get3A_431 = tpu.vector_load %arg10[%get3A_430] {strides = array<i32>} : memref<6528xi32, #tpu.memory_space<vmem>>, vector<16xi32>,
        %swap3A_432 = arith.constant 112 : index
        %swap3A_433 = tpu.vector_load %arg16[%swap3A_432] {strides = array<i32>} : memref<128xi32, #tpu.memory_space<vmem>>, vector<16xi32>,
        tpu.vector_store %arg16[%swap3A_432], %get3A_431 {strides = array<i32>} : memref<128xi32, #tpu.memory_space<vmem>>, vector<16xi32>,
        %dma_start3A = arith.constant 1 : i32
        %dma_start3A_434 = arith.constant 0 : i32
        %dma_start3A_435 = arith.constant 0 : i32
        %dma_start3A_436 = tpu.memref_slice %arg11[%dma_start3A, %dma_start3A_434, %dma_start3A_435] : memref<2x128x128xf32, #tpu.memory_space<vmem>> -> memref<1x128x128xf32, #tpu.memory_space<vmem>>
        %dma_start3A_437 = tpu.memref_squeeze %dma_start3A_436 : memref<1x128x128xf32, #tpu.memory_space<vmem>> -> memref<128x128xf32, #tpu.memory_space<vmem>>
        %dma_start3A_438 = arith.constant 0 : i32
        %dma_start3A_439 = arith.constant 0 : i32
        %dma_start3A_440 = tpu.memref_slice %arg5[%dma_start3A_438, %dma_start3A_439] : memref<200000x128xf32, #tpu.memory_space<hbm>> -> memref<200000x128xf32, #tpu.memory_space<hbm>>
        tpu.enqueue_indirect_dma source(%dma_start3A_437 : memref<128x128xf32, #tpu.memory_space<vmem>>) target(%dma_start3A_440 : memref<200000x128xf32, #tpu.memory_space<hbm>>) offsets(%arg16 : memref<128xi32, #tpu.memory_space<vmem>>) semaphore(%arg20 : memref<!tpu.dma_semaphore, #tpu.memory_space<semaphore_mem>>)
      } else {
      }
    }
    %while3A_256 = arith.constant 1 : i32
    scf.for %while3A_324 = %while3A_254 to %while3A_250 step %while3A_256  : i32 {
      %jit3A_325 = arith.constant 2 : i32
      %eq3A_326 = arith.constant 0 : i32
      %eq3A_327 = arith.cmpi eq, %jit3A_325, %eq3A_326 : i32
      %jit3A_328 = arith.constant 1 : i32
      %select_n3A_329 = arith.select %eq3A_327, %jit3A_328, %jit3A_325 : i32
      %rem3A_330 = arith.remsi %while3A_324, %select_n3A_329 : i32
      %ne3A_331 = arith.constant 0 : i32
      %ne3A_332 = arith.cmpi ne, %rem3A_330, %ne3A_331 : i32
      %lt3A_333 = arith.constant 0 : i32
      %lt3A_334 = arith.cmpi slt, %rem3A_330, %lt3A_333 : i32
      %lt3A_335 = arith.constant 0 : i32
      %lt3A_336 = arith.cmpi slt, %select_n3A_329, %lt3A_335 : i32
      %ne3A_337 = arith.xori %lt3A_334, %lt3A_336 : i1
      %and3A_338 = arith.andi %ne3A_337, %ne3A_332 : i1
      %add3A_339 = arith.addi %rem3A_330, %select_n3A_329 : i32
      %select_n3A_340 = arith.select %and3A_338, %add3A_339, %rem3A_330 : i32
      %eq3A_341 = arith.constant 0 : i32
      %eq3A_342 = arith.cmpi eq, %select_n3A_340, %eq3A_341 : i32
      %add3A_343 = arith.constant 1 : i32
      %add3A_344 = arith.addi %while3A_324, %add3A_343 : i32
      %lt3A_345 = arith.cmpi slt, %add3A_344, %select_n3A_241 : i32
      %ge3A_346 = arith.constant 1 : i32
      %ge3A_347 = arith.cmpi sge, %while3A_324, %ge3A_346 : i32
      %and3A_348 = arith.andi %lt3A_345, %ge3A_347 : i1
      %convert_element_type3A_349 = arith.extui %and3A_348 : i1 to i32
      %cond3A_350 = arith.constant 0 : i32
      %cond3A_351 = arith.cmpi ne, %convert_element_type3A_349, %cond3A_350 : i32
      scf.if %cond3A_351 {
        %convert_element_type3A_365 = arith.extui %eq3A_342 : i1 to i32
        %cond3A_366 = arith.constant 0 : i32
        %cond3A_367 = arith.cmpi ne, %convert_element_type3A_365, %cond3A_366 : i32
        scf.if %cond3A_367 {
          %dma_wait3A = arith.constant 1 : i32
          %dma_wait3A_373 = arith.constant 0 : i32
          %dma_wait3A_374 = arith.constant 0 : i32
          %dma_wait3A_375 = tpu.memref_slice %arg11[%dma_wait3A, %dma_wait3A_373, %dma_wait3A_374] : memref<2x128x128xf32, #tpu.memory_space<vmem>> -> memref<1x128x128xf32, #tpu.memory_space<vmem>>
          %dma_wait3A_376 = tpu.memref_squeeze %dma_wait3A_375 : memref<1x128x128xf32, #tpu.memory_space<vmem>> -> memref<128x128xf32, #tpu.memory_space<vmem>>
          %dma_wait3A_377 = arith.constant 0 : i32
          %dma_wait3A_378 = arith.constant 0 : i32
          %dma_wait3A_379 = tpu.memref_slice %arg5[%dma_wait3A_377, %dma_wait3A_378] : memref<200000x128xf32, #tpu.memory_space<hbm>> -> memref<200000x128xf32, #tpu.memory_space<hbm>>
          tpu.wait_indirect_dma semaphore(%arg20 : memref<!tpu.dma_semaphore, #tpu.memory_space<semaphore_mem>>) src(%dma_wait3A_376 : memref<128x128xf32, #tpu.memory_space<vmem>>) dst(%dma_wait3A_379 : memref<200000x128xf32, #tpu.memory_space<hbm>>)
        } else {
        }
        %not3A_368 = arith.constant true
        %not3A_369 = arith.xori %eq3A_342, %not3A_368 : i1
        %convert_element_type3A_370 = arith.extui %not3A_369 : i1 to i32
        %cond3A_371 = arith.constant 0 : i32
        %cond3A_372 = arith.cmpi ne, %convert_element_type3A_370, %cond3A_371 : i32
        scf.if %cond3A_372 {
          %dma_wait3A = arith.constant 0 : i32
          %dma_wait3A_373 = arith.constant 0 : i32
          %dma_wait3A_374 = arith.constant 0 : i32
          %dma_wait3A_375 = tpu.memref_slice %arg11[%dma_wait3A, %dma_wait3A_373, %dma_wait3A_374] : memref<2x128x128xf32, #tpu.memory_space<vmem>> -> memref<1x128x128xf32, #tpu.memory_space<vmem>>
          %dma_wait3A_376 = tpu.memref_squeeze %dma_wait3A_375 : memref<1x128x128xf32, #tpu.memory_space<vmem>> -> memref<128x128xf32, #tpu.memory_space<vmem>>
          %dma_wait3A_377 = arith.constant 0 : i32
          %dma_wait3A_378 = arith.constant 0 : i32
          %dma_wait3A_379 = tpu.memref_slice %arg5[%dma_wait3A_377, %dma_wait3A_378] : memref<200000x128xf32, #tpu.memory_space<hbm>> -> memref<200000x128xf32, #tpu.memory_space<hbm>>
          tpu.wait_indirect_dma semaphore(%arg19 : memref<!tpu.dma_semaphore, #tpu.memory_space<semaphore_mem>>) src(%dma_wait3A_376 : memref<128x128xf32, #tpu.memory_space<vmem>>) dst(%dma_wait3A_379 : memref<200000x128xf32, #tpu.memory_space<hbm>>)
        } else {
        }
      } else {
      }
      %add3A_352 = arith.constant 1 : i32
      %add3A_353 = arith.addi %while3A_324, %add3A_352 : i32
      %lt3A_354 = arith.cmpi slt, %add3A_353, %select_n3A_241 : i32
      %convert_element_type3A_355 = arith.extui %lt3A_354 : i1 to i32
      %cond3A_356 = arith.constant 0 : i32
      %cond3A_357 = arith.cmpi ne, %convert_element_type3A_355, %cond3A_356 : i32
      scf.if %cond3A_357 {
        %convert_element_type3A_365 = arith.extui %eq3A_342 : i1 to i32
        %cond3A_366 = arith.constant 0 : i32
        %cond3A_367 = arith.cmpi ne, %convert_element_type3A_365, %cond3A_366 : i32
        scf.if %cond3A_367 {
          %add3A_373 = arith.constant 1 : i32
          %add3A_374 = arith.addi %while3A_324, %add3A_373 : i32
          %mul3A_375 = arith.constant 128 : i32
          %mul3A_376 = arith.muli %add3A_374, %mul3A_375 : i32
          %add3A_377 = arith.constant 0 : i32
          %add3A_378 = arith.addi %mul3A_376, %add3A_377 : i32
          %get3A = arith.index_cast %add3A_378 : i32 to index
          %get3A_379 = tpu.vector_load %arg10[%get3A] {strides = array<i32>} : memref<6528xi32, #tpu.memory_space<vmem>>, vector<16xi32>,
          %swap3A = arith.constant 0 : index
          %swap3A_380 = tpu.vector_load %arg14[%swap3A] {strides = array<i32>} : memref<128xi32, #tpu.memory_space<vmem>>, vector<16xi32>,
          tpu.vector_store %arg14[%swap3A], %get3A_379 {strides = array<i32>} : memref<128xi32, #tpu.memory_space<vmem>>, vector<16xi32>,
          %mul3A_381 = arith.constant 128 : i32
          %mul3A_382 = arith.muli %add3A_374, %mul3A_381 : i32
          %add3A_383 = arith.constant 16 : i32
          %add3A_384 = arith.addi %mul3A_382, %add3A_383 : i32
          %get3A_385 = arith.index_cast %add3A_384 : i32 to index
          %get3A_386 = tpu.vector_load %arg10[%get3A_385] {strides = array<i32>} : memref<6528xi32, #tpu.memory_space<vmem>>, vector<16xi32>,
          %swap3A_387 = arith.constant 16 : index
          %swap3A_388 = tpu.vector_load %arg14[%swap3A_387] {strides = array<i32>} : memref<128xi32, #tpu.memory_space<vmem>>, vector<16xi32>,
          tpu.vector_store %arg14[%swap3A_387], %get3A_386 {strides = array<i32>} : memref<128xi32, #tpu.memory_space<vmem>>, vector<16xi32>,
          %mul3A_389 = arith.constant 128 : i32
          %mul3A_390 = arith.muli %add3A_374, %mul3A_389 : i32
          %add3A_391 = arith.constant 32 : i32
          %add3A_392 = arith.addi %mul3A_390, %add3A_391 : i32
          %get3A_393 = arith.index_cast %add3A_392 : i32 to index
          %get3A_394 = tpu.vector_load %arg10[%get3A_393] {strides = array<i32>} : memref<6528xi32, #tpu.memory_space<vmem>>, vector<16xi32>,
          %swap3A_395 = arith.constant 32 : index
          %swap3A_396 = tpu.vector_load %arg14[%swap3A_395] {strides = array<i32>} : memref<128xi32, #tpu.memory_space<vmem>>, vector<16xi32>,
          tpu.vector_store %arg14[%swap3A_395], %get3A_394 {strides = array<i32>} : memref<128xi32, #tpu.memory_space<vmem>>, vector<16xi32>,
          %mul3A_397 = arith.constant 128 : i32
          %mul3A_398 = arith.muli %add3A_374, %mul3A_397 : i32
          %add3A_399 = arith.constant 48 : i32
          %add3A_400 = arith.addi %mul3A_398, %add3A_399 : i32
          %get3A_401 = arith.index_cast %add3A_400 : i32 to index
          %get3A_402 = tpu.vector_load %arg10[%get3A_401] {strides = array<i32>} : memref<6528xi32, #tpu.memory_space<vmem>>, vector<16xi32>,
          %swap3A_403 = arith.constant 48 : index
          %swap3A_404 = tpu.vector_load %arg14[%swap3A_403] {strides = array<i32>} : memref<128xi32, #tpu.memory_space<vmem>>, vector<16xi32>,
          tpu.vector_store %arg14[%swap3A_403], %get3A_402 {strides = array<i32>} : memref<128xi32, #tpu.memory_space<vmem>>, vector<16xi32>,
          %mul3A_405 = arith.constant 128 : i32
          %mul3A_406 = arith.muli %add3A_374, %mul3A_405 : i32
          %add3A_407 = arith.constant 64 : i32
          %add3A_408 = arith.addi %mul3A_406, %add3A_407 : i32
          %get3A_409 = arith.index_cast %add3A_408 : i32 to index
          %get3A_410 = tpu.vector_load %arg10[%get3A_409] {strides = array<i32>} : memref<6528xi32, #tpu.memory_space<vmem>>, vector<16xi32>,
          %swap3A_411 = arith.constant 64 : index
          %swap3A_412 = tpu.vector_load %arg14[%swap3A_411] {strides = array<i32>} : memref<128xi32, #tpu.memory_space<vmem>>, vector<16xi32>,
          tpu.vector_store %arg14[%swap3A_411], %get3A_410 {strides = array<i32>} : memref<128xi32, #tpu.memory_space<vmem>>, vector<16xi32>,
          %mul3A_413 = arith.constant 128 : i32
          %mul3A_414 = arith.muli %add3A_374, %mul3A_413 : i32
          %add3A_415 = arith.constant 80 : i32
          %add3A_416 = arith.addi %mul3A_414, %add3A_415 : i32
          %get3A_417 = arith.index_cast %add3A_416 : i32 to index
          %get3A_418 = tpu.vector_load %arg10[%get3A_417] {strides = array<i32>} : memref<6528xi32, #tpu.memory_space<vmem>>, vector<16xi32>,
          %swap3A_419 = arith.constant 80 : index
          %swap3A_420 = tpu.vector_load %arg14[%swap3A_419] {strides = array<i32>} : memref<128xi32, #tpu.memory_space<vmem>>, vector<16xi32>,
          tpu.vector_store %arg14[%swap3A_419], %get3A_418 {strides = array<i32>} : memref<128xi32, #tpu.memory_space<vmem>>, vector<16xi32>,
          %mul3A_421 = arith.constant 128 : i32
          %mul3A_422 = arith.muli %add3A_374, %mul3A_421 : i32
          %add3A_423 = arith.constant 96 : i32
          %add3A_424 = arith.addi %mul3A_422, %add3A_423 : i32
          %get3A_425 = arith.index_cast %add3A_424 : i32 to index
          %get3A_426 = tpu.vector_load %arg10[%get3A_425] {strides = array<i32>} : memref<6528xi32, #tpu.memory_space<vmem>>, vector<16xi32>,
          %swap3A_427 = arith.constant 96 : index
          %swap3A_428 = tpu.vector_load %arg14[%swap3A_427] {strides = array<i32>} : memref<128xi32, #tpu.memory_space<vmem>>, vector<16xi32>,
          tpu.vector_store %arg14[%swap3A_427], %get3A_426 {strides = array<i32>} : memref<128xi32, #tpu.memory_space<vmem>>, vector<16xi32>,
          %mul3A_429 = arith.constant 128 : i32
          %mul3A_430 = arith.muli %add3A_374, %mul3A_429 : i32
          %add3A_431 = arith.constant 112 : i32
          %add3A_432 = arith.addi %mul3A_430, %add3A_431 : i32
          %get3A_433 = arith.index_cast %add3A_432 : i32 to index
          %get3A_434 = tpu.vector_load %arg10[%get3A_433] {strides = array<i32>} : memref<6528xi32, #tpu.memory_space<vmem>>, vector<16xi32>,
          %swap3A_435 = arith.constant 112 : index
          %swap3A_436 = tpu.vector_load %arg14[%swap3A_435] {strides = array<i32>} : memref<128xi32, #tpu.memory_space<vmem>>, vector<16xi32>,
          tpu.vector_store %arg14[%swap3A_435], %get3A_434 {strides = array<i32>} : memref<128xi32, #tpu.memory_space<vmem>>, vector<16xi32>,
          %dma_start3A = arith.constant 1 : i32
          %dma_start3A_437 = arith.constant 0 : i32
          %dma_start3A_438 = arith.constant 0 : i32
          %dma_start3A_439 = tpu.memref_slice %arg11[%dma_start3A, %dma_start3A_437, %dma_start3A_438] : memref<2x128x128xf32, #tpu.memory_space<vmem>> -> memref<1x128x128xf32, #tpu.memory_space<vmem>>
          %dma_start3A_440 = tpu.memref_squeeze %dma_start3A_439 : memref<1x128x128xf32, #tpu.memory_space<vmem>> -> memref<128x128xf32, #tpu.memory_space<vmem>>
          %dma_start3A_441 = arith.constant 0 : i32
          %dma_start3A_442 = arith.constant 0 : i32
          %dma_start3A_443 = tpu.memref_slice %arg2[%dma_start3A_441, %dma_start3A_442] : memref<200000x128xf32, #tpu.memory_space<hbm>> -> memref<200000x128xf32, #tpu.memory_space<hbm>>
          tpu.enqueue_indirect_dma source(%dma_start3A_443 : memref<200000x128xf32, #tpu.memory_space<hbm>>) target(%dma_start3A_440 : memref<128x128xf32, #tpu.memory_space<vmem>>) offsets(%arg14 : memref<128xi32, #tpu.memory_space<vmem>>) semaphore(%arg18 : memref<!tpu.dma_semaphore, #tpu.memory_space<semaphore_mem>>)
        } else {
        }
        %not3A_368 = arith.constant true
        %not3A_369 = arith.xori %eq3A_342, %not3A_368 : i1
        %convert_element_type3A_370 = arith.extui %not3A_369 : i1 to i32
        %cond3A_371 = arith.constant 0 : i32
        %cond3A_372 = arith.cmpi ne, %convert_element_type3A_370, %cond3A_371 : i32
        scf.if %cond3A_372 {
          %add3A_373 = arith.constant 1 : i32
          %add3A_374 = arith.addi %while3A_324, %add3A_373 : i32
          %mul3A_375 = arith.constant 128 : i32
          %mul3A_376 = arith.muli %add3A_374, %mul3A_375 : i32
          %add3A_377 = arith.constant 0 : i32
          %add3A_378 = arith.addi %mul3A_376, %add3A_377 : i32
          %get3A = arith.index_cast %add3A_378 : i32 to index
          %get3A_379 = tpu.vector_load %arg10[%get3A] {strides = array<i32>} : memref<6528xi32, #tpu.memory_space<vmem>>, vector<16xi32>,
          %swap3A = arith.constant 0 : index
          %swap3A_380 = tpu.vector_load %arg13[%swap3A] {strides = array<i32>} : memref<128xi32, #tpu.memory_space<vmem>>, vector<16xi32>,
          tpu.vector_store %arg13[%swap3A], %get3A_379 {strides = array<i32>} : memref<128xi32, #tpu.memory_space<vmem>>, vector<16xi32>,
          %mul3A_381 = arith.constant 128 : i32
          %mul3A_382 = arith.muli %add3A_374, %mul3A_381 : i32
          %add3A_383 = arith.constant 16 : i32
          %add3A_384 = arith.addi %mul3A_382, %add3A_383 : i32
          %get3A_385 = arith.index_cast %add3A_384 : i32 to index
          %get3A_386 = tpu.vector_load %arg10[%get3A_385] {strides = array<i32>} : memref<6528xi32, #tpu.memory_space<vmem>>, vector<16xi32>,
          %swap3A_387 = arith.constant 16 : index
          %swap3A_388 = tpu.vector_load %arg13[%swap3A_387] {strides = array<i32>} : memref<128xi32, #tpu.memory_space<vmem>>, vector<16xi32>,
          tpu.vector_store %arg13[%swap3A_387], %get3A_386 {strides = array<i32>} : memref<128xi32, #tpu.memory_space<vmem>>, vector<16xi32>,
          %mul3A_389 = arith.constant 128 : i32
          %mul3A_390 = arith.muli %add3A_374, %mul3A_389 : i32
          %add3A_391 = arith.constant 32 : i32
          %add3A_392 = arith.addi %mul3A_390, %add3A_391 : i32
          %get3A_393 = arith.index_cast %add3A_392 : i32 to index
          %get3A_394 = tpu.vector_load %arg10[%get3A_393] {strides = array<i32>} : memref<6528xi32, #tpu.memory_space<vmem>>, vector<16xi32>,
          %swap3A_395 = arith.constant 32 : index
          %swap3A_396 = tpu.vector_load %arg13[%swap3A_395] {strides = array<i32>} : memref<128xi32, #tpu.memory_space<vmem>>, vector<16xi32>,
          tpu.vector_store %arg13[%swap3A_395], %get3A_394 {strides = array<i32>} : memref<128xi32, #tpu.memory_space<vmem>>, vector<16xi32>,
          %mul3A_397 = arith.constant 128 : i32
          %mul3A_398 = arith.muli %add3A_374, %mul3A_397 : i32
          %add3A_399 = arith.constant 48 : i32
          %add3A_400 = arith.addi %mul3A_398, %add3A_399 : i32
          %get3A_401 = arith.index_cast %add3A_400 : i32 to index
          %get3A_402 = tpu.vector_load %arg10[%get3A_401] {strides = array<i32>} : memref<6528xi32, #tpu.memory_space<vmem>>, vector<16xi32>,
          %swap3A_403 = arith.constant 48 : index
          %swap3A_404 = tpu.vector_load %arg13[%swap3A_403] {strides = array<i32>} : memref<128xi32, #tpu.memory_space<vmem>>, vector<16xi32>,
          tpu.vector_store %arg13[%swap3A_403], %get3A_402 {strides = array<i32>} : memref<128xi32, #tpu.memory_space<vmem>>, vector<16xi32>,
          %mul3A_405 = arith.constant 128 : i32
          %mul3A_406 = arith.muli %add3A_374, %mul3A_405 : i32
          %add3A_407 = arith.constant 64 : i32
          %add3A_408 = arith.addi %mul3A_406, %add3A_407 : i32
          %get3A_409 = arith.index_cast %add3A_408 : i32 to index
          %get3A_410 = tpu.vector_load %arg10[%get3A_409] {strides = array<i32>} : memref<6528xi32, #tpu.memory_space<vmem>>, vector<16xi32>,
          %swap3A_411 = arith.constant 64 : index
          %swap3A_412 = tpu.vector_load %arg13[%swap3A_411] {strides = array<i32>} : memref<128xi32, #tpu.memory_space<vmem>>, vector<16xi32>,
          tpu.vector_store %arg13[%swap3A_411], %get3A_410 {strides = array<i32>} : memref<128xi32, #tpu.memory_space<vmem>>, vector<16xi32>,
          %mul3A_413 = arith.constant 128 : i32
          %mul3A_414 = arith.muli %add3A_374, %mul3A_413 : i32
          %add3A_415 = arith.constant 80 : i32
          %add3A_416 = arith.addi %mul3A_414, %add3A_415 : i32
          %get3A_417 = arith.index_cast %add3A_416 : i32 to index
          %get3A_418 = tpu.vector_load %arg10[%get3A_417] {strides = array<i32>} : memref<6528xi32, #tpu.memory_space<vmem>>, vector<16xi32>,
          %swap3A_419 = arith.constant 80 : index
          %swap3A_420 = tpu.vector_load %arg13[%swap3A_419] {strides = array<i32>} : memref<128xi32, #tpu.memory_space<vmem>>, vector<16xi32>,
          tpu.vector_store %arg13[%swap3A_419], %get3A_418 {strides = array<i32>} : memref<128xi32, #tpu.memory_space<vmem>>, vector<16xi32>,
          %mul3A_421 = arith.constant 128 : i32
          %mul3A_422 = arith.muli %add3A_374, %mul3A_421 : i32
          %add3A_423 = arith.constant 96 : i32
          %add3A_424 = arith.addi %mul3A_422, %add3A_423 : i32
          %get3A_425 = arith.index_cast %add3A_424 : i32 to index
          %get3A_426 = tpu.vector_load %arg10[%get3A_425] {strides = array<i32>} : memref<6528xi32, #tpu.memory_space<vmem>>, vector<16xi32>,
          %swap3A_427 = arith.constant 96 : index
          %swap3A_428 = tpu.vector_load %arg13[%swap3A_427] {strides = array<i32>} : memref<128xi32, #tpu.memory_space<vmem>>, vector<16xi32>,
          tpu.vector_store %arg13[%swap3A_427], %get3A_426 {strides = array<i32>} : memref<128xi32, #tpu.memory_space<vmem>>, vector<16xi32>,
          %mul3A_429 = arith.constant 128 : i32
          %mul3A_430 = arith.muli %add3A_374, %mul3A_429 : i32
          %add3A_431 = arith.constant 112 : i32
          %add3A_432 = arith.addi %mul3A_430, %add3A_431 : i32
          %get3A_433 = arith.index_cast %add3A_432 : i32 to index
          %get3A_434 = tpu.vector_load %arg10[%get3A_433] {strides = array<i32>} : memref<6528xi32, #tpu.memory_space<vmem>>, vector<16xi32>,
          %swap3A_435 = arith.constant 112 : index
          %swap3A_436 = tpu.vector_load %arg13[%swap3A_435] {strides = array<i32>} : memref<128xi32, #tpu.memory_space<vmem>>, vector<16xi32>,
          tpu.vector_store %arg13[%swap3A_435], %get3A_434 {strides = array<i32>} : memref<128xi32, #tpu.memory_space<vmem>>, vector<16xi32>,
          %dma_start3A = arith.constant 0 : i32
          %dma_start3A_437 = arith.constant 0 : i32
          %dma_start3A_438 = arith.constant 0 : i32
          %dma_start3A_439 = tpu.memref_slice %arg11[%dma_start3A, %dma_start3A_437, %dma_start3A_438] : memref<2x128x128xf32, #tpu.memory_space<vmem>> -> memref<1x128x128xf32, #tpu.memory_space<vmem>>
          %dma_start3A_440 = tpu.memref_squeeze %dma_start3A_439 : memref<1x128x128xf32, #tpu.memory_space<vmem>> -> memref<128x128xf32, #tpu.memory_space<vmem>>
          %dma_start3A_441 = arith.constant 0 : i32
          %dma_start3A_442 = arith.constant 0 : i32
          %dma_start3A_443 = tpu.memref_slice %arg2[%dma_start3A_441, %dma_start3A_442] : memref<200000x128xf32, #tpu.memory_space<hbm>> -> memref<200000x128xf32, #tpu.memory_space<hbm>>
          tpu.enqueue_indirect_dma source(%dma_start3A_443 : memref<200000x128xf32, #tpu.memory_space<hbm>>) target(%dma_start3A_440 : memref<128x128xf32, #tpu.memory_space<vmem>>) offsets(%arg13 : memref<128xi32, #tpu.memory_space<vmem>>) semaphore(%arg17 : memref<!tpu.dma_semaphore, #tpu.memory_space<semaphore_mem>>)
        } else {
        }
      } else {
      }
      %convert_element_type3A_358 = arith.extui %eq3A_342 : i1 to i32
      %cond3A_359 = arith.constant 0 : i32
      %cond3A_360 = arith.cmpi ne, %convert_element_type3A_358, %cond3A_359 : i32
      scf.if %cond3A_360 {
        %dma_wait3A = arith.constant 0 : i32
        %dma_wait3A_365 = arith.constant 0 : i32
        %dma_wait3A_366 = arith.constant 0 : i32
        %dma_wait3A_367 = tpu.memref_slice %arg11[%dma_wait3A, %dma_wait3A_365, %dma_wait3A_366] : memref<2x128x128xf32, #tpu.memory_space<vmem>> -> memref<1x128x128xf32, #tpu.memory_space<vmem>>
        %dma_wait3A_368 = tpu.memref_squeeze %dma_wait3A_367 : memref<1x128x128xf32, #tpu.memory_space<vmem>> -> memref<128x128xf32, #tpu.memory_space<vmem>>
        %dma_wait3A_369 = arith.constant 0 : i32
        %dma_wait3A_370 = arith.constant 0 : i32
        %dma_wait3A_371 = tpu.memref_slice %arg2[%dma_wait3A_369, %dma_wait3A_370] : memref<200000x128xf32, #tpu.memory_space<hbm>> -> memref<200000x128xf32, #tpu.memory_space<hbm>>
        tpu.wait_indirect_dma semaphore(%arg17 : memref<!tpu.dma_semaphore, #tpu.memory_space<semaphore_mem>>) src(%dma_wait3A_371 : memref<200000x128xf32, #tpu.memory_space<hbm>>) dst(%dma_wait3A_368 : memref<128x128xf32, #tpu.memory_space<vmem>>)
        %mul3A_372 = arith.constant 128 : i32
        %mul3A_373 = arith.muli %while3A_324, %mul3A_372 : i32
        %add3A_374 = arith.constant 0 : i32
        %add3A_375 = arith.addi %mul3A_373, %add3A_374 : i32
        %get3A = arith.index_cast %add3A_375 : i32 to index
        %get3A_376 = tpu.vector_load %arg10[%get3A] {strides = array<i32>} : memref<6528xi32, #tpu.memory_space<vmem>>, vector<16xi32>,
        %swap3A = arith.constant 0 : index
        %swap3A_377 = tpu.vector_load %arg15[%swap3A] {strides = array<i32>} : memref<128xi32, #tpu.memory_space<vmem>>, vector<16xi32>,
        tpu.vector_store %arg15[%swap3A], %get3A_376 {strides = array<i32>} : memref<128xi32, #tpu.memory_space<vmem>>, vector<16xi32>,
        %mul3A_378 = arith.constant 128 : i32
        %mul3A_379 = arith.muli %while3A_324, %mul3A_378 : i32
        %add3A_380 = arith.constant 16 : i32
        %add3A_381 = arith.addi %mul3A_379, %add3A_380 : i32
        %get3A_382 = arith.index_cast %add3A_381 : i32 to index
        %get3A_383 = tpu.vector_load %arg10[%get3A_382] {strides = array<i32>} : memref<6528xi32, #tpu.memory_space<vmem>>, vector<16xi32>,
        %swap3A_384 = arith.constant 16 : index
        %swap3A_385 = tpu.vector_load %arg15[%swap3A_384] {strides = array<i32>} : memref<128xi32, #tpu.memory_space<vmem>>, vector<16xi32>,
        tpu.vector_store %arg15[%swap3A_384], %get3A_383 {strides = array<i32>} : memref<128xi32, #tpu.memory_space<vmem>>, vector<16xi32>,
        %mul3A_386 = arith.constant 128 : i32
        %mul3A_387 = arith.muli %while3A_324, %mul3A_386 : i32
        %add3A_388 = arith.constant 32 : i32
        %add3A_389 = arith.addi %mul3A_387, %add3A_388 : i32
        %get3A_390 = arith.index_cast %add3A_389 : i32 to index
        %get3A_391 = tpu.vector_load %arg10[%get3A_390] {strides = array<i32>} : memref<6528xi32, #tpu.memory_space<vmem>>, vector<16xi32>,
        %swap3A_392 = arith.constant 32 : index
        %swap3A_393 = tpu.vector_load %arg15[%swap3A_392] {strides = array<i32>} : memref<128xi32, #tpu.memory_space<vmem>>, vector<16xi32>,
        tpu.vector_store %arg15[%swap3A_392], %get3A_391 {strides = array<i32>} : memref<128xi32, #tpu.memory_space<vmem>>, vector<16xi32>,
        %mul3A_394 = arith.constant 128 : i32
        %mul3A_395 = arith.muli %while3A_324, %mul3A_394 : i32
        %add3A_396 = arith.constant 48 : i32
        %add3A_397 = arith.addi %mul3A_395, %add3A_396 : i32
        %get3A_398 = arith.index_cast %add3A_397 : i32 to index
        %get3A_399 = tpu.vector_load %arg10[%get3A_398] {strides = array<i32>} : memref<6528xi32, #tpu.memory_space<vmem>>, vector<16xi32>,
        %swap3A_400 = arith.constant 48 : index
        %swap3A_401 = tpu.vector_load %arg15[%swap3A_400] {strides = array<i32>} : memref<128xi32, #tpu.memory_space<vmem>>, vector<16xi32>,
        tpu.vector_store %arg15[%swap3A_400], %get3A_399 {strides = array<i32>} : memref<128xi32, #tpu.memory_space<vmem>>, vector<16xi32>,
        %mul3A_402 = arith.constant 128 : i32
        %mul3A_403 = arith.muli %while3A_324, %mul3A_402 : i32
        %add3A_404 = arith.constant 64 : i32
        %add3A_405 = arith.addi %mul3A_403, %add3A_404 : i32
        %get3A_406 = arith.index_cast %add3A_405 : i32 to index
        %get3A_407 = tpu.vector_load %arg10[%get3A_406] {strides = array<i32>} : memref<6528xi32, #tpu.memory_space<vmem>>, vector<16xi32>,
        %swap3A_408 = arith.constant 64 : index
        %swap3A_409 = tpu.vector_load %arg15[%swap3A_408] {strides = array<i32>} : memref<128xi32, #tpu.memory_space<vmem>>, vector<16xi32>,
        tpu.vector_store %arg15[%swap3A_408], %get3A_407 {strides = array<i32>} : memref<128xi32, #tpu.memory_space<vmem>>, vector<16xi32>,
        %mul3A_410 = arith.constant 128 : i32
        %mul3A_411 = arith.muli %while3A_324, %mul3A_410 : i32
        %add3A_412 = arith.constant 80 : i32
        %add3A_413 = arith.addi %mul3A_411, %add3A_412 : i32
        %get3A_414 = arith.index_cast %add3A_413 : i32 to index
        %get3A_415 = tpu.vector_load %arg10[%get3A_414] {strides = array<i32>} : memref<6528xi32, #tpu.memory_space<vmem>>, vector<16xi32>,
        %swap3A_416 = arith.constant 80 : index
        %swap3A_417 = tpu.vector_load %arg15[%swap3A_416] {strides = array<i32>} : memref<128xi32, #tpu.memory_space<vmem>>, vector<16xi32>,
        tpu.vector_store %arg15[%swap3A_416], %get3A_415 {strides = array<i32>} : memref<128xi32, #tpu.memory_space<vmem>>, vector<16xi32>,
        %mul3A_418 = arith.constant 128 : i32
        %mul3A_419 = arith.muli %while3A_324, %mul3A_418 : i32
        %add3A_420 = arith.constant 96 : i32
        %add3A_421 = arith.addi %mul3A_419, %add3A_420 : i32
        %get3A_422 = arith.index_cast %add3A_421 : i32 to index
        %get3A_423 = tpu.vector_load %arg10[%get3A_422] {strides = array<i32>} : memref<6528xi32, #tpu.memory_space<vmem>>, vector<16xi32>,
        %swap3A_424 = arith.constant 96 : index
        %swap3A_425 = tpu.vector_load %arg15[%swap3A_424] {strides = array<i32>} : memref<128xi32, #tpu.memory_space<vmem>>, vector<16xi32>,
        tpu.vector_store %arg15[%swap3A_424], %get3A_423 {strides = array<i32>} : memref<128xi32, #tpu.memory_space<vmem>>, vector<16xi32>,
        %mul3A_426 = arith.constant 128 : i32
        %mul3A_427 = arith.muli %while3A_324, %mul3A_426 : i32
        %add3A_428 = arith.constant 112 : i32
        %add3A_429 = arith.addi %mul3A_427, %add3A_428 : i32
        %get3A_430 = arith.index_cast %add3A_429 : i32 to index
        %get3A_431 = tpu.vector_load %arg10[%get3A_430] {strides = array<i32>} : memref<6528xi32, #tpu.memory_space<vmem>>, vector<16xi32>,
        %swap3A_432 = arith.constant 112 : index
        %swap3A_433 = tpu.vector_load %arg15[%swap3A_432] {strides = array<i32>} : memref<128xi32, #tpu.memory_space<vmem>>, vector<16xi32>,
        tpu.vector_store %arg15[%swap3A_432], %get3A_431 {strides = array<i32>} : memref<128xi32, #tpu.memory_space<vmem>>, vector<16xi32>,
        %dma_start3A = arith.constant 0 : i32
        %dma_start3A_434 = arith.constant 0 : i32
        %dma_start3A_435 = arith.constant 0 : i32
        %dma_start3A_436 = tpu.memref_slice %arg11[%dma_start3A, %dma_start3A_434, %dma_start3A_435] : memref<2x128x128xf32, #tpu.memory_space<vmem>> -> memref<1x128x128xf32, #tpu.memory_space<vmem>>
        %dma_start3A_437 = tpu.memref_squeeze %dma_start3A_436 : memref<1x128x128xf32, #tpu.memory_space<vmem>> -> memref<128x128xf32, #tpu.memory_space<vmem>>
        %dma_start3A_438 = arith.constant 0 : i32
        %dma_start3A_439 = arith.constant 0 : i32
        %dma_start3A_440 = tpu.memref_slice %arg5[%dma_start3A_438, %dma_start3A_439] : memref<200000x128xf32, #tpu.memory_space<hbm>> -> memref<200000x128xf32, #tpu.memory_space<hbm>>
        tpu.enqueue_indirect_dma source(%dma_start3A_437 : memref<128x128xf32, #tpu.memory_space<vmem>>) target(%dma_start3A_440 : memref<200000x128xf32, #tpu.memory_space<hbm>>) offsets(%arg15 : memref<128xi32, #tpu.memory_space<vmem>>) semaphore(%arg19 : memref<!tpu.dma_semaphore, #tpu.memory_space<semaphore_mem>>)
      } else {
      }
      %not3A = arith.constant true
      %not3A_361 = arith.xori %eq3A_342, %not3A : i1
      %convert_element_type3A_362 = arith.extui %not3A_361 : i1 to i32
      %cond3A_363 = arith.constant 0 : i32
      %cond3A_364 = arith.cmpi ne, %convert_element_type3A_362, %cond3A_363 : i32
      scf.if %cond3A_364 {
        %dma_wait3A = arith.constant 1 : i32
        %dma_wait3A_365 = arith.constant 0 : i32
        %dma_wait3A_366 = arith.constant 0 : i32
        %dma_wait3A_367 = tpu.memref_slice %arg11[%dma_wait3A, %dma_wait3A_365, %dma_wait3A_366] : memref<2x128x128xf32, #tpu.memory_space<vmem>> -> memref<1x128x128xf32, #tpu.memory_space<vmem>>
        %dma_wait3A_368 = tpu.memref_squeeze %dma_wait3A_367 : memref<1x128x128xf32, #tpu.memory_space<vmem>> -> memref<128x128xf32, #tpu.memory_space<vmem>>
        %dma_wait3A_369 = arith.constant 0 : i32
        %dma_wait3A_370 = arith.constant 0 : i32
        %dma_wait3A_371 = tpu.memref_slice %arg2[%dma_wait3A_369, %dma_wait3A_370] : memref<200000x128xf32, #tpu.memory_space<hbm>> -> memref<200000x128xf32, #tpu.memory_space<hbm>>
        tpu.wait_indirect_dma semaphore(%arg18 : memref<!tpu.dma_semaphore, #tpu.memory_space<semaphore_mem>>) src(%dma_wait3A_371 : memref<200000x128xf32, #tpu.memory_space<hbm>>) dst(%dma_wait3A_368 : memref<128x128xf32, #tpu.memory_space<vmem>>)
        %mul3A_372 = arith.constant 128 : i32
        %mul3A_373 = arith.muli %while3A_324, %mul3A_372 : i32
        %add3A_374 = arith.constant 0 : i32
        %add3A_375 = arith.addi %mul3A_373, %add3A_374 : i32
        %get3A = arith.index_cast %add3A_375 : i32 to index
        %get3A_376 = tpu.vector_load %arg10[%get3A] {strides = array<i32>} : memref<6528xi32, #tpu.memory_space<vmem>>, vector<16xi32>,
        %swap3A = arith.constant 0 : index
        %swap3A_377 = tpu.vector_load %arg16[%swap3A] {strides = array<i32>} : memref<128xi32, #tpu.memory_space<vmem>>, vector<16xi32>,
        tpu.vector_store %arg16[%swap3A], %get3A_376 {strides = array<i32>} : memref<128xi32, #tpu.memory_space<vmem>>, vector<16xi32>,
        %mul3A_378 = arith.constant 128 : i32
        %mul3A_379 = arith.muli %while3A_324, %mul3A_378 : i32
        %add3A_380 = arith.constant 16 : i32
        %add3A_381 = arith.addi %mul3A_379, %add3A_380 : i32
        %get3A_382 = arith.index_cast %add3A_381 : i32 to index
        %get3A_383 = tpu.vector_load %arg10[%get3A_382] {strides = array<i32>} : memref<6528xi32, #tpu.memory_space<vmem>>, vector<16xi32>,
        %swap3A_384 = arith.constant 16 : index
        %swap3A_385 = tpu.vector_load %arg16[%swap3A_384] {strides = array<i32>} : memref<128xi32, #tpu.memory_space<vmem>>, vector<16xi32>,
        tpu.vector_store %arg16[%swap3A_384], %get3A_383 {strides = array<i32>} : memref<128xi32, #tpu.memory_space<vmem>>, vector<16xi32>,
        %mul3A_386 = arith.constant 128 : i32
        %mul3A_387 = arith.muli %while3A_324, %mul3A_386 : i32
        %add3A_388 = arith.constant 32 : i32
        %add3A_389 = arith.addi %mul3A_387, %add3A_388 : i32
        %get3A_390 = arith.index_cast %add3A_389 : i32 to index
        %get3A_391 = tpu.vector_load %arg10[%get3A_390] {strides = array<i32>} : memref<6528xi32, #tpu.memory_space<vmem>>, vector<16xi32>,
        %swap3A_392 = arith.constant 32 : index
        %swap3A_393 = tpu.vector_load %arg16[%swap3A_392] {strides = array<i32>} : memref<128xi32, #tpu.memory_space<vmem>>, vector<16xi32>,
        tpu.vector_store %arg16[%swap3A_392], %get3A_391 {strides = array<i32>} : memref<128xi32, #tpu.memory_space<vmem>>, vector<16xi32>,
        %mul3A_394 = arith.constant 128 : i32
        %mul3A_395 = arith.muli %while3A_324, %mul3A_394 : i32
        %add3A_396 = arith.constant 48 : i32
        %add3A_397 = arith.addi %mul3A_395, %add3A_396 : i32
        %get3A_398 = arith.index_cast %add3A_397 : i32 to index
        %get3A_399 = tpu.vector_load %arg10[%get3A_398] {strides = array<i32>} : memref<6528xi32, #tpu.memory_space<vmem>>, vector<16xi32>,
        %swap3A_400 = arith.constant 48 : index
        %swap3A_401 = tpu.vector_load %arg16[%swap3A_400] {strides = array<i32>} : memref<128xi32, #tpu.memory_space<vmem>>, vector<16xi32>,
        tpu.vector_store %arg16[%swap3A_400], %get3A_399 {strides = array<i32>} : memref<128xi32, #tpu.memory_space<vmem>>, vector<16xi32>,
        %mul3A_402 = arith.constant 128 : i32
        %mul3A_403 = arith.muli %while3A_324, %mul3A_402 : i32
        %add3A_404 = arith.constant 64 : i32
        %add3A_405 = arith.addi %mul3A_403, %add3A_404 : i32
        %get3A_406 = arith.index_cast %add3A_405 : i32 to index
        %get3A_407 = tpu.vector_load %arg10[%get3A_406] {strides = array<i32>} : memref<6528xi32, #tpu.memory_space<vmem>>, vector<16xi32>,
        %swap3A_408 = arith.constant 64 : index
        %swap3A_409 = tpu.vector_load %arg16[%swap3A_408] {strides = array<i32>} : memref<128xi32, #tpu.memory_space<vmem>>, vector<16xi32>,
        tpu.vector_store %arg16[%swap3A_408], %get3A_407 {strides = array<i32>} : memref<128xi32, #tpu.memory_space<vmem>>, vector<16xi32>,
        %mul3A_410 = arith.constant 128 : i32
        %mul3A_411 = arith.muli %while3A_324, %mul3A_410 : i32
        %add3A_412 = arith.constant 80 : i32
        %add3A_413 = arith.addi %mul3A_411, %add3A_412 : i32
        %get3A_414 = arith.index_cast %add3A_413 : i32 to index
        %get3A_415 = tpu.vector_load %arg10[%get3A_414] {strides = array<i32>} : memref<6528xi32, #tpu.memory_space<vmem>>, vector<16xi32>,
        %swap3A_416 = arith.constant 80 : index
        %swap3A_417 = tpu.vector_load %arg16[%swap3A_416] {strides = array<i32>} : memref<128xi32, #tpu.memory_space<vmem>>, vector<16xi32>,
        tpu.vector_store %arg16[%swap3A_416], %get3A_415 {strides = array<i32>} : memref<128xi32, #tpu.memory_space<vmem>>, vector<16xi32>,
        %mul3A_418 = arith.constant 128 : i32
        %mul3A_419 = arith.muli %while3A_324, %mul3A_418 : i32
        %add3A_420 = arith.constant 96 : i32
        %add3A_421 = arith.addi %mul3A_419, %add3A_420 : i32
        %get3A_422 = arith.index_cast %add3A_421 : i32 to index
        %get3A_423 = tpu.vector_load %arg10[%get3A_422] {strides = array<i32>} : memref<6528xi32, #tpu.memory_space<vmem>>, vector<16xi32>,
        %swap3A_424 = arith.constant 96 : index
        %swap3A_425 = tpu.vector_load %arg16[%swap3A_424] {strides = array<i32>} : memref<128xi32, #tpu.memory_space<vmem>>, vector<16xi32>,
        tpu.vector_store %arg16[%swap3A_424], %get3A_423 {strides = array<i32>} : memref<128xi32, #tpu.memory_space<vmem>>, vector<16xi32>,
        %mul3A_426 = arith.constant 128 : i32
        %mul3A_427 = arith.muli %while3A_324, %mul3A_426 : i32
        %add3A_428 = arith.constant 112 : i32
        %add3A_429 = arith.addi %mul3A_427, %add3A_428 : i32
        %get3A_430 = arith.index_cast %add3A_429 : i32 to index
        %get3A_431 = tpu.vector_load %arg10[%get3A_430] {strides = array<i32>} : memref<6528xi32, #tpu.memory_space<vmem>>, vector<16xi32>,
        %swap3A_432 = arith.constant 112 : index
        %swap3A_433 = tpu.vector_load %arg16[%swap3A_432] {strides = array<i32>} : memref<128xi32, #tpu.memory_space<vmem>>, vector<16xi32>,
        tpu.vector_store %arg16[%swap3A_432], %get3A_431 {strides = array<i32>} : memref<128xi32, #tpu.memory_space<vmem>>, vector<16xi32>,
        %dma_start3A = arith.constant 1 : i32
        %dma_start3A_434 = arith.constant 0 : i32
        %dma_start3A_435 = arith.constant 0 : i32
        %dma_start3A_436 = tpu.memref_slice %arg11[%dma_start3A, %dma_start3A_434, %dma_start3A_435] : memref<2x128x128xf32, #tpu.memory_space<vmem>> -> memref<1x128x128xf32, #tpu.memory_space<vmem>>
        %dma_start3A_437 = tpu.memref_squeeze %dma_start3A_436 : memref<1x128x128xf32, #tpu.memory_space<vmem>> -> memref<128x128xf32, #tpu.memory_space<vmem>>
        %dma_start3A_438 = arith.constant 0 : i32
        %dma_start3A_439 = arith.constant 0 : i32
        %dma_start3A_440 = tpu.memref_slice %arg5[%dma_start3A_438, %dma_start3A_439] : memref<200000x128xf32, #tpu.memory_space<hbm>> -> memref<200000x128xf32, #tpu.memory_space<hbm>>
        tpu.enqueue_indirect_dma source(%dma_start3A_437 : memref<128x128xf32, #tpu.memory_space<vmem>>) target(%dma_start3A_440 : memref<200000x128xf32, #tpu.memory_space<hbm>>) offsets(%arg16 : memref<128xi32, #tpu.memory_space<vmem>>) semaphore(%arg20 : memref<!tpu.dma_semaphore, #tpu.memory_space<semaphore_mem>>)
      } else {
      }
    }
    %eq3A_257 = arith.constant 1 : i32
    %eq3A_258 = arith.cmpi eq, %select_n3A_241, %eq3A_257 : i32
    %convert_element_type3A_259 = arith.extui %eq3A_258 : i1 to i32
    %cond3A_260 = arith.constant 0 : i32
    %cond3A_261 = arith.cmpi ne, %convert_element_type3A_259, %cond3A_260 : i32
    scf.if %cond3A_261 {
      %dma_wait3A = arith.constant 0 : i32
      %dma_wait3A_324 = arith.constant 0 : i32
      %dma_wait3A_325 = arith.constant 0 : i32
      %dma_wait3A_326 = tpu.memref_slice %arg11[%dma_wait3A, %dma_wait3A_324, %dma_wait3A_325] : memref<2x128x128xf32, #tpu.memory_space<vmem>> -> memref<1x128x128xf32, #tpu.memory_space<vmem>>
      %dma_wait3A_327 = tpu.memref_squeeze %dma_wait3A_326 : memref<1x128x128xf32, #tpu.memory_space<vmem>> -> memref<128x128xf32, #tpu.memory_space<vmem>>
      %dma_wait3A_328 = arith.constant 0 : i32
      %dma_wait3A_329 = arith.constant 0 : i32
      %dma_wait3A_330 = tpu.memref_slice %arg5[%dma_wait3A_328, %dma_wait3A_329] : memref<200000x128xf32, #tpu.memory_space<hbm>> -> memref<200000x128xf32, #tpu.memory_space<hbm>>
      tpu.wait_indirect_dma semaphore(%arg19 : memref<!tpu.dma_semaphore, #tpu.memory_space<semaphore_mem>>) src(%dma_wait3A_327 : memref<128x128xf32, #tpu.memory_space<vmem>>) dst(%dma_wait3A_330 : memref<200000x128xf32, #tpu.memory_space<hbm>>)
    } else {
    }
    %ge3A_262 = arith.constant 2 : i32
    %ge3A_263 = arith.cmpi sge, %select_n3A_241, %ge3A_262 : i32
    %convert_element_type3A_264 = arith.extui %ge3A_263 : i1 to i32
    %cond3A_265 = arith.constant 0 : i32
    %cond3A_266 = arith.cmpi ne, %convert_element_type3A_264, %cond3A_265 : i32
    scf.if %cond3A_266 {
      %dma_wait3A = arith.constant 0 : i32
      %dma_wait3A_324 = arith.constant 0 : i32
      %dma_wait3A_325 = arith.constant 0 : i32
      %dma_wait3A_326 = tpu.memref_slice %arg11[%dma_wait3A, %dma_wait3A_324, %dma_wait3A_325] : memref<2x128x128xf32, #tpu.memory_space<vmem>> -> memref<1x128x128xf32, #tpu.memory_space<vmem>>
      %dma_wait3A_327 = tpu.memref_squeeze %dma_wait3A_326 : memref<1x128x128xf32, #tpu.memory_space<vmem>> -> memref<128x128xf32, #tpu.memory_space<vmem>>
      %dma_wait3A_328 = arith.constant 0 : i32
      %dma_wait3A_329 = arith.constant 0 : i32
      %dma_wait3A_330 = tpu.memref_slice %arg5[%dma_wait3A_328, %dma_wait3A_329] : memref<200000x128xf32, #tpu.memory_space<hbm>> -> memref<200000x128xf32, #tpu.memory_space<hbm>>
      tpu.wait_indirect_dma semaphore(%arg19 : memref<!tpu.dma_semaphore, #tpu.memory_space<semaphore_mem>>) src(%dma_wait3A_327 : memref<128x128xf32, #tpu.memory_space<vmem>>) dst(%dma_wait3A_330 : memref<200000x128xf32, #tpu.memory_space<hbm>>)
      %dma_wait3A_331 = arith.constant 1 : i32
      %dma_wait3A_332 = arith.constant 0 : i32
      %dma_wait3A_333 = arith.constant 0 : i32
      %dma_wait3A_334 = tpu.memref_slice %arg11[%dma_wait3A_331, %dma_wait3A_332, %dma_wait3A_333] : memref<2x128x128xf32, #tpu.memory_space<vmem>> -> memref<1x128x128xf32, #tpu.memory_space<vmem>>
      %dma_wait3A_335 = tpu.memref_squeeze %dma_wait3A_334 : memref<1x128x128xf32, #tpu.memory_space<vmem>> -> memref<128x128xf32, #tpu.memory_space<vmem>>
      %dma_wait3A_336 = arith.constant 0 : i32
      %dma_wait3A_337 = arith.constant 0 : i32
      %dma_wait3A_338 = tpu.memref_slice %arg5[%dma_wait3A_336, %dma_wait3A_337] : memref<200000x128xf32, #tpu.memory_space<hbm>> -> memref<200000x128xf32, #tpu.memory_space<hbm>>
      tpu.wait_indirect_dma semaphore(%arg20 : memref<!tpu.dma_semaphore, #tpu.memory_space<semaphore_mem>>) src(%dma_wait3A_335 : memref<128x128xf32, #tpu.memory_space<vmem>>) dst(%dma_wait3A_338 : memref<200000x128xf32, #tpu.memory_space<hbm>>)
    } else {
    }
    %mul3A_267 = arith.constant 128 : i32
    %mul3A_268 = arith.muli %select_n3A_241, %mul3A_267 : i32
    %sub3A_269 = arith.subi %scan3A_113#1, %mul3A_268 : i32
    %jit3A_270 = arith.constant 16 : i32
    %div3A_271 = arith.divsi %sub3A_269, %jit3A_270 : i32
    %sign3A_272 = arith.constant 0 : i32
    %sign3A_273 = arith.cmpi sgt, %sub3A_269, %sign3A_272 : i32
    %sign3A_274 = arith.extui %sign3A_273 : i1 to i32
    %sign3A_275 = arith.constant 0 : i32
    %sign3A_276 = arith.cmpi slt, %sub3A_269, %sign3A_275 : i32
    %sign3A_277 = arith.extui %sign3A_276 : i1 to i32
    %sign3A_278 = arith.subi %sign3A_274, %sign3A_277 : i32
    %sign3A_279 = arith.constant 0 : i32
    %sign3A_280 = arith.cmpi sgt, %jit3A_270, %sign3A_279 : i32
    %sign3A_281 = arith.extui %sign3A_280 : i1 to i32
    %sign3A_282 = arith.constant 0 : i32
    %sign3A_283 = arith.cmpi slt, %jit3A_270, %sign3A_282 : i32
    %sign3A_284 = arith.extui %sign3A_283 : i1 to i32
    %sign3A_285 = arith.subi %sign3A_281, %sign3A_284 : i32
    %ne3A_286 = arith.cmpi ne, %sign3A_278, %sign3A_285 : i32
    %rem3A_287 = arith.remsi %sub3A_269, %jit3A_270 : i32
    %ne3A_288 = arith.constant 0 : i32
    %ne3A_289 = arith.cmpi ne, %rem3A_287, %ne3A_288 : i32
    %and3A_290 = arith.andi %ne3A_286, %ne3A_289 : i1
    %sub3A_291 = arith.constant 1 : i32
    %sub3A_292 = arith.subi %div3A_271, %sub3A_291 : i32
    %select_n3A_293 = arith.select %and3A_290, %sub3A_292, %div3A_271 : i32
    %while3A_294 = arith.constant 0 : i32
    %while3A_295 = arith.constant 0 : i32
    %while3A_296 = arith.subi %select_n3A_293, %while3A_295 : i32
    %while3A_297 = arith.addi %while3A_295, %while3A_296 : i32
    %while3A_298 = arith.constant 1 : i32
    %while3A_299 = arith.divsi %while3A_296, %while3A_298 : i32
    %while3A_300 = arith.muli %while3A_299, %while3A_298 : i32
    %while3A_301 = arith.addi %while3A_295, %while3A_300 : i32
    %while3A_302 = arith.constant 1 : i32
    scf.for %while3A_324 = %while3A_295 to %while3A_301 step %while3A_302  : i32 {
      %mul3A_325 = arith.constant 16 : i32
      %mul3A_326 = arith.muli %while3A_324, %mul3A_325 : i32
      %add3A_327 = arith.addi %mul3A_268, %mul3A_326 : i32
      %get3A = arith.index_cast %add3A_327 : i32 to index
      %get3A_328 = tpu.vector_load %arg10[%get3A] {strides = array<i32>} : memref<6528xi32, #tpu.memory_space<vmem>>, vector<16xi32>,
      %dma_start3A = arith.constant 0 : i32
      %dma_start3A_329 = arith.constant 0 : i32
      %dma_start3A_330 = tpu.memref_slice %arg2[%dma_start3A, %dma_start3A_329] : memref<200000x128xf32, #tpu.memory_space<hbm>> -> memref<200000x128xf32, #tpu.memory_space<hbm>>
      tpu.enqueue_indirect_dma source(%dma_start3A_330 : memref<200000x128xf32, #tpu.memory_space<hbm>>) target(%arg12 : memref<16x128xf32, #tpu.memory_space<vmem>>) offsets(%get3A_328 : vector<16xi32>) semaphore(%arg21 : memref<!tpu.dma_semaphore, #tpu.memory_space<semaphore_mem>>)
      %dma_wait3A = arith.constant 0 : i32
      %dma_wait3A_331 = arith.constant 0 : i32
      %dma_wait3A_332 = tpu.memref_slice %arg2[%dma_wait3A, %dma_wait3A_331] : memref<200000x128xf32, #tpu.memory_space<hbm>> -> memref<200000x128xf32, #tpu.memory_space<hbm>>
      tpu.wait_indirect_dma semaphore(%arg21 : memref<!tpu.dma_semaphore, #tpu.memory_space<semaphore_mem>>) src(%dma_wait3A_332 : memref<200000x128xf32, #tpu.memory_space<hbm>>) dst(%arg12 : memref<16x128xf32, #tpu.memory_space<vmem>>)
      %get3A_333 = arith.index_cast %add3A_327 : i32 to index
      %get3A_334 = tpu.vector_load %arg10[%get3A_333] {strides = array<i32>} : memref<6528xi32, #tpu.memory_space<vmem>>, vector<16xi32>,
      %dma_start3A_335 = arith.constant 0 : i32
      %dma_start3A_336 = arith.constant 0 : i32
      %dma_start3A_337 = tpu.memref_slice %arg5[%dma_start3A_335, %dma_start3A_336] : memref<200000x128xf32, #tpu.memory_space<hbm>> -> memref<200000x128xf32, #tpu.memory_space<hbm>>
      tpu.enqueue_indirect_dma source(%arg12 : memref<16x128xf32, #tpu.memory_space<vmem>>) target(%dma_start3A_337 : memref<200000x128xf32, #tpu.memory_space<hbm>>) offsets(%get3A_334 : vector<16xi32>) semaphore(%arg21 : memref<!tpu.dma_semaphore, #tpu.memory_space<semaphore_mem>>)
      %dma_wait3A_338 = arith.constant 0 : i32
      %dma_wait3A_339 = arith.constant 0 : i32
      %dma_wait3A_340 = tpu.memref_slice %arg5[%dma_wait3A_338, %dma_wait3A_339] : memref<200000x128xf32, #tpu.memory_space<hbm>> -> memref<200000x128xf32, #tpu.memory_space<hbm>>
      tpu.wait_indirect_dma semaphore(%arg21 : memref<!tpu.dma_semaphore, #tpu.memory_space<semaphore_mem>>) src(%arg12 : memref<16x128xf32, #tpu.memory_space<vmem>>) dst(%dma_wait3A_340 : memref<200000x128xf32, #tpu.memory_space<hbm>>)
    }
    %while3A_303 = arith.constant 1 : i32
    scf.for %while3A_324 = %while3A_301 to %while3A_297 step %while3A_303  : i32 {
      %mul3A_325 = arith.constant 16 : i32
      %mul3A_326 = arith.muli %while3A_324, %mul3A_325 : i32
      %add3A_327 = arith.addi %mul3A_268, %mul3A_326 : i32
      %get3A = arith.index_cast %add3A_327 : i32 to index
      %get3A_328 = tpu.vector_load %arg10[%get3A] {strides = array<i32>} : memref<6528xi32, #tpu.memory_space<vmem>>, vector<16xi32>,
      %dma_start3A = arith.constant 0 : i32
      %dma_start3A_329 = arith.constant 0 : i32
      %dma_start3A_330 = tpu.memref_slice %arg2[%dma_start3A, %dma_start3A_329] : memref<200000x128xf32, #tpu.memory_space<hbm>> -> memref<200000x128xf32, #tpu.memory_space<hbm>>
      tpu.enqueue_indirect_dma source(%dma_start3A_330 : memref<200000x128xf32, #tpu.memory_space<hbm>>) target(%arg12 : memref<16x128xf32, #tpu.memory_space<vmem>>) offsets(%get3A_328 : vector<16xi32>) semaphore(%arg21 : memref<!tpu.dma_semaphore, #tpu.memory_space<semaphore_mem>>)
      %dma_wait3A = arith.constant 0 : i32
      %dma_wait3A_331 = arith.constant 0 : i32
      %dma_wait3A_332 = tpu.memref_slice %arg2[%dma_wait3A, %dma_wait3A_331] : memref<200000x128xf32, #tpu.memory_space<hbm>> -> memref<200000x128xf32, #tpu.memory_space<hbm>>
      tpu.wait_indirect_dma semaphore(%arg21 : memref<!tpu.dma_semaphore, #tpu.memory_space<semaphore_mem>>) src(%dma_wait3A_332 : memref<200000x128xf32, #tpu.memory_space<hbm>>) dst(%arg12 : memref<16x128xf32, #tpu.memory_space<vmem>>)
      %get3A_333 = arith.index_cast %add3A_327 : i32 to index
      %get3A_334 = tpu.vector_load %arg10[%get3A_333] {strides = array<i32>} : memref<6528xi32, #tpu.memory_space<vmem>>, vector<16xi32>,
      %dma_start3A_335 = arith.constant 0 : i32
      %dma_start3A_336 = arith.constant 0 : i32
      %dma_start3A_337 = tpu.memref_slice %arg5[%dma_start3A_335, %dma_start3A_336] : memref<200000x128xf32, #tpu.memory_space<hbm>> -> memref<200000x128xf32, #tpu.memory_space<hbm>>
      tpu.enqueue_indirect_dma source(%arg12 : memref<16x128xf32, #tpu.memory_space<vmem>>) target(%dma_start3A_337 : memref<200000x128xf32, #tpu.memory_space<hbm>>) offsets(%get3A_334 : vector<16xi32>) semaphore(%arg21 : memref<!tpu.dma_semaphore, #tpu.memory_space<semaphore_mem>>)
      %dma_wait3A_338 = arith.constant 0 : i32
      %dma_wait3A_339 = arith.constant 0 : i32
      %dma_wait3A_340 = tpu.memref_slice %arg5[%dma_wait3A_338, %dma_wait3A_339] : memref<200000x128xf32, #tpu.memory_space<hbm>> -> memref<200000x128xf32, #tpu.memory_space<hbm>>
      tpu.wait_indirect_dma semaphore(%arg21 : memref<!tpu.dma_semaphore, #tpu.memory_space<semaphore_mem>>) src(%arg12 : memref<16x128xf32, #tpu.memory_space<vmem>>) dst(%dma_wait3A_340 : memref<200000x128xf32, #tpu.memory_space<hbm>>)
    }
    %sub3A_304 = arith.subi %scan3A_113#1, %mul3A_268 : i32
    %mul3A_305 = arith.constant 16 : i32
    %mul3A_306 = arith.muli %select_n3A_293, %mul3A_305 : i32
    %sub3A_307 = arith.subi %sub3A_304, %mul3A_306 : i32
    %gt3A_308 = arith.constant 0 : i32
    %gt3A_309 = arith.cmpi sgt, %sub3A_307, %gt3A_308 : i32
    %ge3A_310 = arith.constant 16 : i32
    %ge3A_311 = arith.cmpi sge, %scan3A_113#1, %ge3A_310 : i32
    %and3A_312 = arith.andi %gt3A_309, %ge3A_311 : i1
    %convert_element_type3A_313 = arith.extui %and3A_312 : i1 to i32
    %cond3A_314 = arith.constant 0 : i32
    %cond3A_315 = arith.cmpi ne, %convert_element_type3A_313, %cond3A_314 : i32
    scf.if %cond3A_315 {
      %sub3A_324 = arith.constant 16 : i32
      %sub3A_325 = arith.subi %scan3A_113#1, %sub3A_324 : i32
      %get3A = arith.index_cast %sub3A_325 : i32 to index
      %get3A_326 = tpu.vector_load %arg10[%get3A] {strides = array<i32>} : memref<6528xi32, #tpu.memory_space<vmem>>, vector<16xi32>,
      %dma_start3A = arith.constant 0 : i32
      %dma_start3A_327 = arith.constant 0 : i32
      %dma_start3A_328 = tpu.memref_slice %arg2[%dma_start3A, %dma_start3A_327] : memref<200000x128xf32, #tpu.memory_space<hbm>> -> memref<200000x128xf32, #tpu.memory_space<hbm>>
      tpu.enqueue_indirect_dma source(%dma_start3A_328 : memref<200000x128xf32, #tpu.memory_space<hbm>>) target(%arg12 : memref<16x128xf32, #tpu.memory_space<vmem>>) offsets(%get3A_326 : vector<16xi32>) semaphore(%arg21 : memref<!tpu.dma_semaphore, #tpu.memory_space<semaphore_mem>>)
      %dma_wait3A = arith.constant 0 : i32
      %dma_wait3A_329 = arith.constant 0 : i32
      %dma_wait3A_330 = tpu.memref_slice %arg2[%dma_wait3A, %dma_wait3A_329] : memref<200000x128xf32, #tpu.memory_space<hbm>> -> memref<200000x128xf32, #tpu.memory_space<hbm>>
      tpu.wait_indirect_dma semaphore(%arg21 : memref<!tpu.dma_semaphore, #tpu.memory_space<semaphore_mem>>) src(%dma_wait3A_330 : memref<200000x128xf32, #tpu.memory_space<hbm>>) dst(%arg12 : memref<16x128xf32, #tpu.memory_space<vmem>>)
      %get3A_331 = arith.index_cast %sub3A_325 : i32 to index
      %get3A_332 = tpu.vector_load %arg10[%get3A_331] {strides = array<i32>} : memref<6528xi32, #tpu.memory_space<vmem>>, vector<16xi32>,
      %dma_start3A_333 = arith.constant 0 : i32
      %dma_start3A_334 = arith.constant 0 : i32
      %dma_start3A_335 = tpu.memref_slice %arg5[%dma_start3A_333, %dma_start3A_334] : memref<200000x128xf32, #tpu.memory_space<hbm>> -> memref<200000x128xf32, #tpu.memory_space<hbm>>
      tpu.enqueue_indirect_dma source(%arg12 : memref<16x128xf32, #tpu.memory_space<vmem>>) target(%dma_start3A_335 : memref<200000x128xf32, #tpu.memory_space<hbm>>) offsets(%get3A_332 : vector<16xi32>) semaphore(%arg21 : memref<!tpu.dma_semaphore, #tpu.memory_space<semaphore_mem>>)
      %dma_wait3A_336 = arith.constant 0 : i32
      %dma_wait3A_337 = arith.constant 0 : i32
      %dma_wait3A_338 = tpu.memref_slice %arg5[%dma_wait3A_336, %dma_wait3A_337] : memref<200000x128xf32, #tpu.memory_space<hbm>> -> memref<200000x128xf32, #tpu.memory_space<hbm>>
      tpu.wait_indirect_dma semaphore(%arg21 : memref<!tpu.dma_semaphore, #tpu.memory_space<semaphore_mem>>) src(%arg12 : memref<16x128xf32, #tpu.memory_space<vmem>>) dst(%dma_wait3A_338 : memref<200000x128xf32, #tpu.memory_space<hbm>>)
    } else {
    }
    %gt3A_316 = arith.constant 0 : i32
    %gt3A_317 = arith.cmpi sgt, %sub3A_307, %gt3A_316 : i32
    %lt3A_318 = arith.constant 16 : i32
    %lt3A_319 = arith.cmpi slt, %scan3A_113#1, %lt3A_318 : i32
    %and3A_320 = arith.andi %gt3A_317, %lt3A_319 : i1
    %convert_element_type3A_321 = arith.extui %and3A_320 : i1 to i32
    %cond3A_322 = arith.constant 0 : i32
    %cond3A_323 = arith.cmpi ne, %convert_element_type3A_321, %cond3A_322 : i32
    scf.if %cond3A_323 {
      %get3A = arith.constant 0 : index
      %get3A_324 = tpu.vector_load %arg10[%get3A] {strides = array<i32>} : memref<6528xi32, #tpu.memory_space<vmem>>, vector<16xi32>,
      %get3A_325 = arith.constant 0 : index
      %get3A_326 = tpu.vector_load %arg10[%get3A_325] {strides = array<i32>} : memref<6528xi32, #tpu.memory_space<vmem>>, vector<16xi32>,
      %lt3A_327 = vector.broadcast %scan3A_113#1 : i32 to vector<16xi32>
      %lt3A_328 = arith.cmpi slt, %iota3A, %lt3A_327 : vector<16xi32>
      %eq3A_329 = arith.constant 0 : i32
      %eq3A_330 = vector.broadcast %eq3A_329 : i32 to vector<16xi32>
      %eq3A_331 = arith.cmpi eq, %iota3A, %eq3A_330 : vector<16xi32>
      %select_n3A_332 = arith.select %eq3A_331, %get3A_324, %broadcast_in_dim3A_116 : vector<16xi1>, vector<16xi32>
      %reduce_max3A = arith.constant true
      %reduce_max3A_333 = vector.broadcast %reduce_max3A : i1 to vector<16xi1>
      %reduce_max3A_334 = arith.constant -2147483648 : i32
      %reduce_max3A_335 = vector.broadcast %reduce_max3A_334 : i32 to vector<16xi32>
      %reduce_max3A_336 = arith.xori %select_n3A_332, %reduce_max3A_335 : vector<16xi32>
      %reduce_max3A_337 = tpu.scan <max>, %reduce_max3A_336 masked %reduce_max3A_333 : vector<16xi32>, vector<16xi1> -> vector<16xi32>
      %reduce_max3A_338 = arith.xori %reduce_max3A_337, %reduce_max3A_335 : vector<16xi32>
      %reduce_max3A_339 = vector.extract %reduce_max3A_338[15] : i32 from vector<16xi32>
      %eq3A_340 = arith.constant 0 : i32
      %eq3A_341 = vector.broadcast %eq3A_340 : i32 to vector<16xi32>
      %eq3A_342 = arith.cmpi eq, %iota3A, %eq3A_341 : vector<16xi32>
      %select_n3A_343 = arith.select %eq3A_342, %get3A_326, %broadcast_in_dim3A_116 : vector<16xi1>, vector<16xi32>
      %reduce_max3A_344 = arith.constant true
      %reduce_max3A_345 = vector.broadcast %reduce_max3A_344 : i1 to vector<16xi1>
      %reduce_max3A_346 = arith.constant -2147483648 : i32
      %reduce_max3A_347 = vector.broadcast %reduce_max3A_346 : i32 to vector<16xi32>
      %reduce_max3A_348 = arith.xori %select_n3A_343, %reduce_max3A_347 : vector<16xi32>
      %reduce_max3A_349 = tpu.scan <max>, %reduce_max3A_348 masked %reduce_max3A_345 : vector<16xi32>, vector<16xi1> -> vector<16xi32>
      %reduce_max3A_350 = arith.xori %reduce_max3A_349, %reduce_max3A_347 : vector<16xi32>
      %reduce_max3A_351 = vector.extract %reduce_max3A_350[15] : i32 from vector<16xi32>
      %broadcast_in_dim3A_352 = vector.broadcast %reduce_max3A_339 : i32 to vector<16xi32>
      %select_n3A_353 = arith.select %lt3A_328, %get3A_324, %broadcast_in_dim3A_352 : vector<16xi1>, vector<16xi32>
      %dma_start3A = arith.constant 0 : i32
      %dma_start3A_354 = arith.constant 0 : i32
      %dma_start3A_355 = tpu.memref_slice %arg2[%dma_start3A, %dma_start3A_354] : memref<200000x128xf32, #tpu.memory_space<hbm>> -> memref<200000x128xf32, #tpu.memory_space<hbm>>
      tpu.enqueue_indirect_dma source(%dma_start3A_355 : memref<200000x128xf32, #tpu.memory_space<hbm>>) target(%arg12 : memref<16x128xf32, #tpu.memory_space<vmem>>) offsets(%select_n3A_353 : vector<16xi32>) semaphore(%arg21 : memref<!tpu.dma_semaphore, #tpu.memory_space<semaphore_mem>>)
      %dma_wait3A = arith.constant 0 : i32
      %dma_wait3A_356 = arith.constant 0 : i32
      %dma_wait3A_357 = tpu.memref_slice %arg2[%dma_wait3A, %dma_wait3A_356] : memref<200000x128xf32, #tpu.memory_space<hbm>> -> memref<200000x128xf32, #tpu.memory_space<hbm>>
      tpu.wait_indirect_dma semaphore(%arg21 : memref<!tpu.dma_semaphore, #tpu.memory_space<semaphore_mem>>) src(%dma_wait3A_357 : memref<200000x128xf32, #tpu.memory_space<hbm>>) dst(%arg12 : memref<16x128xf32, #tpu.memory_space<vmem>>)
      %broadcast_in_dim3A_358 = vector.broadcast %reduce_max3A_351 : i32 to vector<16xi32>
      %select_n3A_359 = arith.select %lt3A_328, %get3A_326, %broadcast_in_dim3A_358 : vector<16xi1>, vector<16xi32>
      %dma_start3A_360 = arith.constant 0 : i32
      %dma_start3A_361 = arith.constant 0 : i32
      %dma_start3A_362 = tpu.memref_slice %arg5[%dma_start3A_360, %dma_start3A_361] : memref<200000x128xf32, #tpu.memory_space<hbm>> -> memref<200000x128xf32, #tpu.memory_space<hbm>>
      tpu.enqueue_indirect_dma source(%arg12 : memref<16x128xf32, #tpu.memory_space<vmem>>) target(%dma_start3A_362 : memref<200000x128xf32, #tpu.memory_space<hbm>>) offsets(%select_n3A_359 : vector<16xi32>) semaphore(%arg21 : memref<!tpu.dma_semaphore, #tpu.memory_space<semaphore_mem>>)
      %dma_wait3A_363 = arith.constant 0 : i32
      %dma_wait3A_364 = arith.constant 0 : i32
      %dma_wait3A_365 = tpu.memref_slice %arg5[%dma_wait3A_363, %dma_wait3A_364] : memref<200000x128xf32, #tpu.memory_space<hbm>> -> memref<200000x128xf32, #tpu.memory_space<hbm>>
      tpu.wait_indirect_dma semaphore(%arg21 : memref<!tpu.dma_semaphore, #tpu.memory_space<semaphore_mem>>) src(%arg12 : memref<16x128xf32, #tpu.memory_space<vmem>>) dst(%dma_wait3A_365 : memref<200000x128xf32, #tpu.memory_space<hbm>>)
    } else {
    }
    return
  }
}

#map = affine_map<(d0, d1) -> (0, 0)>
#map1 = affine_map<(d0, d1) -> (0, 0, 0)>
module attributes {stable_mosaic.version = 14 : i64} {
  func.func @_gather_call(%arg0: i32, %arg1: i32, %arg2: memref<200000x128xf32, #tpu.memory_space<hbm>>, %arg3: memref<65536x128xf32, #tpu.memory_space<hbm>>, %arg4: memref<32x32x128xi32, #tpu.memory_space<hbm>>, %arg5: memref<32x32x128xi32, #tpu.memory_space<hbm>>, %arg6: memref<131072x128xf32, #tpu.memory_space<hbm>>, %arg7: memref<131072x128xf32, #tpu.memory_space<hbm>>, %arg8: memref<32x128xi32, #tpu.memory_space<vmem>>, %arg9: memref<32x128xi32, #tpu.memory_space<vmem>>, %arg10: memref<2x128x128xf32, #tpu.memory_space<vmem>>, %arg11: memref<2x128x128xf32, #tpu.memory_space<vmem>>, %arg12: memref<!tpu.dma_semaphore, #tpu.memory_space<semaphore_mem>>, %arg13: memref<!tpu.dma_semaphore, #tpu.memory_space<semaphore_mem>>, %arg14: memref<!tpu.dma_semaphore, #tpu.memory_space<semaphore_mem>>, %arg15: memref<!tpu.dma_semaphore, #tpu.memory_space<semaphore_mem>>) attributes {dimension_semantics = [#tpu.dimension_semantics<core_parallel>, #tpu.dimension_semantics<subcore_parallel>], iteration_bounds = array<i64: 2, 16>, scalar_prefetch = 0 : i64, scratch_operands = 8 : i64, tpu.core_type = #tpu.core_type<sc_vector_subcore>, window_params = [{transform_indices = #map}, {transform_indices = #map}, {transform_indices = #map1}, {transform_indices = #map1}, {transform_indices = #map}, {transform_indices = #map}]} {
    %mul3A = arith.constant 2 : i32
    %mul3A_0 = arith.muli %arg1, %mul3A : i32
    %add3A = arith.addi %mul3A_0, %arg0 : i32
    %mul3A_1 = arith.constant 4096 : i32
    %mul3A_2 = arith.muli %add3A, %mul3A_1 : i32
    "tpu.region"() ({
      %run_scoped3A = tpu.sem_alloc : memref<!tpu.dma_semaphore, #tpu.memory_space<semaphore_mem>>
      %dma_start3A_110 = arith.constant 0 : i32
      %dma_start3A_111 = arith.constant 0 : i32
      %dma_start3A_112 = tpu.memref_slice %arg4[%add3A, %dma_start3A_110, %dma_start3A_111] : memref<32x32x128xi32, #tpu.memory_space<hbm>> -> memref<1x32x128xi32, #tpu.memory_space<hbm>>
      %dma_start3A_113 = tpu.memref_squeeze %dma_start3A_112 : memref<1x32x128xi32, #tpu.memory_space<hbm>> -> memref<32x128xi32, #tpu.memory_space<hbm>>
      %dma_start3A_114 = arith.constant 0 : i32
      %dma_start3A_115 = arith.constant 0 : i32
      %dma_start3A_116 = tpu.memref_slice %arg4[%add3A, %dma_start3A_114, %dma_start3A_115] : memref<32x32x128xi32, #tpu.memory_space<hbm>> -> memref<1x32x128xi32, #tpu.memory_space<hbm>>
      %dma_start3A_117 = tpu.memref_squeeze %dma_start3A_116 : memref<1x32x128xi32, #tpu.memory_space<hbm>> -> memref<32x128xi32, #tpu.memory_space<hbm>>
      tpu.enqueue_dma source(%dma_start3A_117 : memref<32x128xi32, #tpu.memory_space<hbm>>) target(%arg8 : memref<32x128xi32, #tpu.memory_space<vmem>>) target_semaphore(%run_scoped3A : memref<!tpu.dma_semaphore, #tpu.memory_space<semaphore_mem>>)
      %dma_wait3A_118 = arith.constant 0 : i32
      %dma_wait3A_119 = arith.constant 0 : i32
      %dma_wait3A_120 = tpu.memref_slice %arg4[%add3A, %dma_wait3A_118, %dma_wait3A_119] : memref<32x32x128xi32, #tpu.memory_space<hbm>> -> memref<1x32x128xi32, #tpu.memory_space<hbm>>
      %dma_wait3A_121 = tpu.memref_squeeze %dma_wait3A_120 : memref<1x32x128xi32, #tpu.memory_space<hbm>> -> memref<32x128xi32, #tpu.memory_space<hbm>>
      %dma_wait3A_122 = arith.constant 0 : i32
      %dma_wait3A_123 = arith.constant 0 : i32
      %dma_wait3A_124 = tpu.memref_slice %arg4[%add3A, %dma_wait3A_122, %dma_wait3A_123] : memref<32x32x128xi32, #tpu.memory_space<hbm>> -> memref<1x32x128xi32, #tpu.memory_space<hbm>>
      %dma_wait3A_125 = tpu.memref_squeeze %dma_wait3A_124 : memref<1x32x128xi32, #tpu.memory_space<hbm>> -> memref<32x128xi32, #tpu.memory_space<hbm>>
      tpu.wait_dma2 semaphore(%run_scoped3A : memref<!tpu.dma_semaphore, #tpu.memory_space<semaphore_mem>>) src(%dma_wait3A_125 : memref<32x128xi32, #tpu.memory_space<hbm>>) dst(%arg8 : memref<32x128xi32, #tpu.memory_space<vmem>>)
      tpu.yield
    }) : () -> ()
    "tpu.region"() ({
      %run_scoped3A = tpu.sem_alloc : memref<!tpu.dma_semaphore, #tpu.memory_space<semaphore_mem>>
      %dma_start3A_110 = arith.constant 0 : i32
      %dma_start3A_111 = arith.constant 0 : i32
      %dma_start3A_112 = tpu.memref_slice %arg5[%add3A, %dma_start3A_110, %dma_start3A_111] : memref<32x32x128xi32, #tpu.memory_space<hbm>> -> memref<1x32x128xi32, #tpu.memory_space<hbm>>
      %dma_start3A_113 = tpu.memref_squeeze %dma_start3A_112 : memref<1x32x128xi32, #tpu.memory_space<hbm>> -> memref<32x128xi32, #tpu.memory_space<hbm>>
      %dma_start3A_114 = arith.constant 0 : i32
      %dma_start3A_115 = arith.constant 0 : i32
      %dma_start3A_116 = tpu.memref_slice %arg5[%add3A, %dma_start3A_114, %dma_start3A_115] : memref<32x32x128xi32, #tpu.memory_space<hbm>> -> memref<1x32x128xi32, #tpu.memory_space<hbm>>
      %dma_start3A_117 = tpu.memref_squeeze %dma_start3A_116 : memref<1x32x128xi32, #tpu.memory_space<hbm>> -> memref<32x128xi32, #tpu.memory_space<hbm>>
      tpu.enqueue_dma source(%dma_start3A_117 : memref<32x128xi32, #tpu.memory_space<hbm>>) target(%arg9 : memref<32x128xi32, #tpu.memory_space<vmem>>) target_semaphore(%run_scoped3A : memref<!tpu.dma_semaphore, #tpu.memory_space<semaphore_mem>>)
      %dma_wait3A_118 = arith.constant 0 : i32
      %dma_wait3A_119 = arith.constant 0 : i32
      %dma_wait3A_120 = tpu.memref_slice %arg5[%add3A, %dma_wait3A_118, %dma_wait3A_119] : memref<32x32x128xi32, #tpu.memory_space<hbm>> -> memref<1x32x128xi32, #tpu.memory_space<hbm>>
      %dma_wait3A_121 = tpu.memref_squeeze %dma_wait3A_120 : memref<1x32x128xi32, #tpu.memory_space<hbm>> -> memref<32x128xi32, #tpu.memory_space<hbm>>
      %dma_wait3A_122 = arith.constant 0 : i32
      %dma_wait3A_123 = arith.constant 0 : i32
      %dma_wait3A_124 = tpu.memref_slice %arg5[%add3A, %dma_wait3A_122, %dma_wait3A_123] : memref<32x32x128xi32, #tpu.memory_space<hbm>> -> memref<1x32x128xi32, #tpu.memory_space<hbm>>
      %dma_wait3A_125 = tpu.memref_squeeze %dma_wait3A_124 : memref<1x32x128xi32, #tpu.memory_space<hbm>> -> memref<32x128xi32, #tpu.memory_space<hbm>>
      tpu.wait_dma2 semaphore(%run_scoped3A : memref<!tpu.dma_semaphore, #tpu.memory_space<semaphore_mem>>) src(%dma_wait3A_125 : memref<32x128xi32, #tpu.memory_space<hbm>>) dst(%arg9 : memref<32x128xi32, #tpu.memory_space<vmem>>)
      tpu.yield
    }) : () -> ()
    %dma_start3A = arith.constant 0 : i32
    %dma_start3A_3 = arith.constant 0 : i32
    %dma_start3A_4 = arith.constant 0 : i32
    %dma_start3A_5 = arith.constant 0 : i32
    %dma_start3A_6 = tpu.memref_slice %arg10[%dma_start3A_3, %dma_start3A_4, %dma_start3A_5] : memref<2x128x128xf32, #tpu.memory_space<vmem>> -> memref<1x128x128xf32, #tpu.memory_space<vmem>>
    %dma_start3A_7 = tpu.memref_squeeze %dma_start3A_6 : memref<1x128x128xf32, #tpu.memory_space<vmem>> -> memref<128x128xf32, #tpu.memory_space<vmem>>
    %dma_start3A_8 = arith.constant 0 : i32
    %dma_start3A_9 = tpu.memref_slice %arg8[%dma_start3A, %dma_start3A_8] : memref<32x128xi32, #tpu.memory_space<vmem>> -> memref<1x128xi32, #tpu.memory_space<vmem>>
    %dma_start3A_10 = tpu.memref_squeeze %dma_start3A_9 : memref<1x128xi32, #tpu.memory_space<vmem>> -> memref<128xi32, #tpu.memory_space<vmem>>
    %dma_start3A_11 = arith.constant 0 : i32
    %dma_start3A_12 = arith.constant 0 : i32
    %dma_start3A_13 = tpu.memref_slice %arg2[%dma_start3A_11, %dma_start3A_12] : memref<200000x128xf32, #tpu.memory_space<hbm>> -> memref<200000x128xf32, #tpu.memory_space<hbm>>
    tpu.enqueue_indirect_dma source(%dma_start3A_13 : memref<200000x128xf32, #tpu.memory_space<hbm>>) target(%dma_start3A_7 : memref<128x128xf32, #tpu.memory_space<vmem>>) offsets(%dma_start3A_10 : memref<128xi32, #tpu.memory_space<vmem>>) semaphore(%arg12 : memref<!tpu.dma_semaphore, #tpu.memory_space<semaphore_mem>>)
    %dma_start3A_14 = arith.constant 0 : i32
    %dma_start3A_15 = arith.constant 0 : i32
    %dma_start3A_16 = arith.constant 0 : i32
    %dma_start3A_17 = arith.constant 0 : i32
    %dma_start3A_18 = tpu.memref_slice %arg11[%dma_start3A_15, %dma_start3A_16, %dma_start3A_17] : memref<2x128x128xf32, #tpu.memory_space<vmem>> -> memref<1x128x128xf32, #tpu.memory_space<vmem>>
    %dma_start3A_19 = tpu.memref_squeeze %dma_start3A_18 : memref<1x128x128xf32, #tpu.memory_space<vmem>> -> memref<128x128xf32, #tpu.memory_space<vmem>>
    %dma_start3A_20 = arith.constant 0 : i32
    %dma_start3A_21 = tpu.memref_slice %arg9[%dma_start3A_14, %dma_start3A_20] : memref<32x128xi32, #tpu.memory_space<vmem>> -> memref<1x128xi32, #tpu.memory_space<vmem>>
    %dma_start3A_22 = tpu.memref_squeeze %dma_start3A_21 : memref<1x128xi32, #tpu.memory_space<vmem>> -> memref<128xi32, #tpu.memory_space<vmem>>
    %dma_start3A_23 = arith.constant 0 : i32
    %dma_start3A_24 = arith.constant 0 : i32
    %dma_start3A_25 = tpu.memref_slice %arg3[%dma_start3A_23, %dma_start3A_24] : memref<65536x128xf32, #tpu.memory_space<hbm>> -> memref<65536x128xf32, #tpu.memory_space<hbm>>
    tpu.enqueue_indirect_dma source(%dma_start3A_25 : memref<65536x128xf32, #tpu.memory_space<hbm>>) target(%dma_start3A_19 : memref<128x128xf32, #tpu.memory_space<vmem>>) offsets(%dma_start3A_22 : memref<128xi32, #tpu.memory_space<vmem>>) semaphore(%arg12 : memref<!tpu.dma_semaphore, #tpu.memory_space<semaphore_mem>>)
    %dma_start3A_26 = arith.constant 1 : i32
    %dma_start3A_27 = arith.constant 1 : i32
    %dma_start3A_28 = arith.constant 0 : i32
    %dma_start3A_29 = arith.constant 0 : i32
    %dma_start3A_30 = tpu.memref_slice %arg10[%dma_start3A_27, %dma_start3A_28, %dma_start3A_29] : memref<2x128x128xf32, #tpu.memory_space<vmem>> -> memref<1x128x128xf32, #tpu.memory_space<vmem>>
    %dma_start3A_31 = tpu.memref_squeeze %dma_start3A_30 : memref<1x128x128xf32, #tpu.memory_space<vmem>> -> memref<128x128xf32, #tpu.memory_space<vmem>>
    %dma_start3A_32 = arith.constant 0 : i32
    %dma_start3A_33 = tpu.memref_slice %arg8[%dma_start3A_26, %dma_start3A_32] : memref<32x128xi32, #tpu.memory_space<vmem>> -> memref<1x128xi32, #tpu.memory_space<vmem>>
    %dma_start3A_34 = tpu.memref_squeeze %dma_start3A_33 : memref<1x128xi32, #tpu.memory_space<vmem>> -> memref<128xi32, #tpu.memory_space<vmem>>
    %dma_start3A_35 = arith.constant 0 : i32
    %dma_start3A_36 = arith.constant 0 : i32
    %dma_start3A_37 = tpu.memref_slice %arg2[%dma_start3A_35, %dma_start3A_36] : memref<200000x128xf32, #tpu.memory_space<hbm>> -> memref<200000x128xf32, #tpu.memory_space<hbm>>
    tpu.enqueue_indirect_dma source(%dma_start3A_37 : memref<200000x128xf32, #tpu.memory_space<hbm>>) target(%dma_start3A_31 : memref<128x128xf32, #tpu.memory_space<vmem>>) offsets(%dma_start3A_34 : memref<128xi32, #tpu.memory_space<vmem>>) semaphore(%arg13 : memref<!tpu.dma_semaphore, #tpu.memory_space<semaphore_mem>>)
    %dma_start3A_38 = arith.constant 1 : i32
    %dma_start3A_39 = arith.constant 1 : i32
    %dma_start3A_40 = arith.constant 0 : i32
    %dma_start3A_41 = arith.constant 0 : i32
    %dma_start3A_42 = tpu.memref_slice %arg11[%dma_start3A_39, %dma_start3A_40, %dma_start3A_41] : memref<2x128x128xf32, #tpu.memory_space<vmem>> -> memref<1x128x128xf32, #tpu.memory_space<vmem>>
    %dma_start3A_43 = tpu.memref_squeeze %dma_start3A_42 : memref<1x128x128xf32, #tpu.memory_space<vmem>> -> memref<128x128xf32, #tpu.memory_space<vmem>>
    %dma_start3A_44 = arith.constant 0 : i32
    %dma_start3A_45 = tpu.memref_slice %arg9[%dma_start3A_38, %dma_start3A_44] : memref<32x128xi32, #tpu.memory_space<vmem>> -> memref<1x128xi32, #tpu.memory_space<vmem>>
    %dma_start3A_46 = tpu.memref_squeeze %dma_start3A_45 : memref<1x128xi32, #tpu.memory_space<vmem>> -> memref<128xi32, #tpu.memory_space<vmem>>
    %dma_start3A_47 = arith.constant 0 : i32
    %dma_start3A_48 = arith.constant 0 : i32
    %dma_start3A_49 = tpu.memref_slice %arg3[%dma_start3A_47, %dma_start3A_48] : memref<65536x128xf32, #tpu.memory_space<hbm>> -> memref<65536x128xf32, #tpu.memory_space<hbm>>
    tpu.enqueue_indirect_dma source(%dma_start3A_49 : memref<65536x128xf32, #tpu.memory_space<hbm>>) target(%dma_start3A_43 : memref<128x128xf32, #tpu.memory_space<vmem>>) offsets(%dma_start3A_46 : memref<128xi32, #tpu.memory_space<vmem>>) semaphore(%arg13 : memref<!tpu.dma_semaphore, #tpu.memory_space<semaphore_mem>>)
    %scan3A = arith.constant 0 : i32
    %scan3A_50 = arith.constant 0 : i32
    %scan3A_51 = arith.constant 16 : i32
    %scan3A_52 = arith.addi %scan3A_50, %scan3A_51 : i32
    %scan3A_53 = arith.constant 1 : i32
    scf.for %scan3A_110 = %scan3A_50 to %scan3A_52 step %scan3A_53  : i32 {
      %mul3A_111 = arith.constant 2 : i32
      %mul3A_112 = arith.muli %scan3A_110, %mul3A_111 : i32
      %add3A_113 = arith.constant 0 : i32
      %add3A_114 = arith.addi %mul3A_112, %add3A_113 : i32
      %dma_wait3A_115 = arith.constant 0 : i32
      %dma_wait3A_116 = arith.constant 0 : i32
      %dma_wait3A_117 = arith.constant 0 : i32
      %dma_wait3A_118 = tpu.memref_slice %arg10[%dma_wait3A_115, %dma_wait3A_116, %dma_wait3A_117] : memref<2x128x128xf32, #tpu.memory_space<vmem>> -> memref<1x128x128xf32, #tpu.memory_space<vmem>>
      %dma_wait3A_119 = tpu.memref_squeeze %dma_wait3A_118 : memref<1x128x128xf32, #tpu.memory_space<vmem>> -> memref<128x128xf32, #tpu.memory_space<vmem>>
      %dma_wait3A_120 = arith.constant 0 : i32
      %dma_wait3A_121 = tpu.memref_slice %arg8[%add3A_114, %dma_wait3A_120] : memref<32x128xi32, #tpu.memory_space<vmem>> -> memref<1x128xi32, #tpu.memory_space<vmem>>
      %dma_wait3A_122 = tpu.memref_squeeze %dma_wait3A_121 : memref<1x128xi32, #tpu.memory_space<vmem>> -> memref<128xi32, #tpu.memory_space<vmem>>
      %dma_wait3A_123 = arith.constant 0 : i32
      %dma_wait3A_124 = arith.constant 0 : i32
      %dma_wait3A_125 = tpu.memref_slice %arg2[%dma_wait3A_123, %dma_wait3A_124] : memref<200000x128xf32, #tpu.memory_space<hbm>> -> memref<200000x128xf32, #tpu.memory_space<hbm>>
      tpu.wait_indirect_dma semaphore(%arg12 : memref<!tpu.dma_semaphore, #tpu.memory_space<semaphore_mem>>) src(%dma_wait3A_125 : memref<200000x128xf32, #tpu.memory_space<hbm>>) dst(%dma_wait3A_119 : memref<128x128xf32, #tpu.memory_space<vmem>>)
      %dma_wait3A_126 = arith.constant 0 : i32
      %dma_wait3A_127 = arith.constant 0 : i32
      %dma_wait3A_128 = arith.constant 0 : i32
      %dma_wait3A_129 = tpu.memref_slice %arg11[%dma_wait3A_126, %dma_wait3A_127, %dma_wait3A_128] : memref<2x128x128xf32, #tpu.memory_space<vmem>> -> memref<1x128x128xf32, #tpu.memory_space<vmem>>
      %dma_wait3A_130 = tpu.memref_squeeze %dma_wait3A_129 : memref<1x128x128xf32, #tpu.memory_space<vmem>> -> memref<128x128xf32, #tpu.memory_space<vmem>>
      %dma_wait3A_131 = arith.constant 0 : i32
      %dma_wait3A_132 = tpu.memref_slice %arg9[%add3A_114, %dma_wait3A_131] : memref<32x128xi32, #tpu.memory_space<vmem>> -> memref<1x128xi32, #tpu.memory_space<vmem>>
      %dma_wait3A_133 = tpu.memref_squeeze %dma_wait3A_132 : memref<1x128xi32, #tpu.memory_space<vmem>> -> memref<128xi32, #tpu.memory_space<vmem>>
      %dma_wait3A_134 = arith.constant 0 : i32
      %dma_wait3A_135 = arith.constant 0 : i32
      %dma_wait3A_136 = tpu.memref_slice %arg3[%dma_wait3A_134, %dma_wait3A_135] : memref<65536x128xf32, #tpu.memory_space<hbm>> -> memref<65536x128xf32, #tpu.memory_space<hbm>>
      tpu.wait_indirect_dma semaphore(%arg12 : memref<!tpu.dma_semaphore, #tpu.memory_space<semaphore_mem>>) src(%dma_wait3A_136 : memref<65536x128xf32, #tpu.memory_space<hbm>>) dst(%dma_wait3A_130 : memref<128x128xf32, #tpu.memory_space<vmem>>)
      %mul3A_137 = arith.constant 128 : i32
      %mul3A_138 = arith.muli %add3A_114, %mul3A_137 : i32
      %add3A_139 = arith.addi %mul3A_2, %mul3A_138 : i32
      %dma_start3A_140 = arith.constant 0 : i32
      %dma_start3A_141 = arith.constant 0 : i32
      %dma_start3A_142 = arith.constant 0 : i32
      %dma_start3A_143 = tpu.memref_slice %arg10[%dma_start3A_140, %dma_start3A_141, %dma_start3A_142] : memref<2x128x128xf32, #tpu.memory_space<vmem>> -> memref<1x128x128xf32, #tpu.memory_space<vmem>>
      %dma_start3A_144 = tpu.memref_squeeze %dma_start3A_143 : memref<1x128x128xf32, #tpu.memory_space<vmem>> -> memref<128x128xf32, #tpu.memory_space<vmem>>
      %dma_start3A_145 = arith.constant 0 : i32
      %dma_start3A_146 = tpu.memref_slice %arg6[%add3A_139, %dma_start3A_145] : memref<131072x128xf32, #tpu.memory_space<hbm>> -> memref<128x128xf32, #tpu.memory_space<hbm>>
      %dma_start3A_147 = arith.constant 0 : i32
      %dma_start3A_148 = tpu.memref_slice %arg6[%add3A_139, %dma_start3A_147] : memref<131072x128xf32, #tpu.memory_space<hbm>> -> memref<128x128xf32, #tpu.memory_space<hbm>>
      %dma_start3A_149 = arith.constant 0 : i32
      %dma_start3A_150 = arith.constant 0 : i32
      %dma_start3A_151 = tpu.memref_slice %arg10[%dma_start3A_140, %dma_start3A_149, %dma_start3A_150] : memref<2x128x128xf32, #tpu.memory_space<vmem>> -> memref<1x128x128xf32, #tpu.memory_space<vmem>>
      %dma_start3A_152 = tpu.memref_squeeze %dma_start3A_151 : memref<1x128x128xf32, #tpu.memory_space<vmem>> -> memref<128x128xf32, #tpu.memory_space<vmem>>
      tpu.enqueue_dma source(%dma_start3A_152 : memref<128x128xf32, #tpu.memory_space<vmem>>) target(%dma_start3A_148 : memref<128x128xf32, #tpu.memory_space<hbm>>) target_semaphore(%arg14 : memref<!tpu.dma_semaphore, #tpu.memory_space<semaphore_mem>>)
      %dma_start3A_153 = arith.constant 0 : i32
      %dma_start3A_154 = arith.constant 0 : i32
      %dma_start3A_155 = arith.constant 0 : i32
      %dma_start3A_156 = tpu.memref_slice %arg11[%dma_start3A_153, %dma_start3A_154, %dma_start3A_155] : memref<2x128x128xf32, #tpu.memory_space<vmem>> -> memref<1x128x128xf32, #tpu.memory_space<vmem>>
      %dma_start3A_157 = tpu.memref_squeeze %dma_start3A_156 : memref<1x128x128xf32, #tpu.memory_space<vmem>> -> memref<128x128xf32, #tpu.memory_space<vmem>>
      %dma_start3A_158 = arith.constant 0 : i32
      %dma_start3A_159 = tpu.memref_slice %arg7[%add3A_139, %dma_start3A_158] : memref<131072x128xf32, #tpu.memory_space<hbm>> -> memref<128x128xf32, #tpu.memory_space<hbm>>
      %dma_start3A_160 = arith.constant 0 : i32
      %dma_start3A_161 = tpu.memref_slice %arg7[%add3A_139, %dma_start3A_160] : memref<131072x128xf32, #tpu.memory_space<hbm>> -> memref<128x128xf32, #tpu.memory_space<hbm>>
      %dma_start3A_162 = arith.constant 0 : i32
      %dma_start3A_163 = arith.constant 0 : i32
      %dma_start3A_164 = tpu.memref_slice %arg11[%dma_start3A_153, %dma_start3A_162, %dma_start3A_163] : memref<2x128x128xf32, #tpu.memory_space<vmem>> -> memref<1x128x128xf32, #tpu.memory_space<vmem>>
      %dma_start3A_165 = tpu.memref_squeeze %dma_start3A_164 : memref<1x128x128xf32, #tpu.memory_space<vmem>> -> memref<128x128xf32, #tpu.memory_space<vmem>>
      tpu.enqueue_dma source(%dma_start3A_165 : memref<128x128xf32, #tpu.memory_space<vmem>>) target(%dma_start3A_161 : memref<128x128xf32, #tpu.memory_space<hbm>>) target_semaphore(%arg14 : memref<!tpu.dma_semaphore, #tpu.memory_space<semaphore_mem>>)
      %add3A_166 = arith.constant 2 : i32
      %add3A_167 = arith.addi %add3A_114, %add3A_166 : i32
      %lt3A = arith.constant 32 : i32
      %lt3A_168 = arith.cmpi slt, %add3A_167, %lt3A : i32
      %convert_element_type3A = arith.extui %lt3A_168 : i1 to i32
      %cond3A = arith.constant 0 : i32
      %cond3A_169 = arith.cmpi ne, %convert_element_type3A, %cond3A : i32
      scf.if %cond3A_169 {
        %mul3A_232 = arith.constant 128 : i32
        %mul3A_233 = arith.muli %add3A_114, %mul3A_232 : i32
        %add3A_234 = arith.addi %mul3A_2, %mul3A_233 : i32
        %dma_wait3A_235 = arith.constant 0 : i32
        %dma_wait3A_236 = arith.constant 0 : i32
        %dma_wait3A_237 = arith.constant 0 : i32
        %dma_wait3A_238 = tpu.memref_slice %arg10[%dma_wait3A_235, %dma_wait3A_236, %dma_wait3A_237] : memref<2x128x128xf32, #tpu.memory_space<vmem>> -> memref<1x128x128xf32, #tpu.memory_space<vmem>>
        %dma_wait3A_239 = tpu.memref_squeeze %dma_wait3A_238 : memref<1x128x128xf32, #tpu.memory_space<vmem>> -> memref<128x128xf32, #tpu.memory_space<vmem>>
        %dma_wait3A_240 = arith.constant 0 : i32
        %dma_wait3A_241 = tpu.memref_slice %arg6[%add3A_234, %dma_wait3A_240] : memref<131072x128xf32, #tpu.memory_space<hbm>> -> memref<128x128xf32, #tpu.memory_space<hbm>>
        %dma_wait3A_242 = arith.constant 0 : i32
        %dma_wait3A_243 = tpu.memref_slice %arg6[%add3A_234, %dma_wait3A_242] : memref<131072x128xf32, #tpu.memory_space<hbm>> -> memref<128x128xf32, #tpu.memory_space<hbm>>
        %dma_wait3A_244 = arith.constant 0 : i32
        %dma_wait3A_245 = arith.constant 0 : i32
        %dma_wait3A_246 = tpu.memref_slice %arg10[%dma_wait3A_235, %dma_wait3A_244, %dma_wait3A_245] : memref<2x128x128xf32, #tpu.memory_space<vmem>> -> memref<1x128x128xf32, #tpu.memory_space<vmem>>
        %dma_wait3A_247 = tpu.memref_squeeze %dma_wait3A_246 : memref<1x128x128xf32, #tpu.memory_space<vmem>> -> memref<128x128xf32, #tpu.memory_space<vmem>>
        tpu.wait_dma2 semaphore(%arg14 : memref<!tpu.dma_semaphore, #tpu.memory_space<semaphore_mem>>) src(%dma_wait3A_247 : memref<128x128xf32, #tpu.memory_space<vmem>>) dst(%dma_wait3A_243 : memref<128x128xf32, #tpu.memory_space<hbm>>)
        %dma_wait3A_248 = arith.constant 0 : i32
        %dma_wait3A_249 = arith.constant 0 : i32
        %dma_wait3A_250 = arith.constant 0 : i32
        %dma_wait3A_251 = tpu.memref_slice %arg11[%dma_wait3A_248, %dma_wait3A_249, %dma_wait3A_250] : memref<2x128x128xf32, #tpu.memory_space<vmem>> -> memref<1x128x128xf32, #tpu.memory_space<vmem>>
        %dma_wait3A_252 = tpu.memref_squeeze %dma_wait3A_251 : memref<1x128x128xf32, #tpu.memory_space<vmem>> -> memref<128x128xf32, #tpu.memory_space<vmem>>
        %dma_wait3A_253 = arith.constant 0 : i32
        %dma_wait3A_254 = tpu.memref_slice %arg7[%add3A_234, %dma_wait3A_253] : memref<131072x128xf32, #tpu.memory_space<hbm>> -> memref<128x128xf32, #tpu.memory_space<hbm>>
        %dma_wait3A_255 = arith.constant 0 : i32
        %dma_wait3A_256 = tpu.memref_slice %arg7[%add3A_234, %dma_wait3A_255] : memref<131072x128xf32, #tpu.memory_space<hbm>> -> memref<128x128xf32, #tpu.memory_space<hbm>>
        %dma_wait3A_257 = arith.constant 0 : i32
        %dma_wait3A_258 = arith.constant 0 : i32
        %dma_wait3A_259 = tpu.memref_slice %arg11[%dma_wait3A_248, %dma_wait3A_257, %dma_wait3A_258] : memref<2x128x128xf32, #tpu.memory_space<vmem>> -> memref<1x128x128xf32, #tpu.memory_space<vmem>>
        %dma_wait3A_260 = tpu.memref_squeeze %dma_wait3A_259 : memref<1x128x128xf32, #tpu.memory_space<vmem>> -> memref<128x128xf32, #tpu.memory_space<vmem>>
        tpu.wait_dma2 semaphore(%arg14 : memref<!tpu.dma_semaphore, #tpu.memory_space<semaphore_mem>>) src(%dma_wait3A_260 : memref<128x128xf32, #tpu.memory_space<vmem>>) dst(%dma_wait3A_256 : memref<128x128xf32, #tpu.memory_space<hbm>>)
        %dma_start3A_261 = arith.constant 0 : i32
        %dma_start3A_262 = arith.constant 0 : i32
        %dma_start3A_263 = arith.constant 0 : i32
        %dma_start3A_264 = tpu.memref_slice %arg10[%dma_start3A_261, %dma_start3A_262, %dma_start3A_263] : memref<2x128x128xf32, #tpu.memory_space<vmem>> -> memref<1x128x128xf32, #tpu.memory_space<vmem>>
        %dma_start3A_265 = tpu.memref_squeeze %dma_start3A_264 : memref<1x128x128xf32, #tpu.memory_space<vmem>> -> memref<128x128xf32, #tpu.memory_space<vmem>>
        %dma_start3A_266 = arith.constant 0 : i32
        %dma_start3A_267 = tpu.memref_slice %arg8[%add3A_167, %dma_start3A_266] : memref<32x128xi32, #tpu.memory_space<vmem>> -> memref<1x128xi32, #tpu.memory_space<vmem>>
        %dma_start3A_268 = tpu.memref_squeeze %dma_start3A_267 : memref<1x128xi32, #tpu.memory_space<vmem>> -> memref<128xi32, #tpu.memory_space<vmem>>
        %dma_start3A_269 = arith.constant 0 : i32
        %dma_start3A_270 = arith.constant 0 : i32
        %dma_start3A_271 = tpu.memref_slice %arg2[%dma_start3A_269, %dma_start3A_270] : memref<200000x128xf32, #tpu.memory_space<hbm>> -> memref<200000x128xf32, #tpu.memory_space<hbm>>
        tpu.enqueue_indirect_dma source(%dma_start3A_271 : memref<200000x128xf32, #tpu.memory_space<hbm>>) target(%dma_start3A_265 : memref<128x128xf32, #tpu.memory_space<vmem>>) offsets(%dma_start3A_268 : memref<128xi32, #tpu.memory_space<vmem>>) semaphore(%arg12 : memref<!tpu.dma_semaphore, #tpu.memory_space<semaphore_mem>>)
        %dma_start3A_272 = arith.constant 0 : i32
        %dma_start3A_273 = arith.constant 0 : i32
        %dma_start3A_274 = arith.constant 0 : i32
        %dma_start3A_275 = tpu.memref_slice %arg11[%dma_start3A_272, %dma_start3A_273, %dma_start3A_274] : memref<2x128x128xf32, #tpu.memory_space<vmem>> -> memref<1x128x128xf32, #tpu.memory_space<vmem>>
        %dma_start3A_276 = tpu.memref_squeeze %dma_start3A_275 : memref<1x128x128xf32, #tpu.memory_space<vmem>> -> memref<128x128xf32, #tpu.memory_space<vmem>>
        %dma_start3A_277 = arith.constant 0 : i32
        %dma_start3A_278 = tpu.memref_slice %arg9[%add3A_167, %dma_start3A_277] : memref<32x128xi32, #tpu.memory_space<vmem>> -> memref<1x128xi32, #tpu.memory_space<vmem>>
        %dma_start3A_279 = tpu.memref_squeeze %dma_start3A_278 : memref<1x128xi32, #tpu.memory_space<vmem>> -> memref<128xi32, #tpu.memory_space<vmem>>
        %dma_start3A_280 = arith.constant 0 : i32
        %dma_start3A_281 = arith.constant 0 : i32
        %dma_start3A_282 = tpu.memref_slice %arg3[%dma_start3A_280, %dma_start3A_281] : memref<65536x128xf32, #tpu.memory_space<hbm>> -> memref<65536x128xf32, #tpu.memory_space<hbm>>
        tpu.enqueue_indirect_dma source(%dma_start3A_282 : memref<65536x128xf32, #tpu.memory_space<hbm>>) target(%dma_start3A_276 : memref<128x128xf32, #tpu.memory_space<vmem>>) offsets(%dma_start3A_279 : memref<128xi32, #tpu.memory_space<vmem>>) semaphore(%arg12 : memref<!tpu.dma_semaphore, #tpu.memory_space<semaphore_mem>>)
      } else {
      }
      %mul3A_170 = arith.constant 2 : i32
      %mul3A_171 = arith.muli %scan3A_110, %mul3A_170 : i32
      %add3A_172 = arith.constant 1 : i32
      %add3A_173 = arith.addi %mul3A_171, %add3A_172 : i32
      %dma_wait3A_174 = arith.constant 1 : i32
      %dma_wait3A_175 = arith.constant 0 : i32
      %dma_wait3A_176 = arith.constant 0 : i32
      %dma_wait3A_177 = tpu.memref_slice %arg10[%dma_wait3A_174, %dma_wait3A_175, %dma_wait3A_176] : memref<2x128x128xf32, #tpu.memory_space<vmem>> -> memref<1x128x128xf32, #tpu.memory_space<vmem>>
      %dma_wait3A_178 = tpu.memref_squeeze %dma_wait3A_177 : memref<1x128x128xf32, #tpu.memory_space<vmem>> -> memref<128x128xf32, #tpu.memory_space<vmem>>
      %dma_wait3A_179 = arith.constant 0 : i32
      %dma_wait3A_180 = tpu.memref_slice %arg8[%add3A_173, %dma_wait3A_179] : memref<32x128xi32, #tpu.memory_space<vmem>> -> memref<1x128xi32, #tpu.memory_space<vmem>>
      %dma_wait3A_181 = tpu.memref_squeeze %dma_wait3A_180 : memref<1x128xi32, #tpu.memory_space<vmem>> -> memref<128xi32, #tpu.memory_space<vmem>>
      %dma_wait3A_182 = arith.constant 0 : i32
      %dma_wait3A_183 = arith.constant 0 : i32
      %dma_wait3A_184 = tpu.memref_slice %arg2[%dma_wait3A_182, %dma_wait3A_183] : memref<200000x128xf32, #tpu.memory_space<hbm>> -> memref<200000x128xf32, #tpu.memory_space<hbm>>
      tpu.wait_indirect_dma semaphore(%arg13 : memref<!tpu.dma_semaphore, #tpu.memory_space<semaphore_mem>>) src(%dma_wait3A_184 : memref<200000x128xf32, #tpu.memory_space<hbm>>) dst(%dma_wait3A_178 : memref<128x128xf32, #tpu.memory_space<vmem>>)
      %dma_wait3A_185 = arith.constant 1 : i32
      %dma_wait3A_186 = arith.constant 0 : i32
      %dma_wait3A_187 = arith.constant 0 : i32
      %dma_wait3A_188 = tpu.memref_slice %arg11[%dma_wait3A_185, %dma_wait3A_186, %dma_wait3A_187] : memref<2x128x128xf32, #tpu.memory_space<vmem>> -> memref<1x128x128xf32, #tpu.memory_space<vmem>>
      %dma_wait3A_189 = tpu.memref_squeeze %dma_wait3A_188 : memref<1x128x128xf32, #tpu.memory_space<vmem>> -> memref<128x128xf32, #tpu.memory_space<vmem>>
      %dma_wait3A_190 = arith.constant 0 : i32
      %dma_wait3A_191 = tpu.memref_slice %arg9[%add3A_173, %dma_wait3A_190] : memref<32x128xi32, #tpu.memory_space<vmem>> -> memref<1x128xi32, #tpu.memory_space<vmem>>
      %dma_wait3A_192 = tpu.memref_squeeze %dma_wait3A_191 : memref<1x128xi32, #tpu.memory_space<vmem>> -> memref<128xi32, #tpu.memory_space<vmem>>
      %dma_wait3A_193 = arith.constant 0 : i32
      %dma_wait3A_194 = arith.constant 0 : i32
      %dma_wait3A_195 = tpu.memref_slice %arg3[%dma_wait3A_193, %dma_wait3A_194] : memref<65536x128xf32, #tpu.memory_space<hbm>> -> memref<65536x128xf32, #tpu.memory_space<hbm>>
      tpu.wait_indirect_dma semaphore(%arg13 : memref<!tpu.dma_semaphore, #tpu.memory_space<semaphore_mem>>) src(%dma_wait3A_195 : memref<65536x128xf32, #tpu.memory_space<hbm>>) dst(%dma_wait3A_189 : memref<128x128xf32, #tpu.memory_space<vmem>>)
      %mul3A_196 = arith.constant 128 : i32
      %mul3A_197 = arith.muli %add3A_173, %mul3A_196 : i32
      %add3A_198 = arith.addi %mul3A_2, %mul3A_197 : i32
      %dma_start3A_199 = arith.constant 1 : i32
      %dma_start3A_200 = arith.constant 0 : i32
      %dma_start3A_201 = arith.constant 0 : i32
      %dma_start3A_202 = tpu.memref_slice %arg10[%dma_start3A_199, %dma_start3A_200, %dma_start3A_201] : memref<2x128x128xf32, #tpu.memory_space<vmem>> -> memref<1x128x128xf32, #tpu.memory_space<vmem>>
      %dma_start3A_203 = tpu.memref_squeeze %dma_start3A_202 : memref<1x128x128xf32, #tpu.memory_space<vmem>> -> memref<128x128xf32, #tpu.memory_space<vmem>>
      %dma_start3A_204 = arith.constant 0 : i32
      %dma_start3A_205 = tpu.memref_slice %arg6[%add3A_198, %dma_start3A_204] : memref<131072x128xf32, #tpu.memory_space<hbm>> -> memref<128x128xf32, #tpu.memory_space<hbm>>
      %dma_start3A_206 = arith.constant 0 : i32
      %dma_start3A_207 = tpu.memref_slice %arg6[%add3A_198, %dma_start3A_206] : memref<131072x128xf32, #tpu.memory_space<hbm>> -> memref<128x128xf32, #tpu.memory_space<hbm>>
      %dma_start3A_208 = arith.constant 0 : i32
      %dma_start3A_209 = arith.constant 0 : i32
      %dma_start3A_210 = tpu.memref_slice %arg10[%dma_start3A_199, %dma_start3A_208, %dma_start3A_209] : memref<2x128x128xf32, #tpu.memory_space<vmem>> -> memref<1x128x128xf32, #tpu.memory_space<vmem>>
      %dma_start3A_211 = tpu.memref_squeeze %dma_start3A_210 : memref<1x128x128xf32, #tpu.memory_space<vmem>> -> memref<128x128xf32, #tpu.memory_space<vmem>>
      tpu.enqueue_dma source(%dma_start3A_211 : memref<128x128xf32, #tpu.memory_space<vmem>>) target(%dma_start3A_207 : memref<128x128xf32, #tpu.memory_space<hbm>>) target_semaphore(%arg15 : memref<!tpu.dma_semaphore, #tpu.memory_space<semaphore_mem>>)
      %dma_start3A_212 = arith.constant 1 : i32
      %dma_start3A_213 = arith.constant 0 : i32
      %dma_start3A_214 = arith.constant 0 : i32
      %dma_start3A_215 = tpu.memref_slice %arg11[%dma_start3A_212, %dma_start3A_213, %dma_start3A_214] : memref<2x128x128xf32, #tpu.memory_space<vmem>> -> memref<1x128x128xf32, #tpu.memory_space<vmem>>
      %dma_start3A_216 = tpu.memref_squeeze %dma_start3A_215 : memref<1x128x128xf32, #tpu.memory_space<vmem>> -> memref<128x128xf32, #tpu.memory_space<vmem>>
      %dma_start3A_217 = arith.constant 0 : i32
      %dma_start3A_218 = tpu.memref_slice %arg7[%add3A_198, %dma_start3A_217] : memref<131072x128xf32, #tpu.memory_space<hbm>> -> memref<128x128xf32, #tpu.memory_space<hbm>>
      %dma_start3A_219 = arith.constant 0 : i32
      %dma_start3A_220 = tpu.memref_slice %arg7[%add3A_198, %dma_start3A_219] : memref<131072x128xf32, #tpu.memory_space<hbm>> -> memref<128x128xf32, #tpu.memory_space<hbm>>
      %dma_start3A_221 = arith.constant 0 : i32
      %dma_start3A_222 = arith.constant 0 : i32
      %dma_start3A_223 = tpu.memref_slice %arg11[%dma_start3A_212, %dma_start3A_221, %dma_start3A_222] : memref<2x128x128xf32, #tpu.memory_space<vmem>> -> memref<1x128x128xf32, #tpu.memory_space<vmem>>
      %dma_start3A_224 = tpu.memref_squeeze %dma_start3A_223 : memref<1x128x128xf32, #tpu.memory_space<vmem>> -> memref<128x128xf32, #tpu.memory_space<vmem>>
      tpu.enqueue_dma source(%dma_start3A_224 : memref<128x128xf32, #tpu.memory_space<vmem>>) target(%dma_start3A_220 : memref<128x128xf32, #tpu.memory_space<hbm>>) target_semaphore(%arg15 : memref<!tpu.dma_semaphore, #tpu.memory_space<semaphore_mem>>)
      %add3A_225 = arith.constant 2 : i32
      %add3A_226 = arith.addi %add3A_173, %add3A_225 : i32
      %lt3A_227 = arith.constant 32 : i32
      %lt3A_228 = arith.cmpi slt, %add3A_226, %lt3A_227 : i32
      %convert_element_type3A_229 = arith.extui %lt3A_228 : i1 to i32
      %cond3A_230 = arith.constant 0 : i32
      %cond3A_231 = arith.cmpi ne, %convert_element_type3A_229, %cond3A_230 : i32
      scf.if %cond3A_231 {
        %mul3A_232 = arith.constant 128 : i32
        %mul3A_233 = arith.muli %add3A_173, %mul3A_232 : i32
        %add3A_234 = arith.addi %mul3A_2, %mul3A_233 : i32
        %dma_wait3A_235 = arith.constant 1 : i32
        %dma_wait3A_236 = arith.constant 0 : i32
        %dma_wait3A_237 = arith.constant 0 : i32
        %dma_wait3A_238 = tpu.memref_slice %arg10[%dma_wait3A_235, %dma_wait3A_236, %dma_wait3A_237] : memref<2x128x128xf32, #tpu.memory_space<vmem>> -> memref<1x128x128xf32, #tpu.memory_space<vmem>>
        %dma_wait3A_239 = tpu.memref_squeeze %dma_wait3A_238 : memref<1x128x128xf32, #tpu.memory_space<vmem>> -> memref<128x128xf32, #tpu.memory_space<vmem>>
        %dma_wait3A_240 = arith.constant 0 : i32
        %dma_wait3A_241 = tpu.memref_slice %arg6[%add3A_234, %dma_wait3A_240] : memref<131072x128xf32, #tpu.memory_space<hbm>> -> memref<128x128xf32, #tpu.memory_space<hbm>>
        %dma_wait3A_242 = arith.constant 0 : i32
        %dma_wait3A_243 = tpu.memref_slice %arg6[%add3A_234, %dma_wait3A_242] : memref<131072x128xf32, #tpu.memory_space<hbm>> -> memref<128x128xf32, #tpu.memory_space<hbm>>
        %dma_wait3A_244 = arith.constant 0 : i32
        %dma_wait3A_245 = arith.constant 0 : i32
        %dma_wait3A_246 = tpu.memref_slice %arg10[%dma_wait3A_235, %dma_wait3A_244, %dma_wait3A_245] : memref<2x128x128xf32, #tpu.memory_space<vmem>> -> memref<1x128x128xf32, #tpu.memory_space<vmem>>
        %dma_wait3A_247 = tpu.memref_squeeze %dma_wait3A_246 : memref<1x128x128xf32, #tpu.memory_space<vmem>> -> memref<128x128xf32, #tpu.memory_space<vmem>>
        tpu.wait_dma2 semaphore(%arg15 : memref<!tpu.dma_semaphore, #tpu.memory_space<semaphore_mem>>) src(%dma_wait3A_247 : memref<128x128xf32, #tpu.memory_space<vmem>>) dst(%dma_wait3A_243 : memref<128x128xf32, #tpu.memory_space<hbm>>)
        %dma_wait3A_248 = arith.constant 1 : i32
        %dma_wait3A_249 = arith.constant 0 : i32
        %dma_wait3A_250 = arith.constant 0 : i32
        %dma_wait3A_251 = tpu.memref_slice %arg11[%dma_wait3A_248, %dma_wait3A_249, %dma_wait3A_250] : memref<2x128x128xf32, #tpu.memory_space<vmem>> -> memref<1x128x128xf32, #tpu.memory_space<vmem>>
        %dma_wait3A_252 = tpu.memref_squeeze %dma_wait3A_251 : memref<1x128x128xf32, #tpu.memory_space<vmem>> -> memref<128x128xf32, #tpu.memory_space<vmem>>
        %dma_wait3A_253 = arith.constant 0 : i32
        %dma_wait3A_254 = tpu.memref_slice %arg7[%add3A_234, %dma_wait3A_253] : memref<131072x128xf32, #tpu.memory_space<hbm>> -> memref<128x128xf32, #tpu.memory_space<hbm>>
        %dma_wait3A_255 = arith.constant 0 : i32
        %dma_wait3A_256 = tpu.memref_slice %arg7[%add3A_234, %dma_wait3A_255] : memref<131072x128xf32, #tpu.memory_space<hbm>> -> memref<128x128xf32, #tpu.memory_space<hbm>>
        %dma_wait3A_257 = arith.constant 0 : i32
        %dma_wait3A_258 = arith.constant 0 : i32
        %dma_wait3A_259 = tpu.memref_slice %arg11[%dma_wait3A_248, %dma_wait3A_257, %dma_wait3A_258] : memref<2x128x128xf32, #tpu.memory_space<vmem>> -> memref<1x128x128xf32, #tpu.memory_space<vmem>>
        %dma_wait3A_260 = tpu.memref_squeeze %dma_wait3A_259 : memref<1x128x128xf32, #tpu.memory_space<vmem>> -> memref<128x128xf32, #tpu.memory_space<vmem>>
        tpu.wait_dma2 semaphore(%arg15 : memref<!tpu.dma_semaphore, #tpu.memory_space<semaphore_mem>>) src(%dma_wait3A_260 : memref<128x128xf32, #tpu.memory_space<vmem>>) dst(%dma_wait3A_256 : memref<128x128xf32, #tpu.memory_space<hbm>>)
        %dma_start3A_261 = arith.constant 1 : i32
        %dma_start3A_262 = arith.constant 0 : i32
        %dma_start3A_263 = arith.constant 0 : i32
        %dma_start3A_264 = tpu.memref_slice %arg10[%dma_start3A_261, %dma_start3A_262, %dma_start3A_263] : memref<2x128x128xf32, #tpu.memory_space<vmem>> -> memref<1x128x128xf32, #tpu.memory_space<vmem>>
        %dma_start3A_265 = tpu.memref_squeeze %dma_start3A_264 : memref<1x128x128xf32, #tpu.memory_space<vmem>> -> memref<128x128xf32, #tpu.memory_space<vmem>>
        %dma_start3A_266 = arith.constant 0 : i32
        %dma_start3A_267 = tpu.memref_slice %arg8[%add3A_226, %dma_start3A_266] : memref<32x128xi32, #tpu.memory_space<vmem>> -> memref<1x128xi32, #tpu.memory_space<vmem>>
        %dma_start3A_268 = tpu.memref_squeeze %dma_start3A_267 : memref<1x128xi32, #tpu.memory_space<vmem>> -> memref<128xi32, #tpu.memory_space<vmem>>
        %dma_start3A_269 = arith.constant 0 : i32
        %dma_start3A_270 = arith.constant 0 : i32
        %dma_start3A_271 = tpu.memref_slice %arg2[%dma_start3A_269, %dma_start3A_270] : memref<200000x128xf32, #tpu.memory_space<hbm>> -> memref<200000x128xf32, #tpu.memory_space<hbm>>
        tpu.enqueue_indirect_dma source(%dma_start3A_271 : memref<200000x128xf32, #tpu.memory_space<hbm>>) target(%dma_start3A_265 : memref<128x128xf32, #tpu.memory_space<vmem>>) offsets(%dma_start3A_268 : memref<128xi32, #tpu.memory_space<vmem>>) semaphore(%arg13 : memref<!tpu.dma_semaphore, #tpu.memory_space<semaphore_mem>>)
        %dma_start3A_272 = arith.constant 1 : i32
        %dma_start3A_273 = arith.constant 0 : i32
        %dma_start3A_274 = arith.constant 0 : i32
        %dma_start3A_275 = tpu.memref_slice %arg11[%dma_start3A_272, %dma_start3A_273, %dma_start3A_274] : memref<2x128x128xf32, #tpu.memory_space<vmem>> -> memref<1x128x128xf32, #tpu.memory_space<vmem>>
        %dma_start3A_276 = tpu.memref_squeeze %dma_start3A_275 : memref<1x128x128xf32, #tpu.memory_space<vmem>> -> memref<128x128xf32, #tpu.memory_space<vmem>>
        %dma_start3A_277 = arith.constant 0 : i32
        %dma_start3A_278 = tpu.memref_slice %arg9[%add3A_226, %dma_start3A_277] : memref<32x128xi32, #tpu.memory_space<vmem>> -> memref<1x128xi32, #tpu.memory_space<vmem>>
        %dma_start3A_279 = tpu.memref_squeeze %dma_start3A_278 : memref<1x128xi32, #tpu.memory_space<vmem>> -> memref<128xi32, #tpu.memory_space<vmem>>
        %dma_start3A_280 = arith.constant 0 : i32
        %dma_start3A_281 = arith.constant 0 : i32
        %dma_start3A_282 = tpu.memref_slice %arg3[%dma_start3A_280, %dma_start3A_281] : memref<65536x128xf32, #tpu.memory_space<hbm>> -> memref<65536x128xf32, #tpu.memory_space<hbm>>
        tpu.enqueue_indirect_dma source(%dma_start3A_282 : memref<65536x128xf32, #tpu.memory_space<hbm>>) target(%dma_start3A_276 : memref<128x128xf32, #tpu.memory_space<vmem>>) offsets(%dma_start3A_279 : memref<128xi32, #tpu.memory_space<vmem>>) semaphore(%arg13 : memref<!tpu.dma_semaphore, #tpu.memory_space<semaphore_mem>>)
      } else {
      }
    }
    %scan3A_54 = arith.constant 16 : i32
    %add3A_55 = arith.constant 3840 : i32
    %add3A_56 = arith.addi %mul3A_2, %add3A_55 : i32
    %dma_wait3A = arith.constant 0 : i32
    %dma_wait3A_57 = arith.constant 0 : i32
    %dma_wait3A_58 = arith.constant 0 : i32
    %dma_wait3A_59 = tpu.memref_slice %arg10[%dma_wait3A, %dma_wait3A_57, %dma_wait3A_58] : memref<2x128x128xf32, #tpu.memory_space<vmem>> -> memref<1x128x128xf32, #tpu.memory_space<vmem>>
    %dma_wait3A_60 = tpu.memref_squeeze %dma_wait3A_59 : memref<1x128x128xf32, #tpu.memory_space<vmem>> -> memref<128x128xf32, #tpu.memory_space<vmem>>
    %dma_wait3A_61 = arith.constant 0 : i32
    %dma_wait3A_62 = tpu.memref_slice %arg6[%add3A_56, %dma_wait3A_61] : memref<131072x128xf32, #tpu.memory_space<hbm>> -> memref<128x128xf32, #tpu.memory_space<hbm>>
    %dma_wait3A_63 = arith.constant 0 : i32
    %dma_wait3A_64 = tpu.memref_slice %arg6[%add3A_56, %dma_wait3A_63] : memref<131072x128xf32, #tpu.memory_space<hbm>> -> memref<128x128xf32, #tpu.memory_space<hbm>>
    %dma_wait3A_65 = arith.constant 0 : i32
    %dma_wait3A_66 = arith.constant 0 : i32
    %dma_wait3A_67 = tpu.memref_slice %arg10[%dma_wait3A, %dma_wait3A_65, %dma_wait3A_66] : memref<2x128x128xf32, #tpu.memory_space<vmem>> -> memref<1x128x128xf32, #tpu.memory_space<vmem>>
    %dma_wait3A_68 = tpu.memref_squeeze %dma_wait3A_67 : memref<1x128x128xf32, #tpu.memory_space<vmem>> -> memref<128x128xf32, #tpu.memory_space<vmem>>
    tpu.wait_dma2 semaphore(%arg14 : memref<!tpu.dma_semaphore, #tpu.memory_space<semaphore_mem>>) src(%dma_wait3A_68 : memref<128x128xf32, #tpu.memory_space<vmem>>) dst(%dma_wait3A_64 : memref<128x128xf32, #tpu.memory_space<hbm>>)
    %dma_wait3A_69 = arith.constant 0 : i32
    %dma_wait3A_70 = arith.constant 0 : i32
    %dma_wait3A_71 = arith.constant 0 : i32
    %dma_wait3A_72 = tpu.memref_slice %arg11[%dma_wait3A_69, %dma_wait3A_70, %dma_wait3A_71] : memref<2x128x128xf32, #tpu.memory_space<vmem>> -> memref<1x128x128xf32, #tpu.memory_space<vmem>>
    %dma_wait3A_73 = tpu.memref_squeeze %dma_wait3A_72 : memref<1x128x128xf32, #tpu.memory_space<vmem>> -> memref<128x128xf32, #tpu.memory_space<vmem>>
    %dma_wait3A_74 = arith.constant 0 : i32
    %dma_wait3A_75 = tpu.memref_slice %arg7[%add3A_56, %dma_wait3A_74] : memref<131072x128xf32, #tpu.memory_space<hbm>> -> memref<128x128xf32, #tpu.memory_space<hbm>>
    %dma_wait3A_76 = arith.constant 0 : i32
    %dma_wait3A_77 = tpu.memref_slice %arg7[%add3A_56, %dma_wait3A_76] : memref<131072x128xf32, #tpu.memory_space<hbm>> -> memref<128x128xf32, #tpu.memory_space<hbm>>
    %dma_wait3A_78 = arith.constant 0 : i32
    %dma_wait3A_79 = arith.constant 0 : i32
    %dma_wait3A_80 = tpu.memref_slice %arg11[%dma_wait3A_69, %dma_wait3A_78, %dma_wait3A_79] : memref<2x128x128xf32, #tpu.memory_space<vmem>> -> memref<1x128x128xf32, #tpu.memory_space<vmem>>
    %dma_wait3A_81 = tpu.memref_squeeze %dma_wait3A_80 : memref<1x128x128xf32, #tpu.memory_space<vmem>> -> memref<128x128xf32, #tpu.memory_space<vmem>>
    tpu.wait_dma2 semaphore(%arg14 : memref<!tpu.dma_semaphore, #tpu.memory_space<semaphore_mem>>) src(%dma_wait3A_81 : memref<128x128xf32, #tpu.memory_space<vmem>>) dst(%dma_wait3A_77 : memref<128x128xf32, #tpu.memory_space<hbm>>)
    %add3A_82 = arith.constant 3968 : i32
    %add3A_83 = arith.addi %mul3A_2, %add3A_82 : i32
    %dma_wait3A_84 = arith.constant 1 : i32
    %dma_wait3A_85 = arith.constant 0 : i32
    %dma_wait3A_86 = arith.constant 0 : i32
    %dma_wait3A_87 = tpu.memref_slice %arg10[%dma_wait3A_84, %dma_wait3A_85, %dma_wait3A_86] : memref<2x128x128xf32, #tpu.memory_space<vmem>> -> memref<1x128x128xf32, #tpu.memory_space<vmem>>
    %dma_wait3A_88 = tpu.memref_squeeze %dma_wait3A_87 : memref<1x128x128xf32, #tpu.memory_space<vmem>> -> memref<128x128xf32, #tpu.memory_space<vmem>>
    %dma_wait3A_89 = arith.constant 0 : i32
    %dma_wait3A_90 = tpu.memref_slice %arg6[%add3A_83, %dma_wait3A_89] : memref<131072x128xf32, #tpu.memory_space<hbm>> -> memref<128x128xf32, #tpu.memory_space<hbm>>
    %dma_wait3A_91 = arith.constant 0 : i32
    %dma_wait3A_92 = tpu.memref_slice %arg6[%add3A_83, %dma_wait3A_91] : memref<131072x128xf32, #tpu.memory_space<hbm>> -> memref<128x128xf32, #tpu.memory_space<hbm>>
    %dma_wait3A_93 = arith.constant 0 : i32
    %dma_wait3A_94 = arith.constant 0 : i32
    %dma_wait3A_95 = tpu.memref_slice %arg10[%dma_wait3A_84, %dma_wait3A_93, %dma_wait3A_94] : memref<2x128x128xf32, #tpu.memory_space<vmem>> -> memref<1x128x128xf32, #tpu.memory_space<vmem>>
    %dma_wait3A_96 = tpu.memref_squeeze %dma_wait3A_95 : memref<1x128x128xf32, #tpu.memory_space<vmem>> -> memref<128x128xf32, #tpu.memory_space<vmem>>
    tpu.wait_dma2 semaphore(%arg15 : memref<!tpu.dma_semaphore, #tpu.memory_space<semaphore_mem>>) src(%dma_wait3A_96 : memref<128x128xf32, #tpu.memory_space<vmem>>) dst(%dma_wait3A_92 : memref<128x128xf32, #tpu.memory_space<hbm>>)
    %dma_wait3A_97 = arith.constant 1 : i32
    %dma_wait3A_98 = arith.constant 0 : i32
    %dma_wait3A_99 = arith.constant 0 : i32
    %dma_wait3A_100 = tpu.memref_slice %arg11[%dma_wait3A_97, %dma_wait3A_98, %dma_wait3A_99] : memref<2x128x128xf32, #tpu.memory_space<vmem>> -> memref<1x128x128xf32, #tpu.memory_space<vmem>>
    %dma_wait3A_101 = tpu.memref_squeeze %dma_wait3A_100 : memref<1x128x128xf32, #tpu.memory_space<vmem>> -> memref<128x128xf32, #tpu.memory_space<vmem>>
    %dma_wait3A_102 = arith.constant 0 : i32
    %dma_wait3A_103 = tpu.memref_slice %arg7[%add3A_83, %dma_wait3A_102] : memref<131072x128xf32, #tpu.memory_space<hbm>> -> memref<128x128xf32, #tpu.memory_space<hbm>>
    %dma_wait3A_104 = arith.constant 0 : i32
    %dma_wait3A_105 = tpu.memref_slice %arg7[%add3A_83, %dma_wait3A_104] : memref<131072x128xf32, #tpu.memory_space<hbm>> -> memref<128x128xf32, #tpu.memory_space<hbm>>
    %dma_wait3A_106 = arith.constant 0 : i32
    %dma_wait3A_107 = arith.constant 0 : i32
    %dma_wait3A_108 = tpu.memref_slice %arg11[%dma_wait3A_97, %dma_wait3A_106, %dma_wait3A_107] : memref<2x128x128xf32, #tpu.memory_space<vmem>> -> memref<1x128x128xf32, #tpu.memory_space<vmem>>
    %dma_wait3A_109 = tpu.memref_squeeze %dma_wait3A_108 : memref<1x128x128xf32, #tpu.memory_space<vmem>> -> memref<128x128xf32, #tpu.memory_space<vmem>>
    tpu.wait_dma2 semaphore(%arg15 : memref<!tpu.dma_semaphore, #tpu.memory_space<semaphore_mem>>) src(%dma_wait3A_109 : memref<128x128xf32, #tpu.memory_space<vmem>>) dst(%dma_wait3A_105 : memref<128x128xf32, #tpu.memory_space<hbm>>)
    return
  }
}

module attributes {stable_mosaic.version = 14 : i64} {
  func.func @_mlp_body(%arg0: i32, %arg1: memref<8192x128xf32, #tpu.memory_space<vmem>>, %arg2: memref<8192x128xf32, #tpu.memory_space<vmem>>, %arg3: memref<128x128xf32, #tpu.memory_space<vmem>>, %arg4: memref<128x128xf32, #tpu.memory_space<vmem>>, %arg5: memref<1x128xf32, #tpu.memory_space<vmem>>, %arg6: memref<128x128xf32, #tpu.memory_space<vmem>>, %arg7: memref<1x128xf32, #tpu.memory_space<vmem>>, %arg8: memref<8192x128xf32, #tpu.memory_space<vmem>>) attributes {dimension_semantics = [#tpu.dimension_semantics<arbitrary>], iteration_bounds = array<i64: 16>, scalar_prefetch = 0 : i64, scratch_operands = 0 : i64, tpu.core_type = #tpu.core_type<tc>, window_params = [{transform_indices = @transform_0, window_bounds = array<i64: 8192, 128>}, {transform_indices = @transform_1, window_bounds = array<i64: 8192, 128>}, {pipeline_mode = #tpu.pipeline_mode<synchronous>, transform_indices = @transform_2, window_bounds = array<i64: 128, 128>}, {pipeline_mode = #tpu.pipeline_mode<synchronous>, transform_indices = @transform_3, window_bounds = array<i64: 128, 128>}, {pipeline_mode = #tpu.pipeline_mode<synchronous>, transform_indices = @transform_4, window_bounds = array<i64: 1, 128>}, {pipeline_mode = #tpu.pipeline_mode<synchronous>, transform_indices = @transform_5, window_bounds = array<i64: 128, 128>}, {pipeline_mode = #tpu.pipeline_mode<synchronous>, transform_indices = @transform_6, window_bounds = array<i64: 1, 128>}, {transform_indices = @transform_7, window_bounds = array<i64: 8192, 128>}]} {
    %get3A = arith.constant 0 : index
    %get3A_0 = arith.constant 0 : index
    %get3A_1 = vector.load %arg1[%get3A, %get3A_0] : memref<8192x128xf32, #tpu.memory_space<vmem>>, vector<8192x128xf32>
    %get3A_2 = arith.constant 0 : index
    %get3A_3 = arith.constant 0 : index
    %get3A_4 = vector.load %arg2[%get3A_2, %get3A_3] : memref<8192x128xf32, #tpu.memory_space<vmem>>, vector<8192x128xf32>
    %get3A_5 = arith.constant 0 : index
    %get3A_6 = arith.constant 0 : index
    %get3A_7 = vector.load %arg3[%get3A_5, %get3A_6] : memref<128x128xf32, #tpu.memory_space<vmem>>, vector<128x128xf32>
    %dot_general3A = arith.constant dense<0.000000e+00> : vector<8192x128xf32>
    %dot_general3A_8 = tpu.matmul %get3A_1, %get3A_7, %dot_general3A {dimension_numbers = #tpu.dot_dimension_numbers<[1], [0], [0], [1], [0, 0, 1, 1], [], []>, transpose_lhs_hint = false} : vector<8192x128xf32>, vector<128x128xf32>, vector<8192x128xf32> -> vector<8192x128xf32>
    %get3A_9 = arith.constant 0 : index
    %get3A_10 = arith.constant 0 : index
    %get3A_11 = vector.load %arg4[%get3A_9, %get3A_10] : memref<128x128xf32, #tpu.memory_space<vmem>>, vector<128x128xf32>
    %dot_general3A_12 = arith.constant dense<0.000000e+00> : vector<8192x128xf32>
    %dot_general3A_13 = tpu.matmul %get3A_4, %get3A_11, %dot_general3A_12 {dimension_numbers = #tpu.dot_dimension_numbers<[1], [0], [0], [1], [0, 0, 1, 1], [], []>, transpose_lhs_hint = false} : vector<8192x128xf32>, vector<128x128xf32>, vector<8192x128xf32> -> vector<8192x128xf32>
    %add3A = arith.addf %dot_general3A_8, %dot_general3A_13 : vector<8192x128xf32>
    %get3A_14 = arith.constant 0 : index
    %get3A_15 = arith.constant 0 : index
    %get3A_16 = vector.load %arg5[%get3A_14, %get3A_15] : memref<1x128xf32, #tpu.memory_space<vmem>>, vector<1x128xf32>
    %add3A_17 = vector.broadcast %get3A_16 : vector<1x128xf32> to vector<8192x128xf32>
    %add3A_18 = arith.addf %add3A, %add3A_17 : vector<8192x128xf32>
    %logistic3A = arith.negf %add3A_18 : vector<8192x128xf32>
    %logistic3A_19 = math.exp %logistic3A : vector<8192x128xf32>
    %logistic3A_20 = arith.constant 1.000000e+00 : f32
    %logistic3A_21 = vector.broadcast %logistic3A_20 : f32 to vector<8192x128xf32>
    %logistic3A_22 = arith.addf %logistic3A_21, %logistic3A_19 : vector<8192x128xf32>
    %logistic3A_23 = arith.divf %logistic3A_21, %logistic3A_22 : vector<8192x128xf32>
    %get3A_24 = arith.constant 0 : index
    %get3A_25 = arith.constant 0 : index
    %get3A_26 = vector.load %arg6[%get3A_24, %get3A_25] : memref<128x128xf32, #tpu.memory_space<vmem>>, vector<128x128xf32>
    %dot_general3A_27 = arith.constant dense<0.000000e+00> : vector<8192x128xf32>
    %dot_general3A_28 = tpu.matmul %get3A_4, %get3A_26, %dot_general3A_27 {dimension_numbers = #tpu.dot_dimension_numbers<[1], [0], [0], [1], [0, 0, 1, 1], [], []>, transpose_lhs_hint = false} : vector<8192x128xf32>, vector<128x128xf32>, vector<8192x128xf32> -> vector<8192x128xf32>
    %get3A_29 = arith.constant 0 : index
    %get3A_30 = arith.constant 0 : index
    %get3A_31 = vector.load %arg7[%get3A_29, %get3A_30] : memref<1x128xf32, #tpu.memory_space<vmem>>, vector<1x128xf32>
    %add3A_32 = vector.broadcast %get3A_31 : vector<1x128xf32> to vector<8192x128xf32>
    %add3A_33 = arith.addf %dot_general3A_28, %add3A_32 : vector<8192x128xf32>
    %max3A = arith.constant 0.000000e+00 : f32
    %max3A_34 = vector.broadcast %max3A : f32 to vector<8192x128xf32>
    %max3A_35 = arith.maximumf %add3A_33, %max3A_34 : vector<8192x128xf32>
    %mul3A = arith.mulf %logistic3A_23, %get3A_1 : vector<8192x128xf32>
    %sub3A = arith.constant 1.000000e+00 : f32
    %sub3A_36 = vector.broadcast %sub3A : f32 to vector<8192x128xf32>
    %sub3A_37 = arith.subf %sub3A_36, %logistic3A_23 : vector<8192x128xf32>
    %mul3A_38 = arith.mulf %sub3A_37, %max3A_35 : vector<8192x128xf32>
    %add3A_39 = arith.addf %mul3A, %mul3A_38 : vector<8192x128xf32>
    %swap3A = arith.constant 0 : index
    %swap3A_40 = arith.constant 0 : index
    %swap3A_41 = vector.load %arg8[%swap3A, %swap3A_40] : memref<8192x128xf32, #tpu.memory_space<vmem>>, vector<8192x128xf32>
    tpu.vector_store %arg8[%swap3A, %swap3A_40], %add3A_39 {strides = array<i32>} : memref<8192x128xf32, #tpu.memory_space<vmem>>, vector<8192x128xf32>,
    return
  }
  func.func @transform_0(%arg0: i32) -> (i32, i32) {
    %c0_i32 = arith.constant 0 : i32
    %c0_i32_0 = arith.constant 0 : i32
    return %arg0, %c0_i32 : i32, i32
  }
  func.func @transform_1(%arg0: i32) -> (i32, i32) {
    %c0_i32 = arith.constant 0 : i32
    %c0_i32_0 = arith.constant 0 : i32
    return %arg0, %c0_i32 : i32, i32
  }
  func.func @transform_2(%arg0: i32) -> (i32, i32) {
    %c0_i32 = arith.constant 0 : i32
    %c0_i32_0 = arith.constant 0 : i32
    %c0_i32_1 = arith.constant 0 : i32
    return %c0_i32, %c0_i32_0 : i32, i32
  }
  func.func @transform_3(%arg0: i32) -> (i32, i32) {
    %c0_i32 = arith.constant 0 : i32
    %c0_i32_0 = arith.constant 0 : i32
    %c0_i32_1 = arith.constant 0 : i32
    return %c0_i32, %c0_i32_0 : i32, i32
  }
  func.func @transform_4(%arg0: i32) -> (i32, i32) {
    %c0_i32 = arith.constant 0 : i32
    %c0_i32_0 = arith.constant 0 : i32
    %c0_i32_1 = arith.constant 0 : i32
    return %c0_i32, %c0_i32_0 : i32, i32
  }
  func.func @transform_5(%arg0: i32) -> (i32, i32) {
    %c0_i32 = arith.constant 0 : i32
    %c0_i32_0 = arith.constant 0 : i32
    %c0_i32_1 = arith.constant 0 : i32
    return %c0_i32, %c0_i32_0 : i32, i32
  }
  func.func @transform_6(%arg0: i32) -> (i32, i32) {
    %c0_i32 = arith.constant 0 : i32
    %c0_i32_0 = arith.constant 0 : i32
    %c0_i32_1 = arith.constant 0 : i32
    return %c0_i32, %c0_i32_0 : i32, i32
  }
  func.func @transform_7(%arg0: i32) -> (i32, i32) {
    %c0_i32 = arith.constant 0 : i32
    %c0_i32_0 = arith.constant 0 : i32
    return %arg0, %c0_i32 : i32, i32
  }
}

</mosaic_0001>

<sc_bundles>
// kernel: kernel.12.cloned.1.call-start
scs
__scs_entry_jumppad:
0x0: {  	(pc) =	sbr.rel $0x88, $3  }
0x1: {  	(tag) =	ssettag $0x0;
	lr =	simm.s32 $0x1  }
0x2: {  	[smem:$0x3F99] =	sst lr;
	_ =	strace $0xD0000000  }
0x3: {  	_ = 	snop  }
0x4: {  	_ = 	snop  }
0x5: {  	_ = 	snop  }
0x6: {  	_ = 	snop  }
0x7: {  	_ = 	snop  }
__scs_overlays_trampoline_lowered:
0x8: {  	[smem:$0x3FA8] =	sst s0  }
0x9: {  	[smem:$0x3FA9] =	sst s1  }
0xa: {  	[smem:$0x3FAA] =	sst s2  }
0xb: {  	[smem:$0x3FAB] =	sst s3  }
0xc: {  	[smem:$0x3FAC] =	sst s4  }
0xd: {  	[smem:$0x3FAD] =	sst s5  }
0xe: {  	[smem:$0x3FAE] =	sst s6  }
0xf: {  	[smem:$0x3FAF] =	sst s7  }
0x10: {  	[smem:$0x3FB0] =	sst s8  }
0x11: {  	[smem:$0x3FB1] =	sst s9;
	s0 =	simm.s32 @!p0 $0x0  }
0x12: {  	s1 =	sld [smem:$0x3F97];
	s0 =	simm.s32 @p0 $0x1  }
0x13: {  	[smem:$0x3FB2] =	sst s0;
	s0 =	simm.s32 @!p1 $0x0  }
0x14: {  	s2 =	sld [smem:$0x3F96];
	s0 =	simm.s32 @p1 $0x1  }
0x15: {  	[smem:$0x3FB3] =	sst s0;
	s0 =	simm.s32 @!p2 $0x0  }
0x16: {  	s3 =	sld [smem:$0x3FDB];
	s0 =	simm.s32 @p2 $0x1  }
0x17: {  	s4 =	simm.s32 $0x1BF5;
	[smem:$0x3FB5] =	sst s0  }
0x18: {  	s0 =	sld [smem:$0x3F98];
	_ =	swait.ge [sflag:s4], $0x0  }
0x19: {  	s7 =	sld [smem:$0x3F99]  }
0x1a: {  	s8 =	sadd.s32 $0xFFFFE003, lr  }
0x1b: {  	s9 =	sadd.s32 $0xFFFFFEF7, lr;
	s5 =	simm.s32 $0xFFFFFFFF;
	p2 =	slt.u32 s8, $0xFFFFF086  }
0x1c: {  	p1 =	slt.u32 s9, $0xF7A;
	s5 =	simm.s32 @!p2 $0x0  }
0x1d: {  	s5 =	simm.s32 @p1 $0x1;
	p0 =	seq.s32 s7, s2  }
0x1e: {  	s7 =	smul.u32 @!p0 $0xF7A, s2;
	p2 =	seq.s32 @!p0 s5, $0x0  }
0x1f: {  	s9 =	smul.u32 $0xF7A, s1;
	s8 =	simm.s32 @!p0 $0x1BF5;
	p2 =	por !p2, p0  }
0x20: {  	[sflag:s8] =	ssyncset.s32 @!p0 $0xFFFFF086;
	s6 =	sadd.s32 @!p0 s3, s7;
	s7 =	simm.s32 @!p0 $0x108  }
0x21: {  	s3 =	sadd.s32 s3, s9;
	s6 =	sadd.s32 @!p0 $0x88, s6;
	s7 =	simm.s32 @p2 $0x1082  }
0x22: {  	[simem:s7], [sflag:s8] =	dma.local @!p0 [hbm:s6], $0xF7A  }
0x23: {  	s9 =	sor.u32 $0xD0000000, s2;
	s6 =	simm.s32 $0x108;
	_ =	swait.ge @!p0 [sflag:s8], $0x0  }
0x24: {  	s3 =	sadd.s32 $0x88, s3;
	s6 =	simm.s32 @!p1 $0x1082;
	[sflag:s4] =	ssyncset.s32 $0xFFFFF086  }
0x25: {  	[simem:s6], [sflag:s4] =	dma.local [hbm:s3], $0xF7A  }
0x26: {  	[smem:$0x3F99] =	sst s1;
	(tag) =	ssettag s2;
	_ =	strace s9  }
0x27: {  	s1 =	sld [smem:$0x3FA9]  }
0x28: {  	s2 =	sld [smem:$0x3FAA]  }
0x29: {  	s4 =	sld [smem:$0x3FAC]  }
0x2a: {  	p0 =	seq.s32 s5, $0x0;
	s5 =	sld [smem:$0x3FAD]  }
0x2b: {  	s6 =	sld [smem:$0x3FAE]  }
0x2c: {  	s7 =	sld [smem:$0x3FAF]  }
0x2d: {  	s3 =	simm.s32 $0x108;
	s8 =	sld [smem:$0x3FB0]  }
0x2e: {  	s3 =	simm.s32 @!p0 $0x1082;
	s9 =	sld [smem:$0x3FB1]  }
0x2f: {  	lr =	sadd.s32 s0, s3;
	s0 =	sld [smem:$0x3FA8]  }
0x30: {  	s3 =	sld [smem:$0x3FAB]  }
0x31: {  	[smem:$0x3FB4] =	sst s10  }
0x32: {  	s10 =	sld [smem:$0x3FB2];
	_ =	sdelay $0x3  }
0x33: {  	p0 =	seq.s32 s10, $0x1;
	s10 =	sld [smem:$0x3FB4];
	_ =	sdelay $0x3  }
0x34: {  	[smem:$0x3FB4] =	sst s10  }
0x35: {  	s10 =	sld [smem:$0x3FB3];
	_ =	sdelay $0x3  }
0x36: {  	p1 =	seq.s32 s10, $0x1;
	s10 =	sld [smem:$0x3FB4];
	_ =	sdelay $0x3  }
0x37: {  	[smem:$0x3FB4] =	sst s10  }
0x38: {  	s10 =	sld [smem:$0x3FB5]  }
0x39: {  	_ = 	snop;
	(pc) =	sbr.ind lr, $3  }
0x3a: {  	_ = 	snop  }
0x3b: {  	_ = 	snop  }
0x3c: {  	p2 =	seq.s32 s10, $0x1;
	s10 =	sld [smem:$0x3FB4]  }
0x3d: {  	_ =	shalt  }
0x3e: {  	_ =	shalt  }
0x3f: {  	_ =	shalt  }
0x40: {  	_ =	shalt  }
0x41: {  	_ =	shalt  }
0x42: {  	_ =	shalt  }
0x43: {  	_ =	shalt  }
0x44: {  	_ =	shalt  }
0x45: {  	_ =	shalt  }
0x46: {  	_ =	shalt  }
0x47: {  	_ =	shalt  }
0x48: {  	_ =	shalt  }
0x49: {  	_ =	shalt  }
0x4a: {  	_ =	shalt  }
0x4b: {  	_ =	shalt  }
0x4c: {  	_ =	shalt  }
0x4d: {  	_ =	shalt  }
0x4e: {  	_ =	shalt  }
0x4f: {  	_ =	shalt  }
0x50: {  	_ =	shalt  }
0x51: {  	_ =	shalt  }
0x52: {  	_ =	shalt  }
0x53: {  	_ =	shalt  }
0x54: {  	_ =	shalt  }
0x55: {  	_ =	shalt  }
0x56: {  	_ =	shalt  }
0x57: {  	_ =	shalt  }
0x58: {  	_ =	shalt  }
0x59: {  	_ =	shalt  }
0x5a: {  	_ =	shalt  }
0x5b: {  	_ =	shalt  }
0x5c: {  	_ =	shalt  }
0x5d: {  	_ =	shalt  }
0x5e: {  	_ =	shalt  }
0x5f: {  	_ =	shalt  }
0x60: {  	_ =	shalt  }
0x61: {  	_ =	shalt  }
0x62: {  	_ =	shalt  }
0x63: {  	_ =	shalt  }
0x64: {  	_ =	shalt  }
0x65: {  	_ =	shalt  }
0x66: {  	_ =	shalt  }
0x67: {  	_ =	shalt  }
0x68: {  	_ =	shalt  }
0x69: {  	_ =	shalt  }
0x6a: {  	_ =	shalt  }
0x6b: {  	_ =	shalt  }
0x6c: {  	_ =	shalt  }
0x6d: {  	_ =	shalt  }
0x6e: {  	_ =	shalt  }
0x6f: {  	_ =	shalt  }
0x70: {  	_ =	shalt  }
0x71: {  	_ =	shalt  }
0x72: {  	_ =	shalt  }
0x73: {  	_ =	shalt  }
0x74: {  	_ =	shalt  }
0x75: {  	_ =	shalt  }
0x76: {  	_ =	shalt  }
0x77: {  	_ =	shalt  }
0x78: {  	_ =	shalt  }
0x79: {  	_ =	shalt  }
0x7a: {  	_ =	shalt  }
0x7b: {  	_ =	shalt  }
0x7c: {  	_ =	shalt  }
0x7d: {  	_ =	shalt  }
0x7e: {  	_ =	shalt  }
0x7f: {  	_ =	shalt  }
0x80: {  	_ =	shalt  }
0x81: {  	_ =	shalt  }
0x82: {  	_ =	shalt  }
0x83: {  	_ =	shalt  }
0x84: {  	_ =	shalt  }
0x85: {  	_ =	shalt  }
0x86: {  	_ =	shalt  }
0x87: {  	_ =	shalt  }
.Lfunc_end0:
.L_simem_size_0:
called_computation.2_lowered:
.L_overlay_start_0:
0x88: {  	s2 =	sld [smem:$0x3FD9]  }
0x89: {  	s3 =	sld [smem:$0x3FFE];
	_ =	sdelay $0x1  }
0x8a: {  	s1 =	srdreg.scid  }
0x8b: {  	s0 =	sand.u32 $0x1, s1  }
0x8c: {  	s17 =	sshll.u32 s0, $0xA;
	s2 =	sadd.s32 s3, s2  }
0x8d: {  	s2 =	sadd.s32 s2, s17  }
0x8e: {  	[smem:$0x3FC0] =	sst s2  }
0x8f: {  	_ = 	snop  }
0x90: {  	s2 =	sld [smem:$0x3FC9]  }
0x91: {  	s18 =	sld [smem:$0x3FD0];
	(tm) =	ssettm $0x1  }
0x92: {  	s4 =	sld [smem:$0x3FFB];
	_ =	sdelay $0x3  }
0x93: {  	_ =	strace s4  }
0x94: {  	s4 =	sld [smem:$0x3FFC];
	_ =	sdelay $0x3  }
0x95: {  	_ =	strace s4  }
0x96: {  	s4 =	sld [smem:$0x3FFD];
	_ =	sdelay $0x3  }
0x97: {  	_ =	strace s4  }
0x98: {  	_ =	strace $0x8FFFFFFF  }
0x99: {  	s19 =	sld [smem:$0x3FDB];
	_ =	sdelay $0x1  }
0x9a: {  	s5 =	simm.s32 $_scs_section_size  }
0x9b: {  	s6 =	simm.s32 $_size__tile_overlayer_lowered;
	s7 =	simm.s32 $_tile_overlayer_lowered  }
0x9c: {  	s22 =	simm.s32 $0x1BFF;
	s21 =	sshll.u32 s7, $0x1;
	s4 =	sadd.s32 s5, s19  }
0x9d: {  	s8 =	simm.s32 $0x0;
	s20 =	sshll.u32 s6, $0x1;
	s6 =	sadd.s32 s21, s4  }
0x9e: {  	[timem:s8], [sflag:s22] =	dma.local [hbm:s6], s20  }
0x9f: {  	_ =	swait.ge [sflag:s22], s20  }
0xa0: {  	s5 =	ssub.s32 $0x0, s20;
	[sflag:s22] =	ssyncset.done $0x0  }
0xa1: {  	[sflag:s22] =	ssyncadd.s32 s5;
	_ =	sdelay $0x1  }
0xa2: {  	s23 =	simm.s32 $0x1B8B  }
0xa3: {  	_ =	swait.ge [sflag:s23], $0x1  }
0xa4: {  	[sflag:s23] =	ssyncset.done $0x0  }
0xa5: {  	s25 =	simm.s32 $0x1B8E;
	s24 =	sld [smem:$0x3FFE];
	[sflag:s23] =	ssyncadd.s32 $0xFFFFFFFF  }
0xa6: {  	s26 =	simm.s32 $execute0_lowered;
	[smem:$0x3FD2] =	sst s25  }
0xa7: {  	s6 =	sshll.u32 s26, $0x1;
	_ =	strace $0x8000004C;
	[dreg:$0x1] =	wrdreg $0xFFFFFFFF  }
0xa8: {  	s28 =	simm.s32 $_size_execute0_lowered;
	s4 =	sadd.s32 s4, s6;
	[dreg:$0x0] =	wrdreg $0x0  }
0xa9: {  	s6 =	sshll.u32 s28, $0x1;
	[dreg:$0x2] =	wrdreg s4  }
0xaa: {  	[dreg:$0x3] =	wrdreg s6  }
0xab: {  	[dreg:$0x4] =	wrdreg $0xC0  }
0xac: {  	_ =	task [dreg:s8], $0x5FFFF  }
0xad: {  	[dreg:$0x1] =	wrdreg $0xFFFFFFFF  }
0xae: {  	[dreg:$0x0] =	wrdreg $0x60  }
0xaf: {  	[dreg:$0x2] =	wrdreg s2  }
0xb0: {  	[dreg:$0x3] =	wrdreg s24  }
0xb1: {  	[dreg:$0x4] =	wrdreg s18  }
0xb2: {  	[dreg:$0x5] =	wrdreg $0x9  }
0xb3: {  	_ =	task.clear_ibuf [dreg:s8], $0x6FFFF;
	_ =	strace $0x9000004C  }
0xb4: {  	s29 =	simm.s32 $0x9;
	_ =	strace $0x8000004E  }
0xb5: {  	_ =	swait.ge [sflag:s29], $0x1  }
0xb6: {  	[sflag:s29] =	ssyncadd.s32 $0xFFFFFFFF  }
0xb7: {  	_ =	strace $0x9000004E  }
0xb8: {  	_ =	sfence  }
0xb9: {  	s30 =	sld [smem:$0x0];
	_ =	sdelay $0x2  }
0xba: {  	s31 =	sshll.u32 s1, $0xD;
	s1 =	sshrl.u32 s1, $0x2  }
0xbb: {  	s3 =	sand.u32 $0x4000, s31;
	s1 =	sadd.s32 s1, s30  }
0xbc: {  	s0 =	sor.u32 s3, s0;
	s1 =	sshll.u32 s1, $0x11  }
0xbd: {  	s0 =	sor.u32 s1, s0  }
0xbe: {  	s0 =	sadd.s32 $0x8F2B, s0  }
0xbf: {  	[sflag:s0] =	ssyncadd.remote.s32 $0x1  }
0xc0: {  	_ =	sfence.sel $0xFFFF  }
0xc1: {  	[dreg:$0x0] =	wrdreg $0xFFFFFFFF;
	(pc) =	sbr.abs _section_cstart, $3  }
0xc2: {  	[dreg:$0x1] =	wrdreg $0xFFFFFFFF  }
0xc3: {  	_ =	task.clear_ibuf [dreg:s8], $0x2FFFF;
	_ =	strace $0x9FFFFFFF  }
0xc4: {  	(tm) =	ssettm $0x7FFFFFFF  }
0xc5: {  	_ =	shalt  }
tec
execute0_lowered:
.L_overlay_start_1:
0x0: {  	(tag) =	ssettag $0x1  }
0x1: {  	s0 =	srdreg.scid;
	s8 =	stileid.u32  }
0x2: {  	s0 =	sand.u32 $0x1, s0;
	s1 =	sshll.u32 s8, $0x1  }
0x3: {  	s2 =	rddreg [dreg:$0x0];
	s3 =	sshrl.u32 s8, $0x2;
	s1 =	sor.u32 s0, s1  }
0x4: {  	s6 =	rddreg [dreg:$0x1];
	s5 =	smul.u32 $0x64000, s3;
	s1 =	sand.u32 $0x7, s1  }
0x5: {  	s4 =	simm.s32 $0x0;
	s16 =	simm.s32 $0x80;
	s1 =	smul.u32 $0xC800, s1  }
0x6: {  	s17 =	simm.s32 $0x400;
	s18 =	simm.s32 $0x6;
	s19 =	simm.s32 $0x1900  }
0x7: {  	s28 =	simm.s32 $0x10780;
	s29 =	simm.s32 $0x2;
	s1 =	sadd.s32 s5, s1  }
0x8: {  	s30 =	simm.s32 $0x10800;
	s31 =	simm.s32 $0xFE80;
	s1 =	sshrl.u32 s1, $0x3  }
0x9: {  	[smem:$0x7FF] =	sst s4;
	s8 =	smul.u32 $0x3200, s8;
	s1 =	sadd.s32 s1, s6  }
0xa: {  	s3 =	rddreg [dreg:$0x2];
	s5 =	sadd.s32 $0x233A00, s6;
	s6 =	sadd.s32 $0x201A00, s1  }
0xb: {  	_ =	strace $0x8000004D;
	s20 =	sadd.s32 $0x201A10, s1;
	[dreg:$0x4] =	wrdreg s6  }
0xc: {  	s21 =	ssub.s32 $0x2, s0;
	s7 =	sadd.s32 $0x201A20, s1;
	[dreg:$0x5] =	wrdreg s20  }
0xd: {  	s0 =	smul.u32 $0x1900, s0;
	s22 =	sadd.s32 $0x201A30, s1;
	[dreg:$0x6] =	wrdreg s7  }
0xe: {  	s23 =	sshrl.u32 s21, $0x1;
	s9 =	sadd.s32 $0x201A40, s1;
	[dreg:$0x7] =	wrdreg s22  }
0xf: {  	s15 =	sadd.s32 s0, s8;
	s24 =	sadd.s32 $0x201A50, s1;
	[dreg:$0x8] =	wrdreg s9  }
0x10: {  	s0 =	simm.s32 $0x0;
	s25 =	sadd.s32 $0x201A60, s1;
	[dreg:$0x9] =	wrdreg s24  }
.Ltmp0:
0x11: {  	s1 =	sadd.s32 $0x201A70, s1;
	[dreg:$0xa] =	wrdreg s25;
	(pc) =	sbr.rel .LBB2_1-.Ltmp0, $4  }
0x12: {  	s6 =	ssub.s32 s21, s23;
	[dreg:$0xb] =	wrdreg s1;
	s20 =	simm.s32 $0x1  }
0x13: {  	s21 =	simm.s32 $0x10680;
	s22 =	simm.s32 $0x7E80;
	s23 =	simm.s32 $0x4  }
0x14: {  	s24 =	simm.s32 $0x3;
	s25 =	simm.s32 $0x10700;
	s26 =	smax.u32 s6, $0x1  }
0x15: {  	v0 =	vlaneseq.u32;
	vm0 =	vmmov $0xffff;
	vm1 =	vmmov $0x1;
	s1 =	simm.s32 $0x5;
	[dreg:$0xc] =	wrdreg s26;
	s26 =	simm.s32 $0xBE80  }
.LBB2_63:
0x16: {  	v1 =	vld [tilespmem:s6+$0x64F0];
	_ =	sdelay $0x7  }
0x17: {  	[tilespmem:s31], [sflag:$0x5] =	stream.indirect_vreg.gather [hbm4b:s2+s4], $0x80, v1, vm0, $0xb8;
	[tilespmem:$0x10880] =	vst v63  }
0x18: {  	_ =	swait.ge [sflag:s1], $0x800  }
0x19: {  	[sflag:s1] =	ssyncset.done $0x0  }
0x1a: {  	[sflag:s1] =	ssyncadd.s32 $0xFFFFF800  }
0x1b: {  	v1 =	vld [tilespmem:s6+$0x64F0]  }
.LBB2_66:
0x1c: {  	_ =	sdelay $0x7  }
0x1d: {  	[hbm4b:s3+s4] =	stream.indirect_vreg.scatter [tilespmem:s31], [sflag:$0x5], $0x80, v1, vm0, $0xb8;
	[tilespmem:$0x10880] =	vst v63  }
0x1e: {  	_ =	swait.ge [sflag:s1], $0x800  }
0x1f: {  	[sflag:s1] =	ssyncset.done $0x0  }
0x20: {  	[sflag:s1] =	ssyncadd.s32 $0xFFFFF800  }
.LBB2_67:
0x21: {  	s0 =	sadd.s32 $0x1, s0;
	s6 =	rddreg [dreg:$0xc]  }
0x22: {  	p0 =	sne.s32 s0, s6  }
.Ltmp1:
0x23: {  	_ = 	snop;
	(pc) =	sbr.rel @!p0 .LBB2_68-.Ltmp1, $1  }
0x24: {  	_ =	sdelay $0x3  }
.LBB2_1:
0x25: {  	s6 =	rddreg [dreg:$0x4]  }
0x26: {  	[tilespmem:s4], [sflag:$0x6] =	stream.strided.gather [hbm4b:s6+s16], $0x1900, s17, s16, $0x38;
	[tilespmem:$0x10880] =	vst v63  }
0x27: {  	_ =	swait.ge [sflag:s18], $0x1900  }
0x28: {  	[sflag:s18] =	ssyncset.done $0x0  }
0x29: {  	s14 =	rddreg [dreg:$0x5];
	[sflag:s18] =	ssyncadd.s32 $0xFFFFE700  }
0x2a: {  	[tilespmem:s19], [sflag:$0x6] =	stream.strided.gather [hbm4b:s14+s16], $0x1900, s17, s16, $0x38;
	[tilespmem:$0x10880] =	vst v63  }
0x2b: {  	_ =	swait.ge [sflag:s18], $0x1900  }
0x2c: {  	[sflag:s18] =	ssyncset.done $0x0  }
0x2d: {  	s6 =	simm.s32 $0x0;
	[sflag:s18] =	ssyncadd.s32 $0xFFFFE700  }
0x2e: {  	s7 =	simm.s32 $0x40;
	v1 =	vld [tilespmem:s6+$0x1900]  }
.LBB2_2:
0x2f: {  	p0 =	sne.s32 s7, $0x63C0;
	v2 =	vld [tilespmem:s6+$0x0];
	_ =	sdelay $0x2  }
.Ltmp2:
0x30: {  	(pc) =	sbr.rel @p0 .LBB2_2-.Ltmp2, $4  }
0x31: {  	_ = 	snop  }
0x32: {  	vm2 =	vgt.s32 v2, v1  }
0x33: {  	s8 =	sshra.s32 s7, $0x2;
	v2 =	vsel vm2, v2, v1  }
0x34: {  	s7 =	sadd.s32 $0x40, s7;
	v1 =	vld [tilespmem:s8+$0x1900];
	[tilespmem:s6+$0x0] =	vst v2;
	s6 =	smov.u32 s8  }
0x35: {  	v2 =	vld [tilespmem:s6+$0x0];
	_ =	sdelay $0x4  }
0x36: {  	vm2 =	vgt.s32 v2, v1  }
0x37: {  	v1 =	vsel vm2, v2, v1  }
0x38: {  	s14 =	rddreg [dreg:$0x6];
	[tilespmem:s6+$0x0] =	vst v1  }
0x39: {  	[tilespmem:s19], [sflag:$0x6] =	stream.strided.gather [hbm4b:s14+s16], $0x1900, s17, s16, $0x38;
	[tilespmem:$0x10880] =	vst v63  }
0x3a: {  	_ =	swait.ge [sflag:s18], $0x1900  }
0x3b: {  	[sflag:s18] =	ssyncset.done $0x0  }
0x3c: {  	s6 =	simm.s32 $0x0;
	[sflag:s18] =	ssyncadd.s32 $0xFFFFE700  }
0x3d: {  	s7 =	simm.s32 $0x40;
	v1 =	vld [tilespmem:s6+$0x1900]  }
.LBB2_4:
0x3e: {  	p0 =	sne.s32 s7, $0x63C0;
	v2 =	vld [tilespmem:s6+$0x0];
	_ =	sdelay $0x2  }
.Ltmp3:
0x3f: {  	(pc) =	sbr.rel @p0 .LBB2_4-.Ltmp3, $4  }
0x40: {  	_ = 	snop  }
0x41: {  	vm2 =	vgt.s32 v2, v1  }
0x42: {  	s8 =	sshra.s32 s7, $0x2;
	v2 =	vsel vm2, v2, v1  }
0x43: {  	s7 =	sadd.s32 $0x40, s7;
	v1 =	vld [tilespmem:s8+$0x1900];
	[tilespmem:s6+$0x0] =	vst v2;
	s6 =	smov.u32 s8  }
0x44: {  	v2 =	vld [tilespmem:s6+$0x0];
	_ =	sdelay $0x4  }
0x45: {  	vm2 =	vgt.s32 v2, v1  }
0x46: {  	v1 =	vsel vm2, v2, v1  }
0x47: {  	s14 =	rddreg [dreg:$0x7];
	[tilespmem:s6+$0x0] =	vst v1  }
0x48: {  	[tilespmem:s19], [sflag:$0x6] =	stream.strided.gather [hbm4b:s14+s16], $0x1900, s17, s16, $0x38;
	[tilespmem:$0x10880] =	vst v63  }
0x49: {  	_ =	swait.ge [sflag:s18], $0x1900  }
0x4a: {  	[sflag:s18] =	ssyncset.done $0x0  }
0x4b: {  	s6 =	simm.s32 $0x0;
	[sflag:s18] =	ssyncadd.s32 $0xFFFFE700  }
0x4c: {  	s7 =	simm.s32 $0x40;
	v1 =	vld [tilespmem:s6+$0x1900]  }
.LBB2_6:
0x4d: {  	p0 =	sne.s32 s7, $0x63C0;
	v2 =	vld [tilespmem:s6+$0x0];
	_ =	sdelay $0x2  }
.Ltmp4:
0x4e: {  	(pc) =	sbr.rel @p0 .LBB2_6-.Ltmp4, $4  }
0x4f: {  	_ = 	snop  }
0x50: {  	vm2 =	vgt.s32 v2, v1  }
0x51: {  	s8 =	sshra.s32 s7, $0x2;
	v2 =	vsel vm2, v2, v1  }
0x52: {  	s7 =	sadd.s32 $0x40, s7;
	v1 =	vld [tilespmem:s8+$0x1900];
	[tilespmem:s6+$0x0] =	vst v2;
	s6 =	smov.u32 s8  }
0x53: {  	v2 =	vld [tilespmem:s6+$0x0];
	_ =	sdelay $0x4  }
0x54: {  	vm2 =	vgt.s32 v2, v1  }
0x55: {  	v1 =	vsel vm2, v2, v1  }
0x56: {  	s14 =	rddreg [dreg:$0x8];
	[tilespmem:s6+$0x0] =	vst v1  }
0x57: {  	[tilespmem:s19], [sflag:$0x6] =	stream.strided.gather [hbm4b:s14+s16], $0x1900, s17, s16, $0x38;
	[tilespmem:$0x10880] =	vst v63  }
0x58: {  	_ =	swait.ge [sflag:s18], $0x1900  }
0x59: {  	[sflag:s18] =	ssyncset.done $0x0  }
0x5a: {  	s6 =	simm.s32 $0x0;
	[sflag:s18] =	ssyncadd.s32 $0xFFFFE700  }
0x5b: {  	s7 =	simm.s32 $0x40;
	v1 =	vld [tilespmem:s6+$0x1900]  }
.LBB2_8:
0x5c: {  	p0 =	sne.s32 s7, $0x63C0;
	v2 =	vld [tilespmem:s6+$0x0];
	_ =	sdelay $0x2  }
.Ltmp5:
0x5d: {  	(pc) =	sbr.rel @p0 .LBB2_8-.Ltmp5, $4  }
0x5e: {  	_ = 	snop  }
0x5f: {  	vm2 =	vgt.s32 v2, v1  }
0x60: {  	s8 =	sshra.s32 s7, $0x2;
	v2 =	vsel vm2, v2, v1  }
0x61: {  	s7 =	sadd.s32 $0x40, s7;
	v1 =	vld [tilespmem:s8+$0x1900];
	[tilespmem:s6+$0x0] =	vst v2;
	s6 =	smov.u32 s8  }
0x62: {  	v2 =	vld [tilespmem:s6+$0x0];
	_ =	sdelay $0x4  }
0x63: {  	vm2 =	vgt.s32 v2, v1  }
0x64: {  	v1 =	vsel vm2, v2, v1  }
0x65: {  	s14 =	rddreg [dreg:$0x9];
	[tilespmem:s6+$0x0] =	vst v1  }
0x66: {  	[tilespmem:s19], [sflag:$0x6] =	stream.strided.gather [hbm4b:s14+s16], $0x1900, s17, s16, $0x38;
	[tilespmem:$0x10880] =	vst v63  }
0x67: {  	_ =	swait.ge [sflag:s18], $0x1900  }
0x68: {  	[sflag:s18] =	ssyncset.done $0x0  }
0x69: {  	s6 =	simm.s32 $0x0;
	[sflag:s18] =	ssyncadd.s32 $0xFFFFE700  }
0x6a: {  	s7 =	simm.s32 $0x40;
	v1 =	vld [tilespmem:s6+$0x1900]  }
.LBB2_10:
0x6b: {  	p0 =	sne.s32 s7, $0x63C0;
	v2 =	vld [tilespmem:s6+$0x0];
	_ =	sdelay $0x2  }
.Ltmp6:
0x6c: {  	(pc) =	sbr.rel @p0 .LBB2_10-.Ltmp6, $4  }
0x6d: {  	_ = 	snop  }
0x6e: {  	vm2 =	vgt.s32 v2, v1  }
0x6f: {  	s8 =	sshra.s32 s7, $0x2;
	v2 =	vsel vm2, v2, v1  }
0x70: {  	s7 =	sadd.s32 $0x40, s7;
	v1 =	vld [tilespmem:s8+$0x1900];
	[tilespmem:s6+$0x0] =	vst v2;
	s6 =	smov.u32 s8  }
0x71: {  	v2 =	vld [tilespmem:s6+$0x0];
	_ =	sdelay $0x4  }
0x72: {  	vm2 =	vgt.s32 v2, v1  }
0x73: {  	v1 =	vsel vm2, v2, v1  }
0x74: {  	s14 =	rddreg [dreg:$0xa];
	[tilespmem:s6+$0x0] =	vst v1  }
0x75: {  	[tilespmem:s19], [sflag:$0x6] =	stream.strided.gather [hbm4b:s14+s16], $0x1900, s17, s16, $0x38;
	[tilespmem:$0x10880] =	vst v63  }
0x76: {  	_ =	swait.ge [sflag:s18], $0x1900  }
0x77: {  	[sflag:s18] =	ssyncset.done $0x0  }
0x78: {  	s6 =	simm.s32 $0x0;
	[sflag:s18] =	ssyncadd.s32 $0xFFFFE700  }
0x79: {  	s7 =	simm.s32 $0x40;
	v1 =	vld [tilespmem:s6+$0x1900]  }
.LBB2_12:
0x7a: {  	p0 =	sne.s32 s7, $0x63C0;
	v2 =	vld [tilespmem:s6+$0x0];
	_ =	sdelay $0x2  }
.Ltmp7:
0x7b: {  	(pc) =	sbr.rel @p0 .LBB2_12-.Ltmp7, $4  }
0x7c: {  	_ = 	snop  }
0x7d: {  	vm2 =	vgt.s32 v2, v1  }
0x7e: {  	s8 =	sshra.s32 s7, $0x2;
	v2 =	vsel vm2, v2, v1  }
0x7f: {  	s7 =	sadd.s32 $0x40, s7;
	v1 =	vld [tilespmem:s8+$0x1900];
	[tilespmem:s6+$0x0] =	vst v2;
	s6 =	smov.u32 s8  }
0x80: {  	v2 =	vld [tilespmem:s6+$0x0];
	_ =	sdelay $0x4  }
0x81: {  	vm2 =	vgt.s32 v2, v1  }
0x82: {  	v1 =	vsel vm2, v2, v1  }
0x83: {  	s14 =	rddreg [dreg:$0xb];
	[tilespmem:s6+$0x0] =	vst v1  }
0x84: {  	[tilespmem:s19], [sflag:$0x6] =	stream.strided.gather [hbm4b:s14+s16], $0x1900, s17, s16, $0x38;
	[tilespmem:$0x10880] =	vst v63  }
0x85: {  	_ =	swait.ge [sflag:s18], $0x1900  }
0x86: {  	[sflag:s18] =	ssyncset.done $0x0  }
0x87: {  	s7 =	simm.s32 $0x0;
	[sflag:s18] =	ssyncadd.s32 $0xFFFFE700  }
0x88: {  	s8 =	simm.s32 $0x40;
	s6 =	simm.s32 $0x0;
	v1 =	vld [tilespmem:s7+$0x1900]  }
.LBB2_14:
0x89: {  	p0 =	sne.s32 s8, $0x63C0;
	v2 =	vld [tilespmem:s7+$0x0];
	_ =	sdelay $0x2  }
.Ltmp8:
0x8a: {  	(pc) =	sbr.rel @p0 .LBB2_14-.Ltmp8, $4  }
0x8b: {  	_ = 	snop  }
0x8c: {  	vm2 =	vgt.s32 v2, v1  }
0x8d: {  	s9 =	sshra.s32 s8, $0x2;
	v2 =	vsel vm2, v2, v1  }
0x8e: {  	s8 =	sadd.s32 $0x40, s8;
	v1 =	vld [tilespmem:s9+$0x1900];
	[tilespmem:s7+$0x0] =	vst v2;
	s7 =	smov.u32 s9  }
0x8f: {  	v2 =	vld [tilespmem:s7+$0x0];
	_ =	sdelay $0x4  }
0x90: {  	vm2 =	vgt.s32 v2, v1  }
0x91: {  	v1 =	vsel vm2, v2, v1  }
0x92: {  	s12 =	simm.s32 $0x0;
	[tilespmem:s7+$0x0] =	vst v1  }
0x93: {  	v1 =	vld [tilespmem:s12+$0x0];
	_ =	sdelay $0x3  }
0x94: {  	v2 =	vmov s15  }
0x95: {  	vm4 =	vlt.u32 v2, $0x30D40;
	vm2 =	vgt.s32 v1, $0xFFFFFFFF;
	vm3 =	vle.s32 v1, $0xFFFFFFFF  }
0x96: {  	vm3 =	vmand vm4, vm3;
	v2 =	vmpcnt.ones.xlane vm2  }
0x97: {  	v3 =	vmpcnt.ones.xlane vm3  }
0x98: {  	v2 =	vxor.u32 $0x80000000, v2  }
0x99: {  	v3 =	vxor.u32 $0x80000000, v3;
	(xrf0) =	vmax.scan.msk.u32 $0xffff, v2  }
0x9a: {  	(xrf0) =	vmax.scan.msk.u32 $0xffff, v3;
	_ =	sdelay $0x4  }
0x9b: {  	v2, _, _ =	vpop (xrf0)  }
0x9c: {  	(v2sf) =	vpush v2, $0xF;
	v2, _, _ =	vpop (xrf0)  }
0x9d: {  	[tilespmem:s6+$0x3200] =	vst.msk vm2, v1;
	(v2sf) =	vpush v2, $0xF;
	v2 =	vor.u32 s15, v0  }
0x9e: {  	[tilespmem:s6+$0x4B80] =	vst.msk vm2, v2  }
0x9f: {  	s13 =	simm.s32 $0x10;
	[tilespmem:s6+$0x6500] =	vst.msk vm3, v2  }
0xa0: {  	v1 =	vld [tilespmem:s13+$0x0];
	_ =	sdelay $0x2  }
0xa1: {  	s6 =	sadd.s32 $0x10, s15  }
0xa2: {  	v2 =	vmov s6  }
0xa3: {  	vm4 =	vlt.u32 v2, $0x30D40;
	vm2 =	vgt.s32 v1, $0xFFFFFFFF;
	vm3 =	vle.s32 v1, $0xFFFFFFFF  }
0xa4: {  	vm3 =	vmand vm4, vm3;
	v2 =	vmpcnt.ones.xlane vm2  }
0xa5: {  	v3 =	vmpcnt.ones.xlane vm3  }
0xa6: {  	v2 =	vxor.u32 $0x80000000, v2  }
0xa7: {  	v3 =	vxor.u32 $0x80000000, v3;
	(xrf0) =	vmax.scan.msk.u32 $0xffff, v2  }
0xa8: {  	(xrf0) =	vmax.scan.msk.u32 $0xffff, v3  }
0xa9: {  	s14 =	spop (v2sf)  }
0xaa: {  	s8 =	sadd.s32 $0x0, s14;
	s9 =	spop (v2sf)  }
0xab: {  	s7 =	simm.s32 $0x80;
	s10 =	sadd.s32 $0x80000000, s8;
	s9 =	sadd.s32 $0x0, s9  }
.LBB2_16:
0xac: {  	p0 =	sne.s32 s7, $0x63C0  }
0xad: {  	v2, _, _ =	vpop (xrf0);
	s8 =	sadd.s32 $0x80000000, s9;
	s9 =	smov.u32 s7;
	s7 =	sadd.s32 $0x40, s7  }
0xae: {  	v3 =	vor.u32 s6, v0;
	[tilespmem:s10+$0x3200] =	vst.msk vm2, v1;
	(v2sf) =	vpush v2, $0xF;
	v1, _, _ =	vpop (xrf0)  }
0xaf: {  	[tilespmem:s10+$0x4B80] =	vst.msk vm2, v3;
	(v2sf) =	vpush v1, $0xF  }
0xb0: {  	s9 =	sshra.s32 s9, $0x2;
	[tilespmem:s8+$0x6500] =	vst.msk vm3, v3  }
0xb1: {  	v1 =	vld [tilespmem:s9+$0x0];
	_ =	sdelay $0x2  }
0xb2: {  	s6 =	sadd.s32 $0x10, s6  }
0xb3: {  	v2 =	vmov s6  }
0xb4: {  	vm4 =	vlt.u32 v2, $0x30D40;
	vm2 =	vgt.s32 v1, $0xFFFFFFFF;
	vm3 =	vle.s32 v1, $0xFFFFFFFF  }
0xb5: {  	vm3 =	vmand vm4, vm3;
	v2 =	vmpcnt.ones.xlane vm2  }
0xb6: {  	v3 =	vmpcnt.ones.xlane vm3  }
0xb7: {  	v2 =	vxor.u32 $0x80000000, v2  }
0xb8: {  	v3 =	vxor.u32 $0x80000000, v3;
	(xrf0) =	vmax.scan.msk.u32 $0xffff, v2  }
.Ltmp9:
0xb9: {  	(xrf0) =	vmax.scan.msk.u32 $0xffff, v3;
	(pc) =	sbr.rel @p0 .LBB2_16-.Ltmp9, $4  }
0xba: {  	_ = 	snop  }
0xbb: {  	s9 =	spop (v2sf)  }
0xbc: {  	s9 =	sadd.s32 s9, s10;
	s11 =	spop (v2sf)  }
0xbd: {  	s10 =	sadd.s32 $0x80000000, s9;
	s9 =	sadd.s32 s11, s8  }
0xbe: {  	v2, _, _ =	vpop (xrf0)  }
0xbf: {  	(v2sf) =	vpush v2, $0xF;
	_ =	sdelay $0xa  }
0xc0: {  	v2, _, _ =	vpop (xrf0)  }
0xc1: {  	(v2sf) =	vpush v2, $0xF;
	_ =	sdelay $0x2  }
0xc2: {  	s7 =	spop (v2sf)  }
0xc3: {  	s7 =	sadd.s32 s7, s10  }
0xc4: {  	s7 =	sadd.s32 $0x80000000, s7  }
0xc5: {  	s8 =	sand.u32 $0x7F, s7  }
0xc6: {  	s11 =	sshra.s32 s7, $0x1F;
	p0 =	slt.s32 s7, $0x1;
	p1 =	sne.s32 s8, $0x0  }
0xc7: {  	s13 =	sshrl.u32 s11, $0x19;
	p0 =	por !p0, !p1  }
0xc8: {  	s11 =	simm.s32 $0x1;
	s8 =	sadd.s32 s13, s7;
	p0 =	por !p0, !p0  }
0xc9: {  	s8 =	sshra.s32 s8, $0x7;
	s11 =	simm.s32 @!p0 $0x0  }
0xca: {  	s12 =	sadd.s32 $0x80000000, s9;
	s9 =	ssub.s32 s8, s11  }
0xcb: {  	p1 =	slt.s32 s9, $0x1  }
.Ltmp10:
0xcc: {  	_ = 	snop;
	(pc) =	sbr.rel @p1 .LBB2_32-.Ltmp10, $4  }
0xcd: {  	_ = 	snop  }
0xce: {  	[tilespmem:s10+$0x3200] =	vst.msk vm2, v1;
	v2 =	vor.u32 s6, v0;
	s14 =	spop (v2sf)  }
0xcf: {  	[tilespmem:s10+$0x4B80] =	vst.msk vm2, v2;
	s6 =	sadd.s32 s14, s12  }
0xd0: {  	[tilespmem:s12+$0x6500] =	vst.msk vm3, v2;
	s6 =	sadd.s32 $0x80000000, s6  }
0xd1: {  	v1 =	vld [tilespmem:$0x3200]  }
0xd2: {  	v2 =	vld [tilespmem:$0x3210]  }
0xd3: {  	v3 =	vld [tilespmem:$0x3220]  }
0xd4: {  	v4 =	vld [tilespmem:$0x3230]  }
0xd5: {  	v5 =	vld [tilespmem:$0x3240]  }
0xd6: {  	[tilespmem:$0x10680] =	vst v1;
	v1 =	vld [tilespmem:$0x3250]  }
0xd7: {  	[tilespmem:$0x10690] =	vst v2;
	v2 =	vld [tilespmem:$0x3260]  }
0xd8: {  	[tilespmem:$0x106A0] =	vst v3;
	v3 =	vld [tilespmem:$0x3270]  }
0xd9: {  	[tilespmem:$0x106B0] =	vst v4  }
.Ltmp11:
0xda: {  	[tilespmem:$0x106C0] =	vst v5;
	(pc) =	sbr.rel .LBB2_19-.Ltmp11, $4  }
0xdb: {  	[tilespmem:$0x106D0] =	vst v1  }
0xdc: {  	[tilespmem:$0x106E0] =	vst v2  }
0xdd: {  	s11 =	simm.s32 $0x0;
	s10 =	simm.s32 $0x32F0;
	s12 =	simm.s32 $0x4BC0;
	[tilespmem:$0x106F0] =	vst v3  }
0xde: {  	[tilespmem:s22], [sflag:$0x1] =	stream.indirect.gather [hbm4b:s5+s16], $0x80, s21, s16, $0xb8;
	[tilespmem:$0x10880] =	vst v63  }
.LBB2_21:
0xdf: {  	_ =	swait.ge [sflag:s23], $0x4000  }
0xe0: {  	[sflag:s23] =	ssyncset.done $0x0  }
0xe1: {  	[sflag:s23] =	ssyncadd.s32 $0xFFFFC000  }
.LBB2_23:
0xe2: {  	v1 =	vld [tilespmem:s10+$0xFFFFFF90];
	_ =	sdelay $0x4  }
0xe3: {  	[tilespmem:$0x10700] =	vst v1  }
0xe4: {  	v1 =	vld [tilespmem:s10+$0xFFFFFFA0];
	_ =	sdelay $0x4  }
0xe5: {  	[tilespmem:$0x10710] =	vst v1  }
0xe6: {  	v1 =	vld [tilespmem:s10+$0xFFFFFFB0];
	_ =	sdelay $0x4  }
0xe7: {  	[tilespmem:$0x10720] =	vst v1  }
0xe8: {  	v1 =	vld [tilespmem:s10+$0xFFFFFFC0];
	_ =	sdelay $0x4  }
0xe9: {  	[tilespmem:$0x10730] =	vst v1  }
0xea: {  	v1 =	vld [tilespmem:s10+$0xFFFFFFD0];
	_ =	sdelay $0x4  }
0xeb: {  	[tilespmem:$0x10740] =	vst v1  }
0xec: {  	v1 =	vld [tilespmem:s10+$0xFFFFFFE0];
	_ =	sdelay $0x4  }
0xed: {  	[tilespmem:$0x10750] =	vst v1  }
0xee: {  	v1 =	vld [tilespmem:s10+$0xFFFFFFF0];
	_ =	sdelay $0x4  }
0xef: {  	[tilespmem:$0x10760] =	vst v1  }
0xf0: {  	v1 =	vld [tilespmem:s10+$0x0];
	_ =	sdelay $0x4  }
0xf1: {  	[tilespmem:$0x10770] =	vst v1  }
0xf2: {  	[tilespmem:s26], [sflag:$0x2] =	stream.indirect.gather [hbm4b:s5+s16], $0x80, s25, s16, $0xb8;
	[tilespmem:$0x10880] =	vst v63  }
.LBB2_29:
0xf3: {  	_ =	swait.ge [sflag:s20], $0x4000  }
0xf4: {  	[sflag:s20] =	ssyncset.done $0x0  }
0xf5: {  	[sflag:s20] =	ssyncadd.s32 $0xFFFFC000  }
0xf6: {  	v1 =	vld [tilespmem:s12+$0xFFFFFFC0];
	_ =	sdelay $0x4  }
0xf7: {  	[tilespmem:$0x10780] =	vst v1  }
0xf8: {  	v1 =	vld [tilespmem:s12+$0xFFFFFFD0];
	_ =	sdelay $0x4  }
0xf9: {  	[tilespmem:$0x10790] =	vst v1  }
0xfa: {  	v1 =	vld [tilespmem:s12+$0xFFFFFFE0];
	_ =	sdelay $0x4  }
0xfb: {  	[tilespmem:$0x107A0] =	vst v1  }
0xfc: {  	v1 =	vld [tilespmem:s12+$0xFFFFFFF0];
	_ =	sdelay $0x4  }
0xfd: {  	[tilespmem:$0x107B0] =	vst v1  }
0xfe: {  	v1 =	vld [tilespmem:s12+$0x0];
	_ =	sdelay $0x4  }
0xff: {  	[tilespmem:$0x107C0] =	vst v1  }
0x100: {  	v1 =	vld [tilespmem:s12+$0x10];
	_ =	sdelay $0x4  }
0x101: {  	[tilespmem:$0x107D0] =	vst v1  }
0x102: {  	v1 =	vld [tilespmem:s12+$0x20];
	_ =	sdelay $0x4  }
0x103: {  	[tilespmem:$0x107E0] =	vst v1  }
0x104: {  	v1 =	vld [tilespmem:s12+$0x30];
	_ =	sdelay $0x4  }
0x105: {  	[tilespmem:$0x107F0] =	vst v1  }
0x106: {  	[hbm4b:s3+s16] =	stream.indirect.scatter [tilespmem:s22], [sflag:$0x3], $0x80, s28, s16, $0xb8;
	[tilespmem:$0x10880] =	vst v63  }
.LBB2_30:
0x107: {  	p1 =	sne.s32 s9, s11  }
.Ltmp12:
0x108: {  	_ = 	snop;
	(pc) =	sbr.rel @!p1 .LBB2_31-.Ltmp12, $2  }
0x109: {  	_ =	sdelay $0x2  }
0x10a: {  	s10 =	sadd.s32 $0x80, s10;
	s12 =	sadd.s32 $0x80, s12  }
.LBB2_19:
0x10b: {  	s13 =	smov.u32 s11  }
0x10c: {  	s11 =	sadd.s32 $0x1, s11;
	p1 =	seq.s32 s13, $0x0  }
0x10d: {  	p2 =	sge.s32 @!p1 s11, s9  }
0x10e: {  	p1 =	por p1, p2  }
.Ltmp13:
0x10f: {  	_ = 	snop;
	(pc) =	sbr.rel @p1 .LBB2_27-.Ltmp13, $2  }
0x110: {  	_ =	sdelay $0x2  }
0x111: {  	s13 =	sand.u32 $0x1, s13  }
0x112: {  	p1 =	seq.s32 s13, $0x0  }
.Ltmp14:
0x113: {  	_ = 	snop;
	(pc) =	sbr.rel @p1 .LBB2_21-.Ltmp14, $1  }
0x114: {  	_ =	sdelay $0x3  }
0x115: {  	_ =	swait.ge [sflag:s24], $0x4000  }
0x116: {  	[sflag:s24] =	ssyncset.done $0x0  }
0x117: {  	[sflag:s24] =	ssyncadd.s32 $0xFFFFC000  }
.LBB2_25:
0x118: {  	v1 =	vld [tilespmem:s10+$0xFFFFFF90];
	_ =	sdelay $0x4  }
0x119: {  	[tilespmem:$0x10680] =	vst v1  }
0x11a: {  	v1 =	vld [tilespmem:s10+$0xFFFFFFA0];
	_ =	sdelay $0x4  }
0x11b: {  	[tilespmem:$0x10690] =	vst v1  }
0x11c: {  	v1 =	vld [tilespmem:s10+$0xFFFFFFB0];
	_ =	sdelay $0x4  }
0x11d: {  	[tilespmem:$0x106A0] =	vst v1  }
0x11e: {  	v1 =	vld [tilespmem:s10+$0xFFFFFFC0];
	_ =	sdelay $0x4  }
0x11f: {  	[tilespmem:$0x106B0] =	vst v1  }
0x120: {  	v1 =	vld [tilespmem:s10+$0xFFFFFFD0];
	_ =	sdelay $0x4  }
0x121: {  	[tilespmem:$0x106C0] =	vst v1  }
0x122: {  	v1 =	vld [tilespmem:s10+$0xFFFFFFE0];
	_ =	sdelay $0x4  }
0x123: {  	[tilespmem:$0x106D0] =	vst v1  }
0x124: {  	v1 =	vld [tilespmem:s10+$0xFFFFFFF0];
	_ =	sdelay $0x4  }
0x125: {  	[tilespmem:$0x106E0] =	vst v1  }
0x126: {  	v1 =	vld [tilespmem:s10+$0x0];
	_ =	sdelay $0x4  }
0x127: {  	[tilespmem:$0x106F0] =	vst v1  }
0x128: {  	[tilespmem:s22], [sflag:$0x1] =	stream.indirect.gather [hbm4b:s5+s16], $0x80, s21, s16, $0xb8;
	[tilespmem:$0x10880] =	vst v63  }
.LBB2_26:
0x129: {  	_ =	swait.ge [sflag:s29], $0x4000  }
0x12a: {  	[sflag:s29] =	ssyncset.done $0x0  }
0x12b: {  	[sflag:s29] =	ssyncadd.s32 $0xFFFFC000  }
0x12c: {  	v1 =	vld [tilespmem:s12+$0xFFFFFFC0];
	_ =	sdelay $0x4  }
0x12d: {  	[tilespmem:$0x10800] =	vst v1  }
0x12e: {  	v1 =	vld [tilespmem:s12+$0xFFFFFFD0];
	_ =	sdelay $0x4  }
0x12f: {  	[tilespmem:$0x10810] =	vst v1  }
0x130: {  	v1 =	vld [tilespmem:s12+$0xFFFFFFE0];
	_ =	sdelay $0x4  }
0x131: {  	[tilespmem:$0x10820] =	vst v1  }
0x132: {  	v1 =	vld [tilespmem:s12+$0xFFFFFFF0];
	_ =	sdelay $0x4  }
0x133: {  	[tilespmem:$0x10830] =	vst v1  }
0x134: {  	v1 =	vld [tilespmem:s12+$0x0];
	_ =	sdelay $0x4  }
0x135: {  	[tilespmem:$0x10840] =	vst v1  }
0x136: {  	v1 =	vld [tilespmem:s12+$0x10];
	_ =	sdelay $0x4  }
0x137: {  	[tilespmem:$0x10850] =	vst v1  }
0x138: {  	v1 =	vld [tilespmem:s12+$0x20];
	_ =	sdelay $0x4  }
0x139: {  	[tilespmem:$0x10860] =	vst v1  }
0x13a: {  	v1 =	vld [tilespmem:s12+$0x30];
	_ =	sdelay $0x1  }
.Ltmp15:
0x13b: {  	_ = 	snop;
	(pc) =	sbr.rel .LBB2_30-.Ltmp15, $3  }
0x13c: {  	_ =	sdelay $0x1  }
0x13d: {  	[tilespmem:$0x10870] =	vst v1  }
0x13e: {  	[hbm4b:s3+s16] =	stream.indirect.scatter [tilespmem:s26], [sflag:$0x4], $0x80, s30, s16, $0xb8;
	[tilespmem:$0x10880] =	vst v63  }
.LBB2_27:
0x13f: {  	p2 =	slt.s32 s11, s9  }
.Ltmp16:
0x140: {  	_ = 	snop;
	(pc) =	sbr.rel @!p2 .LBB2_28-.Ltmp16, $2  }
0x141: {  	_ =	sdelay $0x2  }
0x142: {  	p1 =	sne.s32 s13, $0x0  }
.Ltmp17:
0x143: {  	(pc) =	sbr.rel @p1 .LBB2_25-.Ltmp17, $4  }
.Ltmp18:
0x144: {  	(pc) =	sbr.rel @!p1 .LBB2_23-.Ltmp18, $4  }
0x145: {  	_ = 	snop  }
0x146: {  	_ = 	snop  }
0x147: {  	_ = 	snop  }
0x148: {  	_ = 	snop  }
.LBB2_28:
.Ltmp19:
0x149: {  	(pc) =	sbr.rel @p1 .LBB2_26-.Ltmp19, $4  }
.Ltmp20:
0x14a: {  	(pc) =	sbr.rel @!p1 .LBB2_29-.Ltmp20, $4  }
0x14b: {  	_ = 	snop  }
0x14c: {  	_ = 	snop  }
0x14d: {  	_ = 	snop  }
0x14e: {  	_ = 	snop  }
.LBB2_31:
0x14f: {  	p1 =	seq.s32 s9, $0x1  }
0x150: {  	s10 =	simm.s32 @!p1 $0x3  }
0x151: {  	_ =	swait.ge @!p1 [sflag:s10], $0x4000  }
0x152: {  	s11 =	simm.s32 @!p1 $0x4;
	[sflag:s10] =	ssyncset.done @!p1 $0x0  }
0x153: {  	s11 =	simm.s32 @p1 $0x3;
	[sflag:s10] =	ssyncadd.s32 @!p1 $0xFFFFC000  }
0x154: {  	_ =	swait.ge [sflag:s11], $0x4000  }
0x155: {  	[sflag:s11] =	ssyncset.done $0x0  }
0x156: {  	[sflag:s11] =	ssyncadd.s32 $0xFFFFC000  }
.LBB2_32:
0x157: {  	s10 =	sshll.u32 s9, $0x7  }
0x158: {  	s9 =	ssub.s32 s7, s10;
	p1 =	sne.s32 s7, s10;
	s10 =	simm.s32 $0x1  }
0x159: {  	s11 =	sshra.s32 s9, $0x1F;
	s10 =	simm.s32 @!p1 $0x0  }
0x15a: {  	s12 =	sand.u32 $0xF, s7;
	s10 =	sor.u32 s10, s11  }
0x15b: {  	p2 =	sne.s32 s12, $0x0;
	p6 =	sne.s32 s10, $0x1  }
0x15c: {  	s14 =	sshrl.u32 s11, $0x1C;
	p1 =	por !p2, !p6  }
0x15d: {  	s11 =	simm.s32 $0x1;
	s10 =	sadd.s32 s14, s9;
	p1 =	por !p1, !p1  }
0x15e: {  	s10 =	sshra.s32 s10, $0x4;
	s11 =	simm.s32 @!p1 $0x0  }
0x15f: {  	s10 =	ssub.s32 s10, s11  }
0x160: {  	p1 =	slt.s32 s10, $0x1  }
.Ltmp21:
0x161: {  	_ = 	snop;
	(pc) =	sbr.rel @p1 .LBB2_37-.Ltmp21, $1  }
0x162: {  	_ =	sdelay $0x3  }
0x163: {  	s11 =	simm.s32 $0xFFFFFFFF;
	p1 =	sne.s32 s10, $0x1  }
.Ltmp22:
0x164: {  	s11 =	simm.s32 @!p0 $0x0;
	(pc) =	sbr.rel @!p1 .LBB2_36-.Ltmp22, $4  }
0x165: {  	s8 =	sshll.u32 s8, $0x7;
	s11 =	sshll.u32 s11, $0x7  }
0x166: {  	s12 =	simm.s32 $0x0;
	s8 =	sadd.s32 s11, s8  }
0x167: {  	s14 =	sand.u32 $0x70, s12;
	s13 =	sadd.s32 $0x0, s8  }
0x168: {  	p0 =	por $0x0, $0x0;
	s11 =	sadd.s32 $0xFFFFFFFF, s10;
	s13 =	sand.u32 $0xFFFFFF80, s13  }
0x169: {  	s12 =	sor.u32 s14, s13  }
0x16a: {  	v1 =	vld [tilespmem:s12+$0x3200];
	_ =	sdelay $0x7  }
0x16b: {  	[tilespmem:s31], [sflag:$0x5] =	stream.indirect_vreg.gather [hbm4b:s5+s4], $0x80, v1, vm0, $0xb8;
	[tilespmem:$0x10880] =	vst v63  }
0x16c: {  	_ =	swait.ge [sflag:s1], $0x800  }
0x16d: {  	[sflag:s1] =	ssyncset.done $0x0  }
0x16e: {  	[sflag:s1] =	ssyncadd.s32 $0xFFFFF800  }
0x16f: {  	v1 =	vld [tilespmem:s12+$0x4B80];
	_ =	sdelay $0x4  }
0x170: {  	p1 =	sne.s32 s11, $0x1  }
.Ltmp23:
0x171: {  	_ = 	snop;
	(pc) =	sbr.rel @!p1 .LBB2_36-.Ltmp23, $4  }
0x172: {  	s11 =	sadd.s32 $0xFFFFFFFF, s11;
	s14 =	sadd.s32 $0x10, s8  }
0x173: {  	[hbm4b:s3+s4] =	stream.indirect_vreg.scatter [tilespmem:s31], [sflag:$0x5], $0x80, v1, vm0, $0xb8;
	[tilespmem:$0x10880] =	vst v63  }
0x174: {  	p0 =	por $0x1, $0x1;
	s12 =	simm.s32 $0x10;
	_ =	swait.ge [sflag:s1], $0x800  }
0x175: {  	s13 =	sand.u32 $0xFFFFFF80, s14;
	s14 =	sand.u32 $0x70, s12;
	[sflag:s1] =	ssyncset.done $0x0  }
.LBB2_35:
0x176: {  	p1 =	sne.s32 s11, $0x1;
	s13 =	sor.u32 s14, s13;
	[sflag:s1] =	ssyncadd.s32 $0xFFFFF800  }
0x177: {  	s11 =	sadd.s32 $0xFFFFFFFF, s11;
	v1 =	vld [tilespmem:s13+$0x3200];
	_ =	sdelay $0x7  }
0x178: {  	[tilespmem:s31], [sflag:$0x5] =	stream.indirect_vreg.gather [hbm4b:s5+s4], $0x80, v1, vm0, $0xb8;
	[tilespmem:$0x10880] =	vst v63  }
0x179: {  	_ =	swait.ge [sflag:s1], $0x800  }
0x17a: {  	[sflag:s1] =	ssyncset.done $0x0  }
0x17b: {  	[sflag:s1] =	ssyncadd.s32 $0xFFFFF800  }
0x17c: {  	v1 =	vld [tilespmem:s13+$0x4B80];
	_ =	sdelay $0x5  }
.Ltmp24:
0x17d: {  	(pc) =	sbr.rel @p1 .LBB2_35-.Ltmp24, $4  }
0x17e: {  	s12 =	sadd.s32 $0x10, s12  }
0x17f: {  	[hbm4b:s3+s4] =	stream.indirect_vreg.scatter [tilespmem:s31], [sflag:$0x5], $0x80, v1, vm0, $0xb8;
	[tilespmem:$0x10880] =	vst v63  }
0x180: {  	s13 =	sadd.s32 s12, s8;
	_ =	swait.ge [sflag:s1], $0x800  }
0x181: {  	s14 =	sand.u32 $0x70, s12;
	s13 =	sand.u32 $0xFFFFFF80, s13;
	[sflag:s1] =	ssyncset.done $0x0  }
.LBB2_36:
0x182: {  	s8 =	sor.u32 s14, s13;
	[sflag:s1] =	ssyncadd.s32 @p0 $0xFFFFF800  }
0x183: {  	v1 =	vld [tilespmem:s8+$0x3200];
	_ =	sdelay $0x7  }
0x184: {  	[tilespmem:s31], [sflag:$0x5] =	stream.indirect_vreg.gather [hbm4b:s5+s4], $0x80, v1, vm0, $0xb8;
	[tilespmem:$0x10880] =	vst v63  }
0x185: {  	_ =	swait.ge [sflag:s1], $0x800  }
0x186: {  	[sflag:s1] =	ssyncset.done $0x0  }
0x187: {  	[sflag:s1] =	ssyncadd.s32 $0xFFFFF800  }
0x188: {  	v1 =	vld [tilespmem:s8+$0x4B80];
	_ =	sdelay $0x7  }
0x189: {  	[hbm4b:s3+s4] =	stream.indirect_vreg.scatter [tilespmem:s31], [sflag:$0x5], $0x80, v1, vm0, $0xb8;
	[tilespmem:$0x10880] =	vst v63  }
0x18a: {  	_ =	swait.ge [sflag:s1], $0x800  }
0x18b: {  	[sflag:s1] =	ssyncset.done $0x0  }
0x18c: {  	[sflag:s1] =	ssyncadd.s32 $0xFFFFF800  }
.LBB2_37:
0x18d: {  	s8 =	sshll.u32 s10, $0x4  }
0x18e: {  	p0 =	slt.s32 s7, $0x10;
	s8 =	ssub.s32 s9, s8  }
0x18f: {  	p1 =	slt.s32 @!p0 s8, $0x1  }
0x190: {  	p0 =	por p0, p1  }
.Ltmp25:
0x191: {  	_ = 	snop;
	(pc) =	sbr.rel @p0 .LBB2_39-.Ltmp25, $1  }
0x192: {  	_ =	sdelay $0x3  }
0x193: {  	v1 =	vld [tilespmem:s7+$0x31F0];
	_ =	sdelay $0x7  }
0x194: {  	[tilespmem:s31], [sflag:$0x5] =	stream.indirect_vreg.gather [hbm4b:s5+s4], $0x80, v1, vm0, $0xb8;
	[tilespmem:$0x10880] =	vst v63  }
.Ltmp26:
0x195: {  	_ = 	snop;
	(pc) =	sbr.rel .LBB2_41-.Ltmp26, $4  }
0x196: {  	_ =	swait.ge [sflag:s1], $0x800  }
0x197: {  	[sflag:s1] =	ssyncset.done $0x0  }
0x198: {  	[sflag:s1] =	ssyncadd.s32 $0xFFFFF800  }
0x199: {  	v1 =	vld [tilespmem:s7+$0x4B70]  }
.LBB2_39:
0x19a: {  	p0 =	sgt.s32 s7, $0xF  }
0x19b: {  	p1 =	slt.s32 @!p0 s8, $0x1  }
0x19c: {  	p0 =	por p0, p1  }
.Ltmp27:
0x19d: {  	_ = 	snop;
	(pc) =	sbr.rel @p0 .LBB2_42-.Ltmp27, $1  }
0x19e: {  	_ =	sdelay $0x3  }
0x19f: {  	v1 =	vld [tilespmem:$0x3200];
	_ =	sdelay $0x4  }
0x1a0: {  	v2 =	vnsel vm1, $0x80000000, v1  }
0x1a1: {  	v3 =	vld [tilespmem:$0x4B80];
	v2 =	vxor.u32 $0x80000000, v2  }
0x1a2: {  	(xrf0) =	vmax.scan.msk.u32 $0xffff, v2;
	_ =	sdelay $0x3  }
0x1a3: {  	v2 =	vnsel vm1, $0x80000000, v3  }
0x1a4: {  	v2 =	vxor.u32 $0x80000000, v2  }
0x1a5: {  	v4, _, _ =	vpop (xrf0);
	(xrf0) =	vmax.scan.msk.u32 $0xffff, v2  }
0x1a6: {  	(v2sf) =	vpush v4, $0xF;
	_ =	sdelay $0x4  }
0x1a7: {  	v2, _, _ =	vpop (xrf0)  }
0x1a8: {  	(v2sf) =	vpush v2, $0xF;
	_ =	sdelay $0x8  }
0x1a9: {  	v2 =	vmov s7;
	s8 =	spop (v2sf)  }
0x1aa: {  	vm2 =	vgt.s32 v2, v0;
	s13 =	sxor.u32 $0x80000000, s8  }
0x1ab: {  	v1 =	vnsel vm2, s13, v1;
	_ =	sdelay $0x3  }
0x1ac: {  	s14 =	spop (v2sf)  }
0x1ad: {  	[tilespmem:s31], [sflag:$0x5] =	stream.indirect_vreg.gather [hbm4b:s5+s4], $0x80, v1, vm0, $0xb8;
	[tilespmem:$0x10880] =	vst v63  }
0x1ae: {  	_ =	swait.ge [sflag:s1], $0x800  }
0x1af: {  	s7 =	sxor.u32 $0x80000000, s14;
	[sflag:s1] =	ssyncset.done $0x0  }
0x1b0: {  	v1 =	vnsel vm2, s7, v3;
	[sflag:s1] =	ssyncadd.s32 $0xFFFFF800  }
.LBB2_41:
0x1b1: {  	_ =	sdelay $0x7  }
0x1b2: {  	[hbm4b:s3+s4] =	stream.indirect_vreg.scatter [tilespmem:s31], [sflag:$0x5], $0x80, v1, vm0, $0xb8;
	[tilespmem:$0x10880] =	vst v63  }
0x1b3: {  	_ =	swait.ge [sflag:s1], $0x800  }
0x1b4: {  	[sflag:s1] =	ssyncset.done $0x0  }
0x1b5: {  	[sflag:s1] =	ssyncadd.s32 $0xFFFFF800  }
.LBB2_42:
0x1b6: {  	s7 =	sand.u32 $0x7F, s6  }
0x1b7: {  	s8 =	sshra.s32 s6, $0x1F;
	p0 =	slt.s32 s6, $0x1;
	p1 =	sne.s32 s7, $0x0  }
0x1b8: {  	s14 =	sshrl.u32 s8, $0x19;
	p0 =	por !p0, !p1  }
0x1b9: {  	s8 =	simm.s32 $0x1;
	s7 =	sadd.s32 s14, s6;
	p0 =	por !p0, !p0  }
0x1ba: {  	s7 =	sshra.s32 s7, $0x7;
	s8 =	simm.s32 @!p0 $0x0  }
0x1bb: {  	s8 =	ssub.s32 s7, s8  }
0x1bc: {  	p1 =	slt.s32 s8, $0x1  }
.Ltmp28:
0x1bd: {  	_ = 	snop;
	(pc) =	sbr.rel @p1 .LBB2_57-.Ltmp28, $1  }
0x1be: {  	_ =	sdelay $0x3  }
0x1bf: {  	v1 =	vld [tilespmem:$0x6500]  }
0x1c0: {  	v2 =	vld [tilespmem:$0x6510]  }
0x1c1: {  	v3 =	vld [tilespmem:$0x6520]  }
0x1c2: {  	v4 =	vld [tilespmem:$0x6530]  }
0x1c3: {  	v5 =	vld [tilespmem:$0x6540]  }
0x1c4: {  	[tilespmem:$0x10680] =	vst v1;
	v1 =	vld [tilespmem:$0x6550]  }
0x1c5: {  	[tilespmem:$0x10690] =	vst v2;
	v2 =	vld [tilespmem:$0x6560]  }
0x1c6: {  	[tilespmem:$0x106A0] =	vst v3;
	v3 =	vld [tilespmem:$0x6570]  }
0x1c7: {  	[tilespmem:$0x106B0] =	vst v4  }
.Ltmp29:
0x1c8: {  	[tilespmem:$0x106C0] =	vst v5;
	(pc) =	sbr.rel .LBB2_44-.Ltmp29, $4  }
0x1c9: {  	[tilespmem:$0x106D0] =	vst v1  }
0x1ca: {  	[tilespmem:$0x106E0] =	vst v2  }
0x1cb: {  	s10 =	simm.s32 $0x0;
	s9 =	simm.s32 $0x6580;
	[tilespmem:$0x106F0] =	vst v3  }
0x1cc: {  	[tilespmem:s22], [sflag:$0x1] =	stream.indirect.gather [hbm4b:s2+s16], $0x80, s21, s16, $0xb8;
	[tilespmem:$0x10880] =	vst v63  }
.LBB2_46:
0x1cd: {  	_ =	swait.ge [sflag:s23], $0x4000  }
0x1ce: {  	[sflag:s23] =	ssyncset.done $0x0  }
0x1cf: {  	[sflag:s23] =	ssyncadd.s32 $0xFFFFC000  }
.LBB2_48:
0x1d0: {  	v1 =	vld [tilespmem:s9+$0x0];
	_ =	sdelay $0x4  }
0x1d1: {  	[tilespmem:$0x10700] =	vst v1  }
0x1d2: {  	v1 =	vld [tilespmem:s9+$0x10];
	_ =	sdelay $0x4  }
0x1d3: {  	[tilespmem:$0x10710] =	vst v1  }
0x1d4: {  	v1 =	vld [tilespmem:s9+$0x20];
	_ =	sdelay $0x4  }
0x1d5: {  	[tilespmem:$0x10720] =	vst v1  }
0x1d6: {  	v1 =	vld [tilespmem:s9+$0x30];
	_ =	sdelay $0x4  }
0x1d7: {  	[tilespmem:$0x10730] =	vst v1  }
0x1d8: {  	v1 =	vld [tilespmem:s9+$0x40];
	_ =	sdelay $0x4  }
0x1d9: {  	[tilespmem:$0x10740] =	vst v1  }
0x1da: {  	v1 =	vld [tilespmem:s9+$0x50];
	_ =	sdelay $0x4  }
0x1db: {  	[tilespmem:$0x10750] =	vst v1  }
0x1dc: {  	v1 =	vld [tilespmem:s9+$0x60];
	_ =	sdelay $0x4  }
0x1dd: {  	[tilespmem:$0x10760] =	vst v1  }
0x1de: {  	v1 =	vld [tilespmem:s9+$0x70];
	_ =	sdelay $0x4  }
0x1df: {  	[tilespmem:$0x10770] =	vst v1  }
0x1e0: {  	[tilespmem:s26], [sflag:$0x2] =	stream.indirect.gather [hbm4b:s2+s16], $0x80, s25, s16, $0xb8;
	[tilespmem:$0x10880] =	vst v63  }
.LBB2_54:
0x1e1: {  	_ =	swait.ge [sflag:s20], $0x4000  }
0x1e2: {  	[sflag:s20] =	ssyncset.done $0x0  }
0x1e3: {  	[sflag:s20] =	ssyncadd.s32 $0xFFFFC000  }
0x1e4: {  	v1 =	vld [tilespmem:s9+$0xFFFFFF80];
	_ =	sdelay $0x4  }
0x1e5: {  	[tilespmem:$0x10780] =	vst v1  }
0x1e6: {  	v1 =	vld [tilespmem:s9+$0xFFFFFF90];
	_ =	sdelay $0x4  }
0x1e7: {  	[tilespmem:$0x10790] =	vst v1  }
0x1e8: {  	v1 =	vld [tilespmem:s9+$0xFFFFFFA0];
	_ =	sdelay $0x4  }
0x1e9: {  	[tilespmem:$0x107A0] =	vst v1  }
0x1ea: {  	v1 =	vld [tilespmem:s9+$0xFFFFFFB0];
	_ =	sdelay $0x4  }
0x1eb: {  	[tilespmem:$0x107B0] =	vst v1  }
0x1ec: {  	v1 =	vld [tilespmem:s9+$0xFFFFFFC0];
	_ =	sdelay $0x4  }
0x1ed: {  	[tilespmem:$0x107C0] =	vst v1  }
0x1ee: {  	v1 =	vld [tilespmem:s9+$0xFFFFFFD0];
	_ =	sdelay $0x4  }
0x1ef: {  	[tilespmem:$0x107D0] =	vst v1  }
0x1f0: {  	v1 =	vld [tilespmem:s9+$0xFFFFFFE0];
	_ =	sdelay $0x4  }
0x1f1: {  	[tilespmem:$0x107E0] =	vst v1  }
0x1f2: {  	v1 =	vld [tilespmem:s9+$0xFFFFFFF0];
	_ =	sdelay $0x4  }
0x1f3: {  	[tilespmem:$0x107F0] =	vst v1  }
0x1f4: {  	[hbm4b:s3+s16] =	stream.indirect.scatter [tilespmem:s22], [sflag:$0x3], $0x80, s28, s16, $0xb8;
	[tilespmem:$0x10880] =	vst v63  }
.LBB2_55:
0x1f5: {  	p1 =	sne.s32 s8, s10  }
.Ltmp30:
0x1f6: {  	_ = 	snop;
	(pc) =	sbr.rel @!p1 .LBB2_56-.Ltmp30, $2  }
0x1f7: {  	_ =	sdelay $0x2  }
0x1f8: {  	s9 =	sadd.s32 $0x80, s9  }
.LBB2_44:
0x1f9: {  	s11 =	smov.u32 s10  }
0x1fa: {  	s10 =	sadd.s32 $0x1, s10;
	p1 =	seq.s32 s11, $0x0  }
0x1fb: {  	p2 =	sge.s32 @!p1 s10, s8  }
0x1fc: {  	p1 =	por p1, p2  }
.Ltmp31:
0x1fd: {  	_ = 	snop;
	(pc) =	sbr.rel @p1 .LBB2_52-.Ltmp31, $2  }
0x1fe: {  	_ =	sdelay $0x2  }
0x1ff: {  	s11 =	sand.u32 $0x1, s11  }
0x200: {  	p1 =	seq.s32 s11, $0x0  }
.Ltmp32:
0x201: {  	_ = 	snop;
	(pc) =	sbr.rel @p1 .LBB2_46-.Ltmp32, $1  }
0x202: {  	_ =	sdelay $0x3  }
0x203: {  	_ =	swait.ge [sflag:s24], $0x4000  }
0x204: {  	[sflag:s24] =	ssyncset.done $0x0  }
0x205: {  	[sflag:s24] =	ssyncadd.s32 $0xFFFFC000  }
.LBB2_50:
0x206: {  	v1 =	vld [tilespmem:s9+$0x0];
	_ =	sdelay $0x4  }
0x207: {  	[tilespmem:$0x10680] =	vst v1  }
0x208: {  	v1 =	vld [tilespmem:s9+$0x10];
	_ =	sdelay $0x4  }
0x209: {  	[tilespmem:$0x10690] =	vst v1  }
0x20a: {  	v1 =	vld [tilespmem:s9+$0x20];
	_ =	sdelay $0x4  }
0x20b: {  	[tilespmem:$0x106A0] =	vst v1  }
0x20c: {  	v1 =	vld [tilespmem:s9+$0x30];
	_ =	sdelay $0x4  }
0x20d: {  	[tilespmem:$0x106B0] =	vst v1  }
0x20e: {  	v1 =	vld [tilespmem:s9+$0x40];
	_ =	sdelay $0x4  }
0x20f: {  	[tilespmem:$0x106C0] =	vst v1  }
0x210: {  	v1 =	vld [tilespmem:s9+$0x50];
	_ =	sdelay $0x4  }
0x211: {  	[tilespmem:$0x106D0] =	vst v1  }
0x212: {  	v1 =	vld [tilespmem:s9+$0x60];
	_ =	sdelay $0x4  }
0x213: {  	[tilespmem:$0x106E0] =	vst v1  }
0x214: {  	v1 =	vld [tilespmem:s9+$0x70];
	_ =	sdelay $0x4  }
0x215: {  	[tilespmem:$0x106F0] =	vst v1  }
0x216: {  	[tilespmem:s22], [sflag:$0x1] =	stream.indirect.gather [hbm4b:s2+s16], $0x80, s21, s16, $0xb8;
	[tilespmem:$0x10880] =	vst v63  }
.LBB2_51:
0x217: {  	_ =	swait.ge [sflag:s29], $0x4000  }
0x218: {  	[sflag:s29] =	ssyncset.done $0x0  }
0x219: {  	[sflag:s29] =	ssyncadd.s32 $0xFFFFC000  }
0x21a: {  	v1 =	vld [tilespmem:s9+$0xFFFFFF80];
	_ =	sdelay $0x4  }
0x21b: {  	[tilespmem:$0x10800] =	vst v1  }
0x21c: {  	v1 =	vld [tilespmem:s9+$0xFFFFFF90];
	_ =	sdelay $0x4  }
0x21d: {  	[tilespmem:$0x10810] =	vst v1  }
0x21e: {  	v1 =	vld [tilespmem:s9+$0xFFFFFFA0];
	_ =	sdelay $0x4  }
0x21f: {  	[tilespmem:$0x10820] =	vst v1  }
0x220: {  	v1 =	vld [tilespmem:s9+$0xFFFFFFB0];
	_ =	sdelay $0x4  }
0x221: {  	[tilespmem:$0x10830] =	vst v1  }
0x222: {  	v1 =	vld [tilespmem:s9+$0xFFFFFFC0];
	_ =	sdelay $0x4  }
0x223: {  	[tilespmem:$0x10840] =	vst v1  }
0x224: {  	v1 =	vld [tilespmem:s9+$0xFFFFFFD0];
	_ =	sdelay $0x4  }
0x225: {  	[tilespmem:$0x10850] =	vst v1  }
0x226: {  	v1 =	vld [tilespmem:s9+$0xFFFFFFE0];
	_ =	sdelay $0x4  }
0x227: {  	[tilespmem:$0x10860] =	vst v1  }
0x228: {  	v1 =	vld [tilespmem:s9+$0xFFFFFFF0];
	_ =	sdelay $0x1  }
.Ltmp33:
0x229: {  	_ = 	snop;
	(pc) =	sbr.rel .LBB2_55-.Ltmp33, $3  }
0x22a: {  	_ =	sdelay $0x1  }
0x22b: {  	[tilespmem:$0x10870] =	vst v1  }
0x22c: {  	[hbm4b:s3+s16] =	stream.indirect.scatter [tilespmem:s26], [sflag:$0x4], $0x80, s30, s16, $0xb8;
	[tilespmem:$0x10880] =	vst v63  }
.LBB2_52:
0x22d: {  	p2 =	slt.s32 s10, s8  }
.Ltmp34:
0x22e: {  	_ = 	snop;
	(pc) =	sbr.rel @!p2 .LBB2_53-.Ltmp34, $2  }
0x22f: {  	_ =	sdelay $0x2  }
0x230: {  	p1 =	sne.s32 s11, $0x0  }
.Ltmp35:
0x231: {  	(pc) =	sbr.rel @p1 .LBB2_50-.Ltmp35, $4  }
.Ltmp36:
0x232: {  	(pc) =	sbr.rel @!p1 .LBB2_48-.Ltmp36, $4  }
0x233: {  	_ = 	snop  }
0x234: {  	_ = 	snop  }
0x235: {  	_ = 	snop  }
0x236: {  	_ = 	snop  }
.LBB2_53:
.Ltmp37:
0x237: {  	(pc) =	sbr.rel @p1 .LBB2_51-.Ltmp37, $4  }
.Ltmp38:
0x238: {  	(pc) =	sbr.rel @!p1 .LBB2_54-.Ltmp38, $4  }
0x239: {  	_ = 	snop  }
0x23a: {  	_ = 	snop  }
0x23b: {  	_ = 	snop  }
0x23c: {  	_ = 	snop  }
.LBB2_56:
0x23d: {  	p1 =	seq.s32 s8, $0x1  }
0x23e: {  	s9 =	simm.s32 @!p1 $0x3  }
0x23f: {  	_ =	swait.ge @!p1 [sflag:s9], $0x4000  }
0x240: {  	s10 =	simm.s32 @!p1 $0x4;
	[sflag:s9] =	ssyncset.done @!p1 $0x0  }
0x241: {  	s10 =	simm.s32 @p1 $0x3;
	[sflag:s9] =	ssyncadd.s32 @!p1 $0xFFFFC000  }
0x242: {  	_ =	swait.ge [sflag:s10], $0x4000  }
0x243: {  	[sflag:s10] =	ssyncset.done $0x0  }
0x244: {  	[sflag:s10] =	ssyncadd.s32 $0xFFFFC000  }
.LBB2_57:
0x245: {  	s9 =	sshll.u32 s8, $0x7  }
0x246: {  	s8 =	ssub.s32 s6, s9;
	p1 =	sne.s32 s6, s9;
	s9 =	simm.s32 $0x1  }
0x247: {  	s10 =	sshra.s32 s8, $0x1F;
	s9 =	simm.s32 @!p1 $0x0  }
0x248: {  	s11 =	sand.u32 $0xF, s6;
	s9 =	sor.u32 s9, s10  }
0x249: {  	p2 =	sne.s32 s11, $0x0;
	p6 =	sne.s32 s9, $0x1  }
0x24a: {  	s14 =	sshrl.u32 s10, $0x1C;
	p1 =	por !p2, !p6  }
0x24b: {  	s10 =	simm.s32 $0x1;
	s9 =	sadd.s32 s14, s8;
	p1 =	por !p1, !p1  }
0x24c: {  	s9 =	sshra.s32 s9, $0x4;
	s10 =	simm.s32 @!p1 $0x0  }
0x24d: {  	s9 =	ssub.s32 s9, s10  }
0x24e: {  	p1 =	slt.s32 s9, $0x1  }
.Ltmp39:
0x24f: {  	_ = 	snop;
	(pc) =	sbr.rel @p1 .LBB2_62-.Ltmp39, $1  }
0x250: {  	_ =	sdelay $0x3  }
0x251: {  	s10 =	simm.s32 $0xFFFFFFFF;
	p1 =	sne.s32 s9, $0x1  }
.Ltmp40:
0x252: {  	s10 =	simm.s32 @!p0 $0x0;
	(pc) =	sbr.rel @!p1 .LBB2_61-.Ltmp40, $4  }
0x253: {  	s7 =	sshll.u32 s7, $0x7;
	s10 =	sshll.u32 s10, $0x7  }
0x254: {  	s11 =	simm.s32 $0x0;
	s7 =	sadd.s32 s10, s7  }
0x255: {  	s13 =	sand.u32 $0x70, s11;
	s12 =	sadd.s32 $0x0, s7  }
0x256: {  	p0 =	por $0x0, $0x0;
	s10 =	sadd.s32 $0xFFFFFFFF, s9;
	s12 =	sand.u32 $0xFFFFFF80, s12  }
0x257: {  	s11 =	sor.u32 s13, s12  }
0x258: {  	v1 =	vld [tilespmem:s11+$0x6500];
	_ =	sdelay $0x7  }
0x259: {  	[tilespmem:s31], [sflag:$0x5] =	stream.indirect_vreg.gather [hbm4b:s2+s4], $0x80, v1, vm0, $0xb8;
	[tilespmem:$0x10880] =	vst v63  }
0x25a: {  	_ =	swait.ge [sflag:s1], $0x800  }
0x25b: {  	[sflag:s1] =	ssyncset.done $0x0  }
0x25c: {  	[sflag:s1] =	ssyncadd.s32 $0xFFFFF800  }
0x25d: {  	v1 =	vld [tilespmem:s11+$0x6500];
	_ =	sdelay $0x4  }
0x25e: {  	p1 =	sne.s32 s10, $0x1  }
.Ltmp41:
0x25f: {  	_ = 	snop;
	(pc) =	sbr.rel @!p1 .LBB2_61-.Ltmp41, $4  }
0x260: {  	s10 =	sadd.s32 $0xFFFFFFFF, s10;
	s14 =	sadd.s32 $0x10, s7  }
0x261: {  	[hbm4b:s3+s4] =	stream.indirect_vreg.scatter [tilespmem:s31], [sflag:$0x5], $0x80, v1, vm0, $0xb8;
	[tilespmem:$0x10880] =	vst v63  }
0x262: {  	p0 =	por $0x1, $0x1;
	s11 =	simm.s32 $0x10;
	_ =	swait.ge [sflag:s1], $0x800  }
0x263: {  	s12 =	sand.u32 $0xFFFFFF80, s14;
	s13 =	sand.u32 $0x70, s11;
	[sflag:s1] =	ssyncset.done $0x0  }
.LBB2_60:
0x264: {  	p1 =	sne.s32 s10, $0x1;
	s12 =	sor.u32 s13, s12;
	[sflag:s1] =	ssyncadd.s32 $0xFFFFF800  }
0x265: {  	s10 =	sadd.s32 $0xFFFFFFFF, s10;
	v1 =	vld [tilespmem:s12+$0x6500];
	_ =	sdelay $0x7  }
0x266: {  	[tilespmem:s31], [sflag:$0x5] =	stream.indirect_vreg.gather [hbm4b:s2+s4], $0x80, v1, vm0, $0xb8;
	[tilespmem:$0x10880] =	vst v63  }
0x267: {  	_ =	swait.ge [sflag:s1], $0x800  }
0x268: {  	[sflag:s1] =	ssyncset.done $0x0  }
0x269: {  	[sflag:s1] =	ssyncadd.s32 $0xFFFFF800  }
0x26a: {  	v1 =	vld [tilespmem:s12+$0x6500];
	_ =	sdelay $0x5  }
.Ltmp42:
0x26b: {  	(pc) =	sbr.rel @p1 .LBB2_60-.Ltmp42, $4  }
0x26c: {  	s11 =	sadd.s32 $0x10, s11  }
0x26d: {  	[hbm4b:s3+s4] =	stream.indirect_vreg.scatter [tilespmem:s31], [sflag:$0x5], $0x80, v1, vm0, $0xb8;
	[tilespmem:$0x10880] =	vst v63  }
0x26e: {  	s12 =	sadd.s32 s11, s7;
	_ =	swait.ge [sflag:s1], $0x800  }
0x26f: {  	s13 =	sand.u32 $0x70, s11;
	s12 =	sand.u32 $0xFFFFFF80, s12;
	[sflag:s1] =	ssyncset.done $0x0  }
.LBB2_61:
0x270: {  	s7 =	sor.u32 s13, s12;
	[sflag:s1] =	ssyncadd.s32 @p0 $0xFFFFF800  }
0x271: {  	v1 =	vld [tilespmem:s7+$0x6500];
	_ =	sdelay $0x7  }
0x272: {  	[tilespmem:s31], [sflag:$0x5] =	stream.indirect_vreg.gather [hbm4b:s2+s4], $0x80, v1, vm0, $0xb8;
	[tilespmem:$0x10880] =	vst v63  }
0x273: {  	_ =	swait.ge [sflag:s1], $0x800  }
0x274: {  	[sflag:s1] =	ssyncset.done $0x0  }
0x275: {  	[sflag:s1] =	ssyncadd.s32 $0xFFFFF800  }
0x276: {  	v1 =	vld [tilespmem:s7+$0x6500];
	_ =	sdelay $0x7  }
0x277: {  	[hbm4b:s3+s4] =	stream.indirect_vreg.scatter [tilespmem:s31], [sflag:$0x5], $0x80, v1, vm0, $0xb8;
	[tilespmem:$0x10880] =	vst v63  }
0x278: {  	_ =	swait.ge [sflag:s1], $0x800  }
0x279: {  	[sflag:s1] =	ssyncset.done $0x0  }
0x27a: {  	[sflag:s1] =	ssyncadd.s32 $0xFFFFF800  }
.LBB2_62:
0x27b: {  	s7 =	sshll.u32 s9, $0x4  }
0x27c: {  	p0 =	slt.s32 s6, $0x10;
	s7 =	ssub.s32 s8, s7  }
0x27d: {  	p1 =	slt.s32 @!p0 s7, $0x1  }
0x27e: {  	p0 =	por p0, p1  }
.Ltmp43:
0x27f: {  	_ = 	snop;
	(pc) =	sbr.rel @!p0 .LBB2_63-.Ltmp43, $1  }
0x280: {  	_ =	sdelay $0x3  }
0x281: {  	p0 =	sgt.s32 s6, $0xF  }
0x282: {  	p1 =	slt.s32 @!p0 s7, $0x1  }
0x283: {  	p0 =	por p0, p1  }
.Ltmp44:
0x284: {  	_ = 	snop;
	(pc) =	sbr.rel @p0 .LBB2_67-.Ltmp44, $1  }
0x285: {  	_ =	sdelay $0x3  }
0x286: {  	v1 =	vld [tilespmem:$0x6500];
	_ =	sdelay $0x4  }
0x287: {  	v2 =	vnsel vm1, $0x80000000, v1  }
0x288: {  	v2 =	vxor.u32 $0x80000000, v2  }
0x289: {  	(xrf0) =	vmax.scan.msk.u32 $0xffff, v2;
	_ =	sdelay $0x5  }
0x28a: {  	v2, _, _ =	vpop (xrf0)  }
0x28b: {  	(v2sf) =	vpush v2, $0xF;
	_ =	sdelay $0xe  }
0x28c: {  	v2 =	vmov s6;
	s14 =	spop (v2sf)  }
0x28d: {  	vm2 =	vgt.s32 v2, v0;
	s6 =	sxor.u32 $0x80000000, s14  }
0x28e: {  	v1 =	vnsel vm2, s6, v1;
	_ =	sdelay $0x3  }
.Ltmp45:
0x28f: {  	_ = 	snop;
	(pc) =	sbr.rel .LBB2_66-.Ltmp45, $4  }
0x290: {  	[tilespmem:s31], [sflag:$0x5] =	stream.indirect_vreg.gather [hbm4b:s2+s4], $0x80, v1, vm0, $0xb8;
	[tilespmem:$0x10880] =	vst v63  }
0x291: {  	_ =	swait.ge [sflag:s1], $0x800  }
0x292: {  	[sflag:s1] =	ssyncset.done $0x0  }
0x293: {  	[sflag:s1] =	ssyncadd.s32 $0xFFFFF800  }
.LBB2_68:
0x294: {  	_ =	sfence.sel $0x180000  }
0x295: {  	[bflag:$0x0] =	sbarrier.arrive $0xFFFF  }
0x296: {  	_ =	strace $0x9000004D  }
0x297: {  	s0 =	stileid.u32;
	[bflag:$0x2] =	sbarrier.arrive $0xFFFF  }
0x298: {  	p0 =	sne.s32 s0, $0x0;
	s0 =	rddreg [dreg:$0x3]  }
0x299: {  	s0 =	sadd.s32 @!p0 $0x100000, s0  }
0x29a: {  	[sflag:s0] =	ssyncadd.tile.s32 @!p0 $0x1;
	_ =	shalt  }
.Lfunc_end2:
_tile_overlayer_lowered:
.L_overlay_start_2:
0x29b: {  	(tag) =	ssettag $0x2  }
0x29c: {  	s0 =	rddreg [dreg:$0x0];
	s2 =	stileid.u32  }
0x29d: {  	s1 =	rddreg [dreg:$0x1];
	p0 =	sne.s32 s2, $0x0  }
0x29e: {  	s3 =	rddreg [dreg:$0x2];
	[bflag:$0x3] =	sbarrier.arrive $0xFFFF;
	s2 =	simm.s32 @!p0 $0x1C06  }
0x29f: {  	[timem:s3], [sflag:s2] =	dma.local @!p0 [hbm:s0], s1  }
0x2a0: {  	s0 =	simm.s32 @!p0 $0x6  }
0x2a1: {  	_ =	swait.ge @!p0 [sflag:s0], s1  }
0x2a2: {  	s1 =	ssub.s32 @!p0 $0x0, s1;
	[sflag:s0] =	ssyncset.done @!p0 $0x0  }
0x2a3: {  	[sflag:s0] =	ssyncadd.s32 @!p0 s1  }
0x2a4: {  	[bflag:$0x3] =	sbarrier.arrive $0xFFFF  }
0x2a5: {  	_ =	shalt  }

// kernel: kernel.6.cloned.1.call-start
scs
__scs_entry_jumppad:
0x0: {  	(pc) =	sbr.rel $0x88, $3  }
0x1: {  	(tag) =	ssettag $0x0;
	lr =	simm.s32 $0x1  }
0x2: {  	[smem:$0x3F99] =	sst lr;
	_ =	strace $0xD0000000  }
0x3: {  	_ = 	snop  }
0x4: {  	_ = 	snop  }
0x5: {  	_ = 	snop  }
0x6: {  	_ = 	snop  }
0x7: {  	_ = 	snop  }
__scs_overlays_trampoline_lowered:
0x8: {  	[smem:$0x3FA8] =	sst s0  }
0x9: {  	[smem:$0x3FA9] =	sst s1  }
0xa: {  	[smem:$0x3FAA] =	sst s2  }
0xb: {  	[smem:$0x3FAB] =	sst s3  }
0xc: {  	[smem:$0x3FAC] =	sst s4  }
0xd: {  	[smem:$0x3FAD] =	sst s5  }
0xe: {  	[smem:$0x3FAE] =	sst s6  }
0xf: {  	[smem:$0x3FAF] =	sst s7  }
0x10: {  	[smem:$0x3FB0] =	sst s8  }
0x11: {  	[smem:$0x3FB1] =	sst s9;
	s0 =	simm.s32 @!p0 $0x0  }
0x12: {  	s1 =	sld [smem:$0x3F97];
	s0 =	simm.s32 @p0 $0x1  }
0x13: {  	[smem:$0x3FB2] =	sst s0;
	s0 =	simm.s32 @!p1 $0x0  }
0x14: {  	s2 =	sld [smem:$0x3F96];
	s0 =	simm.s32 @p1 $0x1  }
0x15: {  	[smem:$0x3FB3] =	sst s0;
	s0 =	simm.s32 @!p2 $0x0  }
0x16: {  	s3 =	sld [smem:$0x3FDB];
	s0 =	simm.s32 @p2 $0x1  }
0x17: {  	s4 =	simm.s32 $0x1BF5;
	[smem:$0x3FB5] =	sst s0  }
0x18: {  	s0 =	sld [smem:$0x3F98];
	_ =	swait.ge [sflag:s4], $0x0  }
0x19: {  	s7 =	sld [smem:$0x3F99]  }
0x1a: {  	s8 =	sadd.s32 $0xFFFFE003, lr  }
0x1b: {  	s9 =	sadd.s32 $0xFFFFFEF7, lr;
	s5 =	simm.s32 $0xFFFFFFFF;
	p2 =	slt.u32 s8, $0xFFFFF086  }
0x1c: {  	p1 =	slt.u32 s9, $0xF7A;
	s5 =	simm.s32 @!p2 $0x0  }
0x1d: {  	s5 =	simm.s32 @p1 $0x1;
	p0 =	seq.s32 s7, s2  }
0x1e: {  	s7 =	smul.u32 @!p0 $0xF7A, s2;
	p2 =	seq.s32 @!p0 s5, $0x0  }
0x1f: {  	s9 =	smul.u32 $0xF7A, s1;
	s8 =	simm.s32 @!p0 $0x1BF5;
	p2 =	por !p2, p0  }
0x20: {  	[sflag:s8] =	ssyncset.s32 @!p0 $0xFFFFF086;
	s6 =	sadd.s32 @!p0 s3, s7;
	s7 =	simm.s32 @!p0 $0x108  }
0x21: {  	s3 =	sadd.s32 s3, s9;
	s6 =	sadd.s32 @!p0 $0x88, s6;
	s7 =	simm.s32 @p2 $0x1082  }
0x22: {  	[simem:s7], [sflag:s8] =	dma.local @!p0 [hbm:s6], $0xF7A  }
0x23: {  	s9 =	sor.u32 $0xD0000000, s2;
	s6 =	simm.s32 $0x108;
	_ =	swait.ge @!p0 [sflag:s8], $0x0  }
0x24: {  	s3 =	sadd.s32 $0x88, s3;
	s6 =	simm.s32 @!p1 $0x1082;
	[sflag:s4] =	ssyncset.s32 $0xFFFFF086  }
0x25: {  	[simem:s6], [sflag:s4] =	dma.local [hbm:s3], $0xF7A  }
0x26: {  	[smem:$0x3F99] =	sst s1;
	(tag) =	ssettag s2;
	_ =	strace s9  }
0x27: {  	s1 =	sld [smem:$0x3FA9]  }
0x28: {  	s2 =	sld [smem:$0x3FAA]  }
0x29: {  	s4 =	sld [smem:$0x3FAC]  }
0x2a: {  	p0 =	seq.s32 s5, $0x0;
	s5 =	sld [smem:$0x3FAD]  }
0x2b: {  	s6 =	sld [smem:$0x3FAE]  }
0x2c: {  	s7 =	sld [smem:$0x3FAF]  }
0x2d: {  	s3 =	simm.s32 $0x108;
	s8 =	sld [smem:$0x3FB0]  }
0x2e: {  	s3 =	simm.s32 @!p0 $0x1082;
	s9 =	sld [smem:$0x3FB1]  }
0x2f: {  	lr =	sadd.s32 s0, s3;
	s0 =	sld [smem:$0x3FA8]  }
0x30: {  	s3 =	sld [smem:$0x3FAB]  }
0x31: {  	[smem:$0x3FB4] =	sst s10  }
0x32: {  	s10 =	sld [smem:$0x3FB2];
	_ =	sdelay $0x3  }
0x33: {  	p0 =	seq.s32 s10, $0x1;
	s10 =	sld [smem:$0x3FB4];
	_ =	sdelay $0x3  }
0x34: {  	[smem:$0x3FB4] =	sst s10  }
0x35: {  	s10 =	sld [smem:$0x3FB3];
	_ =	sdelay $0x3  }
0x36: {  	p1 =	seq.s32 s10, $0x1;
	s10 =	sld [smem:$0x3FB4];
	_ =	sdelay $0x3  }
0x37: {  	[smem:$0x3FB4] =	sst s10  }
0x38: {  	s10 =	sld [smem:$0x3FB5]  }
0x39: {  	_ = 	snop;
	(pc) =	sbr.ind lr, $3  }
0x3a: {  	_ = 	snop  }
0x3b: {  	_ = 	snop  }
0x3c: {  	p2 =	seq.s32 s10, $0x1;
	s10 =	sld [smem:$0x3FB4]  }
0x3d: {  	_ =	shalt  }
0x3e: {  	_ =	shalt  }
0x3f: {  	_ =	shalt  }
0x40: {  	_ =	shalt  }
0x41: {  	_ =	shalt  }
0x42: {  	_ =	shalt  }
0x43: {  	_ =	shalt  }
0x44: {  	_ =	shalt  }
0x45: {  	_ =	shalt  }
0x46: {  	_ =	shalt  }
0x47: {  	_ =	shalt  }
0x48: {  	_ =	shalt  }
0x49: {  	_ =	shalt  }
0x4a: {  	_ =	shalt  }
0x4b: {  	_ =	shalt  }
0x4c: {  	_ =	shalt  }
0x4d: {  	_ =	shalt  }
0x4e: {  	_ =	shalt  }
0x4f: {  	_ =	shalt  }
0x50: {  	_ =	shalt  }
0x51: {  	_ =	shalt  }
0x52: {  	_ =	shalt  }
0x53: {  	_ =	shalt  }
0x54: {  	_ =	shalt  }
0x55: {  	_ =	shalt  }
0x56: {  	_ =	shalt  }
0x57: {  	_ =	shalt  }
0x58: {  	_ =	shalt  }
0x59: {  	_ =	shalt  }
0x5a: {  	_ =	shalt  }
0x5b: {  	_ =	shalt  }
0x5c: {  	_ =	shalt  }
0x5d: {  	_ =	shalt  }
0x5e: {  	_ =	shalt  }
0x5f: {  	_ =	shalt  }
0x60: {  	_ =	shalt  }
0x61: {  	_ =	shalt  }
0x62: {  	_ =	shalt  }
0x63: {  	_ =	shalt  }
0x64: {  	_ =	shalt  }
0x65: {  	_ =	shalt  }
0x66: {  	_ =	shalt  }
0x67: {  	_ =	shalt  }
0x68: {  	_ =	shalt  }
0x69: {  	_ =	shalt  }
0x6a: {  	_ =	shalt  }
0x6b: {  	_ =	shalt  }
0x6c: {  	_ =	shalt  }
0x6d: {  	_ =	shalt  }
0x6e: {  	_ =	shalt  }
0x6f: {  	_ =	shalt  }
0x70: {  	_ =	shalt  }
0x71: {  	_ =	shalt  }
0x72: {  	_ =	shalt  }
0x73: {  	_ =	shalt  }
0x74: {  	_ =	shalt  }
0x75: {  	_ =	shalt  }
0x76: {  	_ =	shalt  }
0x77: {  	_ =	shalt  }
0x78: {  	_ =	shalt  }
0x79: {  	_ =	shalt  }
0x7a: {  	_ =	shalt  }
0x7b: {  	_ =	shalt  }
0x7c: {  	_ =	shalt  }
0x7d: {  	_ =	shalt  }
0x7e: {  	_ =	shalt  }
0x7f: {  	_ =	shalt  }
0x80: {  	_ =	shalt  }
0x81: {  	_ =	shalt  }
0x82: {  	_ =	shalt  }
0x83: {  	_ =	shalt  }
0x84: {  	_ =	shalt  }
0x85: {  	_ =	shalt  }
0x86: {  	_ =	shalt  }
0x87: {  	_ =	shalt  }
.Lfunc_end0:
.L_simem_size_0:
called_computation_lowered:
.L_overlay_start_0:
0x88: {  	s2 =	sld [smem:$0x3FD9]  }
0x89: {  	s3 =	sld [smem:$0x3FFE];
	_ =	sdelay $0x1  }
0x8a: {  	s1 =	srdreg.scid  }
0x8b: {  	s0 =	sand.u32 $0x1, s1  }
0x8c: {  	s17 =	sshll.u32 s0, $0xA;
	s2 =	sadd.s32 s3, s2  }
0x8d: {  	s2 =	sadd.s32 s2, s17  }
0x8e: {  	[smem:$0x3FC0] =	sst s2  }
0x8f: {  	_ = 	snop  }
0x90: {  	s2 =	sld [smem:$0x3FC9]  }
0x91: {  	s18 =	sld [smem:$0x3FC8]  }
0x92: {  	s4 =	sld [smem:$0x3FC7]  }
0x93: {  	s5 =	sld [smem:$0x3FC6]  }
0x94: {  	s6 =	sld [smem:$0x3FD0];
	(tm) =	ssettm $0x1  }
0x95: {  	s7 =	sld [smem:$0x3FFB];
	_ =	sdelay $0x3  }
0x96: {  	_ =	strace s7  }
0x97: {  	s7 =	sld [smem:$0x3FFC];
	_ =	sdelay $0x3  }
0x98: {  	_ =	strace s7  }
0x99: {  	s7 =	sld [smem:$0x3FFD];
	_ =	sdelay $0x3  }
0x9a: {  	_ =	strace s7  }
0x9b: {  	_ =	strace $0x8FFFFFFF  }
0x9c: {  	s19 =	sld [smem:$0x3FDB];
	_ =	sdelay $0x1  }
0x9d: {  	s8 =	simm.s32 $_scs_section_size  }
0x9e: {  	s9 =	simm.s32 $_size__tile_overlayer_lowered;
	s10 =	simm.s32 $_tile_overlayer_lowered  }
0x9f: {  	s22 =	simm.s32 $0x1BFF;
	s21 =	sshll.u32 s10, $0x1;
	s7 =	sadd.s32 s8, s19  }
0xa0: {  	s11 =	simm.s32 $0x0;
	s20 =	sshll.u32 s9, $0x1;
	s9 =	sadd.s32 s21, s7  }
0xa1: {  	[timem:s11], [sflag:s22] =	dma.local [hbm:s9], s20  }
0xa2: {  	_ =	swait.ge [sflag:s22], s20  }
0xa3: {  	s8 =	ssub.s32 $0x0, s20;
	[sflag:s22] =	ssyncset.done $0x0  }
0xa4: {  	[sflag:s22] =	ssyncadd.s32 s8;
	_ =	sdelay $0x1  }
0xa5: {  	s23 =	simm.s32 $0x1B8B  }
0xa6: {  	_ =	swait.ge [sflag:s23], $0x1  }
0xa7: {  	[sflag:s23] =	ssyncset.done $0x0  }
0xa8: {  	s25 =	simm.s32 $0x1B8E;
	s24 =	sld [smem:$0x3FFE];
	[sflag:s23] =	ssyncadd.s32 $0xFFFFFFFF  }
0xa9: {  	s26 =	simm.s32 $execute0_lowered;
	[smem:$0x3FD2] =	sst s25  }
0xaa: {  	s9 =	sshll.u32 s26, $0x1;
	_ =	strace $0x80000046;
	[dreg:$0x1] =	wrdreg $0xFFFFFFFF  }
0xab: {  	s28 =	simm.s32 $_size_execute0_lowered;
	s7 =	sadd.s32 s7, s9;
	[dreg:$0x0] =	wrdreg $0x0  }
0xac: {  	s9 =	sshll.u32 s28, $0x1;
	[dreg:$0x2] =	wrdreg s7  }
0xad: {  	[dreg:$0x3] =	wrdreg s9  }
0xae: {  	[dreg:$0x4] =	wrdreg $0xC0  }
0xaf: {  	_ =	task [dreg:s11], $0x5FFFF  }
0xb0: {  	[dreg:$0x1] =	wrdreg $0xFFFFFFFF  }
0xb1: {  	[dreg:$0x0] =	wrdreg $0x60  }
0xb2: {  	[dreg:$0x2] =	wrdreg s2  }
0xb3: {  	[dreg:$0x3] =	wrdreg s18  }
0xb4: {  	[dreg:$0x4] =	wrdreg s4  }
0xb5: {  	[dreg:$0x5] =	wrdreg s5  }
0xb6: {  	[dreg:$0x6] =	wrdreg s6  }
0xb7: {  	[dreg:$0x7] =	wrdreg s24  }
0xb8: {  	[dreg:$0x8] =	wrdreg $0x9  }
0xb9: {  	_ =	task.clear_ibuf [dreg:s11], $0x9FFFF;
	_ =	strace $0x90000046  }
0xba: {  	s29 =	simm.s32 $0x9;
	_ =	strace $0x80000048  }
0xbb: {  	_ =	swait.ge [sflag:s29], $0x1  }
0xbc: {  	[sflag:s29] =	ssyncadd.s32 $0xFFFFFFFF  }
0xbd: {  	_ =	strace $0x90000048  }
0xbe: {  	_ =	sfence  }
0xbf: {  	s30 =	sld [smem:$0x0];
	_ =	sdelay $0x2  }
0xc0: {  	s31 =	sshll.u32 s1, $0xD;
	s1 =	sshrl.u32 s1, $0x2  }
0xc1: {  	s3 =	sand.u32 $0x4000, s31;
	s1 =	sadd.s32 s1, s30  }
0xc2: {  	s0 =	sor.u32 s3, s0;
	s1 =	sshll.u32 s1, $0x11  }
0xc3: {  	s0 =	sor.u32 s1, s0  }
0xc4: {  	s0 =	sadd.s32 $0x8F2B, s0  }
0xc5: {  	[sflag:s0] =	ssyncadd.remote.s32 $0x1  }
0xc6: {  	_ =	sfence.sel $0xFFFF  }
0xc7: {  	[dreg:$0x0] =	wrdreg $0xFFFFFFFF;
	(pc) =	sbr.abs _section_cstart, $3  }
0xc8: {  	[dreg:$0x1] =	wrdreg $0xFFFFFFFF  }
0xc9: {  	_ =	task.clear_ibuf [dreg:s11], $0x2FFFF;
	_ =	strace $0x9FFFFFFF  }
0xca: {  	(tm) =	ssettm $0x7FFFFFFF  }
0xcb: {  	_ =	shalt  }
tec
execute0_lowered:
.L_overlay_start_1:
0x0: {  	(tag) =	ssettag $0x1  }
0x1: {  	s1 =	rddreg [dreg:$0x0]  }
0x2: {  	s2 =	rddreg [dreg:$0x1]  }
0x3: {  	s5 =	rddreg [dreg:$0x2]  }
0x4: {  	s6 =	rddreg [dreg:$0x3]  }
0x5: {  	s12 =	rddreg [dreg:$0x4]  }
0x6: {  	s7 =	rddreg [dreg:$0x5];
	s8 =	srdreg.scid  }
0x7: {  	s4 =	simm.s32 $0x0;
	s3 =	stileid.u32;
	s16 =	simm.s32 $0x80  }
0x8: {  	s17 =	simm.s32 $0x2000;
	s18 =	simm.s32 $0xA000;
	s19 =	simm.s32 $0x6000  }
0x9: {  	s20 =	simm.s32 $0x1080;
	s21 =	simm.s32 $0xE000;
	s22 =	simm.s32 $0x1  }
0xa: {  	s23 =	simm.s32 $0x3;
	s24 =	simm.s32 $0x2;
	s25 =	simm.s32 $0x4  }
0xb: {  	s26 =	simm.s32 $0x0;
	s13 =	sand.u32 $0x1, s8;
	[smem:$0x7FF] =	sst s4  }
0xc: {  	s28 =	sshll.u32 s3, $0xD;
	s14 =	sadd.s32 $0x1A00, s7;
	s15 =	sshll.u32 s3, $0x11  }
0xd: {  	s9 =	sshll.u32 s13, $0xC;
	_ =	strace $0x80000047;
	s10 =	ssub.s32 $0x2, s13  }
0xe: {  	s13 =	sshll.u32 s13, $0x10;
	s8 =	sor.u32 s9, s28;
	s29 =	sshrl.u32 s10, $0x1  }
0xf: {  	s9 =	sshrl.u32 s8, $0x3;
	s7 =	ssub.s32 s10, s29;
	s30 =	sshll.u32 s8, $0x4  }
0x10: {  	s5 =	sadd.s32 s5, s9;
	s6 =	sadd.s32 s6, s9;
	s31 =	sor.u32 $0xF000, s30  }
0x11: {  	s7 =	smax.u32 s7, $0x1;
	s11 =	sor.u32 $0xF800, s30;
	s9 =	sadd.s32 s14, s31  }
0x12: {  	s10 =	sadd.s32 s12, s11;
	s11 =	sadd.s32 s14, s11;
	s14 =	sadd.s32 s15, s14  }
0x13: {  	s8 =	sadd.s32 s12, s31;
	s15 =	sadd.s32 s15, s12;
	s12 =	sadd.s32 s13, s14  }
0x14: {  	s13 =	sadd.s32 s13, s15;
	s14 =	simm.s32 $0x5;
	s15 =	simm.s32 $0x1000  }
.LBB2_1:
0x15: {  	[tilespmem:s4], [sflag:$0x5] =	stream.linear.gather [hbm4b:s5+s4], $0x1000, $0x38;
	[tilespmem:$0x12000] =	vst v63  }
0x16: {  	_ =	swait.ge [sflag:s14], $0x1000  }
0x17: {  	[sflag:s14] =	ssyncset.done $0x0  }
0x18: {  	[sflag:s14] =	ssyncadd.s32 $0xFFFFF000  }
0x19: {  	[tilespmem:s15], [sflag:$0x5] =	stream.linear.gather [hbm4b:s6+s4], $0x1000, $0x38;
	[tilespmem:$0x12000] =	vst v63  }
0x1a: {  	_ =	swait.ge [sflag:s14], $0x1000  }
0x1b: {  	[sflag:s14] =	ssyncset.done $0x0  }
0x1c: {  	[sflag:s14] =	ssyncadd.s32 $0xFFFFF000  }
0x1d: {  	[tilespmem:s17], [sflag:$0x1] =	stream.indirect.gather [hbm4b:s1+s16], $0x80, s4, s16, $0xb8;
	[tilespmem:$0x12000] =	vst v63  }
0x1e: {  	_ = 	snop  }
0x1f: {  	[tilespmem:s18], [sflag:$0x1] =	stream.indirect.gather [hbm4b:s2+s16], $0x80, s15, s16, $0xb8;
	[tilespmem:$0x12000] =	vst v63  }
0x20: {  	_ = 	snop  }
0x21: {  	[tilespmem:s19], [sflag:$0x2] =	stream.indirect.gather [hbm4b:s1+s16], $0x80, s16, s16, $0xb8;
	[tilespmem:$0x12000] =	vst v63  }
0x22: {  	_ = 	snop  }
0x23: {  	[tilespmem:s21], [sflag:$0x2] =	stream.indirect.gather [hbm4b:s2+s16], $0x80, s20, s16, $0xb8;
	[tilespmem:$0x12000] =	vst v63  }
0x24: {  	_ =	swait.ge [sflag:s22], $0x4000  }
0x25: {  	[sflag:s22] =	ssyncset.done $0x0  }
0x26: {  	[sflag:s22] =	ssyncadd.s32 $0xFFFFC000  }
0x27: {  	_ =	swait.ge [sflag:s22], $0x4000  }
0x28: {  	[sflag:s22] =	ssyncset.done $0x0  }
0x29: {  	s28 =	sadd.s32 $0x0, s13;
	[sflag:s22] =	ssyncadd.s32 $0xFFFFC000  }
0x2a: {  	[hbm4b:s28+s4] =	stream.linear.scatter [tilespmem:s17], [sflag:$0x3], $0x4000, $0x38;
	[tilespmem:$0x12000] =	vst v63  }
0x2b: {  	s29 =	sadd.s32 $0x0, s12  }
0x2c: {  	[hbm4b:s29+s4] =	stream.linear.scatter [tilespmem:s18], [sflag:$0x3], $0x4000, $0x38;
	[tilespmem:$0x12000] =	vst v63  }
0x2d: {  	_ =	swait.ge [sflag:s23], $0x4000  }
0x2e: {  	[sflag:s23] =	ssyncset.done $0x0  }
0x2f: {  	[sflag:s23] =	ssyncadd.s32 $0xFFFFC000  }
0x30: {  	_ =	swait.ge [sflag:s23], $0x4000  }
0x31: {  	[sflag:s23] =	ssyncset.done $0x0  }
0x32: {  	s30 =	simm.s32 $0x100;
	[sflag:s23] =	ssyncadd.s32 $0xFFFFC000  }
0x33: {  	[tilespmem:s17], [sflag:$0x1] =	stream.indirect.gather [hbm4b:s1+s16], $0x80, s30, s16, $0xb8;
	[tilespmem:$0x12000] =	vst v63  }
0x34: {  	s30 =	simm.s32 $0x1100  }
0x35: {  	[tilespmem:s18], [sflag:$0x1] =	stream.indirect.gather [hbm4b:s2+s16], $0x80, s30, s16, $0xb8;
	[tilespmem:$0x12000] =	vst v63  }
0x36: {  	_ =	swait.ge [sflag:s24], $0x4000  }
0x37: {  	[sflag:s24] =	ssyncset.done $0x0  }
0x38: {  	[sflag:s24] =	ssyncadd.s32 $0xFFFFC000  }
0x39: {  	_ =	swait.ge [sflag:s24], $0x4000  }
0x3a: {  	[sflag:s24] =	ssyncset.done $0x0  }
0x3b: {  	s28 =	sadd.s32 $0x800, s28;
	[sflag:s24] =	ssyncadd.s32 $0xFFFFC000  }
0x3c: {  	[hbm4b:s28+s4] =	stream.linear.scatter [tilespmem:s19], [sflag:$0x4], $0x4000, $0x38;
	[tilespmem:$0x12000] =	vst v63  }
0x3d: {  	s28 =	sadd.s32 $0x800, s29  }
0x3e: {  	[hbm4b:s28+s4] =	stream.linear.scatter [tilespmem:s21], [sflag:$0x4], $0x4000, $0x38;
	[tilespmem:$0x12000] =	vst v63  }
0x3f: {  	_ =	swait.ge [sflag:s25], $0x4000  }
0x40: {  	[sflag:s25] =	ssyncset.done $0x0  }
0x41: {  	[sflag:s25] =	ssyncadd.s32 $0xFFFFC000  }
0x42: {  	_ =	swait.ge [sflag:s25], $0x4000  }
0x43: {  	[sflag:s25] =	ssyncset.done $0x0  }
0x44: {  	s31 =	simm.s32 $0x1180;
	s28 =	simm.s32 $0x180;
	[sflag:s25] =	ssyncadd.s32 $0xFFFFC000  }
0x45: {  	[tilespmem:s19], [sflag:$0x2] =	stream.indirect.gather [hbm4b:s1+s16], $0x80, s28, s16, $0xb8;
	[tilespmem:$0x12000] =	vst v63  }
0x46: {  	s30 =	simm.s32 $0x200;
	s29 =	simm.s32 $0x1200;
	s28 =	simm.s32 $0x1000  }
.LBB2_2:
0x47: {  	[tilespmem:s21], [sflag:$0x2] =	stream.indirect.gather [hbm4b:s2+s16], $0x80, s31, s16, $0xb8;
	[tilespmem:$0x12000] =	vst v63  }
0x48: {  	s31 =	smov.u32 s28  }
0x49: {  	p0 =	sne.s32 s28, $0xE000;
	s28 =	sadd.s32 $0x1000, s28;
	_ =	swait.ge [sflag:s22], $0x4000  }
0x4a: {  	[sflag:s22] =	ssyncset.done $0x0  }
0x4b: {  	[sflag:s22] =	ssyncadd.s32 $0xFFFFC000  }
0x4c: {  	_ =	swait.ge [sflag:s22], $0x4000  }
0x4d: {  	[sflag:s22] =	ssyncset.done $0x0  }
0x4e: {  	s0 =	sadd.s32 s31, s13;
	[sflag:s22] =	ssyncadd.s32 $0xFFFFC000  }
0x4f: {  	[hbm4b:s0+s4] =	stream.linear.scatter [tilespmem:s17], [sflag:$0x3], $0x4000, $0x38;
	[tilespmem:$0x12000] =	vst v63  }
0x50: {  	s31 =	sadd.s32 s31, s12  }
0x51: {  	[hbm4b:s31+s4] =	stream.linear.scatter [tilespmem:s18], [sflag:$0x3], $0x4000, $0x38;
	[tilespmem:$0x12000] =	vst v63  }
0x52: {  	_ =	swait.ge [sflag:s23], $0x4000  }
0x53: {  	[sflag:s23] =	ssyncset.done $0x0  }
0x54: {  	[sflag:s23] =	ssyncadd.s32 $0xFFFFC000  }
0x55: {  	_ =	swait.ge [sflag:s23], $0x4000  }
0x56: {  	[sflag:s23] =	ssyncset.done $0x0  }
0x57: {  	[sflag:s23] =	ssyncadd.s32 $0xFFFFC000  }
0x58: {  	[tilespmem:s17], [sflag:$0x1] =	stream.indirect.gather [hbm4b:s1+s16], $0x80, s30, s16, $0xb8;
	[tilespmem:$0x12000] =	vst v63  }
0x59: {  	_ = 	snop  }
0x5a: {  	[tilespmem:s18], [sflag:$0x1] =	stream.indirect.gather [hbm4b:s2+s16], $0x80, s29, s16, $0xb8;
	[tilespmem:$0x12000] =	vst v63  }
0x5b: {  	_ =	swait.ge [sflag:s24], $0x4000  }
0x5c: {  	[sflag:s24] =	ssyncset.done $0x0  }
0x5d: {  	[sflag:s24] =	ssyncadd.s32 $0xFFFFC000  }
0x5e: {  	_ =	swait.ge [sflag:s24], $0x4000  }
0x5f: {  	[sflag:s24] =	ssyncset.done $0x0  }
0x60: {  	s0 =	sadd.s32 $0x800, s0;
	[sflag:s24] =	ssyncadd.s32 $0xFFFFC000  }
0x61: {  	[hbm4b:s0+s4] =	stream.linear.scatter [tilespmem:s19], [sflag:$0x4], $0x4000, $0x38;
	[tilespmem:$0x12000] =	vst v63  }
0x62: {  	s0 =	sadd.s32 $0x800, s31  }
0x63: {  	[hbm4b:s0+s4] =	stream.linear.scatter [tilespmem:s21], [sflag:$0x4], $0x4000, $0x38;
	[tilespmem:$0x12000] =	vst v63  }
0x64: {  	_ =	swait.ge [sflag:s25], $0x4000  }
0x65: {  	[sflag:s25] =	ssyncset.done $0x0  }
0x66: {  	[sflag:s25] =	ssyncadd.s32 $0xFFFFC000  }
.Ltmp0:
0x67: {  	_ =	swait.ge [sflag:s25], $0x4000;
	(pc) =	sbr.rel @p0 .LBB2_2-.Ltmp0, $4  }
0x68: {  	[sflag:s25] =	ssyncset.done $0x0  }
0x69: {  	s0 =	sadd.s32 $0x80, s30;
	[sflag:s25] =	ssyncadd.s32 $0xFFFFC000  }
0x6a: {  	[tilespmem:s19], [sflag:$0x2] =	stream.indirect.gather [hbm4b:s1+s16], $0x80, s0, s16, $0xb8;
	[tilespmem:$0x12000] =	vst v63  }
0x6b: {  	s31 =	sadd.s32 $0x80, s29;
	s29 =	sadd.s32 $0x100, s29;
	s30 =	sadd.s32 $0x100, s30  }
0x6c: {  	[tilespmem:s21], [sflag:$0x2] =	stream.indirect.gather [hbm4b:s2+s16], $0x80, s31, s16, $0xb8;
	[tilespmem:$0x12000] =	vst v63  }
0x6d: {  	_ =	swait.ge [sflag:s22], $0x4000  }
0x6e: {  	[sflag:s22] =	ssyncset.done $0x0  }
0x6f: {  	[sflag:s22] =	ssyncadd.s32 $0xFFFFC000  }
0x70: {  	_ =	swait.ge [sflag:s22], $0x4000  }
0x71: {  	[sflag:s22] =	ssyncset.done $0x0  }
0x72: {  	[sflag:s22] =	ssyncadd.s32 $0xFFFFC000  }
0x73: {  	[hbm4b:s8+s4] =	stream.linear.scatter [tilespmem:s17], [sflag:$0x3], $0x4000, $0x38;
	[tilespmem:$0x12000] =	vst v63  }
0x74: {  	_ = 	snop  }
0x75: {  	[hbm4b:s9+s4] =	stream.linear.scatter [tilespmem:s18], [sflag:$0x3], $0x4000, $0x38;
	[tilespmem:$0x12000] =	vst v63  }
0x76: {  	_ =	swait.ge [sflag:s24], $0x4000  }
0x77: {  	[sflag:s24] =	ssyncset.done $0x0  }
0x78: {  	[sflag:s24] =	ssyncadd.s32 $0xFFFFC000  }
0x79: {  	_ =	swait.ge [sflag:s24], $0x4000  }
0x7a: {  	[sflag:s24] =	ssyncset.done $0x0  }
0x7b: {  	[sflag:s24] =	ssyncadd.s32 $0xFFFFC000  }
0x7c: {  	[hbm4b:s10+s4] =	stream.linear.scatter [tilespmem:s19], [sflag:$0x4], $0x4000, $0x38;
	[tilespmem:$0x12000] =	vst v63  }
0x7d: {  	_ = 	snop  }
0x7e: {  	[hbm4b:s11+s4] =	stream.linear.scatter [tilespmem:s21], [sflag:$0x4], $0x4000, $0x38;
	[tilespmem:$0x12000] =	vst v63  }
0x7f: {  	_ =	swait.ge [sflag:s23], $0x4000  }
0x80: {  	[sflag:s23] =	ssyncset.done $0x0  }
0x81: {  	[sflag:s23] =	ssyncadd.s32 $0xFFFFC000  }
0x82: {  	_ =	swait.ge [sflag:s23], $0x4000  }
0x83: {  	[sflag:s23] =	ssyncset.done $0x0  }
0x84: {  	s26 =	sadd.s32 $0x1, s26;
	[sflag:s23] =	ssyncadd.s32 $0xFFFFC000  }
0x85: {  	p0 =	sne.s32 s26, s7;
	_ =	swait.ge [sflag:s25], $0x4000  }
.Ltmp1:
0x86: {  	[sflag:s25] =	ssyncset.done $0x0;
	(pc) =	sbr.rel @p0 .LBB2_1-.Ltmp1, $4  }
0x87: {  	[sflag:s25] =	ssyncadd.s32 $0xFFFFC000  }
0x88: {  	_ =	swait.ge [sflag:s25], $0x4000  }
0x89: {  	[sflag:s25] =	ssyncset.done $0x0  }
0x8a: {  	[sflag:s25] =	ssyncadd.s32 $0xFFFFC000  }
0x8b: {  	_ =	sfence.sel $0x180000  }
0x8c: {  	[bflag:$0x0] =	sbarrier.arrive $0xFFFF  }
0x8d: {  	_ =	strace $0x90000047  }
0x8e: {  	[bflag:$0x2] =	sbarrier.arrive $0xFFFF  }
0x8f: {  	p0 =	sne.s32 s3, $0x0;
	s0 =	rddreg [dreg:$0x6]  }
0x90: {  	s0 =	sadd.s32 @!p0 $0x100000, s0  }
0x91: {  	[sflag:s0] =	ssyncadd.tile.s32 @!p0 $0x1;
	_ =	shalt  }
.Lfunc_end2:
_tile_overlayer_lowered:
.L_overlay_start_2:
0x92: {  	(tag) =	ssettag $0x2  }
0x93: {  	s0 =	rddreg [dreg:$0x0];
	s2 =	stileid.u32  }
0x94: {  	s1 =	rddreg [dreg:$0x1];
	p0 =	sne.s32 s2, $0x0  }
0x95: {  	s3 =	rddreg [dreg:$0x2];
	[bflag:$0x3] =	sbarrier.arrive $0xFFFF;
	s2 =	simm.s32 @!p0 $0x1C05  }
0x96: {  	[timem:s3], [sflag:s2] =	dma.local @!p0 [hbm:s0], s1  }
0x97: {  	s0 =	simm.s32 @!p0 $0x5  }
0x98: {  	_ =	swait.ge @!p0 [sflag:s0], s1  }
0x99: {  	s1 =	ssub.s32 @!p0 $0x0, s1;
	[sflag:s0] =	ssyncset.done @!p0 $0x0  }
0x9a: {  	[sflag:s0] =	ssyncadd.s32 @!p0 s1  }
0x9b: {  	[bflag:$0x3] =	sbarrier.arrive $0xFFFF  }
0x9c: {  	_ =	shalt  }

// kernel: kernel.9.cloned.1.call-start
scs
__scs_entry_jumppad:
0x0: {  	(pc) =	sbr.rel $0x88, $3  }
0x1: {  	(tag) =	ssettag $0x0;
	lr =	simm.s32 $0x1  }
0x2: {  	[smem:$0x3F99] =	sst lr;
	_ =	strace $0xD0000000  }
0x3: {  	_ = 	snop  }
0x4: {  	_ = 	snop  }
0x5: {  	_ = 	snop  }
0x6: {  	_ = 	snop  }
0x7: {  	_ = 	snop  }
__scs_overlays_trampoline_lowered:
0x8: {  	[smem:$0x3FA8] =	sst s0  }
0x9: {  	[smem:$0x3FA9] =	sst s1  }
0xa: {  	[smem:$0x3FAA] =	sst s2  }
0xb: {  	[smem:$0x3FAB] =	sst s3  }
0xc: {  	[smem:$0x3FAC] =	sst s4  }
0xd: {  	[smem:$0x3FAD] =	sst s5  }
0xe: {  	[smem:$0x3FAE] =	sst s6  }
0xf: {  	[smem:$0x3FAF] =	sst s7  }
0x10: {  	[smem:$0x3FB0] =	sst s8  }
0x11: {  	[smem:$0x3FB1] =	sst s9;
	s0 =	simm.s32 @!p0 $0x0  }
0x12: {  	s1 =	sld [smem:$0x3F97];
	s0 =	simm.s32 @p0 $0x1  }
0x13: {  	[smem:$0x3FB2] =	sst s0;
	s0 =	simm.s32 @!p1 $0x0  }
0x14: {  	s2 =	sld [smem:$0x3F96];
	s0 =	simm.s32 @p1 $0x1  }
0x15: {  	[smem:$0x3FB3] =	sst s0;
	s0 =	simm.s32 @!p2 $0x0  }
0x16: {  	s3 =	sld [smem:$0x3FDB];
	s0 =	simm.s32 @p2 $0x1  }
0x17: {  	s4 =	simm.s32 $0x1BF5;
	[smem:$0x3FB5] =	sst s0  }
0x18: {  	s0 =	sld [smem:$0x3F98];
	_ =	swait.ge [sflag:s4], $0x0  }
0x19: {  	s7 =	sld [smem:$0x3F99]  }
0x1a: {  	s8 =	sadd.s32 $0xFFFFE003, lr  }
0x1b: {  	s9 =	sadd.s32 $0xFFFFFEF7, lr;
	s5 =	simm.s32 $0xFFFFFFFF;
	p2 =	slt.u32 s8, $0xFFFFF086  }
0x1c: {  	p1 =	slt.u32 s9, $0xF7A;
	s5 =	simm.s32 @!p2 $0x0  }
0x1d: {  	s5 =	simm.s32 @p1 $0x1;
	p0 =	seq.s32 s7, s2  }
0x1e: {  	s7 =	smul.u32 @!p0 $0xF7A, s2;
	p2 =	seq.s32 @!p0 s5, $0x0  }
0x1f: {  	s9 =	smul.u32 $0xF7A, s1;
	s8 =	simm.s32 @!p0 $0x1BF5;
	p2 =	por !p2, p0  }
0x20: {  	[sflag:s8] =	ssyncset.s32 @!p0 $0xFFFFF086;
	s6 =	sadd.s32 @!p0 s3, s7;
	s7 =	simm.s32 @!p0 $0x108  }
0x21: {  	s3 =	sadd.s32 s3, s9;
	s6 =	sadd.s32 @!p0 $0x88, s6;
	s7 =	simm.s32 @p2 $0x1082  }
0x22: {  	[simem:s7], [sflag:s8] =	dma.local @!p0 [hbm:s6], $0xF7A  }
0x23: {  	s9 =	sor.u32 $0xD0000000, s2;
	s6 =	simm.s32 $0x108;
	_ =	swait.ge @!p0 [sflag:s8], $0x0  }
0x24: {  	s3 =	sadd.s32 $0x88, s3;
	s6 =	simm.s32 @!p1 $0x1082;
	[sflag:s4] =	ssyncset.s32 $0xFFFFF086  }
0x25: {  	[simem:s6], [sflag:s4] =	dma.local [hbm:s3], $0xF7A  }
0x26: {  	[smem:$0x3F99] =	sst s1;
	(tag) =	ssettag s2;
	_ =	strace s9  }
0x27: {  	s1 =	sld [smem:$0x3FA9]  }
0x28: {  	s2 =	sld [smem:$0x3FAA]  }
0x29: {  	s4 =	sld [smem:$0x3FAC]  }
0x2a: {  	p0 =	seq.s32 s5, $0x0;
	s5 =	sld [smem:$0x3FAD]  }
0x2b: {  	s6 =	sld [smem:$0x3FAE]  }
0x2c: {  	s7 =	sld [smem:$0x3FAF]  }
0x2d: {  	s3 =	simm.s32 $0x108;
	s8 =	sld [smem:$0x3FB0]  }
0x2e: {  	s3 =	simm.s32 @!p0 $0x1082;
	s9 =	sld [smem:$0x3FB1]  }
0x2f: {  	lr =	sadd.s32 s0, s3;
	s0 =	sld [smem:$0x3FA8]  }
0x30: {  	s3 =	sld [smem:$0x3FAB]  }
0x31: {  	[smem:$0x3FB4] =	sst s10  }
0x32: {  	s10 =	sld [smem:$0x3FB2];
	_ =	sdelay $0x3  }
0x33: {  	p0 =	seq.s32 s10, $0x1;
	s10 =	sld [smem:$0x3FB4];
	_ =	sdelay $0x3  }
0x34: {  	[smem:$0x3FB4] =	sst s10  }
0x35: {  	s10 =	sld [smem:$0x3FB3];
	_ =	sdelay $0x3  }
0x36: {  	p1 =	seq.s32 s10, $0x1;
	s10 =	sld [smem:$0x3FB4];
	_ =	sdelay $0x3  }
0x37: {  	[smem:$0x3FB4] =	sst s10  }
0x38: {  	s10 =	sld [smem:$0x3FB5]  }
0x39: {  	_ = 	snop;
	(pc) =	sbr.ind lr, $3  }
0x3a: {  	_ = 	snop  }
0x3b: {  	_ = 	snop  }
0x3c: {  	p2 =	seq.s32 s10, $0x1;
	s10 =	sld [smem:$0x3FB4]  }
0x3d: {  	_ =	shalt  }
0x3e: {  	_ =	shalt  }
0x3f: {  	_ =	shalt  }
0x40: {  	_ =	shalt  }
0x41: {  	_ =	shalt  }
0x42: {  	_ =	shalt  }
0x43: {  	_ =	shalt  }
0x44: {  	_ =	shalt  }
0x45: {  	_ =	shalt  }
0x46: {  	_ =	shalt  }
0x47: {  	_ =	shalt  }
0x48: {  	_ =	shalt  }
0x49: {  	_ =	shalt  }
0x4a: {  	_ =	shalt  }
0x4b: {  	_ =	shalt  }
0x4c: {  	_ =	shalt  }
0x4d: {  	_ =	shalt  }
0x4e: {  	_ =	shalt  }
0x4f: {  	_ =	shalt  }
0x50: {  	_ =	shalt  }
0x51: {  	_ =	shalt  }
0x52: {  	_ =	shalt  }
0x53: {  	_ =	shalt  }
0x54: {  	_ =	shalt  }
0x55: {  	_ =	shalt  }
0x56: {  	_ =	shalt  }
0x57: {  	_ =	shalt  }
0x58: {  	_ =	shalt  }
0x59: {  	_ =	shalt  }
0x5a: {  	_ =	shalt  }
0x5b: {  	_ =	shalt  }
0x5c: {  	_ =	shalt  }
0x5d: {  	_ =	shalt  }
0x5e: {  	_ =	shalt  }
0x5f: {  	_ =	shalt  }
0x60: {  	_ =	shalt  }
0x61: {  	_ =	shalt  }
0x62: {  	_ =	shalt  }
0x63: {  	_ =	shalt  }
0x64: {  	_ =	shalt  }
0x65: {  	_ =	shalt  }
0x66: {  	_ =	shalt  }
0x67: {  	_ =	shalt  }
0x68: {  	_ =	shalt  }
0x69: {  	_ =	shalt  }
0x6a: {  	_ =	shalt  }
0x6b: {  	_ =	shalt  }
0x6c: {  	_ =	shalt  }
0x6d: {  	_ =	shalt  }
0x6e: {  	_ =	shalt  }
0x6f: {  	_ =	shalt  }
0x70: {  	_ =	shalt  }
0x71: {  	_ =	shalt  }
0x72: {  	_ =	shalt  }
0x73: {  	_ =	shalt  }
0x74: {  	_ =	shalt  }
0x75: {  	_ =	shalt  }
0x76: {  	_ =	shalt  }
0x77: {  	_ =	shalt  }
0x78: {  	_ =	shalt  }
0x79: {  	_ =	shalt  }
0x7a: {  	_ =	shalt  }
0x7b: {  	_ =	shalt  }
0x7c: {  	_ =	shalt  }
0x7d: {  	_ =	shalt  }
0x7e: {  	_ =	shalt  }
0x7f: {  	_ =	shalt  }
0x80: {  	_ =	shalt  }
0x81: {  	_ =	shalt  }
0x82: {  	_ =	shalt  }
0x83: {  	_ =	shalt  }
0x84: {  	_ =	shalt  }
0x85: {  	_ =	shalt  }
0x86: {  	_ =	shalt  }
0x87: {  	_ =	shalt  }
.Lfunc_end0:
.L_simem_size_0:
called_computation.1_lowered:
.L_overlay_start_0:
0x88: {  	s2 =	sld [smem:$0x3FD9]  }
0x89: {  	s3 =	sld [smem:$0x3FFE];
	_ =	sdelay $0x1  }
0x8a: {  	s1 =	srdreg.scid  }
0x8b: {  	s0 =	sand.u32 $0x1, s1  }
0x8c: {  	s17 =	sshll.u32 s0, $0xA;
	s2 =	sadd.s32 s3, s2  }
0x8d: {  	s2 =	sadd.s32 s2, s17  }
0x8e: {  	[smem:$0x3FC0] =	sst s2  }
0x8f: {  	_ = 	snop  }
0x90: {  	s18 =	sld [smem:$0x3FC7];
	(tm) =	ssettm $0x1  }
0x91: {  	s19 =	sld [smem:$0x3FFB];
	_ =	sdelay $0x3  }
0x92: {  	_ =	strace s19  }
0x93: {  	s2 =	sld [smem:$0x3FFC];
	_ =	sdelay $0x3  }
0x94: {  	_ =	strace s2  }
0x95: {  	s2 =	sld [smem:$0x3FFD];
	_ =	sdelay $0x3  }
0x96: {  	_ =	strace s2  }
0x97: {  	_ =	strace $0x8FFFFFFF  }
0x98: {  	s20 =	sld [smem:$0x3FDB];
	_ =	sdelay $0x1  }
0x99: {  	s4 =	simm.s32 $_scs_section_size  }
0x9a: {  	s5 =	simm.s32 $_size__tile_overlayer_lowered;
	s6 =	simm.s32 $_tile_overlayer_lowered  }
0x9b: {  	s7 =	simm.s32 $0x1BFF;
	s21 =	sshll.u32 s6, $0x1;
	s4 =	sadd.s32 s4, s20  }
0x9c: {  	s22 =	simm.s32 $0x0;
	s5 =	sshll.u32 s5, $0x1;
	s6 =	sadd.s32 s21, s4  }
0x9d: {  	[timem:s22], [sflag:s7] =	dma.local [hbm:s6], s5  }
0x9e: {  	_ =	swait.ge [sflag:s7], s5  }
0x9f: {  	s5 =	ssub.s32 $0x0, s5;
	[sflag:s7] =	ssyncset.done $0x0  }
0xa0: {  	[sflag:s7] =	ssyncadd.s32 s5;
	_ =	sdelay $0x1  }
0xa1: {  	s23 =	simm.s32 $0x1B8B  }
0xa2: {  	_ =	swait.ge [sflag:s23], $0x1  }
0xa3: {  	[sflag:s23] =	ssyncset.done $0x0  }
0xa4: {  	[sflag:s23] =	ssyncadd.s32 $0xFFFFFFFF  }
0xa5: {  	s5 =	sld [smem:$0x0]  }
0xa6: {  	s6 =	sand.u32 $0xFFFFFFFE, s1  }
0xa7: {  	p0 =	sne.s32 s1, s6  }
0xa8: {  	s6 =	sshll.u32 @p0 s6, $0xE  }
0xa9: {  	s6 =	sadd.s32 @p0 $0x11B8D, s6;
	s7 =	sshll.u32 @p0 s5, $0x11  }
0xaa: {  	s6 =	sor.u32 @p0 s7, s6  }
0xab: {  	[sflag:s6] =	ssyncadd.remote.s32 @p0 $0x1;
	_ =	sdelay $0x1  }
0xac: {  	s6 =	simm.s32 @p0 $0x1B8D  }
0xad: {  	_ =	swait.eq @p0 [sflag:s6], $0x1  }
0xae: {  	[sflag:s6] =	ssyncadd.s32 @p0 $0xFFFFFFFF  }
0xaf: {  	s7 =	sshll.u32 @!p0 s1, $0xE  }
0xb0: {  	s7 =	sor.u32 @!p0 $0x4000, s7;
	s6 =	simm.s32 @!p0 $0x1B8D  }
0xb1: {  	s5 =	sshll.u32 @!p0 s5, $0x11;
	s7 =	sadd.s32 @!p0 $0x11B8D, s7;
	_ =	swait.eq @!p0 [sflag:s6], $0x1  }
0xb2: {  	s5 =	sor.u32 @!p0 s5, s7;
	[sflag:s6] =	ssyncadd.s32 @!p0 $0xFFFFFFFF  }
0xb3: {  	s25 =	simm.s32 $0x1B8E;
	s24 =	sld [smem:$0x3FFE];
	[sflag:s5] =	ssyncadd.remote.s32 @!p0 $0x1  }
0xb4: {  	s26 =	simm.s32 $execute0_lowered;
	[smem:$0x3FD2] =	sst s25  }
0xb5: {  	s6 =	sshll.u32 s26, $0x1;
	_ =	strace $0x80000049;
	[dreg:$0x1] =	wrdreg $0xFFFFFFFF  }
0xb6: {  	s28 =	simm.s32 $_size_execute0_lowered;
	s4 =	sadd.s32 s4, s6;
	[dreg:$0x0] =	wrdreg $0x0  }
0xb7: {  	s6 =	sshll.u32 s28, $0x1;
	[dreg:$0x2] =	wrdreg s4  }
0xb8: {  	[dreg:$0x3] =	wrdreg s6  }
0xb9: {  	[dreg:$0x4] =	wrdreg $0xC0  }
0xba: {  	_ =	task [dreg:s22], $0x5FFFF  }
0xbb: {  	[dreg:$0x1] =	wrdreg $0xFFFFFFFF  }
0xbc: {  	[dreg:$0x0] =	wrdreg $0x60  }
0xbd: {  	[dreg:$0x2] =	wrdreg s18  }
0xbe: {  	[dreg:$0x3] =	wrdreg s24  }
0xbf: {  	[dreg:$0x4] =	wrdreg $0xA  }
0xc0: {  	_ =	task.clear_ibuf [dreg:s22], $0x5FFFF;
	_ =	strace $0x90000049  }
0xc1: {  	s29 =	simm.s32 $0xA;
	_ =	strace $0x8000004B  }
0xc2: {  	_ =	swait.ge [sflag:s29], $0x1  }
0xc3: {  	[sflag:s29] =	ssyncadd.s32 $0xFFFFFFFF  }
0xc4: {  	_ =	strace $0x9000004B  }
0xc5: {  	_ =	sfence  }
0xc6: {  	s30 =	sld [smem:$0x0];
	_ =	sdelay $0x2  }
0xc7: {  	s31 =	sshll.u32 s1, $0xD;
	s1 =	sshrl.u32 s1, $0x2  }
0xc8: {  	s4 =	sand.u32 $0x4000, s31;
	s1 =	sadd.s32 s1, s30  }
0xc9: {  	s0 =	sor.u32 s4, s0;
	s1 =	sshll.u32 s1, $0x11  }
0xca: {  	s0 =	sor.u32 s1, s0  }
0xcb: {  	s0 =	sadd.s32 $0x8F2B, s0  }
0xcc: {  	[sflag:s0] =	ssyncadd.remote.s32 $0x1  }
0xcd: {  	_ =	sfence.sel $0xFFFF  }
0xce: {  	[dreg:$0x0] =	wrdreg $0xFFFFFFFF;
	(pc) =	sbr.abs _section_cstart, $3  }
0xcf: {  	[dreg:$0x1] =	wrdreg $0xFFFFFFFF  }
0xd0: {  	_ =	task.clear_ibuf [dreg:s22], $0x2FFFF;
	_ =	strace $0x9FFFFFFF  }
0xd1: {  	(tm) =	ssettm $0x7FFFFFFF  }
tec
execute0_lowered:
.L_overlay_start_1:
0x0: {  	(tag) =	ssettag $0x1  }
0x1: {  	s3 =	rddreg [dreg:$0x0];
	s1 =	srdreg.scid  }
0x2: {  	s0 =	stileid.u32;
	s4 =	rddreg [dreg:$0x1]  }
0x3: {  	s11 =	simm.s32 $0x0;
	s5 =	sand.u32 $0x1, s1;
	s2 =	sshll.u32 s0, $0x1  }
0x4: {  	s1 =	rddreg [dreg:$0x2];
	s7 =	sshrl.u32 s0, $0x2;
	s6 =	sor.u32 s5, s2  }
0x5: {  	s2 =	simm.s32 $0x0;
	s8 =	smul.u32 $0x64000, s7;
	s5 =	ssub.s32 $0x2, s5  }
0x6: {  	s7 =	smul.u32 $0xC800, s7;
	s9 =	sshll.u32 s6, $0x7;
	[smem:$0x7FF] =	sst s2  }
0x7: {  	v0 =	vimm.s32 $0xFFEDCBA9;
	v1 =	vimm.s32 $0x87654321;
	s6 =	sand.u32 $0x7, s6;
	s30 =	sshrl.u32 s5, $0x1;
	s9 =	sand.u32 $0x380, s9  }
0x8: {  	v0 =	vunpack.c.l.s4.s8 v0;
	v1 =	vunpack.c.l.s4.s8 v1;
	_ =	strace $0x8000004A;
	s10 =	sshll.u32 s6, $0xB;
	s5 =	ssub.s32 s5, s30  }
0x9: {  	s31 =	sadd.s32 $0xC800, s7;
	s6 =	sshll.u32 s6, $0xE;
	s8 =	sor.u32 s8, s9  }
0xa: {  	v4 =	vunpack.c.0.s8.s32 v0;
	v5 =	vunpack.c.0.s8.s32 v1;
	v0 =	vmov s7;
	s7 =	simm.s32 $0x1;
	s3 =	sadd.s32 s3, s10;
	s8 =	sshrl.u32 s8, $0x3  }
0xb: {  	v2 =	vimm.s32 $0xFFFFFFFF;
	v3 =	vlaneseq.u32;
	s5 =	smax.u32 s5, $0x1;
	s9 =	simm.s32 $0x80;
	s4 =	sadd.s32 s8, s4  }
0xc: {  	vm0 =	vcmask $0x3F3C;
	v1 =	vmov s31;
	v4 =	vcombine.low v5, v4;
	s10 =	simm.s32 $0x400;
	s8 =	simm.s32 $0x4000;
	s4 =	sadd.s32 $0x201A00, s4  }
.LBB2_1:
0xd: {  	[tilespmem:s2], [sflag:$0x1] =	stream.linear.gather [hbm4b:s3+s2], $0x4000, $0x38;
	[tilespmem:$0x10800] =	vst v63  }
0xe: {  	_ =	swait.ge [sflag:s7], $0x4000  }
0xf: {  	[sflag:s7] =	ssyncset.done $0x0  }
0x10: {  	s12 =	simm.s32 $0x0;
	[sflag:s7] =	ssyncadd.s32 $0xFFFFC000  }
.LBB2_2:
0x11: {  	p0 =	sne.s32 s12, $0x31FC0  }
.Ltmp0:
0x12: {  	_ = 	snop;
	(pc) =	sbr.rel @p0 .LBB2_2-.Ltmp0, $3  }
0x13: {  	_ =	sdelay $0x1  }
0x14: {  	s13 =	sshra.s32 s12, $0x2  }
0x15: {  	s12 =	sadd.s32 $0x40, s12;
	[tilespmem:s13+$0x4000] =	vst v2  }
0x16: {  	s12 =	simm.s32 $0x0  }
0x17: {  	v5 =	vld [tilespmem:s12+$0x0];
	_ =	sdelay $0x4  }
0x18: {  	v6 =	vsub.s32 v5, v0  }
0x19: {  	vm1 =	vge.s32 v5, v0;
	vm2 =	vlt.s32 v5, v1;
	v5 =	vshll.u32 v6, $0x4  }
0x1a: {  	vm1 =	vmand vm1, vm2;
	v5 =	vor.u32 v3, v5  }
0x1b: {  	v5 =	vnsel vm1, $0x7FFFFFFF, v5  }
0x1c: {  	(xrf1) =	vsort.ascd.msk.u32 $0xffff, v5, v5;
	_ =	sdelay $0xd  }
0x1d: {  	v5, _, _ =	vpop (xrf1)  }
0x1e: {  	v6 =	vshra.s32 v5, $0x4  }
0x1f: {  	v7 =	vperm.xlane v6, v4;
	_ =	sdelay $0x1  }
0x20: {  	vm1 =	vne.s32 v6, v7  }
0x21: {  	vm2 =	vne.s32 v5, $0x7FFFFFFF;
	vm1 =	vmor vm1, vm0  }
0x22: {  	vm1 =	vmand vm2, vm1  }
0x23: {  	v6 =	vnsel vm1, $0x0, v6;
	_ =	sdelay $0x2  }
0x24: {  	v5 =	vand.u32 $0xF, v5  }
0x25: {  	v5 =	vor.u32 s6, v5  }
0x26: {  	s14 =	simm.s32 $0x10;
	s13 =	simm.s32 $0x80;
	s12 =	smov.u32 s6;
	[tilespmem:v6+s8+$0x0] =	vst.idx.msk vm1, v5  }
.LBB2_4:
0x27: {  	p0 =	sne.s32 s13, $0xFFC0;
	v5 =	vld [tilespmem:s14+$0x0];
	_ =	sdelay $0x4  }
0x28: {  	v6 =	vsub.s32 v5, v0  }
0x29: {  	vm1 =	vge.s32 v5, v0;
	vm2 =	vlt.s32 v5, v1;
	v5 =	vshll.u32 v6, $0x4  }
0x2a: {  	vm1 =	vmand vm1, vm2;
	v5 =	vor.u32 v3, v5  }
0x2b: {  	v5 =	vnsel vm1, $0x7FFFFFFF, v5  }
0x2c: {  	(xrf1) =	vsort.ascd.msk.u32 $0xffff, v5, v5;
	_ =	sdelay $0xd  }
0x2d: {  	v5, _, _ =	vpop (xrf1)  }
0x2e: {  	v6 =	vshra.s32 v5, $0x4  }
0x2f: {  	v7 =	vperm.xlane v6, v4;
	_ =	sdelay $0x1  }
0x30: {  	vm1 =	vne.s32 v6, v7  }
0x31: {  	vm2 =	vne.s32 v5, $0x7FFFFFFF;
	vm1 =	vmor vm1, vm0  }
0x32: {  	vm1 =	vmand vm2, vm1  }
0x33: {  	v6 =	vnsel vm1, $0x0, v6  }
.Ltmp1:
0x34: {  	(pc) =	sbr.rel @p0 .LBB2_4-.Ltmp1, $4  }
0x35: {  	_ = 	snop  }
0x36: {  	s12 =	sadd.s32 $0x10, s12;
	v5 =	vand.u32 $0xF, v5  }
0x37: {  	v5 =	vor.u32 s12, v5  }
0x38: {  	s14 =	sshra.s32 s13, $0x2;
	s13 =	sadd.s32 $0x40, s13;
	[tilespmem:v6+s8+$0x0] =	vst.idx.msk vm1, v5  }
0x39: {  	v5 =	vld [tilespmem:s14+$0x0];
	_ =	sdelay $0x4  }
0x3a: {  	v6 =	vsub.s32 v5, v0  }
0x3b: {  	vm1 =	vge.s32 v5, v0;
	vm2 =	vlt.s32 v5, v1;
	v5 =	vshll.u32 v6, $0x4  }
0x3c: {  	vm1 =	vmand vm1, vm2;
	v5 =	vor.u32 v3, v5  }
0x3d: {  	v5 =	vnsel vm1, $0x7FFFFFFF, v5  }
0x3e: {  	(xrf1) =	vsort.ascd.msk.u32 $0xffff, v5, v5;
	_ =	sdelay $0xd  }
0x3f: {  	v5, _, _ =	vpop (xrf1)  }
0x40: {  	v6 =	vshra.s32 v5, $0x4  }
0x41: {  	v7 =	vperm.xlane v6, v4;
	_ =	sdelay $0x1  }
0x42: {  	vm1 =	vne.s32 v6, v7  }
0x43: {  	vm2 =	vne.s32 v5, $0x7FFFFFFF;
	vm1 =	vmor vm1, vm0  }
0x44: {  	vm1 =	vmand vm2, vm1  }
0x45: {  	v6 =	vnsel vm1, $0x0, v6;
	_ =	sdelay $0x2  }
0x46: {  	s12 =	sadd.s32 $0x10, s12;
	s11 =	sadd.s32 $0x1, s11;
	v5 =	vand.u32 $0xF, v5  }
0x47: {  	p0 =	sne.s32 s11, s5;
	v5 =	vor.u32 s12, v5  }
.Ltmp2:
0x48: {  	[tilespmem:v6+s8+$0x0] =	vst.idx.msk vm1, v5;
	(pc) =	sbr.rel @p0 .LBB2_1-.Ltmp2, $4  }
0x49: {  	[hbm4b:s4+s9] =	stream.strided.scatter [tilespmem:s8], [sflag:$0x1], $0xC800, s10, s9, $0x38;
	[tilespmem:$0x10800] =	vst v63  }
0x4a: {  	_ =	swait.ge [sflag:s7], $0xC800  }
0x4b: {  	[sflag:s7] =	ssyncset.done $0x0  }
0x4c: {  	[sflag:s7] =	ssyncadd.s32 $0xFFFF3800  }
0x4d: {  	_ =	sfence.sel $0x180000  }
0x4e: {  	[bflag:$0x0] =	sbarrier.arrive $0xFFFF  }
0x4f: {  	p0 =	sne.s32 s0, $0x0;
	_ =	strace $0x9000004A  }
0x50: {  	s0 =	sadd.s32 @!p0 $0x100000, s1;
	[bflag:$0x2] =	sbarrier.arrive $0xFFFF  }
0x51: {  	[sflag:s0] =	ssyncadd.tile.s32 @!p0 $0x1;
	_ =	shalt  }
.Lfunc_end2:
_tile_overlayer_lowered:
.L_overlay_start_2:
0x52: {  	(tag) =	ssettag $0x2  }
0x53: {  	s0 =	rddreg [dreg:$0x0];
	s2 =	stileid.u32  }
0x54: {  	s1 =	rddreg [dreg:$0x1];
	p0 =	sne.s32 s2, $0x0  }
0x55: {  	s3 =	rddreg [dreg:$0x2];
	[bflag:$0x3] =	sbarrier.arrive $0xFFFF;
	s2 =	simm.s32 @!p0 $0x1C01  }
0x56: {  	[timem:s3], [sflag:s2] =	dma.local @!p0 [hbm:s0], s1  }
0x57: {  	s0 =	simm.s32 @!p0 $0x1  }
0x58: {  	_ =	swait.ge @!p0 [sflag:s0], s1  }
0x59: {  	s1 =	ssub.s32 @!p0 $0x0, s1;
	[sflag:s0] =	ssyncset.done @!p0 $0x0  }
0x5a: {  	[sflag:s0] =	ssyncadd.s32 @!p0 s1  }
0x5b: {  	[bflag:$0x3] =	sbarrier.arrive $0xFFFF  }
0x5c: {  	_ =	shalt  }

</sc_bundles>
